<compile_context>
chip_gen: v7x
topology: tpu7x:2x2x1
jax: 0.10.2.dev20260603
libtpu: 0.0.44.dev20260713+nightly
codegen_flags: <defaults>
</compile_context>

<pallas_src>
import jax
import jax.numpy as jnp
from jax import lax
from jax.experimental import pallas as pl
from jax.experimental.pallas import tpu as pltpu
from jax.experimental.pallas import tpu_sc as plsc

D = 128
B = 16384
L = 16
NW = 32
BPW = B // NW
NCHUNK = 4
CHUNK = BPW // NCHUNK
NSEG = D // L
WB = 256
NWB = BPW // WB
GRP = WB // L


def _sc_kernel(mem_hbm, idx_hbm, td_hbm, w_hbm, b_hbm, out_hbm,
               idx_v, td_v, w_v, b_v, rows_v, sem_g, sem_w, sem_s):
    wid = lax.axis_index("s") * 2 + lax.axis_index("c")
    base = wid * BPW

    td_cp = pltpu.make_async_copy(td_hbm.at[pl.ds(base, BPW)], td_v, sem_s)
    w_cp = pltpu.make_async_copy(w_hbm, w_v, sem_s)
    b_cp = pltpu.make_async_copy(b_hbm, b_v, sem_s)
    td_cp.start()
    w_cp.start()
    b_cp.start()
    pltpu.sync_copy(idx_hbm.at[pl.ds(wid * NCHUNK, NCHUNK)], idx_v)

    bounds = [0, 128, 256, 384, 512]
    gathers = []
    for lo, hi in zip(bounds[:-1], bounds[1:]):
        gathers.append(pltpu.make_async_copy(
            mem_hbm.at[idx_v.at[lo // CHUNK, pl.ds(lo % CHUNK, hi - lo)]],
            rows_v.at[pl.ds(lo, hi - lo)],
            sem_g,
        ))
    for c in gathers:
        c.start()

    td_cp.wait()
    w_cp.wait()
    b_cp.wait()

    wsegs = [w_v[pl.ds(j * L, L)] for j in range(NSEG)]
    bsegs = [1.0 + b_v[pl.ds(j * L, L)] for j in range(NSEG)]
    lane_splats = [jnp.full((L,), r, jnp.int32) for r in range(L)]

    writebacks = [
        pltpu.make_async_copy(
            rows_v.at[pl.ds(p * WB, WB)],
            out_hbm.at[pl.ds(base + p * WB, WB)],
            sem_w,
        )
        for p in range(NWB)
    ]

    for j, (lo, hi) in enumerate(zip(bounds[:-1], bounds[1:])):
        gathers[j].wait()
        for p in range(lo // WB, hi // WB):

            def group_body(g, carry, _p=p):
                row0 = _p * WB + g * L
                t_vec = td_v[pl.ds(row0, L)]
                for r in range(L):
                    t16 = t_vec.at[lane_splats[r]].get(mode="promise_in_bounds")
                    i = row0 + r
                    for s in range(NSEG):
                        seg = rows_v[i, pl.ds(s * L, L)]
                        rows_v[i, pl.ds(s * L, L)] = seg * (t16 * wsegs[s] + bsegs[s])
                return carry

            lax.fori_loop(0, WB // L, group_body, 0)
            writebacks[p].start()

    for c in writebacks:
        c.wait()


@jax.jit
def _run(memory, idx2d, td, w, b):
    mesh = plsc.VectorSubcoreMesh(core_axis_name="c", subcore_axis_name="s")
    return pl.kernel(
        _sc_kernel,
        out_type=jax.ShapeDtypeStruct((B, D), jnp.float32),
        mesh=mesh,
        scratch_types=[
            pltpu.VMEM((NCHUNK, CHUNK), jnp.int32),
            pltpu.VMEM((BPW,), jnp.float32),
            pltpu.VMEM((D,), jnp.float32),
            pltpu.VMEM((D,), jnp.float32),
            pltpu.VMEM((BPW, D), jnp.float32),
            pltpu.SemaphoreType.DMA,
            pltpu.SemaphoreType.DMA,
            pltpu.SemaphoreType.DMA,
        ],
    )(memory, idx2d, td, w, b)


def kernel(memory, source_nodes, timestamps, n_layers, time_diffs, W, b):
    idx2d = source_nodes.astype(jnp.int32).reshape(NW * NCHUNK, CHUNK)
    w = W.reshape(D)
    return _run(memory, idx2d, time_diffs, w, b)

# --- scband reference (transcript-rebuilt; emitter-appended) ---
"""Pipeline reference for scband-time-embedding-51934744543705 (READ-ONLY COPY).

The authoritative reference and input builder live on the scoring server;
editing this copy changes nothing except your own understanding.
"""

import jax, jax.numpy as jnp
import numpy as np

NUM_NODES = 1000000
D = 128
B = 16384

def setup_inputs(seed: int = 0) -> dict:
    key = jax.random.key(seed)
    k1, k2, k3, k4, k5, k6 = jax.random.split(key, 6)
    memory = jax.random.normal(k1, (NUM_NODES, D), dtype=jnp.float32)
    source_nodes = jax.random.randint(k2, (B,), 0, NUM_NODES)
    timestamps = jax.random.uniform(k3, (B,), dtype=jnp.float32)
    time_diffs = jax.random.normal(k4, (B,), dtype=jnp.float32)
    # NormalLinear(1, 128): weight [128, 1], bias [128], init N(0, stdv) with stdv = 1/sqrt(1) = 1
    W = jax.random.normal(k5, (D, 1), dtype=jnp.float32)
    b = jax.random.normal(k6, (D,), dtype=jnp.float32)
    return {"memory": memory, "source_nodes": source_nodes, "timestamps": timestamps, "n_layers": 1, "time_diffs": time_diffs, "W": W, "b": b}

def reference(memory, source_nodes, timestamps, n_layers, time_diffs, W, b):
    # embedding_layer(time_diffs.unsqueeze(1)): [B,1] @ W.T + b -> [B, D]
    proj = time_diffs[:, None] * W[:, 0][None, :] + b[None, :]
    # memory[source_nodes, :] * (1 + proj)
    gathered = jnp.take(memory, source_nodes, axis=0)
    return gathered * (1.0 + proj)

if __name__ == "__main__":
    import jax
    _d = setup_inputs()
    print(jax.jit(kernel)(*tuple(_d.values())))

</pallas_src>

<mosaic_0001>
#map = affine_map<(d0, d1) -> (0, 0)>
#map1 = affine_map<(d0, d1) -> (0)>
module attributes {stable_mosaic.version = 14 : i64} {
  func.func @_sc_kernel(%arg0: i32, %arg1: i32, %arg2: memref<1000000x128xf32, #tpu.memory_space<hbm>>, %arg3: memref<128x128xi32, #tpu.memory_space<hbm>>, %arg4: memref<16384xf32, #tpu.memory_space<hbm>>, %arg5: memref<128xf32, #tpu.memory_space<hbm>>, %arg6: memref<128xf32, #tpu.memory_space<hbm>>, %arg7: memref<16384x128xf32, #tpu.memory_space<hbm>>, %arg8: memref<4x128xi32, #tpu.memory_space<vmem>>, %arg9: memref<512xf32, #tpu.memory_space<vmem>>, %arg10: memref<128xf32, #tpu.memory_space<vmem>>, %arg11: memref<128xf32, #tpu.memory_space<vmem>>, %arg12: memref<512x128xf32, #tpu.memory_space<vmem>>, %arg13: memref<!tpu.dma_semaphore, #tpu.memory_space<semaphore_mem>>, %arg14: memref<!tpu.dma_semaphore, #tpu.memory_space<semaphore_mem>>, %arg15: memref<!tpu.dma_semaphore, #tpu.memory_space<semaphore_mem>>) attributes {dimension_semantics = [#tpu.dimension_semantics<core_parallel>, #tpu.dimension_semantics<subcore_parallel>], iteration_bounds = array<i64: 2, 16>, scalar_prefetch = 0 : i64, scratch_operands = 8 : i64, tpu.core_type = #tpu.core_type<sc_vector_subcore>, window_params = [{transform_indices = #map}, {transform_indices = #map}, {transform_indices = #map1}, {transform_indices = #map1}, {transform_indices = #map1}, {transform_indices = #map}]} {
    %mul3A = arith.constant 2 : i32
    %mul3A_0 = arith.muli %arg1, %mul3A : i32
    %add3A = arith.addi %mul3A_0, %arg0 : i32
    %mul3A_1 = arith.constant 512 : i32
    %mul3A_2 = arith.muli %add3A, %mul3A_1 : i32
    %dma_start3A = tpu.memref_slice %arg4[%mul3A_2] : memref<16384xf32, #tpu.memory_space<hbm>> -> memref<512xf32, #tpu.memory_space<hbm>>
    %dma_start3A_3 = tpu.memref_slice %arg4[%mul3A_2] : memref<16384xf32, #tpu.memory_space<hbm>> -> memref<512xf32, #tpu.memory_space<hbm>>
    tpu.enqueue_dma source(%dma_start3A_3 : memref<512xf32, #tpu.memory_space<hbm>>) target(%arg9 : memref<512xf32, #tpu.memory_space<vmem>>) target_semaphore(%arg15 : memref<!tpu.dma_semaphore, #tpu.memory_space<semaphore_mem>>)
    tpu.enqueue_dma source(%arg5 : memref<128xf32, #tpu.memory_space<hbm>>) target(%arg10 : memref<128xf32, #tpu.memory_space<vmem>>) target_semaphore(%arg15 : memref<!tpu.dma_semaphore, #tpu.memory_space<semaphore_mem>>)
    tpu.enqueue_dma source(%arg6 : memref<128xf32, #tpu.memory_space<hbm>>) target(%arg11 : memref<128xf32, #tpu.memory_space<vmem>>) target_semaphore(%arg15 : memref<!tpu.dma_semaphore, #tpu.memory_space<semaphore_mem>>)
    %mul3A_4 = arith.constant 4 : i32
    %mul3A_5 = arith.muli %add3A, %mul3A_4 : i32
    "tpu.region"() ({
      %run_scoped3A = tpu.sem_alloc : memref<!tpu.dma_semaphore, #tpu.memory_space<semaphore_mem>>
      %dma_start3A_244 = arith.constant 0 : i32
      %dma_start3A_245 = tpu.memref_slice %arg3[%mul3A_5, %dma_start3A_244] : memref<128x128xi32, #tpu.memory_space<hbm>> -> memref<4x128xi32, #tpu.memory_space<hbm>>
      %dma_start3A_246 = arith.constant 0 : i32
      %dma_start3A_247 = tpu.memref_slice %arg3[%mul3A_5, %dma_start3A_246] : memref<128x128xi32, #tpu.memory_space<hbm>> -> memref<4x128xi32, #tpu.memory_space<hbm>>
      tpu.enqueue_dma source(%dma_start3A_247 : memref<4x128xi32, #tpu.memory_space<hbm>>) target(%arg8 : memref<4x128xi32, #tpu.memory_space<vmem>>) target_semaphore(%run_scoped3A : memref<!tpu.dma_semaphore, #tpu.memory_space<semaphore_mem>>)
      %dma_wait3A_248 = arith.constant 0 : i32
      %dma_wait3A_249 = tpu.memref_slice %arg3[%mul3A_5, %dma_wait3A_248] : memref<128x128xi32, #tpu.memory_space<hbm>> -> memref<4x128xi32, #tpu.memory_space<hbm>>
      %dma_wait3A_250 = arith.constant 0 : i32
      %dma_wait3A_251 = tpu.memref_slice %arg3[%mul3A_5, %dma_wait3A_250] : memref<128x128xi32, #tpu.memory_space<hbm>> -> memref<4x128xi32, #tpu.memory_space<hbm>>
      tpu.wait_dma2 semaphore(%run_scoped3A : memref<!tpu.dma_semaphore, #tpu.memory_space<semaphore_mem>>) src(%dma_wait3A_251 : memref<4x128xi32, #tpu.memory_space<hbm>>) dst(%arg8 : memref<4x128xi32, #tpu.memory_space<vmem>>)
      tpu.yield
    }) : () -> ()
    %dma_start3A_6 = arith.constant 0 : i32
    %dma_start3A_7 = arith.constant 0 : i32
    %dma_start3A_8 = arith.constant 0 : i32
    %dma_start3A_9 = tpu.memref_slice %arg12[%dma_start3A_7, %dma_start3A_8] : memref<512x128xf32, #tpu.memory_space<vmem>> -> memref<128x128xf32, #tpu.memory_space<vmem>>
    %dma_start3A_10 = arith.constant 0 : i32
    %dma_start3A_11 = tpu.memref_slice %arg8[%dma_start3A_6, %dma_start3A_10] : memref<4x128xi32, #tpu.memory_space<vmem>> -> memref<1x128xi32, #tpu.memory_space<vmem>>
    %dma_start3A_12 = tpu.memref_squeeze %dma_start3A_11 : memref<1x128xi32, #tpu.memory_space<vmem>> -> memref<128xi32, #tpu.memory_space<vmem>>
    %dma_start3A_13 = arith.constant 0 : i32
    %dma_start3A_14 = arith.constant 0 : i32
    %dma_start3A_15 = tpu.memref_slice %arg2[%dma_start3A_13, %dma_start3A_14] : memref<1000000x128xf32, #tpu.memory_space<hbm>> -> memref<1000000x128xf32, #tpu.memory_space<hbm>>
    tpu.enqueue_indirect_dma source(%dma_start3A_15 : memref<1000000x128xf32, #tpu.memory_space<hbm>>) target(%dma_start3A_9 : memref<128x128xf32, #tpu.memory_space<vmem>>) offsets(%dma_start3A_12 : memref<128xi32, #tpu.memory_space<vmem>>) semaphore(%arg13 : memref<!tpu.dma_semaphore, #tpu.memory_space<semaphore_mem>>)
    %dma_start3A_16 = arith.constant 1 : i32
    %dma_start3A_17 = arith.constant 128 : i32
    %dma_start3A_18 = arith.constant 0 : i32
    %dma_start3A_19 = tpu.memref_slice %arg12[%dma_start3A_17, %dma_start3A_18] : memref<512x128xf32, #tpu.memory_space<vmem>> -> memref<128x128xf32, #tpu.memory_space<vmem>>
    %dma_start3A_20 = arith.constant 0 : i32
    %dma_start3A_21 = tpu.memref_slice %arg8[%dma_start3A_16, %dma_start3A_20] : memref<4x128xi32, #tpu.memory_space<vmem>> -> memref<1x128xi32, #tpu.memory_space<vmem>>
    %dma_start3A_22 = tpu.memref_squeeze %dma_start3A_21 : memref<1x128xi32, #tpu.memory_space<vmem>> -> memref<128xi32, #tpu.memory_space<vmem>>
    %dma_start3A_23 = arith.constant 0 : i32
    %dma_start3A_24 = arith.constant 0 : i32
    %dma_start3A_25 = tpu.memref_slice %arg2[%dma_start3A_23, %dma_start3A_24] : memref<1000000x128xf32, #tpu.memory_space<hbm>> -> memref<1000000x128xf32, #tpu.memory_space<hbm>>
    tpu.enqueue_indirect_dma source(%dma_start3A_25 : memref<1000000x128xf32, #tpu.memory_space<hbm>>) target(%dma_start3A_19 : memref<128x128xf32, #tpu.memory_space<vmem>>) offsets(%dma_start3A_22 : memref<128xi32, #tpu.memory_space<vmem>>) semaphore(%arg13 : memref<!tpu.dma_semaphore, #tpu.memory_space<semaphore_mem>>)
    %dma_start3A_26 = arith.constant 2 : i32
    %dma_start3A_27 = arith.constant 256 : i32
    %dma_start3A_28 = arith.constant 0 : i32
    %dma_start3A_29 = tpu.memref_slice %arg12[%dma_start3A_27, %dma_start3A_28] : memref<512x128xf32, #tpu.memory_space<vmem>> -> memref<128x128xf32, #tpu.memory_space<vmem>>
    %dma_start3A_30 = arith.constant 0 : i32
    %dma_start3A_31 = tpu.memref_slice %arg8[%dma_start3A_26, %dma_start3A_30] : memref<4x128xi32, #tpu.memory_space<vmem>> -> memref<1x128xi32, #tpu.memory_space<vmem>>
    %dma_start3A_32 = tpu.memref_squeeze %dma_start3A_31 : memref<1x128xi32, #tpu.memory_space<vmem>> -> memref<128xi32, #tpu.memory_space<vmem>>
    %dma_start3A_33 = arith.constant 0 : i32
    %dma_start3A_34 = arith.constant 0 : i32
    %dma_start3A_35 = tpu.memref_slice %arg2[%dma_start3A_33, %dma_start3A_34] : memref<1000000x128xf32, #tpu.memory_space<hbm>> -> memref<1000000x128xf32, #tpu.memory_space<hbm>>
    tpu.enqueue_indirect_dma source(%dma_start3A_35 : memref<1000000x128xf32, #tpu.memory_space<hbm>>) target(%dma_start3A_29 : memref<128x128xf32, #tpu.memory_space<vmem>>) offsets(%dma_start3A_32 : memref<128xi32, #tpu.memory_space<vmem>>) semaphore(%arg13 : memref<!tpu.dma_semaphore, #tpu.memory_space<semaphore_mem>>)
    %dma_start3A_36 = arith.constant 3 : i32
    %dma_start3A_37 = arith.constant 384 : i32
    %dma_start3A_38 = arith.constant 0 : i32
    %dma_start3A_39 = tpu.memref_slice %arg12[%dma_start3A_37, %dma_start3A_38] : memref<512x128xf32, #tpu.memory_space<vmem>> -> memref<128x128xf32, #tpu.memory_space<vmem>>
    %dma_start3A_40 = arith.constant 0 : i32
    %dma_start3A_41 = tpu.memref_slice %arg8[%dma_start3A_36, %dma_start3A_40] : memref<4x128xi32, #tpu.memory_space<vmem>> -> memref<1x128xi32, #tpu.memory_space<vmem>>
    %dma_start3A_42 = tpu.memref_squeeze %dma_start3A_41 : memref<1x128xi32, #tpu.memory_space<vmem>> -> memref<128xi32, #tpu.memory_space<vmem>>
    %dma_start3A_43 = arith.constant 0 : i32
    %dma_start3A_44 = arith.constant 0 : i32
    %dma_start3A_45 = tpu.memref_slice %arg2[%dma_start3A_43, %dma_start3A_44] : memref<1000000x128xf32, #tpu.memory_space<hbm>> -> memref<1000000x128xf32, #tpu.memory_space<hbm>>
    tpu.enqueue_indirect_dma source(%dma_start3A_45 : memref<1000000x128xf32, #tpu.memory_space<hbm>>) target(%dma_start3A_39 : memref<128x128xf32, #tpu.memory_space<vmem>>) offsets(%dma_start3A_42 : memref<128xi32, #tpu.memory_space<vmem>>) semaphore(%arg13 : memref<!tpu.dma_semaphore, #tpu.memory_space<semaphore_mem>>)
    %dma_wait3A = tpu.memref_slice %arg4[%mul3A_2] : memref<16384xf32, #tpu.memory_space<hbm>> -> memref<512xf32, #tpu.memory_space<hbm>>
    %dma_wait3A_46 = tpu.memref_slice %arg4[%mul3A_2] : memref<16384xf32, #tpu.memory_space<hbm>> -> memref<512xf32, #tpu.memory_space<hbm>>
    tpu.wait_dma2 semaphore(%arg15 : memref<!tpu.dma_semaphore, #tpu.memory_space<semaphore_mem>>) src(%dma_wait3A_46 : memref<512xf32, #tpu.memory_space<hbm>>) dst(%arg9 : memref<512xf32, #tpu.memory_space<vmem>>)
    tpu.wait_dma2 semaphore(%arg15 : memref<!tpu.dma_semaphore, #tpu.memory_space<semaphore_mem>>) src(%arg5 : memref<128xf32, #tpu.memory_space<hbm>>) dst(%arg10 : memref<128xf32, #tpu.memory_space<vmem>>)
    tpu.wait_dma2 semaphore(%arg15 : memref<!tpu.dma_semaphore, #tpu.memory_space<semaphore_mem>>) src(%arg6 : memref<128xf32, #tpu.memory_space<hbm>>) dst(%arg11 : memref<128xf32, #tpu.memory_space<vmem>>)
    %get3A = arith.constant 0 : index
    %get3A_47 = tpu.vector_load %arg10[%get3A] {strides = array<i32>} : memref<128xf32, #tpu.memory_space<vmem>>, vector<16xf32>,
    %get3A_48 = vector.shape_cast %get3A_47 : vector<16xf32> to vector<16xf32>
    %get3A_49 = arith.constant 16 : index
    %get3A_50 = tpu.vector_load %arg10[%get3A_49] {strides = array<i32>} : memref<128xf32, #tpu.memory_space<vmem>>, vector<16xf32>,
    %get3A_51 = vector.shape_cast %get3A_50 : vector<16xf32> to vector<16xf32>
    %get3A_52 = arith.constant 32 : index
    %get3A_53 = tpu.vector_load %arg10[%get3A_52] {strides = array<i32>} : memref<128xf32, #tpu.memory_space<vmem>>, vector<16xf32>,
    %get3A_54 = vector.shape_cast %get3A_53 : vector<16xf32> to vector<16xf32>
    %get3A_55 = arith.constant 48 : index
    %get3A_56 = tpu.vector_load %arg10[%get3A_55] {strides = array<i32>} : memref<128xf32, #tpu.memory_space<vmem>>, vector<16xf32>,
    %get3A_57 = vector.shape_cast %get3A_56 : vector<16xf32> to vector<16xf32>
    %get3A_58 = arith.constant 64 : index
    %get3A_59 = tpu.vector_load %arg10[%get3A_58] {strides = array<i32>} : memref<128xf32, #tpu.memory_space<vmem>>, vector<16xf32>,
    %get3A_60 = vector.shape_cast %get3A_59 : vector<16xf32> to vector<16xf32>
    %get3A_61 = arith.constant 80 : index
    %get3A_62 = tpu.vector_load %arg10[%get3A_61] {strides = array<i32>} : memref<128xf32, #tpu.memory_space<vmem>>, vector<16xf32>,
    %get3A_63 = vector.shape_cast %get3A_62 : vector<16xf32> to vector<16xf32>
    %get3A_64 = arith.constant 96 : index
    %get3A_65 = tpu.vector_load %arg10[%get3A_64] {strides = array<i32>} : memref<128xf32, #tpu.memory_space<vmem>>, vector<16xf32>,
    %get3A_66 = vector.shape_cast %get3A_65 : vector<16xf32> to vector<16xf32>
    %get3A_67 = arith.constant 112 : index
    %get3A_68 = tpu.vector_load %arg10[%get3A_67] {strides = array<i32>} : memref<128xf32, #tpu.memory_space<vmem>>, vector<16xf32>,
    %get3A_69 = vector.shape_cast %get3A_68 : vector<16xf32> to vector<16xf32>
    %get3A_70 = arith.constant 0 : index
    %get3A_71 = tpu.vector_load %arg11[%get3A_70] {strides = array<i32>} : memref<128xf32, #tpu.memory_space<vmem>>, vector<16xf32>,
    %get3A_72 = vector.shape_cast %get3A_71 : vector<16xf32> to vector<16xf32>
    %add3A_73 = arith.constant 1.000000e+00 : f32
    %add3A_74 = vector.broadcast %add3A_73 : f32 to vector<16xf32>
    %add3A_75 = arith.addf %add3A_74, %get3A_72 : vector<16xf32>
    %get3A_76 = arith.constant 16 : index
    %get3A_77 = tpu.vector_load %arg11[%get3A_76] {strides = array<i32>} : memref<128xf32, #tpu.memory_space<vmem>>, vector<16xf32>,
    %get3A_78 = vector.shape_cast %get3A_77 : vector<16xf32> to vector<16xf32>
    %add3A_79 = arith.constant 1.000000e+00 : f32
    %add3A_80 = vector.broadcast %add3A_79 : f32 to vector<16xf32>
    %add3A_81 = arith.addf %add3A_80, %get3A_78 : vector<16xf32>
    %get3A_82 = arith.constant 32 : index
    %get3A_83 = tpu.vector_load %arg11[%get3A_82] {strides = array<i32>} : memref<128xf32, #tpu.memory_space<vmem>>, vector<16xf32>,
    %get3A_84 = vector.shape_cast %get3A_83 : vector<16xf32> to vector<16xf32>
    %add3A_85 = arith.constant 1.000000e+00 : f32
    %add3A_86 = vector.broadcast %add3A_85 : f32 to vector<16xf32>
    %add3A_87 = arith.addf %add3A_86, %get3A_84 : vector<16xf32>
    %get3A_88 = arith.constant 48 : index
    %get3A_89 = tpu.vector_load %arg11[%get3A_88] {strides = array<i32>} : memref<128xf32, #tpu.memory_space<vmem>>, vector<16xf32>,
    %get3A_90 = vector.shape_cast %get3A_89 : vector<16xf32> to vector<16xf32>
    %add3A_91 = arith.constant 1.000000e+00 : f32
    %add3A_92 = vector.broadcast %add3A_91 : f32 to vector<16xf32>
    %add3A_93 = arith.addf %add3A_92, %get3A_90 : vector<16xf32>
    %get3A_94 = arith.constant 64 : index
    %get3A_95 = tpu.vector_load %arg11[%get3A_94] {strides = array<i32>} : memref<128xf32, #tpu.memory_space<vmem>>, vector<16xf32>,
    %get3A_96 = vector.shape_cast %get3A_95 : vector<16xf32> to vector<16xf32>
    %add3A_97 = arith.constant 1.000000e+00 : f32
    %add3A_98 = vector.broadcast %add3A_97 : f32 to vector<16xf32>
    %add3A_99 = arith.addf %add3A_98, %get3A_96 : vector<16xf32>
    %get3A_100 = arith.constant 80 : index
    %get3A_101 = tpu.vector_load %arg11[%get3A_100] {strides = array<i32>} : memref<128xf32, #tpu.memory_space<vmem>>, vector<16xf32>,
    %get3A_102 = vector.shape_cast %get3A_101 : vector<16xf32> to vector<16xf32>
    %add3A_103 = arith.constant 1.000000e+00 : f32
    %add3A_104 = vector.broadcast %add3A_103 : f32 to vector<16xf32>
    %add3A_105 = arith.addf %add3A_104, %get3A_102 : vector<16xf32>
    %get3A_106 = arith.constant 96 : index
    %get3A_107 = tpu.vector_load %arg11[%get3A_106] {strides = array<i32>} : memref<128xf32, #tpu.memory_space<vmem>>, vector<16xf32>,
    %get3A_108 = vector.shape_cast %get3A_107 : vector<16xf32> to vector<16xf32>
    %add3A_109 = arith.constant 1.000000e+00 : f32
    %add3A_110 = vector.broadcast %add3A_109 : f32 to vector<16xf32>
    %add3A_111 = arith.addf %add3A_110, %get3A_108 : vector<16xf32>
    %get3A_112 = arith.constant 112 : index
    %get3A_113 = tpu.vector_load %arg11[%get3A_112] {strides = array<i32>} : memref<128xf32, #tpu.memory_space<vmem>>, vector<16xf32>,
    %get3A_114 = vector.shape_cast %get3A_113 : vector<16xf32> to vector<16xf32>
    %add3A_115 = arith.constant 1.000000e+00 : f32
    %add3A_116 = vector.broadcast %add3A_115 : f32 to vector<16xf32>
    %add3A_117 = arith.addf %add3A_116, %get3A_114 : vector<16xf32>
    %broadcast_in_dim3A = arith.constant 0 : i32
    %broadcast_in_dim3A_118 = vector.broadcast %broadcast_in_dim3A : i32 to vector<16xi32>
    %broadcast_in_dim3A_119 = arith.constant 1 : i32
    %broadcast_in_dim3A_120 = vector.broadcast %broadcast_in_dim3A_119 : i32 to vector<16xi32>
    %broadcast_in_dim3A_121 = arith.constant 2 : i32
    %broadcast_in_dim3A_122 = vector.broadcast %broadcast_in_dim3A_121 : i32 to vector<16xi32>
    %broadcast_in_dim3A_123 = arith.constant 3 : i32
    %broadcast_in_dim3A_124 = vector.broadcast %broadcast_in_dim3A_123 : i32 to vector<16xi32>
    %broadcast_in_dim3A_125 = arith.constant 4 : i32
    %broadcast_in_dim3A_126 = vector.broadcast %broadcast_in_dim3A_125 : i32 to vector<16xi32>
    %broadcast_in_dim3A_127 = arith.constant 5 : i32
    %broadcast_in_dim3A_128 = vector.broadcast %broadcast_in_dim3A_127 : i32 to vector<16xi32>
    %broadcast_in_dim3A_129 = arith.constant 6 : i32
    %broadcast_in_dim3A_130 = vector.broadcast %broadcast_in_dim3A_129 : i32 to vector<16xi32>
    %broadcast_in_dim3A_131 = arith.constant 7 : i32
    %broadcast_in_dim3A_132 = vector.broadcast %broadcast_in_dim3A_131 : i32 to vector<16xi32>
    %broadcast_in_dim3A_133 = arith.constant 8 : i32
    %broadcast_in_dim3A_134 = vector.broadcast %broadcast_in_dim3A_133 : i32 to vector<16xi32>
    %broadcast_in_dim3A_135 = arith.constant 9 : i32
    %broadcast_in_dim3A_136 = vector.broadcast %broadcast_in_dim3A_135 : i32 to vector<16xi32>
    %broadcast_in_dim3A_137 = arith.constant 10 : i32
    %broadcast_in_dim3A_138 = vector.broadcast %broadcast_in_dim3A_137 : i32 to vector<16xi32>
    %broadcast_in_dim3A_139 = arith.constant 11 : i32
    %broadcast_in_dim3A_140 = vector.broadcast %broadcast_in_dim3A_139 : i32 to vector<16xi32>
    %broadcast_in_dim3A_141 = arith.constant 12 : i32
    %broadcast_in_dim3A_142 = vector.broadcast %broadcast_in_dim3A_141 : i32 to vector<16xi32>
    %broadcast_in_dim3A_143 = arith.constant 13 : i32
    %broadcast_in_dim3A_144 = vector.broadcast %broadcast_in_dim3A_143 : i32 to vector<16xi32>
    %broadcast_in_dim3A_145 = arith.constant 14 : i32
    %broadcast_in_dim3A_146 = vector.broadcast %broadcast_in_dim3A_145 : i32 to vector<16xi32>
    %broadcast_in_dim3A_147 = arith.constant 15 : i32
    %broadcast_in_dim3A_148 = vector.broadcast %broadcast_in_dim3A_147 : i32 to vector<16xi32>
    %add3A_149 = arith.constant 0 : i32
    %add3A_150 = arith.addi %mul3A_2, %add3A_149 : i32
    %add3A_151 = arith.constant 256 : i32
    %add3A_152 = arith.addi %mul3A_2, %add3A_151 : i32
    %dma_wait3A_153 = arith.constant 0 : i32
    %dma_wait3A_154 = arith.constant 0 : i32
    %dma_wait3A_155 = arith.constant 0 : i32
    %dma_wait3A_156 = tpu.memref_slice %arg12[%dma_wait3A_154, %dma_wait3A_155] : memref<512x128xf32, #tpu.memory_space<vmem>> -> memref<128x128xf32, #tpu.memory_space<vmem>>
    %dma_wait3A_157 = arith.constant 0 : i32
    %dma_wait3A_158 = tpu.memref_slice %arg8[%dma_wait3A_153, %dma_wait3A_157] : memref<4x128xi32, #tpu.memory_space<vmem>> -> memref<1x128xi32, #tpu.memory_space<vmem>>
    %dma_wait3A_159 = tpu.memref_squeeze %dma_wait3A_158 : memref<1x128xi32, #tpu.memory_space<vmem>> -> memref<128xi32, #tpu.memory_space<vmem>>
    %dma_wait3A_160 = arith.constant 0 : i32
    %dma_wait3A_161 = arith.constant 0 : i32
    %dma_wait3A_162 = tpu.memref_slice %arg2[%dma_wait3A_160, %dma_wait3A_161] : memref<1000000x128xf32, #tpu.memory_space<hbm>> -> memref<1000000x128xf32, #tpu.memory_space<hbm>>
    tpu.wait_indirect_dma semaphore(%arg13 : memref<!tpu.dma_semaphore, #tpu.memory_space<semaphore_mem>>) src(%dma_wait3A_162 : memref<1000000x128xf32, #tpu.memory_space<hbm>>) dst(%dma_wait3A_156 : memref<128x128xf32, #tpu.memory_space<vmem>>)
    %dma_wait3A_163 = arith.constant 1 : i32
    %dma_wait3A_164 = arith.constant 128 : i32
    %dma_wait3A_165 = arith.constant 0 : i32
    %dma_wait3A_166 = tpu.memref_slice %arg12[%dma_wait3A_164, %dma_wait3A_165] : memref<512x128xf32, #tpu.memory_space<vmem>> -> memref<128x128xf32, #tpu.memory_space<vmem>>
    %dma_wait3A_167 = arith.constant 0 : i32
    %dma_wait3A_168 = tpu.memref_slice %arg8[%dma_wait3A_163, %dma_wait3A_167] : memref<4x128xi32, #tpu.memory_space<vmem>> -> memref<1x128xi32, #tpu.memory_space<vmem>>
    %dma_wait3A_169 = tpu.memref_squeeze %dma_wait3A_168 : memref<1x128xi32, #tpu.memory_space<vmem>> -> memref<128xi32, #tpu.memory_space<vmem>>
    %dma_wait3A_170 = arith.constant 0 : i32
    %dma_wait3A_171 = arith.constant 0 : i32
    %dma_wait3A_172 = tpu.memref_slice %arg2[%dma_wait3A_170, %dma_wait3A_171] : memref<1000000x128xf32, #tpu.memory_space<hbm>> -> memref<1000000x128xf32, #tpu.memory_space<hbm>>
    tpu.wait_indirect_dma semaphore(%arg13 : memref<!tpu.dma_semaphore, #tpu.memory_space<semaphore_mem>>) src(%dma_wait3A_172 : memref<1000000x128xf32, #tpu.memory_space<hbm>>) dst(%dma_wait3A_166 : memref<128x128xf32, #tpu.memory_space<vmem>>)
    %scan3A = arith.constant 0 : i32
    %scan3A_173 = arith.constant 0 : i32
    %scan3A_174 = arith.constant 16 : i32
    %scan3A_175 = arith.addi %scan3A_173, %scan3A_174 : i32
    %scan3A_176 = arith.constant 1 : i32
    scf.for %scan3A_244 = %scan3A_173 to %scan3A_175 step %scan3A_176  : i32 {
      %mul3A_245 = arith.constant 16 : i32
      %mul3A_246 = arith.muli %scan3A_244, %mul3A_245 : i32
      %add3A_247 = arith.constant 0 : i32
      %add3A_248 = arith.addi %add3A_247, %mul3A_246 : i32
      %get3A_249 = arith.index_cast %add3A_248 : i32 to index
      %get3A_250 = tpu.vector_load %arg9[%get3A_249] {strides = array<i32>} : memref<512xf32, #tpu.memory_space<vmem>>, vector<16xf32>,
      %get3A_251 = vector.shape_cast %get3A_250 : vector<16xf32> to vector<16xf32>
      %lt3A = arith.constant 0 : i32
      %lt3A_252 = vector.broadcast %lt3A : i32 to vector<16xi32>
      %lt3A_253 = arith.cmpi slt, %broadcast_in_dim3A_118, %lt3A_252 : vector<16xi32>
      %add3A_254 = arith.constant 16 : i32
      %add3A_255 = vector.broadcast %add3A_254 : i32 to vector<16xi32>
      %add3A_256 = arith.addi %broadcast_in_dim3A_118, %add3A_255 : vector<16xi32>
      %select_n3A = arith.select %lt3A_253, %add3A_256, %broadcast_in_dim3A_118 : vector<16xi1>, vector<16xi32>
      %broadcast_in_dim3A_257 = vector.shape_cast %select_n3A : vector<16xi32> to vector<16x1xi32>
      %gather3A = vector.shape_cast %broadcast_in_dim3A_257 : vector<16x1xi32> to vector<16xi32>
      %gather3A_258 = tpu.dynamic_gather %get3A_251[%gather3A] in [0] : vector<16xf32>, vector<16xi32> -> vector<16xf32>
      %add3A_259 = arith.constant 0 : i32
      %add3A_260 = arith.addi %add3A_248, %add3A_259 : i32
      %get3A_261 = arith.index_cast %add3A_260 : i32 to index
      %get3A_262 = arith.constant 0 : index
      %get3A_263 = tpu.vector_load %arg12[%get3A_261, %get3A_262] {strides = array<i32>} : memref<512x128xf32, #tpu.memory_space<vmem>>, vector<1x16xf32>,
      %get3A_264 = vector.shape_cast %get3A_263 : vector<1x16xf32> to vector<16xf32>
      %mul3A_265 = arith.mulf %gather3A_258, %get3A_48 : vector<16xf32>
      %add3A_266 = arith.addf %mul3A_265, %add3A_75 : vector<16xf32>
      %mul3A_267 = arith.mulf %get3A_264, %add3A_266 : vector<16xf32>
      %swap3A = arith.index_cast %add3A_260 : i32 to index
      %swap3A_268 = arith.constant 0 : index
      %swap3A_269 = tpu.vector_load %arg12[%swap3A, %swap3A_268] {strides = array<i32>} : memref<512x128xf32, #tpu.memory_space<vmem>>, vector<1x16xf32>,
      %swap3A_270 = vector.shape_cast %swap3A_269 : vector<1x16xf32> to vector<16xf32>
      %swap3A_271 = vector.shape_cast %mul3A_267 : vector<16xf32> to vector<1x16xf32>
      tpu.vector_store %arg12[%swap3A, %swap3A_268], %swap3A_271 {strides = array<i32>} : memref<512x128xf32, #tpu.memory_space<vmem>>, vector<1x16xf32>,
      %get3A_272 = arith.index_cast %add3A_260 : i32 to index
      %get3A_273 = arith.constant 16 : index
      %get3A_274 = tpu.vector_load %arg12[%get3A_272, %get3A_273] {strides = array<i32>} : memref<512x128xf32, #tpu.memory_space<vmem>>, vector<1x16xf32>,
      %get3A_275 = vector.shape_cast %get3A_274 : vector<1x16xf32> to vector<16xf32>
      %mul3A_276 = arith.mulf %gather3A_258, %get3A_51 : vector<16xf32>
      %add3A_277 = arith.addf %mul3A_276, %add3A_81 : vector<16xf32>
      %mul3A_278 = arith.mulf %get3A_275, %add3A_277 : vector<16xf32>
      %swap3A_279 = arith.index_cast %add3A_260 : i32 to index
      %swap3A_280 = arith.constant 16 : index
      %swap3A_281 = tpu.vector_load %arg12[%swap3A_279, %swap3A_280] {strides = array<i32>} : memref<512x128xf32, #tpu.memory_space<vmem>>, vector<1x16xf32>,
      %swap3A_282 = vector.shape_cast %swap3A_281 : vector<1x16xf32> to vector<16xf32>
      %swap3A_283 = vector.shape_cast %mul3A_278 : vector<16xf32> to vector<1x16xf32>
      tpu.vector_store %arg12[%swap3A_279, %swap3A_280], %swap3A_283 {strides = array<i32>} : memref<512x128xf32, #tpu.memory_space<vmem>>, vector<1x16xf32>,
      %get3A_284 = arith.index_cast %add3A_260 : i32 to index
      %get3A_285 = arith.constant 32 : index
      %get3A_286 = tpu.vector_load %arg12[%get3A_284, %get3A_285] {strides = array<i32>} : memref<512x128xf32, #tpu.memory_space<vmem>>, vector<1x16xf32>,
      %get3A_287 = vector.shape_cast %get3A_286 : vector<1x16xf32> to vector<16xf32>
      %mul3A_288 = arith.mulf %gather3A_258, %get3A_54 : vector<16xf32>
      %add3A_289 = arith.addf %mul3A_288, %add3A_87 : vector<16xf32>
      %mul3A_290 = arith.mulf %get3A_287, %add3A_289 : vector<16xf32>
      %swap3A_291 = arith.index_cast %add3A_260 : i32 to index
      %swap3A_292 = arith.constant 32 : index
      %swap3A_293 = tpu.vector_load %arg12[%swap3A_291, %swap3A_292] {strides = array<i32>} : memref<512x128xf32, #tpu.memory_space<vmem>>, vector<1x16xf32>,
      %swap3A_294 = vector.shape_cast %swap3A_293 : vector<1x16xf32> to vector<16xf32>
      %swap3A_295 = vector.shape_cast %mul3A_290 : vector<16xf32> to vector<1x16xf32>
      tpu.vector_store %arg12[%swap3A_291, %swap3A_292], %swap3A_295 {strides = array<i32>} : memref<512x128xf32, #tpu.memory_space<vmem>>, vector<1x16xf32>,
      %get3A_296 = arith.index_cast %add3A_260 : i32 to index
      %get3A_297 = arith.constant 48 : index
      %get3A_298 = tpu.vector_load %arg12[%get3A_296, %get3A_297] {strides = array<i32>} : memref<512x128xf32, #tpu.memory_space<vmem>>, vector<1x16xf32>,
      %get3A_299 = vector.shape_cast %get3A_298 : vector<1x16xf32> to vector<16xf32>
      %mul3A_300 = arith.mulf %gather3A_258, %get3A_57 : vector<16xf32>
      %add3A_301 = arith.addf %mul3A_300, %add3A_93 : vector<16xf32>
      %mul3A_302 = arith.mulf %get3A_299, %add3A_301 : vector<16xf32>
      %swap3A_303 = arith.index_cast %add3A_260 : i32 to index
      %swap3A_304 = arith.constant 48 : index
      %swap3A_305 = tpu.vector_load %arg12[%swap3A_303, %swap3A_304] {strides = array<i32>} : memref<512x128xf32, #tpu.memory_space<vmem>>, vector<1x16xf32>,
      %swap3A_306 = vector.shape_cast %swap3A_305 : vector<1x16xf32> to vector<16xf32>
      %swap3A_307 = vector.shape_cast %mul3A_302 : vector<16xf32> to vector<1x16xf32>
      tpu.vector_store %arg12[%swap3A_303, %swap3A_304], %swap3A_307 {strides = array<i32>} : memref<512x128xf32, #tpu.memory_space<vmem>>, vector<1x16xf32>,
      %get3A_308 = arith.index_cast %add3A_260 : i32 to index
      %get3A_309 = arith.constant 64 : index
      %get3A_310 = tpu.vector_load %arg12[%get3A_308, %get3A_309] {strides = array<i32>} : memref<512x128xf32, #tpu.memory_space<vmem>>, vector<1x16xf32>,
      %get3A_311 = vector.shape_cast %get3A_310 : vector<1x16xf32> to vector<16xf32>
      %mul3A_312 = arith.mulf %gather3A_258, %get3A_60 : vector<16xf32>
      %add3A_313 = arith.addf %mul3A_312, %add3A_99 : vector<16xf32>
      %mul3A_314 = arith.mulf %get3A_311, %add3A_313 : vector<16xf32>
      %swap3A_315 = arith.index_cast %add3A_260 : i32 to index
      %swap3A_316 = arith.constant 64 : index
      %swap3A_317 = tpu.vector_load %arg12[%swap3A_315, %swap3A_316] {strides = array<i32>} : memref<512x128xf32, #tpu.memory_space<vmem>>, vector<1x16xf32>,
      %swap3A_318 = vector.shape_cast %swap3A_317 : vector<1x16xf32> to vector<16xf32>
      %swap3A_319 = vector.shape_cast %mul3A_314 : vector<16xf32> to vector<1x16xf32>
      tpu.vector_store %arg12[%swap3A_315, %swap3A_316], %swap3A_319 {strides = array<i32>} : memref<512x128xf32, #tpu.memory_space<vmem>>, vector<1x16xf32>,
      %get3A_320 = arith.index_cast %add3A_260 : i32 to index
      %get3A_321 = arith.constant 80 : index
      %get3A_322 = tpu.vector_load %arg12[%get3A_320, %get3A_321] {strides = array<i32>} : memref<512x128xf32, #tpu.memory_space<vmem>>, vector<1x16xf32>,
      %get3A_323 = vector.shape_cast %get3A_322 : vector<1x16xf32> to vector<16xf32>
      %mul3A_324 = arith.mulf %gather3A_258, %get3A_63 : vector<16xf32>
      %add3A_325 = arith.addf %mul3A_324, %add3A_105 : vector<16xf32>
      %mul3A_326 = arith.mulf %get3A_323, %add3A_325 : vector<16xf32>
      %swap3A_327 = arith.index_cast %add3A_260 : i32 to index
      %swap3A_328 = arith.constant 80 : index
      %swap3A_329 = tpu.vector_load %arg12[%swap3A_327, %swap3A_328] {strides = array<i32>} : memref<512x128xf32, #tpu.memory_space<vmem>>, vector<1x16xf32>,
      %swap3A_330 = vector.shape_cast %swap3A_329 : vector<1x16xf32> to vector<16xf32>
      %swap3A_331 = vector.shape_cast %mul3A_326 : vector<16xf32> to vector<1x16xf32>
      tpu.vector_store %arg12[%swap3A_327, %swap3A_328], %swap3A_331 {strides = array<i32>} : memref<512x128xf32, #tpu.memory_space<vmem>>, vector<1x16xf32>,
      %get3A_332 = arith.index_cast %add3A_260 : i32 to index
      %get3A_333 = arith.constant 96 : index
      %get3A_334 = tpu.vector_load %arg12[%get3A_332, %get3A_333] {strides = array<i32>} : memref<512x128xf32, #tpu.memory_space<vmem>>, vector<1x16xf32>,
      %get3A_335 = vector.shape_cast %get3A_334 : vector<1x16xf32> to vector<16xf32>
      %mul3A_336 = arith.mulf %gather3A_258, %get3A_66 : vector<16xf32>
      %add3A_337 = arith.addf %mul3A_336, %add3A_111 : vector<16xf32>
      %mul3A_338 = arith.mulf %get3A_335, %add3A_337 : vector<16xf32>
      %swap3A_339 = arith.index_cast %add3A_260 : i32 to index
      %swap3A_340 = arith.constant 96 : index
      %swap3A_341 = tpu.vector_load %arg12[%swap3A_339, %swap3A_340] {strides = array<i32>} : memref<512x128xf32, #tpu.memory_space<vmem>>, vector<1x16xf32>,
      %swap3A_342 = vector.shape_cast %swap3A_341 : vector<1x16xf32> to vector<16xf32>
      %swap3A_343 = vector.shape_cast %mul3A_338 : vector<16xf32> to vector<1x16xf32>
      tpu.vector_store %arg12[%swap3A_339, %swap3A_340], %swap3A_343 {strides = array<i32>} : memref<512x128xf32, #tpu.memory_space<vmem>>, vector<1x16xf32>,
      %get3A_344 = arith.index_cast %add3A_260 : i32 to index
      %get3A_345 = arith.constant 112 : index
      %get3A_346 = tpu.vector_load %arg12[%get3A_344, %get3A_345] {strides = array<i32>} : memref<512x128xf32, #tpu.memory_space<vmem>>, vector<1x16xf32>,
      %get3A_347 = vector.shape_cast %get3A_346 : vector<1x16xf32> to vector<16xf32>
      %mul3A_348 = arith.mulf %gather3A_258, %get3A_69 : vector<16xf32>
      %add3A_349 = arith.addf %mul3A_348, %add3A_117 : vector<16xf32>
      %mul3A_350 = arith.mulf %get3A_347, %add3A_349 : vector<16xf32>
      %swap3A_351 = arith.index_cast %add3A_260 : i32 to index
      %swap3A_352 = arith.constant 112 : index
      %swap3A_353 = tpu.vector_load %arg12[%swap3A_351, %swap3A_352] {strides = array<i32>} : memref<512x128xf32, #tpu.memory_space<vmem>>, vector<1x16xf32>,
      %swap3A_354 = vector.shape_cast %swap3A_353 : vector<1x16xf32> to vector<16xf32>
      %swap3A_355 = vector.shape_cast %mul3A_350 : vector<16xf32> to vector<1x16xf32>
      tpu.vector_store %arg12[%swap3A_351, %swap3A_352], %swap3A_355 {strides = array<i32>} : memref<512x128xf32, #tpu.memory_space<vmem>>, vector<1x16xf32>,
      %lt3A_356 = arith.constant 0 : i32
      %lt3A_357 = vector.broadcast %lt3A_356 : i32 to vector<16xi32>
      %lt3A_358 = arith.cmpi slt, %broadcast_in_dim3A_120, %lt3A_357 : vector<16xi32>
      %add3A_359 = arith.constant 16 : i32
      %add3A_360 = vector.broadcast %add3A_359 : i32 to vector<16xi32>
      %add3A_361 = arith.addi %broadcast_in_dim3A_120, %add3A_360 : vector<16xi32>
      %select_n3A_362 = arith.select %lt3A_358, %add3A_361, %broadcast_in_dim3A_120 : vector<16xi1>, vector<16xi32>
      %broadcast_in_dim3A_363 = vector.shape_cast %select_n3A_362 : vector<16xi32> to vector<16x1xi32>
      %gather3A_364 = vector.shape_cast %broadcast_in_dim3A_363 : vector<16x1xi32> to vector<16xi32>
      %gather3A_365 = tpu.dynamic_gather %get3A_251[%gather3A_364] in [0] : vector<16xf32>, vector<16xi32> -> vector<16xf32>
      %add3A_366 = arith.constant 1 : i32
      %add3A_367 = arith.addi %add3A_248, %add3A_366 : i32
      %get3A_368 = arith.index_cast %add3A_367 : i32 to index
      %get3A_369 = arith.constant 0 : index
      %get3A_370 = tpu.vector_load %arg12[%get3A_368, %get3A_369] {strides = array<i32>} : memref<512x128xf32, #tpu.memory_space<vmem>>, vector<1x16xf32>,
      %get3A_371 = vector.shape_cast %get3A_370 : vector<1x16xf32> to vector<16xf32>
      %mul3A_372 = arith.mulf %gather3A_365, %get3A_48 : vector<16xf32>
      %add3A_373 = arith.addf %mul3A_372, %add3A_75 : vector<16xf32>
      %mul3A_374 = arith.mulf %get3A_371, %add3A_373 : vector<16xf32>
      %swap3A_375 = arith.index_cast %add3A_367 : i32 to index
      %swap3A_376 = arith.constant 0 : index
      %swap3A_377 = tpu.vector_load %arg12[%swap3A_375, %swap3A_376] {strides = array<i32>} : memref<512x128xf32, #tpu.memory_space<vmem>>, vector<1x16xf32>,
      %swap3A_378 = vector.shape_cast %swap3A_377 : vector<1x16xf32> to vector<16xf32>
      %swap3A_379 = vector.shape_cast %mul3A_374 : vector<16xf32> to vector<1x16xf32>
      tpu.vector_store %arg12[%swap3A_375, %swap3A_376], %swap3A_379 {strides = array<i32>} : memref<512x128xf32, #tpu.memory_space<vmem>>, vector<1x16xf32>,
      %get3A_380 = arith.index_cast %add3A_367 : i32 to index
      %get3A_381 = arith.constant 16 : index
      %get3A_382 = tpu.vector_load %arg12[%get3A_380, %get3A_381] {strides = array<i32>} : memref<512x128xf32, #tpu.memory_space<vmem>>, vector<1x16xf32>,
      %get3A_383 = vector.shape_cast %get3A_382 : vector<1x16xf32> to vector<16xf32>
      %mul3A_384 = arith.mulf %gather3A_365, %get3A_51 : vector<16xf32>
      %add3A_385 = arith.addf %mul3A_384, %add3A_81 : vector<16xf32>
      %mul3A_386 = arith.mulf %get3A_383, %add3A_385 : vector<16xf32>
      %swap3A_387 = arith.index_cast %add3A_367 : i32 to index
      %swap3A_388 = arith.constant 16 : index
      %swap3A_389 = tpu.vector_load %arg12[%swap3A_387, %swap3A_388] {strides = array<i32>} : memref<512x128xf32, #tpu.memory_space<vmem>>, vector<1x16xf32>,
      %swap3A_390 = vector.shape_cast %swap3A_389 : vector<1x16xf32> to vector<16xf32>
      %swap3A_391 = vector.shape_cast %mul3A_386 : vector<16xf32> to vector<1x16xf32>
      tpu.vector_store %arg12[%swap3A_387, %swap3A_388], %swap3A_391 {strides = array<i32>} : memref<512x128xf32, #tpu.memory_space<vmem>>, vector<1x16xf32>,
      %get3A_392 = arith.index_cast %add3A_367 : i32 to index
      %get3A_393 = arith.constant 32 : index
      %get3A_394 = tpu.vector_load %arg12[%get3A_392, %get3A_393] {strides = array<i32>} : memref<512x128xf32, #tpu.memory_space<vmem>>, vector<1x16xf32>,
      %get3A_395 = vector.shape_cast %get3A_394 : vector<1x16xf32> to vector<16xf32>
      %mul3A_396 = arith.mulf %gather3A_365, %get3A_54 : vector<16xf32>
      %add3A_397 = arith.addf %mul3A_396, %add3A_87 : vector<16xf32>
      %mul3A_398 = arith.mulf %get3A_395, %add3A_397 : vector<16xf32>
      %swap3A_399 = arith.index_cast %add3A_367 : i32 to index
      %swap3A_400 = arith.constant 32 : index
      %swap3A_401 = tpu.vector_load %arg12[%swap3A_399, %swap3A_400] {strides = array<i32>} : memref<512x128xf32, #tpu.memory_space<vmem>>, vector<1x16xf32>,
      %swap3A_402 = vector.shape_cast %swap3A_401 : vector<1x16xf32> to vector<16xf32>
      %swap3A_403 = vector.shape_cast %mul3A_398 : vector<16xf32> to vector<1x16xf32>
      tpu.vector_store %arg12[%swap3A_399, %swap3A_400], %swap3A_403 {strides = array<i32>} : memref<512x128xf32, #tpu.memory_space<vmem>>, vector<1x16xf32>,
      %get3A_404 = arith.index_cast %add3A_367 : i32 to index
      %get3A_405 = arith.constant 48 : index
      %get3A_406 = tpu.vector_load %arg12[%get3A_404, %get3A_405] {strides = array<i32>} : memref<512x128xf32, #tpu.memory_space<vmem>>, vector<1x16xf32>,
      %get3A_407 = vector.shape_cast %get3A_406 : vector<1x16xf32> to vector<16xf32>
      %mul3A_408 = arith.mulf %gather3A_365, %get3A_57 : vector<16xf32>
      %add3A_409 = arith.addf %mul3A_408, %add3A_93 : vector<16xf32>
      %mul3A_410 = arith.mulf %get3A_407, %add3A_409 : vector<16xf32>
      %swap3A_411 = arith.index_cast %add3A_367 : i32 to index
      %swap3A_412 = arith.constant 48 : index
      %swap3A_413 = tpu.vector_load %arg12[%swap3A_411, %swap3A_412] {strides = array<i32>} : memref<512x128xf32, #tpu.memory_space<vmem>>, vector<1x16xf32>,
      %swap3A_414 = vector.shape_cast %swap3A_413 : vector<1x16xf32> to vector<16xf32>
      %swap3A_415 = vector.shape_cast %mul3A_410 : vector<16xf32> to vector<1x16xf32>
      tpu.vector_store %arg12[%swap3A_411, %swap3A_412], %swap3A_415 {strides = array<i32>} : memref<512x128xf32, #tpu.memory_space<vmem>>, vector<1x16xf32>,
      %get3A_416 = arith.index_cast %add3A_367 : i32 to index
      %get3A_417 = arith.constant 64 : index
      %get3A_418 = tpu.vector_load %arg12[%get3A_416, %get3A_417] {strides = array<i32>} : memref<512x128xf32, #tpu.memory_space<vmem>>, vector<1x16xf32>,
      %get3A_419 = vector.shape_cast %get3A_418 : vector<1x16xf32> to vector<16xf32>
      %mul3A_420 = arith.mulf %gather3A_365, %get3A_60 : vector<16xf32>
      %add3A_421 = arith.addf %mul3A_420, %add3A_99 : vector<16xf32>
      %mul3A_422 = arith.mulf %get3A_419, %add3A_421 : vector<16xf32>
      %swap3A_423 = arith.index_cast %add3A_367 : i32 to index
      %swap3A_424 = arith.constant 64 : index
      %swap3A_425 = tpu.vector_load %arg12[%swap3A_423, %swap3A_424] {strides = array<i32>} : memref<512x128xf32, #tpu.memory_space<vmem>>, vector<1x16xf32>,
      %swap3A_426 = vector.shape_cast %swap3A_425 : vector<1x16xf32> to vector<16xf32>
      %swap3A_427 = vector.shape_cast %mul3A_422 : vector<16xf32> to vector<1x16xf32>
      tpu.vector_store %arg12[%swap3A_423, %swap3A_424], %swap3A_427 {strides = array<i32>} : memref<512x128xf32, #tpu.memory_space<vmem>>, vector<1x16xf32>,
      %get3A_428 = arith.index_cast %add3A_367 : i32 to index
      %get3A_429 = arith.constant 80 : index
      %get3A_430 = tpu.vector_load %arg12[%get3A_428, %get3A_429] {strides = array<i32>} : memref<512x128xf32, #tpu.memory_space<vmem>>, vector<1x16xf32>,
      %get3A_431 = vector.shape_cast %get3A_430 : vector<1x16xf32> to vector<16xf32>
      %mul3A_432 = arith.mulf %gather3A_365, %get3A_63 : vector<16xf32>
      %add3A_433 = arith.addf %mul3A_432, %add3A_105 : vector<16xf32>
      %mul3A_434 = arith.mulf %get3A_431, %add3A_433 : vector<16xf32>
      %swap3A_435 = arith.index_cast %add3A_367 : i32 to index
      %swap3A_436 = arith.constant 80 : index
      %swap3A_437 = tpu.vector_load %arg12[%swap3A_435, %swap3A_436] {strides = array<i32>} : memref<512x128xf32, #tpu.memory_space<vmem>>, vector<1x16xf32>,
      %swap3A_438 = vector.shape_cast %swap3A_437 : vector<1x16xf32> to vector<16xf32>
      %swap3A_439 = vector.shape_cast %mul3A_434 : vector<16xf32> to vector<1x16xf32>
      tpu.vector_store %arg12[%swap3A_435, %swap3A_436], %swap3A_439 {strides = array<i32>} : memref<512x128xf32, #tpu.memory_space<vmem>>, vector<1x16xf32>,
      %get3A_440 = arith.index_cast %add3A_367 : i32 to index
      %get3A_441 = arith.constant 96 : index
      %get3A_442 = tpu.vector_load %arg12[%get3A_440, %get3A_441] {strides = array<i32>} : memref<512x128xf32, #tpu.memory_space<vmem>>, vector<1x16xf32>,
      %get3A_443 = vector.shape_cast %get3A_442 : vector<1x16xf32> to vector<16xf32>
      %mul3A_444 = arith.mulf %gather3A_365, %get3A_66 : vector<16xf32>
      %add3A_445 = arith.addf %mul3A_444, %add3A_111 : vector<16xf32>
      %mul3A_446 = arith.mulf %get3A_443, %add3A_445 : vector<16xf32>
      %swap3A_447 = arith.index_cast %add3A_367 : i32 to index
      %swap3A_448 = arith.constant 96 : index
      %swap3A_449 = tpu.vector_load %arg12[%swap3A_447, %swap3A_448] {strides = array<i32>} : memref<512x128xf32, #tpu.memory_space<vmem>>, vector<1x16xf32>,
      %swap3A_450 = vector.shape_cast %swap3A_449 : vector<1x16xf32> to vector<16xf32>
      %swap3A_451 = vector.shape_cast %mul3A_446 : vector<16xf32> to vector<1x16xf32>
      tpu.vector_store %arg12[%swap3A_447, %swap3A_448], %swap3A_451 {strides = array<i32>} : memref<512x128xf32, #tpu.memory_space<vmem>>, vector<1x16xf32>,
      %get3A_452 = arith.index_cast %add3A_367 : i32 to index
      %get3A_453 = arith.constant 112 : index
      %get3A_454 = tpu.vector_load %arg12[%get3A_452, %get3A_453] {strides = array<i32>} : memref<512x128xf32, #tpu.memory_space<vmem>>, vector<1x16xf32>,
      %get3A_455 = vector.shape_cast %get3A_454 : vector<1x16xf32> to vector<16xf32>
      %mul3A_456 = arith.mulf %gather3A_365, %get3A_69 : vector<16xf32>
      %add3A_457 = arith.addf %mul3A_456, %add3A_117 : vector<16xf32>
      %mul3A_458 = arith.mulf %get3A_455, %add3A_457 : vector<16xf32>
      %swap3A_459 = arith.index_cast %add3A_367 : i32 to index
      %swap3A_460 = arith.constant 112 : index
      %swap3A_461 = tpu.vector_load %arg12[%swap3A_459, %swap3A_460] {strides = array<i32>} : memref<512x128xf32, #tpu.memory_space<vmem>>, vector<1x16xf32>,
      %swap3A_462 = vector.shape_cast %swap3A_461 : vector<1x16xf32> to vector<16xf32>
      %swap3A_463 = vector.shape_cast %mul3A_458 : vector<16xf32> to vector<1x16xf32>
      tpu.vector_store %arg12[%swap3A_459, %swap3A_460], %swap3A_463 {strides = array<i32>} : memref<512x128xf32, #tpu.memory_space<vmem>>, vector<1x16xf32>,
      %lt3A_464 = arith.constant 0 : i32
      %lt3A_465 = vector.broadcast %lt3A_464 : i32 to vector<16xi32>
      %lt3A_466 = arith.cmpi slt, %broadcast_in_dim3A_122, %lt3A_465 : vector<16xi32>
      %add3A_467 = arith.constant 16 : i32
      %add3A_468 = vector.broadcast %add3A_467 : i32 to vector<16xi32>
      %add3A_469 = arith.addi %broadcast_in_dim3A_122, %add3A_468 : vector<16xi32>
      %select_n3A_470 = arith.select %lt3A_466, %add3A_469, %broadcast_in_dim3A_122 : vector<16xi1>, vector<16xi32>
      %broadcast_in_dim3A_471 = vector.shape_cast %select_n3A_470 : vector<16xi32> to vector<16x1xi32>
      %gather3A_472 = vector.shape_cast %broadcast_in_dim3A_471 : vector<16x1xi32> to vector<16xi32>
      %gather3A_473 = tpu.dynamic_gather %get3A_251[%gather3A_472] in [0] : vector<16xf32>, vector<16xi32> -> vector<16xf32>
      %add3A_474 = arith.constant 2 : i32
      %add3A_475 = arith.addi %add3A_248, %add3A_474 : i32
      %get3A_476 = arith.index_cast %add3A_475 : i32 to index
      %get3A_477 = arith.constant 0 : index
      %get3A_478 = tpu.vector_load %arg12[%get3A_476, %get3A_477] {strides = array<i32>} : memref<512x128xf32, #tpu.memory_space<vmem>>, vector<1x16xf32>,
      %get3A_479 = vector.shape_cast %get3A_478 : vector<1x16xf32> to vector<16xf32>
      %mul3A_480 = arith.mulf %gather3A_473, %get3A_48 : vector<16xf32>
      %add3A_481 = arith.addf %mul3A_480, %add3A_75 : vector<16xf32>
      %mul3A_482 = arith.mulf %get3A_479, %add3A_481 : vector<16xf32>
      %swap3A_483 = arith.index_cast %add3A_475 : i32 to index
      %swap3A_484 = arith.constant 0 : index
      %swap3A_485 = tpu.vector_load %arg12[%swap3A_483, %swap3A_484] {strides = array<i32>} : memref<512x128xf32, #tpu.memory_space<vmem>>, vector<1x16xf32>,
      %swap3A_486 = vector.shape_cast %swap3A_485 : vector<1x16xf32> to vector<16xf32>
      %swap3A_487 = vector.shape_cast %mul3A_482 : vector<16xf32> to vector<1x16xf32>
      tpu.vector_store %arg12[%swap3A_483, %swap3A_484], %swap3A_487 {strides = array<i32>} : memref<512x128xf32, #tpu.memory_space<vmem>>, vector<1x16xf32>,
      %get3A_488 = arith.index_cast %add3A_475 : i32 to index
      %get3A_489 = arith.constant 16 : index
      %get3A_490 = tpu.vector_load %arg12[%get3A_488, %get3A_489] {strides = array<i32>} : memref<512x128xf32, #tpu.memory_space<vmem>>, vector<1x16xf32>,
      %get3A_491 = vector.shape_cast %get3A_490 : vector<1x16xf32> to vector<16xf32>
      %mul3A_492 = arith.mulf %gather3A_473, %get3A_51 : vector<16xf32>
      %add3A_493 = arith.addf %mul3A_492, %add3A_81 : vector<16xf32>
      %mul3A_494 = arith.mulf %get3A_491, %add3A_493 : vector<16xf32>
      %swap3A_495 = arith.index_cast %add3A_475 : i32 to index
      %swap3A_496 = arith.constant 16 : index
      %swap3A_497 = tpu.vector_load %arg12[%swap3A_495, %swap3A_496] {strides = array<i32>} : memref<512x128xf32, #tpu.memory_space<vmem>>, vector<1x16xf32>,
      %swap3A_498 = vector.shape_cast %swap3A_497 : vector<1x16xf32> to vector<16xf32>
      %swap3A_499 = vector.shape_cast %mul3A_494 : vector<16xf32> to vector<1x16xf32>
      tpu.vector_store %arg12[%swap3A_495, %swap3A_496], %swap3A_499 {strides = array<i32>} : memref<512x128xf32, #tpu.memory_space<vmem>>, vector<1x16xf32>,
      %get3A_500 = arith.index_cast %add3A_475 : i32 to index
      %get3A_501 = arith.constant 32 : index
      %get3A_502 = tpu.vector_load %arg12[%get3A_500, %get3A_501] {strides = array<i32>} : memref<512x128xf32, #tpu.memory_space<vmem>>, vector<1x16xf32>,
      %get3A_503 = vector.shape_cast %get3A_502 : vector<1x16xf32> to vector<16xf32>
      %mul3A_504 = arith.mulf %gather3A_473, %get3A_54 : vector<16xf32>
      %add3A_505 = arith.addf %mul3A_504, %add3A_87 : vector<16xf32>
      %mul3A_506 = arith.mulf %get3A_503, %add3A_505 : vector<16xf32>
      %swap3A_507 = arith.index_cast %add3A_475 : i32 to index
      %swap3A_508 = arith.constant 32 : index
      %swap3A_509 = tpu.vector_load %arg12[%swap3A_507, %swap3A_508] {strides = array<i32>} : memref<512x128xf32, #tpu.memory_space<vmem>>, vector<1x16xf32>,
      %swap3A_510 = vector.shape_cast %swap3A_509 : vector<1x16xf32> to vector<16xf32>
      %swap3A_511 = vector.shape_cast %mul3A_506 : vector<16xf32> to vector<1x16xf32>
      tpu.vector_store %arg12[%swap3A_507, %swap3A_508], %swap3A_511 {strides = array<i32>} : memref<512x128xf32, #tpu.memory_space<vmem>>, vector<1x16xf32>,
      %get3A_512 = arith.index_cast %add3A_475 : i32 to index
      %get3A_513 = arith.constant 48 : index
      %get3A_514 = tpu.vector_load %arg12[%get3A_512, %get3A_513] {strides = array<i32>} : memref<512x128xf32, #tpu.memory_space<vmem>>, vector<1x16xf32>,
      %get3A_515 = vector.shape_cast %get3A_514 : vector<1x16xf32> to vector<16xf32>
      %mul3A_516 = arith.mulf %gather3A_473, %get3A_57 : vector<16xf32>
      %add3A_517 = arith.addf %mul3A_516, %add3A_93 : vector<16xf32>
      %mul3A_518 = arith.mulf %get3A_515, %add3A_517 : vector<16xf32>
      %swap3A_519 = arith.index_cast %add3A_475 : i32 to index
      %swap3A_520 = arith.constant 48 : index
      %swap3A_521 = tpu.vector_load %arg12[%swap3A_519, %swap3A_520] {strides = array<i32>} : memref<512x128xf32, #tpu.memory_space<vmem>>, vector<1x16xf32>,
      %swap3A_522 = vector.shape_cast %swap3A_521 : vector<1x16xf32> to vector<16xf32>
      %swap3A_523 = vector.shape_cast %mul3A_518 : vector<16xf32> to vector<1x16xf32>
      tpu.vector_store %arg12[%swap3A_519, %swap3A_520], %swap3A_523 {strides = array<i32>} : memref<512x128xf32, #tpu.memory_space<vmem>>, vector<1x16xf32>,
      %get3A_524 = arith.index_cast %add3A_475 : i32 to index
      %get3A_525 = arith.constant 64 : index
      %get3A_526 = tpu.vector_load %arg12[%get3A_524, %get3A_525] {strides = array<i32>} : memref<512x128xf32, #tpu.memory_space<vmem>>, vector<1x16xf32>,
      %get3A_527 = vector.shape_cast %get3A_526 : vector<1x16xf32> to vector<16xf32>
      %mul3A_528 = arith.mulf %gather3A_473, %get3A_60 : vector<16xf32>
      %add3A_529 = arith.addf %mul3A_528, %add3A_99 : vector<16xf32>
      %mul3A_530 = arith.mulf %get3A_527, %add3A_529 : vector<16xf32>
      %swap3A_531 = arith.index_cast %add3A_475 : i32 to index
      %swap3A_532 = arith.constant 64 : index
      %swap3A_533 = tpu.vector_load %arg12[%swap3A_531, %swap3A_532] {strides = array<i32>} : memref<512x128xf32, #tpu.memory_space<vmem>>, vector<1x16xf32>,
      %swap3A_534 = vector.shape_cast %swap3A_533 : vector<1x16xf32> to vector<16xf32>
      %swap3A_535 = vector.shape_cast %mul3A_530 : vector<16xf32> to vector<1x16xf32>
      tpu.vector_store %arg12[%swap3A_531, %swap3A_532], %swap3A_535 {strides = array<i32>} : memref<512x128xf32, #tpu.memory_space<vmem>>, vector<1x16xf32>,
      %get3A_536 = arith.index_cast %add3A_475 : i32 to index
      %get3A_537 = arith.constant 80 : index
      %get3A_538 = tpu.vector_load %arg12[%get3A_536, %get3A_537] {strides = array<i32>} : memref<512x128xf32, #tpu.memory_space<vmem>>, vector<1x16xf32>,
      %get3A_539 = vector.shape_cast %get3A_538 : vector<1x16xf32> to vector<16xf32>
      %mul3A_540 = arith.mulf %gather3A_473, %get3A_63 : vector<16xf32>
      %add3A_541 = arith.addf %mul3A_540, %add3A_105 : vector<16xf32>
      %mul3A_542 = arith.mulf %get3A_539, %add3A_541 : vector<16xf32>
      %swap3A_543 = arith.index_cast %add3A_475 : i32 to index
      %swap3A_544 = arith.constant 80 : index
      %swap3A_545 = tpu.vector_load %arg12[%swap3A_543, %swap3A_544] {strides = array<i32>} : memref<512x128xf32, #tpu.memory_space<vmem>>, vector<1x16xf32>,
      %swap3A_546 = vector.shape_cast %swap3A_545 : vector<1x16xf32> to vector<16xf32>
      %swap3A_547 = vector.shape_cast %mul3A_542 : vector<16xf32> to vector<1x16xf32>
      tpu.vector_store %arg12[%swap3A_543, %swap3A_544], %swap3A_547 {strides = array<i32>} : memref<512x128xf32, #tpu.memory_space<vmem>>, vector<1x16xf32>,
      %get3A_548 = arith.index_cast %add3A_475 : i32 to index
      %get3A_549 = arith.constant 96 : index
      %get3A_550 = tpu.vector_load %arg12[%get3A_548, %get3A_549] {strides = array<i32>} : memref<512x128xf32, #tpu.memory_space<vmem>>, vector<1x16xf32>,
      %get3A_551 = vector.shape_cast %get3A_550 : vector<1x16xf32> to vector<16xf32>
      %mul3A_552 = arith.mulf %gather3A_473, %get3A_66 : vector<16xf32>
      %add3A_553 = arith.addf %mul3A_552, %add3A_111 : vector<16xf32>
      %mul3A_554 = arith.mulf %get3A_551, %add3A_553 : vector<16xf32>
      %swap3A_555 = arith.index_cast %add3A_475 : i32 to index
      %swap3A_556 = arith.constant 96 : index
      %swap3A_557 = tpu.vector_load %arg12[%swap3A_555, %swap3A_556] {strides = array<i32>} : memref<512x128xf32, #tpu.memory_space<vmem>>, vector<1x16xf32>,
      %swap3A_558 = vector.shape_cast %swap3A_557 : vector<1x16xf32> to vector<16xf32>
      %swap3A_559 = vector.shape_cast %mul3A_554 : vector<16xf32> to vector<1x16xf32>
      tpu.vector_store %arg12[%swap3A_555, %swap3A_556], %swap3A_559 {strides = array<i32>} : memref<512x128xf32, #tpu.memory_space<vmem>>, vector<1x16xf32>,
      %get3A_560 = arith.index_cast %add3A_475 : i32 to index
      %get3A_561 = arith.constant 112 : index
      %get3A_562 = tpu.vector_load %arg12[%get3A_560, %get3A_561] {strides = array<i32>} : memref<512x128xf32, #tpu.memory_space<vmem>>, vector<1x16xf32>,
      %get3A_563 = vector.shape_cast %get3A_562 : vector<1x16xf32> to vector<16xf32>
      %mul3A_564 = arith.mulf %gather3A_473, %get3A_69 : vector<16xf32>
      %add3A_565 = arith.addf %mul3A_564, %add3A_117 : vector<16xf32>
      %mul3A_566 = arith.mulf %get3A_563, %add3A_565 : vector<16xf32>
      %swap3A_567 = arith.index_cast %add3A_475 : i32 to index
      %swap3A_568 = arith.constant 112 : index
      %swap3A_569 = tpu.vector_load %arg12[%swap3A_567, %swap3A_568] {strides = array<i32>} : memref<512x128xf32, #tpu.memory_space<vmem>>, vector<1x16xf32>,
      %swap3A_570 = vector.shape_cast %swap3A_569 : vector<1x16xf32> to vector<16xf32>
      %swap3A_571 = vector.shape_cast %mul3A_566 : vector<16xf32> to vector<1x16xf32>
      tpu.vector_store %arg12[%swap3A_567, %swap3A_568], %swap3A_571 {strides = array<i32>} : memref<512x128xf32, #tpu.memory_space<vmem>>, vector<1x16xf32>,
      %lt3A_572 = arith.constant 0 : i32
      %lt3A_573 = vector.broadcast %lt3A_572 : i32 to vector<16xi32>
      %lt3A_574 = arith.cmpi slt, %broadcast_in_dim3A_124, %lt3A_573 : vector<16xi32>
      %add3A_575 = arith.constant 16 : i32
      %add3A_576 = vector.broadcast %add3A_575 : i32 to vector<16xi32>
      %add3A_577 = arith.addi %broadcast_in_dim3A_124, %add3A_576 : vector<16xi32>
      %select_n3A_578 = arith.select %lt3A_574, %add3A_577, %broadcast_in_dim3A_124 : vector<16xi1>, vector<16xi32>
      %broadcast_in_dim3A_579 = vector.shape_cast %select_n3A_578 : vector<16xi32> to vector<16x1xi32>
      %gather3A_580 = vector.shape_cast %broadcast_in_dim3A_579 : vector<16x1xi32> to vector<16xi32>
      %gather3A_581 = tpu.dynamic_gather %get3A_251[%gather3A_580] in [0] : vector<16xf32>, vector<16xi32> -> vector<16xf32>
      %add3A_582 = arith.constant 3 : i32
      %add3A_583 = arith.addi %add3A_248, %add3A_582 : i32
      %get3A_584 = arith.index_cast %add3A_583 : i32 to index
      %get3A_585 = arith.constant 0 : index
      %get3A_586 = tpu.vector_load %arg12[%get3A_584, %get3A_585] {strides = array<i32>} : memref<512x128xf32, #tpu.memory_space<vmem>>, vector<1x16xf32>,
      %get3A_587 = vector.shape_cast %get3A_586 : vector<1x16xf32> to vector<16xf32>
      %mul3A_588 = arith.mulf %gather3A_581, %get3A_48 : vector<16xf32>
      %add3A_589 = arith.addf %mul3A_588, %add3A_75 : vector<16xf32>
      %mul3A_590 = arith.mulf %get3A_587, %add3A_589 : vector<16xf32>
      %swap3A_591 = arith.index_cast %add3A_583 : i32 to index
      %swap3A_592 = arith.constant 0 : index
      %swap3A_593 = tpu.vector_load %arg12[%swap3A_591, %swap3A_592] {strides = array<i32>} : memref<512x128xf32, #tpu.memory_space<vmem>>, vector<1x16xf32>,
      %swap3A_594 = vector.shape_cast %swap3A_593 : vector<1x16xf32> to vector<16xf32>
      %swap3A_595 = vector.shape_cast %mul3A_590 : vector<16xf32> to vector<1x16xf32>
      tpu.vector_store %arg12[%swap3A_591, %swap3A_592], %swap3A_595 {strides = array<i32>} : memref<512x128xf32, #tpu.memory_space<vmem>>, vector<1x16xf32>,
      %get3A_596 = arith.index_cast %add3A_583 : i32 to index
      %get3A_597 = arith.constant 16 : index
      %get3A_598 = tpu.vector_load %arg12[%get3A_596, %get3A_597] {strides = array<i32>} : memref<512x128xf32, #tpu.memory_space<vmem>>, vector<1x16xf32>,
      %get3A_599 = vector.shape_cast %get3A_598 : vector<1x16xf32> to vector<16xf32>
      %mul3A_600 = arith.mulf %gather3A_581, %get3A_51 : vector<16xf32>
      %add3A_601 = arith.addf %mul3A_600, %add3A_81 : vector<16xf32>
      %mul3A_602 = arith.mulf %get3A_599, %add3A_601 : vector<16xf32>
      %swap3A_603 = arith.index_cast %add3A_583 : i32 to index
      %swap3A_604 = arith.constant 16 : index
      %swap3A_605 = tpu.vector_load %arg12[%swap3A_603, %swap3A_604] {strides = array<i32>} : memref<512x128xf32, #tpu.memory_space<vmem>>, vector<1x16xf32>,
      %swap3A_606 = vector.shape_cast %swap3A_605 : vector<1x16xf32> to vector<16xf32>
      %swap3A_607 = vector.shape_cast %mul3A_602 : vector<16xf32> to vector<1x16xf32>
      tpu.vector_store %arg12[%swap3A_603, %swap3A_604], %swap3A_607 {strides = array<i32>} : memref<512x128xf32, #tpu.memory_space<vmem>>, vector<1x16xf32>,
      %get3A_608 = arith.index_cast %add3A_583 : i32 to index
      %get3A_609 = arith.constant 32 : index
      %get3A_610 = tpu.vector_load %arg12[%get3A_608, %get3A_609] {strides = array<i32>} : memref<512x128xf32, #tpu.memory_space<vmem>>, vector<1x16xf32>,
      %get3A_611 = vector.shape_cast %get3A_610 : vector<1x16xf32> to vector<16xf32>
      %mul3A_612 = arith.mulf %gather3A_581, %get3A_54 : vector<16xf32>
      %add3A_613 = arith.addf %mul3A_612, %add3A_87 : vector<16xf32>
      %mul3A_614 = arith.mulf %get3A_611, %add3A_613 : vector<16xf32>
      %swap3A_615 = arith.index_cast %add3A_583 : i32 to index
      %swap3A_616 = arith.constant 32 : index
      %swap3A_617 = tpu.vector_load %arg12[%swap3A_615, %swap3A_616] {strides = array<i32>} : memref<512x128xf32, #tpu.memory_space<vmem>>, vector<1x16xf32>,
      %swap3A_618 = vector.shape_cast %swap3A_617 : vector<1x16xf32> to vector<16xf32>
      %swap3A_619 = vector.shape_cast %mul3A_614 : vector<16xf32> to vector<1x16xf32>
      tpu.vector_store %arg12[%swap3A_615, %swap3A_616], %swap3A_619 {strides = array<i32>} : memref<512x128xf32, #tpu.memory_space<vmem>>, vector<1x16xf32>,
      %get3A_620 = arith.index_cast %add3A_583 : i32 to index
      %get3A_621 = arith.constant 48 : index
      %get3A_622 = tpu.vector_load %arg12[%get3A_620, %get3A_621] {strides = array<i32>} : memref<512x128xf32, #tpu.memory_space<vmem>>, vector<1x16xf32>,
      %get3A_623 = vector.shape_cast %get3A_622 : vector<1x16xf32> to vector<16xf32>
      %mul3A_624 = arith.mulf %gather3A_581, %get3A_57 : vector<16xf32>
      %add3A_625 = arith.addf %mul3A_624, %add3A_93 : vector<16xf32>
      %mul3A_626 = arith.mulf %get3A_623, %add3A_625 : vector<16xf32>
      %swap3A_627 = arith.index_cast %add3A_583 : i32 to index
      %swap3A_628 = arith.constant 48 : index
      %swap3A_629 = tpu.vector_load %arg12[%swap3A_627, %swap3A_628] {strides = array<i32>} : memref<512x128xf32, #tpu.memory_space<vmem>>, vector<1x16xf32>,
      %swap3A_630 = vector.shape_cast %swap3A_629 : vector<1x16xf32> to vector<16xf32>
      %swap3A_631 = vector.shape_cast %mul3A_626 : vector<16xf32> to vector<1x16xf32>
      tpu.vector_store %arg12[%swap3A_627, %swap3A_628], %swap3A_631 {strides = array<i32>} : memref<512x128xf32, #tpu.memory_space<vmem>>, vector<1x16xf32>,
      %get3A_632 = arith.index_cast %add3A_583 : i32 to index
      %get3A_633 = arith.constant 64 : index
      %get3A_634 = tpu.vector_load %arg12[%get3A_632, %get3A_633] {strides = array<i32>} : memref<512x128xf32, #tpu.memory_space<vmem>>, vector<1x16xf32>,
      %get3A_635 = vector.shape_cast %get3A_634 : vector<1x16xf32> to vector<16xf32>
      %mul3A_636 = arith.mulf %gather3A_581, %get3A_60 : vector<16xf32>
      %add3A_637 = arith.addf %mul3A_636, %add3A_99 : vector<16xf32>
      %mul3A_638 = arith.mulf %get3A_635, %add3A_637 : vector<16xf32>
      %swap3A_639 = arith.index_cast %add3A_583 : i32 to index
      %swap3A_640 = arith.constant 64 : index
      %swap3A_641 = tpu.vector_load %arg12[%swap3A_639, %swap3A_640] {strides = array<i32>} : memref<512x128xf32, #tpu.memory_space<vmem>>, vector<1x16xf32>,
      %swap3A_642 = vector.shape_cast %swap3A_641 : vector<1x16xf32> to vector<16xf32>
      %swap3A_643 = vector.shape_cast %mul3A_638 : vector<16xf32> to vector<1x16xf32>
      tpu.vector_store %arg12[%swap3A_639, %swap3A_640], %swap3A_643 {strides = array<i32>} : memref<512x128xf32, #tpu.memory_space<vmem>>, vector<1x16xf32>,
      %get3A_644 = arith.index_cast %add3A_583 : i32 to index
      %get3A_645 = arith.constant 80 : index
      %get3A_646 = tpu.vector_load %arg12[%get3A_644, %get3A_645] {strides = array<i32>} : memref<512x128xf32, #tpu.memory_space<vmem>>, vector<1x16xf32>,
      %get3A_647 = vector.shape_cast %get3A_646 : vector<1x16xf32> to vector<16xf32>
      %mul3A_648 = arith.mulf %gather3A_581, %get3A_63 : vector<16xf32>
      %add3A_649 = arith.addf %mul3A_648, %add3A_105 : vector<16xf32>
      %mul3A_650 = arith.mulf %get3A_647, %add3A_649 : vector<16xf32>
      %swap3A_651 = arith.index_cast %add3A_583 : i32 to index
      %swap3A_652 = arith.constant 80 : index
      %swap3A_653 = tpu.vector_load %arg12[%swap3A_651, %swap3A_652] {strides = array<i32>} : memref<512x128xf32, #tpu.memory_space<vmem>>, vector<1x16xf32>,
      %swap3A_654 = vector.shape_cast %swap3A_653 : vector<1x16xf32> to vector<16xf32>
      %swap3A_655 = vector.shape_cast %mul3A_650 : vector<16xf32> to vector<1x16xf32>
      tpu.vector_store %arg12[%swap3A_651, %swap3A_652], %swap3A_655 {strides = array<i32>} : memref<512x128xf32, #tpu.memory_space<vmem>>, vector<1x16xf32>,
      %get3A_656 = arith.index_cast %add3A_583 : i32 to index
      %get3A_657 = arith.constant 96 : index
      %get3A_658 = tpu.vector_load %arg12[%get3A_656, %get3A_657] {strides = array<i32>} : memref<512x128xf32, #tpu.memory_space<vmem>>, vector<1x16xf32>,
      %get3A_659 = vector.shape_cast %get3A_658 : vector<1x16xf32> to vector<16xf32>
      %mul3A_660 = arith.mulf %gather3A_581, %get3A_66 : vector<16xf32>
      %add3A_661 = arith.addf %mul3A_660, %add3A_111 : vector<16xf32>
      %mul3A_662 = arith.mulf %get3A_659, %add3A_661 : vector<16xf32>
      %swap3A_663 = arith.index_cast %add3A_583 : i32 to index
      %swap3A_664 = arith.constant 96 : index
      %swap3A_665 = tpu.vector_load %arg12[%swap3A_663, %swap3A_664] {strides = array<i32>} : memref<512x128xf32, #tpu.memory_space<vmem>>, vector<1x16xf32>,
      %swap3A_666 = vector.shape_cast %swap3A_665 : vector<1x16xf32> to vector<16xf32>
      %swap3A_667 = vector.shape_cast %mul3A_662 : vector<16xf32> to vector<1x16xf32>
      tpu.vector_store %arg12[%swap3A_663, %swap3A_664], %swap3A_667 {strides = array<i32>} : memref<512x128xf32, #tpu.memory_space<vmem>>, vector<1x16xf32>,
      %get3A_668 = arith.index_cast %add3A_583 : i32 to index
      %get3A_669 = arith.constant 112 : index
      %get3A_670 = tpu.vector_load %arg12[%get3A_668, %get3A_669] {strides = array<i32>} : memref<512x128xf32, #tpu.memory_space<vmem>>, vector<1x16xf32>,
      %get3A_671 = vector.shape_cast %get3A_670 : vector<1x16xf32> to vector<16xf32>
      %mul3A_672 = arith.mulf %gather3A_581, %get3A_69 : vector<16xf32>
      %add3A_673 = arith.addf %mul3A_672, %add3A_117 : vector<16xf32>
      %mul3A_674 = arith.mulf %get3A_671, %add3A_673 : vector<16xf32>
      %swap3A_675 = arith.index_cast %add3A_583 : i32 to index
      %swap3A_676 = arith.constant 112 : index
      %swap3A_677 = tpu.vector_load %arg12[%swap3A_675, %swap3A_676] {strides = array<i32>} : memref<512x128xf32, #tpu.memory_space<vmem>>, vector<1x16xf32>,
      %swap3A_678 = vector.shape_cast %swap3A_677 : vector<1x16xf32> to vector<16xf32>
      %swap3A_679 = vector.shape_cast %mul3A_674 : vector<16xf32> to vector<1x16xf32>
      tpu.vector_store %arg12[%swap3A_675, %swap3A_676], %swap3A_679 {strides = array<i32>} : memref<512x128xf32, #tpu.memory_space<vmem>>, vector<1x16xf32>,
      %lt3A_680 = arith.constant 0 : i32
      %lt3A_681 = vector.broadcast %lt3A_680 : i32 to vector<16xi32>
      %lt3A_682 = arith.cmpi slt, %broadcast_in_dim3A_126, %lt3A_681 : vector<16xi32>
      %add3A_683 = arith.constant 16 : i32
      %add3A_684 = vector.broadcast %add3A_683 : i32 to vector<16xi32>
      %add3A_685 = arith.addi %broadcast_in_dim3A_126, %add3A_684 : vector<16xi32>
      %select_n3A_686 = arith.select %lt3A_682, %add3A_685, %broadcast_in_dim3A_126 : vector<16xi1>, vector<16xi32>
      %broadcast_in_dim3A_687 = vector.shape_cast %select_n3A_686 : vector<16xi32> to vector<16x1xi32>
      %gather3A_688 = vector.shape_cast %broadcast_in_dim3A_687 : vector<16x1xi32> to vector<16xi32>
      %gather3A_689 = tpu.dynamic_gather %get3A_251[%gather3A_688] in [0] : vector<16xf32>, vector<16xi32> -> vector<16xf32>
      %add3A_690 = arith.constant 4 : i32
      %add3A_691 = arith.addi %add3A_248, %add3A_690 : i32
      %get3A_692 = arith.index_cast %add3A_691 : i32 to index
      %get3A_693 = arith.constant 0 : index
      %get3A_694 = tpu.vector_load %arg12[%get3A_692, %get3A_693] {strides = array<i32>} : memref<512x128xf32, #tpu.memory_space<vmem>>, vector<1x16xf32>,
      %get3A_695 = vector.shape_cast %get3A_694 : vector<1x16xf32> to vector<16xf32>
      %mul3A_696 = arith.mulf %gather3A_689, %get3A_48 : vector<16xf32>
      %add3A_697 = arith.addf %mul3A_696, %add3A_75 : vector<16xf32>
      %mul3A_698 = arith.mulf %get3A_695, %add3A_697 : vector<16xf32>
      %swap3A_699 = arith.index_cast %add3A_691 : i32 to index
      %swap3A_700 = arith.constant 0 : index
      %swap3A_701 = tpu.vector_load %arg12[%swap3A_699, %swap3A_700] {strides = array<i32>} : memref<512x128xf32, #tpu.memory_space<vmem>>, vector<1x16xf32>,
      %swap3A_702 = vector.shape_cast %swap3A_701 : vector<1x16xf32> to vector<16xf32>
      %swap3A_703 = vector.shape_cast %mul3A_698 : vector<16xf32> to vector<1x16xf32>
      tpu.vector_store %arg12[%swap3A_699, %swap3A_700], %swap3A_703 {strides = array<i32>} : memref<512x128xf32, #tpu.memory_space<vmem>>, vector<1x16xf32>,
      %get3A_704 = arith.index_cast %add3A_691 : i32 to index
      %get3A_705 = arith.constant 16 : index
      %get3A_706 = tpu.vector_load %arg12[%get3A_704, %get3A_705] {strides = array<i32>} : memref<512x128xf32, #tpu.memory_space<vmem>>, vector<1x16xf32>,
      %get3A_707 = vector.shape_cast %get3A_706 : vector<1x16xf32> to vector<16xf32>
      %mul3A_708 = arith.mulf %gather3A_689, %get3A_51 : vector<16xf32>
      %add3A_709 = arith.addf %mul3A_708, %add3A_81 : vector<16xf32>
      %mul3A_710 = arith.mulf %get3A_707, %add3A_709 : vector<16xf32>
      %swap3A_711 = arith.index_cast %add3A_691 : i32 to index
      %swap3A_712 = arith.constant 16 : index
      %swap3A_713 = tpu.vector_load %arg12[%swap3A_711, %swap3A_712] {strides = array<i32>} : memref<512x128xf32, #tpu.memory_space<vmem>>, vector<1x16xf32>,
      %swap3A_714 = vector.shape_cast %swap3A_713 : vector<1x16xf32> to vector<16xf32>
      %swap3A_715 = vector.shape_cast %mul3A_710 : vector<16xf32> to vector<1x16xf32>
      tpu.vector_store %arg12[%swap3A_711, %swap3A_712], %swap3A_715 {strides = array<i32>} : memref<512x128xf32, #tpu.memory_space<vmem>>, vector<1x16xf32>,
      %get3A_716 = arith.index_cast %add3A_691 : i32 to index
      %get3A_717 = arith.constant 32 : index
      %get3A_718 = tpu.vector_load %arg12[%get3A_716, %get3A_717] {strides = array<i32>} : memref<512x128xf32, #tpu.memory_space<vmem>>, vector<1x16xf32>,
      %get3A_719 = vector.shape_cast %get3A_718 : vector<1x16xf32> to vector<16xf32>
      %mul3A_720 = arith.mulf %gather3A_689, %get3A_54 : vector<16xf32>
      %add3A_721 = arith.addf %mul3A_720, %add3A_87 : vector<16xf32>
      %mul3A_722 = arith.mulf %get3A_719, %add3A_721 : vector<16xf32>
      %swap3A_723 = arith.index_cast %add3A_691 : i32 to index
      %swap3A_724 = arith.constant 32 : index
      %swap3A_725 = tpu.vector_load %arg12[%swap3A_723, %swap3A_724] {strides = array<i32>} : memref<512x128xf32, #tpu.memory_space<vmem>>, vector<1x16xf32>,
      %swap3A_726 = vector.shape_cast %swap3A_725 : vector<1x16xf32> to vector<16xf32>
      %swap3A_727 = vector.shape_cast %mul3A_722 : vector<16xf32> to vector<1x16xf32>
      tpu.vector_store %arg12[%swap3A_723, %swap3A_724], %swap3A_727 {strides = array<i32>} : memref<512x128xf32, #tpu.memory_space<vmem>>, vector<1x16xf32>,
      %get3A_728 = arith.index_cast %add3A_691 : i32 to index
      %get3A_729 = arith.constant 48 : index
      %get3A_730 = tpu.vector_load %arg12[%get3A_728, %get3A_729] {strides = array<i32>} : memref<512x128xf32, #tpu.memory_space<vmem>>, vector<1x16xf32>,
      %get3A_731 = vector.shape_cast %get3A_730 : vector<1x16xf32> to vector<16xf32>
      %mul3A_732 = arith.mulf %gather3A_689, %get3A_57 : vector<16xf32>
      %add3A_733 = arith.addf %mul3A_732, %add3A_93 : vector<16xf32>
      %mul3A_734 = arith.mulf %get3A_731, %add3A_733 : vector<16xf32>
      %swap3A_735 = arith.index_cast %add3A_691 : i32 to index
      %swap3A_736 = arith.constant 48 : index
      %swap3A_737 = tpu.vector_load %arg12[%swap3A_735, %swap3A_736] {strides = array<i32>} : memref<512x128xf32, #tpu.memory_space<vmem>>, vector<1x16xf32>,
      %swap3A_738 = vector.shape_cast %swap3A_737 : vector<1x16xf32> to vector<16xf32>
      %swap3A_739 = vector.shape_cast %mul3A_734 : vector<16xf32> to vector<1x16xf32>
      tpu.vector_store %arg12[%swap3A_735, %swap3A_736], %swap3A_739 {strides = array<i32>} : memref<512x128xf32, #tpu.memory_space<vmem>>, vector<1x16xf32>,
      %get3A_740 = arith.index_cast %add3A_691 : i32 to index
      %get3A_741 = arith.constant 64 : index
      %get3A_742 = tpu.vector_load %arg12[%get3A_740, %get3A_741] {strides = array<i32>} : memref<512x128xf32, #tpu.memory_space<vmem>>, vector<1x16xf32>,
      %get3A_743 = vector.shape_cast %get3A_742 : vector<1x16xf32> to vector<16xf32>
      %mul3A_744 = arith.mulf %gather3A_689, %get3A_60 : vector<16xf32>
      %add3A_745 = arith.addf %mul3A_744, %add3A_99 : vector<16xf32>
      %mul3A_746 = arith.mulf %get3A_743, %add3A_745 : vector<16xf32>
      %swap3A_747 = arith.index_cast %add3A_691 : i32 to index
      %swap3A_748 = arith.constant 64 : index
      %swap3A_749 = tpu.vector_load %arg12[%swap3A_747, %swap3A_748] {strides = array<i32>} : memref<512x128xf32, #tpu.memory_space<vmem>>, vector<1x16xf32>,
      %swap3A_750 = vector.shape_cast %swap3A_749 : vector<1x16xf32> to vector<16xf32>
      %swap3A_751 = vector.shape_cast %mul3A_746 : vector<16xf32> to vector<1x16xf32>
      tpu.vector_store %arg12[%swap3A_747, %swap3A_748], %swap3A_751 {strides = array<i32>} : memref<512x128xf32, #tpu.memory_space<vmem>>, vector<1x16xf32>,
      %get3A_752 = arith.index_cast %add3A_691 : i32 to index
      %get3A_753 = arith.constant 80 : index
      %get3A_754 = tpu.vector_load %arg12[%get3A_752, %get3A_753] {strides = array<i32>} : memref<512x128xf32, #tpu.memory_space<vmem>>, vector<1x16xf32>,
      %get3A_755 = vector.shape_cast %get3A_754 : vector<1x16xf32> to vector<16xf32>
      %mul3A_756 = arith.mulf %gather3A_689, %get3A_63 : vector<16xf32>
      %add3A_757 = arith.addf %mul3A_756, %add3A_105 : vector<16xf32>
      %mul3A_758 = arith.mulf %get3A_755, %add3A_757 : vector<16xf32>
      %swap3A_759 = arith.index_cast %add3A_691 : i32 to index
      %swap3A_760 = arith.constant 80 : index
      %swap3A_761 = tpu.vector_load %arg12[%swap3A_759, %swap3A_760] {strides = array<i32>} : memref<512x128xf32, #tpu.memory_space<vmem>>, vector<1x16xf32>,
      %swap3A_762 = vector.shape_cast %swap3A_761 : vector<1x16xf32> to vector<16xf32>
      %swap3A_763 = vector.shape_cast %mul3A_758 : vector<16xf32> to vector<1x16xf32>
      tpu.vector_store %arg12[%swap3A_759, %swap3A_760], %swap3A_763 {strides = array<i32>} : memref<512x128xf32, #tpu.memory_space<vmem>>, vector<1x16xf32>,
      %get3A_764 = arith.index_cast %add3A_691 : i32 to index
      %get3A_765 = arith.constant 96 : index
      %get3A_766 = tpu.vector_load %arg12[%get3A_764, %get3A_765] {strides = array<i32>} : memref<512x128xf32, #tpu.memory_space<vmem>>, vector<1x16xf32>,
      %get3A_767 = vector.shape_cast %get3A_766 : vector<1x16xf32> to vector<16xf32>
      %mul3A_768 = arith.mulf %gather3A_689, %get3A_66 : vector<16xf32>
      %add3A_769 = arith.addf %mul3A_768, %add3A_111 : vector<16xf32>
      %mul3A_770 = arith.mulf %get3A_767, %add3A_769 : vector<16xf32>
      %swap3A_771 = arith.index_cast %add3A_691 : i32 to index
      %swap3A_772 = arith.constant 96 : index
      %swap3A_773 = tpu.vector_load %arg12[%swap3A_771, %swap3A_772] {strides = array<i32>} : memref<512x128xf32, #tpu.memory_space<vmem>>, vector<1x16xf32>,
      %swap3A_774 = vector.shape_cast %swap3A_773 : vector<1x16xf32> to vector<16xf32>
      %swap3A_775 = vector.shape_cast %mul3A_770 : vector<16xf32> to vector<1x16xf32>
      tpu.vector_store %arg12[%swap3A_771, %swap3A_772], %swap3A_775 {strides = array<i32>} : memref<512x128xf32, #tpu.memory_space<vmem>>, vector<1x16xf32>,
      %get3A_776 = arith.index_cast %add3A_691 : i32 to index
      %get3A_777 = arith.constant 112 : index
      %get3A_778 = tpu.vector_load %arg12[%get3A_776, %get3A_777] {strides = array<i32>} : memref<512x128xf32, #tpu.memory_space<vmem>>, vector<1x16xf32>,
      %get3A_779 = vector.shape_cast %get3A_778 : vector<1x16xf32> to vector<16xf32>
      %mul3A_780 = arith.mulf %gather3A_689, %get3A_69 : vector<16xf32>
      %add3A_781 = arith.addf %mul3A_780, %add3A_117 : vector<16xf32>
      %mul3A_782 = arith.mulf %get3A_779, %add3A_781 : vector<16xf32>
      %swap3A_783 = arith.index_cast %add3A_691 : i32 to index
      %swap3A_784 = arith.constant 112 : index
      %swap3A_785 = tpu.vector_load %arg12[%swap3A_783, %swap3A_784] {strides = array<i32>} : memref<512x128xf32, #tpu.memory_space<vmem>>, vector<1x16xf32>,
      %swap3A_786 = vector.shape_cast %swap3A_785 : vector<1x16xf32> to vector<16xf32>
      %swap3A_787 = vector.shape_cast %mul3A_782 : vector<16xf32> to vector<1x16xf32>
      tpu.vector_store %arg12[%swap3A_783, %swap3A_784], %swap3A_787 {strides = array<i32>} : memref<512x128xf32, #tpu.memory_space<vmem>>, vector<1x16xf32>,
      %lt3A_788 = arith.constant 0 : i32
      %lt3A_789 = vector.broadcast %lt3A_788 : i32 to vector<16xi32>
      %lt3A_790 = arith.cmpi slt, %broadcast_in_dim3A_128, %lt3A_789 : vector<16xi32>
      %add3A_791 = arith.constant 16 : i32
      %add3A_792 = vector.broadcast %add3A_791 : i32 to vector<16xi32>
      %add3A_793 = arith.addi %broadcast_in_dim3A_128, %add3A_792 : vector<16xi32>
      %select_n3A_794 = arith.select %lt3A_790, %add3A_793, %broadcast_in_dim3A_128 : vector<16xi1>, vector<16xi32>
      %broadcast_in_dim3A_795 = vector.shape_cast %select_n3A_794 : vector<16xi32> to vector<16x1xi32>
      %gather3A_796 = vector.shape_cast %broadcast_in_dim3A_795 : vector<16x1xi32> to vector<16xi32>
      %gather3A_797 = tpu.dynamic_gather %get3A_251[%gather3A_796] in [0] : vector<16xf32>, vector<16xi32> -> vector<16xf32>
      %add3A_798 = arith.constant 5 : i32
      %add3A_799 = arith.addi %add3A_248, %add3A_798 : i32
      %get3A_800 = arith.index_cast %add3A_799 : i32 to index
      %get3A_801 = arith.constant 0 : index
      %get3A_802 = tpu.vector_load %arg12[%get3A_800, %get3A_801] {strides = array<i32>} : memref<512x128xf32, #tpu.memory_space<vmem>>, vector<1x16xf32>,
      %get3A_803 = vector.shape_cast %get3A_802 : vector<1x16xf32> to vector<16xf32>
      %mul3A_804 = arith.mulf %gather3A_797, %get3A_48 : vector<16xf32>
      %add3A_805 = arith.addf %mul3A_804, %add3A_75 : vector<16xf32>
      %mul3A_806 = arith.mulf %get3A_803, %add3A_805 : vector<16xf32>
      %swap3A_807 = arith.index_cast %add3A_799 : i32 to index
      %swap3A_808 = arith.constant 0 : index
      %swap3A_809 = tpu.vector_load %arg12[%swap3A_807, %swap3A_808] {strides = array<i32>} : memref<512x128xf32, #tpu.memory_space<vmem>>, vector<1x16xf32>,
      %swap3A_810 = vector.shape_cast %swap3A_809 : vector<1x16xf32> to vector<16xf32>
      %swap3A_811 = vector.shape_cast %mul3A_806 : vector<16xf32> to vector<1x16xf32>
      tpu.vector_store %arg12[%swap3A_807, %swap3A_808], %swap3A_811 {strides = array<i32>} : memref<512x128xf32, #tpu.memory_space<vmem>>, vector<1x16xf32>,
      %get3A_812 = arith.index_cast %add3A_799 : i32 to index
      %get3A_813 = arith.constant 16 : index
      %get3A_814 = tpu.vector_load %arg12[%get3A_812, %get3A_813] {strides = array<i32>} : memref<512x128xf32, #tpu.memory_space<vmem>>, vector<1x16xf32>,
      %get3A_815 = vector.shape_cast %get3A_814 : vector<1x16xf32> to vector<16xf32>
      %mul3A_816 = arith.mulf %gather3A_797, %get3A_51 : vector<16xf32>
      %add3A_817 = arith.addf %mul3A_816, %add3A_81 : vector<16xf32>
      %mul3A_818 = arith.mulf %get3A_815, %add3A_817 : vector<16xf32>
      %swap3A_819 = arith.index_cast %add3A_799 : i32 to index
      %swap3A_820 = arith.constant 16 : index
      %swap3A_821 = tpu.vector_load %arg12[%swap3A_819, %swap3A_820] {strides = array<i32>} : memref<512x128xf32, #tpu.memory_space<vmem>>, vector<1x16xf32>,
      %swap3A_822 = vector.shape_cast %swap3A_821 : vector<1x16xf32> to vector<16xf32>
      %swap3A_823 = vector.shape_cast %mul3A_818 : vector<16xf32> to vector<1x16xf32>
      tpu.vector_store %arg12[%swap3A_819, %swap3A_820], %swap3A_823 {strides = array<i32>} : memref<512x128xf32, #tpu.memory_space<vmem>>, vector<1x16xf32>,
      %get3A_824 = arith.index_cast %add3A_799 : i32 to index
      %get3A_825 = arith.constant 32 : index
      %get3A_826 = tpu.vector_load %arg12[%get3A_824, %get3A_825] {strides = array<i32>} : memref<512x128xf32, #tpu.memory_space<vmem>>, vector<1x16xf32>,
      %get3A_827 = vector.shape_cast %get3A_826 : vector<1x16xf32> to vector<16xf32>
      %mul3A_828 = arith.mulf %gather3A_797, %get3A_54 : vector<16xf32>
      %add3A_829 = arith.addf %mul3A_828, %add3A_87 : vector<16xf32>
      %mul3A_830 = arith.mulf %get3A_827, %add3A_829 : vector<16xf32>
      %swap3A_831 = arith.index_cast %add3A_799 : i32 to index
      %swap3A_832 = arith.constant 32 : index
      %swap3A_833 = tpu.vector_load %arg12[%swap3A_831, %swap3A_832] {strides = array<i32>} : memref<512x128xf32, #tpu.memory_space<vmem>>, vector<1x16xf32>,
      %swap3A_834 = vector.shape_cast %swap3A_833 : vector<1x16xf32> to vector<16xf32>
      %swap3A_835 = vector.shape_cast %mul3A_830 : vector<16xf32> to vector<1x16xf32>
      tpu.vector_store %arg12[%swap3A_831, %swap3A_832], %swap3A_835 {strides = array<i32>} : memref<512x128xf32, #tpu.memory_space<vmem>>, vector<1x16xf32>,
      %get3A_836 = arith.index_cast %add3A_799 : i32 to index
      %get3A_837 = arith.constant 48 : index
      %get3A_838 = tpu.vector_load %arg12[%get3A_836, %get3A_837] {strides = array<i32>} : memref<512x128xf32, #tpu.memory_space<vmem>>, vector<1x16xf32>,
      %get3A_839 = vector.shape_cast %get3A_838 : vector<1x16xf32> to vector<16xf32>
      %mul3A_840 = arith.mulf %gather3A_797, %get3A_57 : vector<16xf32>
      %add3A_841 = arith.addf %mul3A_840, %add3A_93 : vector<16xf32>
      %mul3A_842 = arith.mulf %get3A_839, %add3A_841 : vector<16xf32>
      %swap3A_843 = arith.index_cast %add3A_799 : i32 to index
      %swap3A_844 = arith.constant 48 : index
      %swap3A_845 = tpu.vector_load %arg12[%swap3A_843, %swap3A_844] {strides = array<i32>} : memref<512x128xf32, #tpu.memory_space<vmem>>, vector<1x16xf32>,
      %swap3A_846 = vector.shape_cast %swap3A_845 : vector<1x16xf32> to vector<16xf32>
      %swap3A_847 = vector.shape_cast %mul3A_842 : vector<16xf32> to vector<1x16xf32>
      tpu.vector_store %arg12[%swap3A_843, %swap3A_844], %swap3A_847 {strides = array<i32>} : memref<512x128xf32, #tpu.memory_space<vmem>>, vector<1x16xf32>,
      %get3A_848 = arith.index_cast %add3A_799 : i32 to index
      %get3A_849 = arith.constant 64 : index
      %get3A_850 = tpu.vector_load %arg12[%get3A_848, %get3A_849] {strides = array<i32>} : memref<512x128xf32, #tpu.memory_space<vmem>>, vector<1x16xf32>,
      %get3A_851 = vector.shape_cast %get3A_850 : vector<1x16xf32> to vector<16xf32>
      %mul3A_852 = arith.mulf %gather3A_797, %get3A_60 : vector<16xf32>
      %add3A_853 = arith.addf %mul3A_852, %add3A_99 : vector<16xf32>
      %mul3A_854 = arith.mulf %get3A_851, %add3A_853 : vector<16xf32>
      %swap3A_855 = arith.index_cast %add3A_799 : i32 to index
      %swap3A_856 = arith.constant 64 : index
      %swap3A_857 = tpu.vector_load %arg12[%swap3A_855, %swap3A_856] {strides = array<i32>} : memref<512x128xf32, #tpu.memory_space<vmem>>, vector<1x16xf32>,
      %swap3A_858 = vector.shape_cast %swap3A_857 : vector<1x16xf32> to vector<16xf32>
      %swap3A_859 = vector.shape_cast %mul3A_854 : vector<16xf32> to vector<1x16xf32>
      tpu.vector_store %arg12[%swap3A_855, %swap3A_856], %swap3A_859 {strides = array<i32>} : memref<512x128xf32, #tpu.memory_space<vmem>>, vector<1x16xf32>,
      %get3A_860 = arith.index_cast %add3A_799 : i32 to index
      %get3A_861 = arith.constant 80 : index
      %get3A_862 = tpu.vector_load %arg12[%get3A_860, %get3A_861] {strides = array<i32>} : memref<512x128xf32, #tpu.memory_space<vmem>>, vector<1x16xf32>,
      %get3A_863 = vector.shape_cast %get3A_862 : vector<1x16xf32> to vector<16xf32>
      %mul3A_864 = arith.mulf %gather3A_797, %get3A_63 : vector<16xf32>
      %add3A_865 = arith.addf %mul3A_864, %add3A_105 : vector<16xf32>
      %mul3A_866 = arith.mulf %get3A_863, %add3A_865 : vector<16xf32>
      %swap3A_867 = arith.index_cast %add3A_799 : i32 to index
      %swap3A_868 = arith.constant 80 : index
      %swap3A_869 = tpu.vector_load %arg12[%swap3A_867, %swap3A_868] {strides = array<i32>} : memref<512x128xf32, #tpu.memory_space<vmem>>, vector<1x16xf32>,
      %swap3A_870 = vector.shape_cast %swap3A_869 : vector<1x16xf32> to vector<16xf32>
      %swap3A_871 = vector.shape_cast %mul3A_866 : vector<16xf32> to vector<1x16xf32>
      tpu.vector_store %arg12[%swap3A_867, %swap3A_868], %swap3A_871 {strides = array<i32>} : memref<512x128xf32, #tpu.memory_space<vmem>>, vector<1x16xf32>,
      %get3A_872 = arith.index_cast %add3A_799 : i32 to index
      %get3A_873 = arith.constant 96 : index
      %get3A_874 = tpu.vector_load %arg12[%get3A_872, %get3A_873] {strides = array<i32>} : memref<512x128xf32, #tpu.memory_space<vmem>>, vector<1x16xf32>,
      %get3A_875 = vector.shape_cast %get3A_874 : vector<1x16xf32> to vector<16xf32>
      %mul3A_876 = arith.mulf %gather3A_797, %get3A_66 : vector<16xf32>
      %add3A_877 = arith.addf %mul3A_876, %add3A_111 : vector<16xf32>
      %mul3A_878 = arith.mulf %get3A_875, %add3A_877 : vector<16xf32>
      %swap3A_879 = arith.index_cast %add3A_799 : i32 to index
      %swap3A_880 = arith.constant 96 : index
      %swap3A_881 = tpu.vector_load %arg12[%swap3A_879, %swap3A_880] {strides = array<i32>} : memref<512x128xf32, #tpu.memory_space<vmem>>, vector<1x16xf32>,
      %swap3A_882 = vector.shape_cast %swap3A_881 : vector<1x16xf32> to vector<16xf32>
      %swap3A_883 = vector.shape_cast %mul3A_878 : vector<16xf32> to vector<1x16xf32>
      tpu.vector_store %arg12[%swap3A_879, %swap3A_880], %swap3A_883 {strides = array<i32>} : memref<512x128xf32, #tpu.memory_space<vmem>>, vector<1x16xf32>,
      %get3A_884 = arith.index_cast %add3A_799 : i32 to index
      %get3A_885 = arith.constant 112 : index
      %get3A_886 = tpu.vector_load %arg12[%get3A_884, %get3A_885] {strides = array<i32>} : memref<512x128xf32, #tpu.memory_space<vmem>>, vector<1x16xf32>,
      %get3A_887 = vector.shape_cast %get3A_886 : vector<1x16xf32> to vector<16xf32>
      %mul3A_888 = arith.mulf %gather3A_797, %get3A_69 : vector<16xf32>
      %add3A_889 = arith.addf %mul3A_888, %add3A_117 : vector<16xf32>
      %mul3A_890 = arith.mulf %get3A_887, %add3A_889 : vector<16xf32>
      %swap3A_891 = arith.index_cast %add3A_799 : i32 to index
      %swap3A_892 = arith.constant 112 : index
      %swap3A_893 = tpu.vector_load %arg12[%swap3A_891, %swap3A_892] {strides = array<i32>} : memref<512x128xf32, #tpu.memory_space<vmem>>, vector<1x16xf32>,
      %swap3A_894 = vector.shape_cast %swap3A_893 : vector<1x16xf32> to vector<16xf32>
      %swap3A_895 = vector.shape_cast %mul3A_890 : vector<16xf32> to vector<1x16xf32>
      tpu.vector_store %arg12[%swap3A_891, %swap3A_892], %swap3A_895 {strides = array<i32>} : memref<512x128xf32, #tpu.memory_space<vmem>>, vector<1x16xf32>,
      %lt3A_896 = arith.constant 0 : i32
      %lt3A_897 = vector.broadcast %lt3A_896 : i32 to vector<16xi32>
      %lt3A_898 = arith.cmpi slt, %broadcast_in_dim3A_130, %lt3A_897 : vector<16xi32>
      %add3A_899 = arith.constant 16 : i32
      %add3A_900 = vector.broadcast %add3A_899 : i32 to vector<16xi32>
      %add3A_901 = arith.addi %broadcast_in_dim3A_130, %add3A_900 : vector<16xi32>
      %select_n3A_902 = arith.select %lt3A_898, %add3A_901, %broadcast_in_dim3A_130 : vector<16xi1>, vector<16xi32>
      %broadcast_in_dim3A_903 = vector.shape_cast %select_n3A_902 : vector<16xi32> to vector<16x1xi32>
      %gather3A_904 = vector.shape_cast %broadcast_in_dim3A_903 : vector<16x1xi32> to vector<16xi32>
      %gather3A_905 = tpu.dynamic_gather %get3A_251[%gather3A_904] in [0] : vector<16xf32>, vector<16xi32> -> vector<16xf32>
      %add3A_906 = arith.constant 6 : i32
      %add3A_907 = arith.addi %add3A_248, %add3A_906 : i32
      %get3A_908 = arith.index_cast %add3A_907 : i32 to index
      %get3A_909 = arith.constant 0 : index
      %get3A_910 = tpu.vector_load %arg12[%get3A_908, %get3A_909] {strides = array<i32>} : memref<512x128xf32, #tpu.memory_space<vmem>>, vector<1x16xf32>,
      %get3A_911 = vector.shape_cast %get3A_910 : vector<1x16xf32> to vector<16xf32>
      %mul3A_912 = arith.mulf %gather3A_905, %get3A_48 : vector<16xf32>
      %add3A_913 = arith.addf %mul3A_912, %add3A_75 : vector<16xf32>
      %mul3A_914 = arith.mulf %get3A_911, %add3A_913 : vector<16xf32>
      %swap3A_915 = arith.index_cast %add3A_907 : i32 to index
      %swap3A_916 = arith.constant 0 : index
      %swap3A_917 = tpu.vector_load %arg12[%swap3A_915, %swap3A_916] {strides = array<i32>} : memref<512x128xf32, #tpu.memory_space<vmem>>, vector<1x16xf32>,
      %swap3A_918 = vector.shape_cast %swap3A_917 : vector<1x16xf32> to vector<16xf32>
      %swap3A_919 = vector.shape_cast %mul3A_914 : vector<16xf32> to vector<1x16xf32>
      tpu.vector_store %arg12[%swap3A_915, %swap3A_916], %swap3A_919 {strides = array<i32>} : memref<512x128xf32, #tpu.memory_space<vmem>>, vector<1x16xf32>,
      %get3A_920 = arith.index_cast %add3A_907 : i32 to index
      %get3A_921 = arith.constant 16 : index
      %get3A_922 = tpu.vector_load %arg12[%get3A_920, %get3A_921] {strides = array<i32>} : memref<512x128xf32, #tpu.memory_space<vmem>>, vector<1x16xf32>,
      %get3A_923 = vector.shape_cast %get3A_922 : vector<1x16xf32> to vector<16xf32>
      %mul3A_924 = arith.mulf %gather3A_905, %get3A_51 : vector<16xf32>
      %add3A_925 = arith.addf %mul3A_924, %add3A_81 : vector<16xf32>
      %mul3A_926 = arith.mulf %get3A_923, %add3A_925 : vector<16xf32>
      %swap3A_927 = arith.index_cast %add3A_907 : i32 to index
      %swap3A_928 = arith.constant 16 : index
      %swap3A_929 = tpu.vector_load %arg12[%swap3A_927, %swap3A_928] {strides = array<i32>} : memref<512x128xf32, #tpu.memory_space<vmem>>, vector<1x16xf32>,
      %swap3A_930 = vector.shape_cast %swap3A_929 : vector<1x16xf32> to vector<16xf32>
      %swap3A_931 = vector.shape_cast %mul3A_926 : vector<16xf32> to vector<1x16xf32>
      tpu.vector_store %arg12[%swap3A_927, %swap3A_928], %swap3A_931 {strides = array<i32>} : memref<512x128xf32, #tpu.memory_space<vmem>>, vector<1x16xf32>,
      %get3A_932 = arith.index_cast %add3A_907 : i32 to index
      %get3A_933 = arith.constant 32 : index
      %get3A_934 = tpu.vector_load %arg12[%get3A_932, %get3A_933] {strides = array<i32>} : memref<512x128xf32, #tpu.memory_space<vmem>>, vector<1x16xf32>,
      %get3A_935 = vector.shape_cast %get3A_934 : vector<1x16xf32> to vector<16xf32>
      %mul3A_936 = arith.mulf %gather3A_905, %get3A_54 : vector<16xf32>
      %add3A_937 = arith.addf %mul3A_936, %add3A_87 : vector<16xf32>
      %mul3A_938 = arith.mulf %get3A_935, %add3A_937 : vector<16xf32>
      %swap3A_939 = arith.index_cast %add3A_907 : i32 to index
      %swap3A_940 = arith.constant 32 : index
      %swap3A_941 = tpu.vector_load %arg12[%swap3A_939, %swap3A_940] {strides = array<i32>} : memref<512x128xf32, #tpu.memory_space<vmem>>, vector<1x16xf32>,
      %swap3A_942 = vector.shape_cast %swap3A_941 : vector<1x16xf32> to vector<16xf32>
      %swap3A_943 = vector.shape_cast %mul3A_938 : vector<16xf32> to vector<1x16xf32>
      tpu.vector_store %arg12[%swap3A_939, %swap3A_940], %swap3A_943 {strides = array<i32>} : memref<512x128xf32, #tpu.memory_space<vmem>>, vector<1x16xf32>,
      %get3A_944 = arith.index_cast %add3A_907 : i32 to index
      %get3A_945 = arith.constant 48 : index
      %get3A_946 = tpu.vector_load %arg12[%get3A_944, %get3A_945] {strides = array<i32>} : memref<512x128xf32, #tpu.memory_space<vmem>>, vector<1x16xf32>,
      %get3A_947 = vector.shape_cast %get3A_946 : vector<1x16xf32> to vector<16xf32>
      %mul3A_948 = arith.mulf %gather3A_905, %get3A_57 : vector<16xf32>
      %add3A_949 = arith.addf %mul3A_948, %add3A_93 : vector<16xf32>
      %mul3A_950 = arith.mulf %get3A_947, %add3A_949 : vector<16xf32>
      %swap3A_951 = arith.index_cast %add3A_907 : i32 to index
      %swap3A_952 = arith.constant 48 : index
      %swap3A_953 = tpu.vector_load %arg12[%swap3A_951, %swap3A_952] {strides = array<i32>} : memref<512x128xf32, #tpu.memory_space<vmem>>, vector<1x16xf32>,
      %swap3A_954 = vector.shape_cast %swap3A_953 : vector<1x16xf32> to vector<16xf32>
      %swap3A_955 = vector.shape_cast %mul3A_950 : vector<16xf32> to vector<1x16xf32>
      tpu.vector_store %arg12[%swap3A_951, %swap3A_952], %swap3A_955 {strides = array<i32>} : memref<512x128xf32, #tpu.memory_space<vmem>>, vector<1x16xf32>,
      %get3A_956 = arith.index_cast %add3A_907 : i32 to index
      %get3A_957 = arith.constant 64 : index
      %get3A_958 = tpu.vector_load %arg12[%get3A_956, %get3A_957] {strides = array<i32>} : memref<512x128xf32, #tpu.memory_space<vmem>>, vector<1x16xf32>,
      %get3A_959 = vector.shape_cast %get3A_958 : vector<1x16xf32> to vector<16xf32>
      %mul3A_960 = arith.mulf %gather3A_905, %get3A_60 : vector<16xf32>
      %add3A_961 = arith.addf %mul3A_960, %add3A_99 : vector<16xf32>
      %mul3A_962 = arith.mulf %get3A_959, %add3A_961 : vector<16xf32>
      %swap3A_963 = arith.index_cast %add3A_907 : i32 to index
      %swap3A_964 = arith.constant 64 : index
      %swap3A_965 = tpu.vector_load %arg12[%swap3A_963, %swap3A_964] {strides = array<i32>} : memref<512x128xf32, #tpu.memory_space<vmem>>, vector<1x16xf32>,
      %swap3A_966 = vector.shape_cast %swap3A_965 : vector<1x16xf32> to vector<16xf32>
      %swap3A_967 = vector.shape_cast %mul3A_962 : vector<16xf32> to vector<1x16xf32>
      tpu.vector_store %arg12[%swap3A_963, %swap3A_964], %swap3A_967 {strides = array<i32>} : memref<512x128xf32, #tpu.memory_space<vmem>>, vector<1x16xf32>,
      %get3A_968 = arith.index_cast %add3A_907 : i32 to index
      %get3A_969 = arith.constant 80 : index
      %get3A_970 = tpu.vector_load %arg12[%get3A_968, %get3A_969] {strides = array<i32>} : memref<512x128xf32, #tpu.memory_space<vmem>>, vector<1x16xf32>,
      %get3A_971 = vector.shape_cast %get3A_970 : vector<1x16xf32> to vector<16xf32>
      %mul3A_972 = arith.mulf %gather3A_905, %get3A_63 : vector<16xf32>
      %add3A_973 = arith.addf %mul3A_972, %add3A_105 : vector<16xf32>
      %mul3A_974 = arith.mulf %get3A_971, %add3A_973 : vector<16xf32>
      %swap3A_975 = arith.index_cast %add3A_907 : i32 to index
      %swap3A_976 = arith.constant 80 : index
      %swap3A_977 = tpu.vector_load %arg12[%swap3A_975, %swap3A_976] {strides = array<i32>} : memref<512x128xf32, #tpu.memory_space<vmem>>, vector<1x16xf32>,
      %swap3A_978 = vector.shape_cast %swap3A_977 : vector<1x16xf32> to vector<16xf32>
      %swap3A_979 = vector.shape_cast %mul3A_974 : vector<16xf32> to vector<1x16xf32>
      tpu.vector_store %arg12[%swap3A_975, %swap3A_976], %swap3A_979 {strides = array<i32>} : memref<512x128xf32, #tpu.memory_space<vmem>>, vector<1x16xf32>,
      %get3A_980 = arith.index_cast %add3A_907 : i32 to index
      %get3A_981 = arith.constant 96 : index
      %get3A_982 = tpu.vector_load %arg12[%get3A_980, %get3A_981] {strides = array<i32>} : memref<512x128xf32, #tpu.memory_space<vmem>>, vector<1x16xf32>,
      %get3A_983 = vector.shape_cast %get3A_982 : vector<1x16xf32> to vector<16xf32>
      %mul3A_984 = arith.mulf %gather3A_905, %get3A_66 : vector<16xf32>
      %add3A_985 = arith.addf %mul3A_984, %add3A_111 : vector<16xf32>
      %mul3A_986 = arith.mulf %get3A_983, %add3A_985 : vector<16xf32>
      %swap3A_987 = arith.index_cast %add3A_907 : i32 to index
      %swap3A_988 = arith.constant 96 : index
      %swap3A_989 = tpu.vector_load %arg12[%swap3A_987, %swap3A_988] {strides = array<i32>} : memref<512x128xf32, #tpu.memory_space<vmem>>, vector<1x16xf32>,
      %swap3A_990 = vector.shape_cast %swap3A_989 : vector<1x16xf32> to vector<16xf32>
      %swap3A_991 = vector.shape_cast %mul3A_986 : vector<16xf32> to vector<1x16xf32>
      tpu.vector_store %arg12[%swap3A_987, %swap3A_988], %swap3A_991 {strides = array<i32>} : memref<512x128xf32, #tpu.memory_space<vmem>>, vector<1x16xf32>,
      %get3A_992 = arith.index_cast %add3A_907 : i32 to index
      %get3A_993 = arith.constant 112 : index
      %get3A_994 = tpu.vector_load %arg12[%get3A_992, %get3A_993] {strides = array<i32>} : memref<512x128xf32, #tpu.memory_space<vmem>>, vector<1x16xf32>,
      %get3A_995 = vector.shape_cast %get3A_994 : vector<1x16xf32> to vector<16xf32>
      %mul3A_996 = arith.mulf %gather3A_905, %get3A_69 : vector<16xf32>
      %add3A_997 = arith.addf %mul3A_996, %add3A_117 : vector<16xf32>
      %mul3A_998 = arith.mulf %get3A_995, %add3A_997 : vector<16xf32>
      %swap3A_999 = arith.index_cast %add3A_907 : i32 to index
      %swap3A_1000 = arith.constant 112 : index
      %swap3A_1001 = tpu.vector_load %arg12[%swap3A_999, %swap3A_1000] {strides = array<i32>} : memref<512x128xf32, #tpu.memory_space<vmem>>, vector<1x16xf32>,
      %swap3A_1002 = vector.shape_cast %swap3A_1001 : vector<1x16xf32> to vector<16xf32>
      %swap3A_1003 = vector.shape_cast %mul3A_998 : vector<16xf32> to vector<1x16xf32>
      tpu.vector_store %arg12[%swap3A_999, %swap3A_1000], %swap3A_1003 {strides = array<i32>} : memref<512x128xf32, #tpu.memory_space<vmem>>, vector<1x16xf32>,
      %lt3A_1004 = arith.constant 0 : i32
      %lt3A_1005 = vector.broadcast %lt3A_1004 : i32 to vector<16xi32>
      %lt3A_1006 = arith.cmpi slt, %broadcast_in_dim3A_132, %lt3A_1005 : vector<16xi32>
      %add3A_1007 = arith.constant 16 : i32
      %add3A_1008 = vector.broadcast %add3A_1007 : i32 to vector<16xi32>
      %add3A_1009 = arith.addi %broadcast_in_dim3A_132, %add3A_1008 : vector<16xi32>
      %select_n3A_1010 = arith.select %lt3A_1006, %add3A_1009, %broadcast_in_dim3A_132 : vector<16xi1>, vector<16xi32>
      %broadcast_in_dim3A_1011 = vector.shape_cast %select_n3A_1010 : vector<16xi32> to vector<16x1xi32>
      %gather3A_1012 = vector.shape_cast %broadcast_in_dim3A_1011 : vector<16x1xi32> to vector<16xi32>
      %gather3A_1013 = tpu.dynamic_gather %get3A_251[%gather3A_1012] in [0] : vector<16xf32>, vector<16xi32> -> vector<16xf32>
      %add3A_1014 = arith.constant 7 : i32
      %add3A_1015 = arith.addi %add3A_248, %add3A_1014 : i32
      %get3A_1016 = arith.index_cast %add3A_1015 : i32 to index
      %get3A_1017 = arith.constant 0 : index
      %get3A_1018 = tpu.vector_load %arg12[%get3A_1016, %get3A_1017] {strides = array<i32>} : memref<512x128xf32, #tpu.memory_space<vmem>>, vector<1x16xf32>,
      %get3A_1019 = vector.shape_cast %get3A_1018 : vector<1x16xf32> to vector<16xf32>
      %mul3A_1020 = arith.mulf %gather3A_1013, %get3A_48 : vector<16xf32>
      %add3A_1021 = arith.addf %mul3A_1020, %add3A_75 : vector<16xf32>
      %mul3A_1022 = arith.mulf %get3A_1019, %add3A_1021 : vector<16xf32>
      %swap3A_1023 = arith.index_cast %add3A_1015 : i32 to index
      %swap3A_1024 = arith.constant 0 : index
      %swap3A_1025 = tpu.vector_load %arg12[%swap3A_1023, %swap3A_1024] {strides = array<i32>} : memref<512x128xf32, #tpu.memory_space<vmem>>, vector<1x16xf32>,
      %swap3A_1026 = vector.shape_cast %swap3A_1025 : vector<1x16xf32> to vector<16xf32>
      %swap3A_1027 = vector.shape_cast %mul3A_1022 : vector<16xf32> to vector<1x16xf32>
      tpu.vector_store %arg12[%swap3A_1023, %swap3A_1024], %swap3A_1027 {strides = array<i32>} : memref<512x128xf32, #tpu.memory_space<vmem>>, vector<1x16xf32>,
      %get3A_1028 = arith.index_cast %add3A_1015 : i32 to index
      %get3A_1029 = arith.constant 16 : index
      %get3A_1030 = tpu.vector_load %arg12[%get3A_1028, %get3A_1029] {strides = array<i32>} : memref<512x128xf32, #tpu.memory_space<vmem>>, vector<1x16xf32>,
      %get3A_1031 = vector.shape_cast %get3A_1030 : vector<1x16xf32> to vector<16xf32>
      %mul3A_1032 = arith.mulf %gather3A_1013, %get3A_51 : vector<16xf32>
      %add3A_1033 = arith.addf %mul3A_1032, %add3A_81 : vector<16xf32>
      %mul3A_1034 = arith.mulf %get3A_1031, %add3A_1033 : vector<16xf32>
      %swap3A_1035 = arith.index_cast %add3A_1015 : i32 to index
      %swap3A_1036 = arith.constant 16 : index
      %swap3A_1037 = tpu.vector_load %arg12[%swap3A_1035, %swap3A_1036] {strides = array<i32>} : memref<512x128xf32, #tpu.memory_space<vmem>>, vector<1x16xf32>,
      %swap3A_1038 = vector.shape_cast %swap3A_1037 : vector<1x16xf32> to vector<16xf32>
      %swap3A_1039 = vector.shape_cast %mul3A_1034 : vector<16xf32> to vector<1x16xf32>
      tpu.vector_store %arg12[%swap3A_1035, %swap3A_1036], %swap3A_1039 {strides = array<i32>} : memref<512x128xf32, #tpu.memory_space<vmem>>, vector<1x16xf32>,
      %get3A_1040 = arith.index_cast %add3A_1015 : i32 to index
      %get3A_1041 = arith.constant 32 : index
      %get3A_1042 = tpu.vector_load %arg12[%get3A_1040, %get3A_1041] {strides = array<i32>} : memref<512x128xf32, #tpu.memory_space<vmem>>, vector<1x16xf32>,
      %get3A_1043 = vector.shape_cast %get3A_1042 : vector<1x16xf32> to vector<16xf32>
      %mul3A_1044 = arith.mulf %gather3A_1013, %get3A_54 : vector<16xf32>
      %add3A_1045 = arith.addf %mul3A_1044, %add3A_87 : vector<16xf32>
      %mul3A_1046 = arith.mulf %get3A_1043, %add3A_1045 : vector<16xf32>
      %swap3A_1047 = arith.index_cast %add3A_1015 : i32 to index
      %swap3A_1048 = arith.constant 32 : index
      %swap3A_1049 = tpu.vector_load %arg12[%swap3A_1047, %swap3A_1048] {strides = array<i32>} : memref<512x128xf32, #tpu.memory_space<vmem>>, vector<1x16xf32>,
      %swap3A_1050 = vector.shape_cast %swap3A_1049 : vector<1x16xf32> to vector<16xf32>
      %swap3A_1051 = vector.shape_cast %mul3A_1046 : vector<16xf32> to vector<1x16xf32>
      tpu.vector_store %arg12[%swap3A_1047, %swap3A_1048], %swap3A_1051 {strides = array<i32>} : memref<512x128xf32, #tpu.memory_space<vmem>>, vector<1x16xf32>,
      %get3A_1052 = arith.index_cast %add3A_1015 : i32 to index
      %get3A_1053 = arith.constant 48 : index
      %get3A_1054 = tpu.vector_load %arg12[%get3A_1052, %get3A_1053] {strides = array<i32>} : memref<512x128xf32, #tpu.memory_space<vmem>>, vector<1x16xf32>,
      %get3A_1055 = vector.shape_cast %get3A_1054 : vector<1x16xf32> to vector<16xf32>
      %mul3A_1056 = arith.mulf %gather3A_1013, %get3A_57 : vector<16xf32>
      %add3A_1057 = arith.addf %mul3A_1056, %add3A_93 : vector<16xf32>
      %mul3A_1058 = arith.mulf %get3A_1055, %add3A_1057 : vector<16xf32>
      %swap3A_1059 = arith.index_cast %add3A_1015 : i32 to index
      %swap3A_1060 = arith.constant 48 : index
      %swap3A_1061 = tpu.vector_load %arg12[%swap3A_1059, %swap3A_1060] {strides = array<i32>} : memref<512x128xf32, #tpu.memory_space<vmem>>, vector<1x16xf32>,
      %swap3A_1062 = vector.shape_cast %swap3A_1061 : vector<1x16xf32> to vector<16xf32>
      %swap3A_1063 = vector.shape_cast %mul3A_1058 : vector<16xf32> to vector<1x16xf32>
      tpu.vector_store %arg12[%swap3A_1059, %swap3A_1060], %swap3A_1063 {strides = array<i32>} : memref<512x128xf32, #tpu.memory_space<vmem>>, vector<1x16xf32>,
      %get3A_1064 = arith.index_cast %add3A_1015 : i32 to index
      %get3A_1065 = arith.constant 64 : index
      %get3A_1066 = tpu.vector_load %arg12[%get3A_1064, %get3A_1065] {strides = array<i32>} : memref<512x128xf32, #tpu.memory_space<vmem>>, vector<1x16xf32>,
      %get3A_1067 = vector.shape_cast %get3A_1066 : vector<1x16xf32> to vector<16xf32>
      %mul3A_1068 = arith.mulf %gather3A_1013, %get3A_60 : vector<16xf32>
      %add3A_1069 = arith.addf %mul3A_1068, %add3A_99 : vector<16xf32>
      %mul3A_1070 = arith.mulf %get3A_1067, %add3A_1069 : vector<16xf32>
      %swap3A_1071 = arith.index_cast %add3A_1015 : i32 to index
      %swap3A_1072 = arith.constant 64 : index
      %swap3A_1073 = tpu.vector_load %arg12[%swap3A_1071, %swap3A_1072] {strides = array<i32>} : memref<512x128xf32, #tpu.memory_space<vmem>>, vector<1x16xf32>,
      %swap3A_1074 = vector.shape_cast %swap3A_1073 : vector<1x16xf32> to vector<16xf32>
      %swap3A_1075 = vector.shape_cast %mul3A_1070 : vector<16xf32> to vector<1x16xf32>
      tpu.vector_store %arg12[%swap3A_1071, %swap3A_1072], %swap3A_1075 {strides = array<i32>} : memref<512x128xf32, #tpu.memory_space<vmem>>, vector<1x16xf32>,
      %get3A_1076 = arith.index_cast %add3A_1015 : i32 to index
      %get3A_1077 = arith.constant 80 : index
      %get3A_1078 = tpu.vector_load %arg12[%get3A_1076, %get3A_1077] {strides = array<i32>} : memref<512x128xf32, #tpu.memory_space<vmem>>, vector<1x16xf32>,
      %get3A_1079 = vector.shape_cast %get3A_1078 : vector<1x16xf32> to vector<16xf32>
      %mul3A_1080 = arith.mulf %gather3A_1013, %get3A_63 : vector<16xf32>
      %add3A_1081 = arith.addf %mul3A_1080, %add3A_105 : vector<16xf32>
      %mul3A_1082 = arith.mulf %get3A_1079, %add3A_1081 : vector<16xf32>
      %swap3A_1083 = arith.index_cast %add3A_1015 : i32 to index
      %swap3A_1084 = arith.constant 80 : index
      %swap3A_1085 = tpu.vector_load %arg12[%swap3A_1083, %swap3A_1084] {strides = array<i32>} : memref<512x128xf32, #tpu.memory_space<vmem>>, vector<1x16xf32>,
      %swap3A_1086 = vector.shape_cast %swap3A_1085 : vector<1x16xf32> to vector<16xf32>
      %swap3A_1087 = vector.shape_cast %mul3A_1082 : vector<16xf32> to vector<1x16xf32>
      tpu.vector_store %arg12[%swap3A_1083, %swap3A_1084], %swap3A_1087 {strides = array<i32>} : memref<512x128xf32, #tpu.memory_space<vmem>>, vector<1x16xf32>,
      %get3A_1088 = arith.index_cast %add3A_1015 : i32 to index
      %get3A_1089 = arith.constant 96 : index
      %get3A_1090 = tpu.vector_load %arg12[%get3A_1088, %get3A_1089] {strides = array<i32>} : memref<512x128xf32, #tpu.memory_space<vmem>>, vector<1x16xf32>,
      %get3A_1091 = vector.shape_cast %get3A_1090 : vector<1x16xf32> to vector<16xf32>
      %mul3A_1092 = arith.mulf %gather3A_1013, %get3A_66 : vector<16xf32>
      %add3A_1093 = arith.addf %mul3A_1092, %add3A_111 : vector<16xf32>
      %mul3A_1094 = arith.mulf %get3A_1091, %add3A_1093 : vector<16xf32>
      %swap3A_1095 = arith.index_cast %add3A_1015 : i32 to index
      %swap3A_1096 = arith.constant 96 : index
      %swap3A_1097 = tpu.vector_load %arg12[%swap3A_1095, %swap3A_1096] {strides = array<i32>} : memref<512x128xf32, #tpu.memory_space<vmem>>, vector<1x16xf32>,
      %swap3A_1098 = vector.shape_cast %swap3A_1097 : vector<1x16xf32> to vector<16xf32>
      %swap3A_1099 = vector.shape_cast %mul3A_1094 : vector<16xf32> to vector<1x16xf32>
      tpu.vector_store %arg12[%swap3A_1095, %swap3A_1096], %swap3A_1099 {strides = array<i32>} : memref<512x128xf32, #tpu.memory_space<vmem>>, vector<1x16xf32>,
      %get3A_1100 = arith.index_cast %add3A_1015 : i32 to index
      %get3A_1101 = arith.constant 112 : index
      %get3A_1102 = tpu.vector_load %arg12[%get3A_1100, %get3A_1101] {strides = array<i32>} : memref<512x128xf32, #tpu.memory_space<vmem>>, vector<1x16xf32>,
      %get3A_1103 = vector.shape_cast %get3A_1102 : vector<1x16xf32> to vector<16xf32>
      %mul3A_1104 = arith.mulf %gather3A_1013, %get3A_69 : vector<16xf32>
      %add3A_1105 = arith.addf %mul3A_1104, %add3A_117 : vector<16xf32>
      %mul3A_1106 = arith.mulf %get3A_1103, %add3A_1105 : vector<16xf32>
      %swap3A_1107 = arith.index_cast %add3A_1015 : i32 to index
      %swap3A_1108 = arith.constant 112 : index
      %swap3A_1109 = tpu.vector_load %arg12[%swap3A_1107, %swap3A_1108] {strides = array<i32>} : memref<512x128xf32, #tpu.memory_space<vmem>>, vector<1x16xf32>,
      %swap3A_1110 = vector.shape_cast %swap3A_1109 : vector<1x16xf32> to vector<16xf32>
      %swap3A_1111 = vector.shape_cast %mul3A_1106 : vector<16xf32> to vector<1x16xf32>
      tpu.vector_store %arg12[%swap3A_1107, %swap3A_1108], %swap3A_1111 {strides = array<i32>} : memref<512x128xf32, #tpu.memory_space<vmem>>, vector<1x16xf32>,
      %lt3A_1112 = arith.constant 0 : i32
      %lt3A_1113 = vector.broadcast %lt3A_1112 : i32 to vector<16xi32>
      %lt3A_1114 = arith.cmpi slt, %broadcast_in_dim3A_134, %lt3A_1113 : vector<16xi32>
      %add3A_1115 = arith.constant 16 : i32
      %add3A_1116 = vector.broadcast %add3A_1115 : i32 to vector<16xi32>
      %add3A_1117 = arith.addi %broadcast_in_dim3A_134, %add3A_1116 : vector<16xi32>
      %select_n3A_1118 = arith.select %lt3A_1114, %add3A_1117, %broadcast_in_dim3A_134 : vector<16xi1>, vector<16xi32>
      %broadcast_in_dim3A_1119 = vector.shape_cast %select_n3A_1118 : vector<16xi32> to vector<16x1xi32>
      %gather3A_1120 = vector.shape_cast %broadcast_in_dim3A_1119 : vector<16x1xi32> to vector<16xi32>
      %gather3A_1121 = tpu.dynamic_gather %get3A_251[%gather3A_1120] in [0] : vector<16xf32>, vector<16xi32> -> vector<16xf32>
      %add3A_1122 = arith.constant 8 : i32
      %add3A_1123 = arith.addi %add3A_248, %add3A_1122 : i32
      %get3A_1124 = arith.index_cast %add3A_1123 : i32 to index
      %get3A_1125 = arith.constant 0 : index
      %get3A_1126 = tpu.vector_load %arg12[%get3A_1124, %get3A_1125] {strides = array<i32>} : memref<512x128xf32, #tpu.memory_space<vmem>>, vector<1x16xf32>,
      %get3A_1127 = vector.shape_cast %get3A_1126 : vector<1x16xf32> to vector<16xf32>
      %mul3A_1128 = arith.mulf %gather3A_1121, %get3A_48 : vector<16xf32>
      %add3A_1129 = arith.addf %mul3A_1128, %add3A_75 : vector<16xf32>
      %mul3A_1130 = arith.mulf %get3A_1127, %add3A_1129 : vector<16xf32>
      %swap3A_1131 = arith.index_cast %add3A_1123 : i32 to index
      %swap3A_1132 = arith.constant 0 : index
      %swap3A_1133 = tpu.vector_load %arg12[%swap3A_1131, %swap3A_1132] {strides = array<i32>} : memref<512x128xf32, #tpu.memory_space<vmem>>, vector<1x16xf32>,
      %swap3A_1134 = vector.shape_cast %swap3A_1133 : vector<1x16xf32> to vector<16xf32>
      %swap3A_1135 = vector.shape_cast %mul3A_1130 : vector<16xf32> to vector<1x16xf32>
      tpu.vector_store %arg12[%swap3A_1131, %swap3A_1132], %swap3A_1135 {strides = array<i32>} : memref<512x128xf32, #tpu.memory_space<vmem>>, vector<1x16xf32>,
      %get3A_1136 = arith.index_cast %add3A_1123 : i32 to index
      %get3A_1137 = arith.constant 16 : index
      %get3A_1138 = tpu.vector_load %arg12[%get3A_1136, %get3A_1137] {strides = array<i32>} : memref<512x128xf32, #tpu.memory_space<vmem>>, vector<1x16xf32>,
      %get3A_1139 = vector.shape_cast %get3A_1138 : vector<1x16xf32> to vector<16xf32>
      %mul3A_1140 = arith.mulf %gather3A_1121, %get3A_51 : vector<16xf32>
      %add3A_1141 = arith.addf %mul3A_1140, %add3A_81 : vector<16xf32>
      %mul3A_1142 = arith.mulf %get3A_1139, %add3A_1141 : vector<16xf32>
      %swap3A_1143 = arith.index_cast %add3A_1123 : i32 to index
      %swap3A_1144 = arith.constant 16 : index
      %swap3A_1145 = tpu.vector_load %arg12[%swap3A_1143, %swap3A_1144] {strides = array<i32>} : memref<512x128xf32, #tpu.memory_space<vmem>>, vector<1x16xf32>,
      %swap3A_1146 = vector.shape_cast %swap3A_1145 : vector<1x16xf32> to vector<16xf32>
      %swap3A_1147 = vector.shape_cast %mul3A_1142 : vector<16xf32> to vector<1x16xf32>
      tpu.vector_store %arg12[%swap3A_1143, %swap3A_1144], %swap3A_1147 {strides = array<i32>} : memref<512x128xf32, #tpu.memory_space<vmem>>, vector<1x16xf32>,
      %get3A_1148 = arith.index_cast %add3A_1123 : i32 to index
      %get3A_1149 = arith.constant 32 : index
      %get3A_1150 = tpu.vector_load %arg12[%get3A_1148, %get3A_1149] {strides = array<i32>} : memref<512x128xf32, #tpu.memory_space<vmem>>, vector<1x16xf32>,
      %get3A_1151 = vector.shape_cast %get3A_1150 : vector<1x16xf32> to vector<16xf32>
      %mul3A_1152 = arith.mulf %gather3A_1121, %get3A_54 : vector<16xf32>
      %add3A_1153 = arith.addf %mul3A_1152, %add3A_87 : vector<16xf32>
      %mul3A_1154 = arith.mulf %get3A_1151, %add3A_1153 : vector<16xf32>
      %swap3A_1155 = arith.index_cast %add3A_1123 : i32 to index
      %swap3A_1156 = arith.constant 32 : index
      %swap3A_1157 = tpu.vector_load %arg12[%swap3A_1155, %swap3A_1156] {strides = array<i32>} : memref<512x128xf32, #tpu.memory_space<vmem>>, vector<1x16xf32>,
      %swap3A_1158 = vector.shape_cast %swap3A_1157 : vector<1x16xf32> to vector<16xf32>
      %swap3A_1159 = vector.shape_cast %mul3A_1154 : vector<16xf32> to vector<1x16xf32>
      tpu.vector_store %arg12[%swap3A_1155, %swap3A_1156], %swap3A_1159 {strides = array<i32>} : memref<512x128xf32, #tpu.memory_space<vmem>>, vector<1x16xf32>,
      %get3A_1160 = arith.index_cast %add3A_1123 : i32 to index
      %get3A_1161 = arith.constant 48 : index
      %get3A_1162 = tpu.vector_load %arg12[%get3A_1160, %get3A_1161] {strides = array<i32>} : memref<512x128xf32, #tpu.memory_space<vmem>>, vector<1x16xf32>,
      %get3A_1163 = vector.shape_cast %get3A_1162 : vector<1x16xf32> to vector<16xf32>
      %mul3A_1164 = arith.mulf %gather3A_1121, %get3A_57 : vector<16xf32>
      %add3A_1165 = arith.addf %mul3A_1164, %add3A_93 : vector<16xf32>
      %mul3A_1166 = arith.mulf %get3A_1163, %add3A_1165 : vector<16xf32>
      %swap3A_1167 = arith.index_cast %add3A_1123 : i32 to index
      %swap3A_1168 = arith.constant 48 : index
      %swap3A_1169 = tpu.vector_load %arg12[%swap3A_1167, %swap3A_1168] {strides = array<i32>} : memref<512x128xf32, #tpu.memory_space<vmem>>, vector<1x16xf32>,
      %swap3A_1170 = vector.shape_cast %swap3A_1169 : vector<1x16xf32> to vector<16xf32>
      %swap3A_1171 = vector.shape_cast %mul3A_1166 : vector<16xf32> to vector<1x16xf32>
      tpu.vector_store %arg12[%swap3A_1167, %swap3A_1168], %swap3A_1171 {strides = array<i32>} : memref<512x128xf32, #tpu.memory_space<vmem>>, vector<1x16xf32>,
      %get3A_1172 = arith.index_cast %add3A_1123 : i32 to index
      %get3A_1173 = arith.constant 64 : index
      %get3A_1174 = tpu.vector_load %arg12[%get3A_1172, %get3A_1173] {strides = array<i32>} : memref<512x128xf32, #tpu.memory_space<vmem>>, vector<1x16xf32>,
      %get3A_1175 = vector.shape_cast %get3A_1174 : vector<1x16xf32> to vector<16xf32>
      %mul3A_1176 = arith.mulf %gather3A_1121, %get3A_60 : vector<16xf32>
      %add3A_1177 = arith.addf %mul3A_1176, %add3A_99 : vector<16xf32>
      %mul3A_1178 = arith.mulf %get3A_1175, %add3A_1177 : vector<16xf32>
      %swap3A_1179 = arith.index_cast %add3A_1123 : i32 to index
      %swap3A_1180 = arith.constant 64 : index
      %swap3A_1181 = tpu.vector_load %arg12[%swap3A_1179, %swap3A_1180] {strides = array<i32>} : memref<512x128xf32, #tpu.memory_space<vmem>>, vector<1x16xf32>,
      %swap3A_1182 = vector.shape_cast %swap3A_1181 : vector<1x16xf32> to vector<16xf32>
      %swap3A_1183 = vector.shape_cast %mul3A_1178 : vector<16xf32> to vector<1x16xf32>
      tpu.vector_store %arg12[%swap3A_1179, %swap3A_1180], %swap3A_1183 {strides = array<i32>} : memref<512x128xf32, #tpu.memory_space<vmem>>, vector<1x16xf32>,
      %get3A_1184 = arith.index_cast %add3A_1123 : i32 to index
      %get3A_1185 = arith.constant 80 : index
      %get3A_1186 = tpu.vector_load %arg12[%get3A_1184, %get3A_1185] {strides = array<i32>} : memref<512x128xf32, #tpu.memory_space<vmem>>, vector<1x16xf32>,
      %get3A_1187 = vector.shape_cast %get3A_1186 : vector<1x16xf32> to vector<16xf32>
      %mul3A_1188 = arith.mulf %gather3A_1121, %get3A_63 : vector<16xf32>
      %add3A_1189 = arith.addf %mul3A_1188, %add3A_105 : vector<16xf32>
      %mul3A_1190 = arith.mulf %get3A_1187, %add3A_1189 : vector<16xf32>
      %swap3A_1191 = arith.index_cast %add3A_1123 : i32 to index
      %swap3A_1192 = arith.constant 80 : index
      %swap3A_1193 = tpu.vector_load %arg12[%swap3A_1191, %swap3A_1192] {strides = array<i32>} : memref<512x128xf32, #tpu.memory_space<vmem>>, vector<1x16xf32>,
      %swap3A_1194 = vector.shape_cast %swap3A_1193 : vector<1x16xf32> to vector<16xf32>
      %swap3A_1195 = vector.shape_cast %mul3A_1190 : vector<16xf32> to vector<1x16xf32>
      tpu.vector_store %arg12[%swap3A_1191, %swap3A_1192], %swap3A_1195 {strides = array<i32>} : memref<512x128xf32, #tpu.memory_space<vmem>>, vector<1x16xf32>,
      %get3A_1196 = arith.index_cast %add3A_1123 : i32 to index
      %get3A_1197 = arith.constant 96 : index
      %get3A_1198 = tpu.vector_load %arg12[%get3A_1196, %get3A_1197] {strides = array<i32>} : memref<512x128xf32, #tpu.memory_space<vmem>>, vector<1x16xf32>,
      %get3A_1199 = vector.shape_cast %get3A_1198 : vector<1x16xf32> to vector<16xf32>
      %mul3A_1200 = arith.mulf %gather3A_1121, %get3A_66 : vector<16xf32>
      %add3A_1201 = arith.addf %mul3A_1200, %add3A_111 : vector<16xf32>
      %mul3A_1202 = arith.mulf %get3A_1199, %add3A_1201 : vector<16xf32>
      %swap3A_1203 = arith.index_cast %add3A_1123 : i32 to index
      %swap3A_1204 = arith.constant 96 : index
      %swap3A_1205 = tpu.vector_load %arg12[%swap3A_1203, %swap3A_1204] {strides = array<i32>} : memref<512x128xf32, #tpu.memory_space<vmem>>, vector<1x16xf32>,
      %swap3A_1206 = vector.shape_cast %swap3A_1205 : vector<1x16xf32> to vector<16xf32>
      %swap3A_1207 = vector.shape_cast %mul3A_1202 : vector<16xf32> to vector<1x16xf32>
      tpu.vector_store %arg12[%swap3A_1203, %swap3A_1204], %swap3A_1207 {strides = array<i32>} : memref<512x128xf32, #tpu.memory_space<vmem>>, vector<1x16xf32>,
      %get3A_1208 = arith.index_cast %add3A_1123 : i32 to index
      %get3A_1209 = arith.constant 112 : index
      %get3A_1210 = tpu.vector_load %arg12[%get3A_1208, %get3A_1209] {strides = array<i32>} : memref<512x128xf32, #tpu.memory_space<vmem>>, vector<1x16xf32>,
      %get3A_1211 = vector.shape_cast %get3A_1210 : vector<1x16xf32> to vector<16xf32>
      %mul3A_1212 = arith.mulf %gather3A_1121, %get3A_69 : vector<16xf32>
      %add3A_1213 = arith.addf %mul3A_1212, %add3A_117 : vector<16xf32>
      %mul3A_1214 = arith.mulf %get3A_1211, %add3A_1213 : vector<16xf32>
      %swap3A_1215 = arith.index_cast %add3A_1123 : i32 to index
      %swap3A_1216 = arith.constant 112 : index
      %swap3A_1217 = tpu.vector_load %arg12[%swap3A_1215, %swap3A_1216] {strides = array<i32>} : memref<512x128xf32, #tpu.memory_space<vmem>>, vector<1x16xf32>,
      %swap3A_1218 = vector.shape_cast %swap3A_1217 : vector<1x16xf32> to vector<16xf32>
      %swap3A_1219 = vector.shape_cast %mul3A_1214 : vector<16xf32> to vector<1x16xf32>
      tpu.vector_store %arg12[%swap3A_1215, %swap3A_1216], %swap3A_1219 {strides = array<i32>} : memref<512x128xf32, #tpu.memory_space<vmem>>, vector<1x16xf32>,
      %lt3A_1220 = arith.constant 0 : i32
      %lt3A_1221 = vector.broadcast %lt3A_1220 : i32 to vector<16xi32>
      %lt3A_1222 = arith.cmpi slt, %broadcast_in_dim3A_136, %lt3A_1221 : vector<16xi32>
      %add3A_1223 = arith.constant 16 : i32
      %add3A_1224 = vector.broadcast %add3A_1223 : i32 to vector<16xi32>
      %add3A_1225 = arith.addi %broadcast_in_dim3A_136, %add3A_1224 : vector<16xi32>
      %select_n3A_1226 = arith.select %lt3A_1222, %add3A_1225, %broadcast_in_dim3A_136 : vector<16xi1>, vector<16xi32>
      %broadcast_in_dim3A_1227 = vector.shape_cast %select_n3A_1226 : vector<16xi32> to vector<16x1xi32>
      %gather3A_1228 = vector.shape_cast %broadcast_in_dim3A_1227 : vector<16x1xi32> to vector<16xi32>
      %gather3A_1229 = tpu.dynamic_gather %get3A_251[%gather3A_1228] in [0] : vector<16xf32>, vector<16xi32> -> vector<16xf32>
      %add3A_1230 = arith.constant 9 : i32
      %add3A_1231 = arith.addi %add3A_248, %add3A_1230 : i32
      %get3A_1232 = arith.index_cast %add3A_1231 : i32 to index
      %get3A_1233 = arith.constant 0 : index
      %get3A_1234 = tpu.vector_load %arg12[%get3A_1232, %get3A_1233] {strides = array<i32>} : memref<512x128xf32, #tpu.memory_space<vmem>>, vector<1x16xf32>,
      %get3A_1235 = vector.shape_cast %get3A_1234 : vector<1x16xf32> to vector<16xf32>
      %mul3A_1236 = arith.mulf %gather3A_1229, %get3A_48 : vector<16xf32>
      %add3A_1237 = arith.addf %mul3A_1236, %add3A_75 : vector<16xf32>
      %mul3A_1238 = arith.mulf %get3A_1235, %add3A_1237 : vector<16xf32>
      %swap3A_1239 = arith.index_cast %add3A_1231 : i32 to index
      %swap3A_1240 = arith.constant 0 : index
      %swap3A_1241 = tpu.vector_load %arg12[%swap3A_1239, %swap3A_1240] {strides = array<i32>} : memref<512x128xf32, #tpu.memory_space<vmem>>, vector<1x16xf32>,
      %swap3A_1242 = vector.shape_cast %swap3A_1241 : vector<1x16xf32> to vector<16xf32>
      %swap3A_1243 = vector.shape_cast %mul3A_1238 : vector<16xf32> to vector<1x16xf32>
      tpu.vector_store %arg12[%swap3A_1239, %swap3A_1240], %swap3A_1243 {strides = array<i32>} : memref<512x128xf32, #tpu.memory_space<vmem>>, vector<1x16xf32>,
      %get3A_1244 = arith.index_cast %add3A_1231 : i32 to index
      %get3A_1245 = arith.constant 16 : index
      %get3A_1246 = tpu.vector_load %arg12[%get3A_1244, %get3A_1245] {strides = array<i32>} : memref<512x128xf32, #tpu.memory_space<vmem>>, vector<1x16xf32>,
      %get3A_1247 = vector.shape_cast %get3A_1246 : vector<1x16xf32> to vector<16xf32>
      %mul3A_1248 = arith.mulf %gather3A_1229, %get3A_51 : vector<16xf32>
      %add3A_1249 = arith.addf %mul3A_1248, %add3A_81 : vector<16xf32>
      %mul3A_1250 = arith.mulf %get3A_1247, %add3A_1249 : vector<16xf32>
      %swap3A_1251 = arith.index_cast %add3A_1231 : i32 to index
      %swap3A_1252 = arith.constant 16 : index
      %swap3A_1253 = tpu.vector_load %arg12[%swap3A_1251, %swap3A_1252] {strides = array<i32>} : memref<512x128xf32, #tpu.memory_space<vmem>>, vector<1x16xf32>,
      %swap3A_1254 = vector.shape_cast %swap3A_1253 : vector<1x16xf32> to vector<16xf32>
      %swap3A_1255 = vector.shape_cast %mul3A_1250 : vector<16xf32> to vector<1x16xf32>
      tpu.vector_store %arg12[%swap3A_1251, %swap3A_1252], %swap3A_1255 {strides = array<i32>} : memref<512x128xf32, #tpu.memory_space<vmem>>, vector<1x16xf32>,
      %get3A_1256 = arith.index_cast %add3A_1231 : i32 to index
      %get3A_1257 = arith.constant 32 : index
      %get3A_1258 = tpu.vector_load %arg12[%get3A_1256, %get3A_1257] {strides = array<i32>} : memref<512x128xf32, #tpu.memory_space<vmem>>, vector<1x16xf32>,
      %get3A_1259 = vector.shape_cast %get3A_1258 : vector<1x16xf32> to vector<16xf32>
      %mul3A_1260 = arith.mulf %gather3A_1229, %get3A_54 : vector<16xf32>
      %add3A_1261 = arith.addf %mul3A_1260, %add3A_87 : vector<16xf32>
      %mul3A_1262 = arith.mulf %get3A_1259, %add3A_1261 : vector<16xf32>
      %swap3A_1263 = arith.index_cast %add3A_1231 : i32 to index
      %swap3A_1264 = arith.constant 32 : index
      %swap3A_1265 = tpu.vector_load %arg12[%swap3A_1263, %swap3A_1264] {strides = array<i32>} : memref<512x128xf32, #tpu.memory_space<vmem>>, vector<1x16xf32>,
      %swap3A_1266 = vector.shape_cast %swap3A_1265 : vector<1x16xf32> to vector<16xf32>
      %swap3A_1267 = vector.shape_cast %mul3A_1262 : vector<16xf32> to vector<1x16xf32>
      tpu.vector_store %arg12[%swap3A_1263, %swap3A_1264], %swap3A_1267 {strides = array<i32>} : memref<512x128xf32, #tpu.memory_space<vmem>>, vector<1x16xf32>,
      %get3A_1268 = arith.index_cast %add3A_1231 : i32 to index
      %get3A_1269 = arith.constant 48 : index
      %get3A_1270 = tpu.vector_load %arg12[%get3A_1268, %get3A_1269] {strides = array<i32>} : memref<512x128xf32, #tpu.memory_space<vmem>>, vector<1x16xf32>,
      %get3A_1271 = vector.shape_cast %get3A_1270 : vector<1x16xf32> to vector<16xf32>
      %mul3A_1272 = arith.mulf %gather3A_1229, %get3A_57 : vector<16xf32>
      %add3A_1273 = arith.addf %mul3A_1272, %add3A_93 : vector<16xf32>
      %mul3A_1274 = arith.mulf %get3A_1271, %add3A_1273 : vector<16xf32>
      %swap3A_1275 = arith.index_cast %add3A_1231 : i32 to index
      %swap3A_1276 = arith.constant 48 : index
      %swap3A_1277 = tpu.vector_load %arg12[%swap3A_1275, %swap3A_1276] {strides = array<i32>} : memref<512x128xf32, #tpu.memory_space<vmem>>, vector<1x16xf32>,
      %swap3A_1278 = vector.shape_cast %swap3A_1277 : vector<1x16xf32> to vector<16xf32>
      %swap3A_1279 = vector.shape_cast %mul3A_1274 : vector<16xf32> to vector<1x16xf32>
      tpu.vector_store %arg12[%swap3A_1275, %swap3A_1276], %swap3A_1279 {strides = array<i32>} : memref<512x128xf32, #tpu.memory_space<vmem>>, vector<1x16xf32>,
      %get3A_1280 = arith.index_cast %add3A_1231 : i32 to index
      %get3A_1281 = arith.constant 64 : index
      %get3A_1282 = tpu.vector_load %arg12[%get3A_1280, %get3A_1281] {strides = array<i32>} : memref<512x128xf32, #tpu.memory_space<vmem>>, vector<1x16xf32>,
      %get3A_1283 = vector.shape_cast %get3A_1282 : vector<1x16xf32> to vector<16xf32>
      %mul3A_1284 = arith.mulf %gather3A_1229, %get3A_60 : vector<16xf32>
      %add3A_1285 = arith.addf %mul3A_1284, %add3A_99 : vector<16xf32>
      %mul3A_1286 = arith.mulf %get3A_1283, %add3A_1285 : vector<16xf32>
      %swap3A_1287 = arith.index_cast %add3A_1231 : i32 to index
      %swap3A_1288 = arith.constant 64 : index
      %swap3A_1289 = tpu.vector_load %arg12[%swap3A_1287, %swap3A_1288] {strides = array<i32>} : memref<512x128xf32, #tpu.memory_space<vmem>>, vector<1x16xf32>,
      %swap3A_1290 = vector.shape_cast %swap3A_1289 : vector<1x16xf32> to vector<16xf32>
      %swap3A_1291 = vector.shape_cast %mul3A_1286 : vector<16xf32> to vector<1x16xf32>
      tpu.vector_store %arg12[%swap3A_1287, %swap3A_1288], %swap3A_1291 {strides = array<i32>} : memref<512x128xf32, #tpu.memory_space<vmem>>, vector<1x16xf32>,
      %get3A_1292 = arith.index_cast %add3A_1231 : i32 to index
      %get3A_1293 = arith.constant 80 : index
      %get3A_1294 = tpu.vector_load %arg12[%get3A_1292, %get3A_1293] {strides = array<i32>} : memref<512x128xf32, #tpu.memory_space<vmem>>, vector<1x16xf32>,
      %get3A_1295 = vector.shape_cast %get3A_1294 : vector<1x16xf32> to vector<16xf32>
      %mul3A_1296 = arith.mulf %gather3A_1229, %get3A_63 : vector<16xf32>
      %add3A_1297 = arith.addf %mul3A_1296, %add3A_105 : vector<16xf32>
      %mul3A_1298 = arith.mulf %get3A_1295, %add3A_1297 : vector<16xf32>
      %swap3A_1299 = arith.index_cast %add3A_1231 : i32 to index
      %swap3A_1300 = arith.constant 80 : index
      %swap3A_1301 = tpu.vector_load %arg12[%swap3A_1299, %swap3A_1300] {strides = array<i32>} : memref<512x128xf32, #tpu.memory_space<vmem>>, vector<1x16xf32>,
      %swap3A_1302 = vector.shape_cast %swap3A_1301 : vector<1x16xf32> to vector<16xf32>
      %swap3A_1303 = vector.shape_cast %mul3A_1298 : vector<16xf32> to vector<1x16xf32>
      tpu.vector_store %arg12[%swap3A_1299, %swap3A_1300], %swap3A_1303 {strides = array<i32>} : memref<512x128xf32, #tpu.memory_space<vmem>>, vector<1x16xf32>,
      %get3A_1304 = arith.index_cast %add3A_1231 : i32 to index
      %get3A_1305 = arith.constant 96 : index
      %get3A_1306 = tpu.vector_load %arg12[%get3A_1304, %get3A_1305] {strides = array<i32>} : memref<512x128xf32, #tpu.memory_space<vmem>>, vector<1x16xf32>,
      %get3A_1307 = vector.shape_cast %get3A_1306 : vector<1x16xf32> to vector<16xf32>
      %mul3A_1308 = arith.mulf %gather3A_1229, %get3A_66 : vector<16xf32>
      %add3A_1309 = arith.addf %mul3A_1308, %add3A_111 : vector<16xf32>
      %mul3A_1310 = arith.mulf %get3A_1307, %add3A_1309 : vector<16xf32>
      %swap3A_1311 = arith.index_cast %add3A_1231 : i32 to index
      %swap3A_1312 = arith.constant 96 : index
      %swap3A_1313 = tpu.vector_load %arg12[%swap3A_1311, %swap3A_1312] {strides = array<i32>} : memref<512x128xf32, #tpu.memory_space<vmem>>, vector<1x16xf32>,
      %swap3A_1314 = vector.shape_cast %swap3A_1313 : vector<1x16xf32> to vector<16xf32>
      %swap3A_1315 = vector.shape_cast %mul3A_1310 : vector<16xf32> to vector<1x16xf32>
      tpu.vector_store %arg12[%swap3A_1311, %swap3A_1312], %swap3A_1315 {strides = array<i32>} : memref<512x128xf32, #tpu.memory_space<vmem>>, vector<1x16xf32>,
      %get3A_1316 = arith.index_cast %add3A_1231 : i32 to index
      %get3A_1317 = arith.constant 112 : index
      %get3A_1318 = tpu.vector_load %arg12[%get3A_1316, %get3A_1317] {strides = array<i32>} : memref<512x128xf32, #tpu.memory_space<vmem>>, vector<1x16xf32>,
      %get3A_1319 = vector.shape_cast %get3A_1318 : vector<1x16xf32> to vector<16xf32>
      %mul3A_1320 = arith.mulf %gather3A_1229, %get3A_69 : vector<16xf32>
      %add3A_1321 = arith.addf %mul3A_1320, %add3A_117 : vector<16xf32>
      %mul3A_1322 = arith.mulf %get3A_1319, %add3A_1321 : vector<16xf32>
      %swap3A_1323 = arith.index_cast %add3A_1231 : i32 to index
      %swap3A_1324 = arith.constant 112 : index
      %swap3A_1325 = tpu.vector_load %arg12[%swap3A_1323, %swap3A_1324] {strides = array<i32>} : memref<512x128xf32, #tpu.memory_space<vmem>>, vector<1x16xf32>,
      %swap3A_1326 = vector.shape_cast %swap3A_1325 : vector<1x16xf32> to vector<16xf32>
      %swap3A_1327 = vector.shape_cast %mul3A_1322 : vector<16xf32> to vector<1x16xf32>
      tpu.vector_store %arg12[%swap3A_1323, %swap3A_1324], %swap3A_1327 {strides = array<i32>} : memref<512x128xf32, #tpu.memory_space<vmem>>, vector<1x16xf32>,
      %lt3A_1328 = arith.constant 0 : i32
      %lt3A_1329 = vector.broadcast %lt3A_1328 : i32 to vector<16xi32>
      %lt3A_1330 = arith.cmpi slt, %broadcast_in_dim3A_138, %lt3A_1329 : vector<16xi32>
      %add3A_1331 = arith.constant 16 : i32
      %add3A_1332 = vector.broadcast %add3A_1331 : i32 to vector<16xi32>
      %add3A_1333 = arith.addi %broadcast_in_dim3A_138, %add3A_1332 : vector<16xi32>
      %select_n3A_1334 = arith.select %lt3A_1330, %add3A_1333, %broadcast_in_dim3A_138 : vector<16xi1>, vector<16xi32>
      %broadcast_in_dim3A_1335 = vector.shape_cast %select_n3A_1334 : vector<16xi32> to vector<16x1xi32>
      %gather3A_1336 = vector.shape_cast %broadcast_in_dim3A_1335 : vector<16x1xi32> to vector<16xi32>
      %gather3A_1337 = tpu.dynamic_gather %get3A_251[%gather3A_1336] in [0] : vector<16xf32>, vector<16xi32> -> vector<16xf32>
      %add3A_1338 = arith.constant 10 : i32
      %add3A_1339 = arith.addi %add3A_248, %add3A_1338 : i32
      %get3A_1340 = arith.index_cast %add3A_1339 : i32 to index
      %get3A_1341 = arith.constant 0 : index
      %get3A_1342 = tpu.vector_load %arg12[%get3A_1340, %get3A_1341] {strides = array<i32>} : memref<512x128xf32, #tpu.memory_space<vmem>>, vector<1x16xf32>,
      %get3A_1343 = vector.shape_cast %get3A_1342 : vector<1x16xf32> to vector<16xf32>
      %mul3A_1344 = arith.mulf %gather3A_1337, %get3A_48 : vector<16xf32>
      %add3A_1345 = arith.addf %mul3A_1344, %add3A_75 : vector<16xf32>
      %mul3A_1346 = arith.mulf %get3A_1343, %add3A_1345 : vector<16xf32>
      %swap3A_1347 = arith.index_cast %add3A_1339 : i32 to index
      %swap3A_1348 = arith.constant 0 : index
      %swap3A_1349 = tpu.vector_load %arg12[%swap3A_1347, %swap3A_1348] {strides = array<i32>} : memref<512x128xf32, #tpu.memory_space<vmem>>, vector<1x16xf32>,
      %swap3A_1350 = vector.shape_cast %swap3A_1349 : vector<1x16xf32> to vector<16xf32>
      %swap3A_1351 = vector.shape_cast %mul3A_1346 : vector<16xf32> to vector<1x16xf32>
      tpu.vector_store %arg12[%swap3A_1347, %swap3A_1348], %swap3A_1351 {strides = array<i32>} : memref<512x128xf32, #tpu.memory_space<vmem>>, vector<1x16xf32>,
      %get3A_1352 = arith.index_cast %add3A_1339 : i32 to index
      %get3A_1353 = arith.constant 16 : index
      %get3A_1354 = tpu.vector_load %arg12[%get3A_1352, %get3A_1353] {strides = array<i32>} : memref<512x128xf32, #tpu.memory_space<vmem>>, vector<1x16xf32>,
      %get3A_1355 = vector.shape_cast %get3A_1354 : vector<1x16xf32> to vector<16xf32>
      %mul3A_1356 = arith.mulf %gather3A_1337, %get3A_51 : vector<16xf32>
      %add3A_1357 = arith.addf %mul3A_1356, %add3A_81 : vector<16xf32>
      %mul3A_1358 = arith.mulf %get3A_1355, %add3A_1357 : vector<16xf32>
      %swap3A_1359 = arith.index_cast %add3A_1339 : i32 to index
      %swap3A_1360 = arith.constant 16 : index
      %swap3A_1361 = tpu.vector_load %arg12[%swap3A_1359, %swap3A_1360] {strides = array<i32>} : memref<512x128xf32, #tpu.memory_space<vmem>>, vector<1x16xf32>,
      %swap3A_1362 = vector.shape_cast %swap3A_1361 : vector<1x16xf32> to vector<16xf32>
      %swap3A_1363 = vector.shape_cast %mul3A_1358 : vector<16xf32> to vector<1x16xf32>
      tpu.vector_store %arg12[%swap3A_1359, %swap3A_1360], %swap3A_1363 {strides = array<i32>} : memref<512x128xf32, #tpu.memory_space<vmem>>, vector<1x16xf32>,
      %get3A_1364 = arith.index_cast %add3A_1339 : i32 to index
      %get3A_1365 = arith.constant 32 : index
      %get3A_1366 = tpu.vector_load %arg12[%get3A_1364, %get3A_1365] {strides = array<i32>} : memref<512x128xf32, #tpu.memory_space<vmem>>, vector<1x16xf32>,
      %get3A_1367 = vector.shape_cast %get3A_1366 : vector<1x16xf32> to vector<16xf32>
      %mul3A_1368 = arith.mulf %gather3A_1337, %get3A_54 : vector<16xf32>
      %add3A_1369 = arith.addf %mul3A_1368, %add3A_87 : vector<16xf32>
      %mul3A_1370 = arith.mulf %get3A_1367, %add3A_1369 : vector<16xf32>
      %swap3A_1371 = arith.index_cast %add3A_1339 : i32 to index
      %swap3A_1372 = arith.constant 32 : index
      %swap3A_1373 = tpu.vector_load %arg12[%swap3A_1371, %swap3A_1372] {strides = array<i32>} : memref<512x128xf32, #tpu.memory_space<vmem>>, vector<1x16xf32>,
      %swap3A_1374 = vector.shape_cast %swap3A_1373 : vector<1x16xf32> to vector<16xf32>
      %swap3A_1375 = vector.shape_cast %mul3A_1370 : vector<16xf32> to vector<1x16xf32>
      tpu.vector_store %arg12[%swap3A_1371, %swap3A_1372], %swap3A_1375 {strides = array<i32>} : memref<512x128xf32, #tpu.memory_space<vmem>>, vector<1x16xf32>,
      %get3A_1376 = arith.index_cast %add3A_1339 : i32 to index
      %get3A_1377 = arith.constant 48 : index
      %get3A_1378 = tpu.vector_load %arg12[%get3A_1376, %get3A_1377] {strides = array<i32>} : memref<512x128xf32, #tpu.memory_space<vmem>>, vector<1x16xf32>,
      %get3A_1379 = vector.shape_cast %get3A_1378 : vector<1x16xf32> to vector<16xf32>
      %mul3A_1380 = arith.mulf %gather3A_1337, %get3A_57 : vector<16xf32>
      %add3A_1381 = arith.addf %mul3A_1380, %add3A_93 : vector<16xf32>
      %mul3A_1382 = arith.mulf %get3A_1379, %add3A_1381 : vector<16xf32>
      %swap3A_1383 = arith.index_cast %add3A_1339 : i32 to index
      %swap3A_1384 = arith.constant 48 : index
      %swap3A_1385 = tpu.vector_load %arg12[%swap3A_1383, %swap3A_1384] {strides = array<i32>} : memref<512x128xf32, #tpu.memory_space<vmem>>, vector<1x16xf32>,
      %swap3A_1386 = vector.shape_cast %swap3A_1385 : vector<1x16xf32> to vector<16xf32>
      %swap3A_1387 = vector.shape_cast %mul3A_1382 : vector<16xf32> to vector<1x16xf32>
      tpu.vector_store %arg12[%swap3A_1383, %swap3A_1384], %swap3A_1387 {strides = array<i32>} : memref<512x128xf32, #tpu.memory_space<vmem>>, vector<1x16xf32>,
      %get3A_1388 = arith.index_cast %add3A_1339 : i32 to index
      %get3A_1389 = arith.constant 64 : index
      %get3A_1390 = tpu.vector_load %arg12[%get3A_1388, %get3A_1389] {strides = array<i32>} : memref<512x128xf32, #tpu.memory_space<vmem>>, vector<1x16xf32>,
      %get3A_1391 = vector.shape_cast %get3A_1390 : vector<1x16xf32> to vector<16xf32>
      %mul3A_1392 = arith.mulf %gather3A_1337, %get3A_60 : vector<16xf32>
      %add3A_1393 = arith.addf %mul3A_1392, %add3A_99 : vector<16xf32>
      %mul3A_1394 = arith.mulf %get3A_1391, %add3A_1393 : vector<16xf32>
      %swap3A_1395 = arith.index_cast %add3A_1339 : i32 to index
      %swap3A_1396 = arith.constant 64 : index
      %swap3A_1397 = tpu.vector_load %arg12[%swap3A_1395, %swap3A_1396] {strides = array<i32>} : memref<512x128xf32, #tpu.memory_space<vmem>>, vector<1x16xf32>,
      %swap3A_1398 = vector.shape_cast %swap3A_1397 : vector<1x16xf32> to vector<16xf32>
      %swap3A_1399 = vector.shape_cast %mul3A_1394 : vector<16xf32> to vector<1x16xf32>
      tpu.vector_store %arg12[%swap3A_1395, %swap3A_1396], %swap3A_1399 {strides = array<i32>} : memref<512x128xf32, #tpu.memory_space<vmem>>, vector<1x16xf32>,
      %get3A_1400 = arith.index_cast %add3A_1339 : i32 to index
      %get3A_1401 = arith.constant 80 : index
      %get3A_1402 = tpu.vector_load %arg12[%get3A_1400, %get3A_1401] {strides = array<i32>} : memref<512x128xf32, #tpu.memory_space<vmem>>, vector<1x16xf32>,
      %get3A_1403 = vector.shape_cast %get3A_1402 : vector<1x16xf32> to vector<16xf32>
      %mul3A_1404 = arith.mulf %gather3A_1337, %get3A_63 : vector<16xf32>
      %add3A_1405 = arith.addf %mul3A_1404, %add3A_105 : vector<16xf32>
      %mul3A_1406 = arith.mulf %get3A_1403, %add3A_1405 : vector<16xf32>
      %swap3A_1407 = arith.index_cast %add3A_1339 : i32 to index
      %swap3A_1408 = arith.constant 80 : index
      %swap3A_1409 = tpu.vector_load %arg12[%swap3A_1407, %swap3A_1408] {strides = array<i32>} : memref<512x128xf32, #tpu.memory_space<vmem>>, vector<1x16xf32>,
      %swap3A_1410 = vector.shape_cast %swap3A_1409 : vector<1x16xf32> to vector<16xf32>
      %swap3A_1411 = vector.shape_cast %mul3A_1406 : vector<16xf32> to vector<1x16xf32>
      tpu.vector_store %arg12[%swap3A_1407, %swap3A_1408], %swap3A_1411 {strides = array<i32>} : memref<512x128xf32, #tpu.memory_space<vmem>>, vector<1x16xf32>,
      %get3A_1412 = arith.index_cast %add3A_1339 : i32 to index
      %get3A_1413 = arith.constant 96 : index
      %get3A_1414 = tpu.vector_load %arg12[%get3A_1412, %get3A_1413] {strides = array<i32>} : memref<512x128xf32, #tpu.memory_space<vmem>>, vector<1x16xf32>,
      %get3A_1415 = vector.shape_cast %get3A_1414 : vector<1x16xf32> to vector<16xf32>
      %mul3A_1416 = arith.mulf %gather3A_1337, %get3A_66 : vector<16xf32>
      %add3A_1417 = arith.addf %mul3A_1416, %add3A_111 : vector<16xf32>
      %mul3A_1418 = arith.mulf %get3A_1415, %add3A_1417 : vector<16xf32>
      %swap3A_1419 = arith.index_cast %add3A_1339 : i32 to index
      %swap3A_1420 = arith.constant 96 : index
      %swap3A_1421 = tpu.vector_load %arg12[%swap3A_1419, %swap3A_1420] {strides = array<i32>} : memref<512x128xf32, #tpu.memory_space<vmem>>, vector<1x16xf32>,
      %swap3A_1422 = vector.shape_cast %swap3A_1421 : vector<1x16xf32> to vector<16xf32>
      %swap3A_1423 = vector.shape_cast %mul3A_1418 : vector<16xf32> to vector<1x16xf32>
      tpu.vector_store %arg12[%swap3A_1419, %swap3A_1420], %swap3A_1423 {strides = array<i32>} : memref<512x128xf32, #tpu.memory_space<vmem>>, vector<1x16xf32>,
      %get3A_1424 = arith.index_cast %add3A_1339 : i32 to index
      %get3A_1425 = arith.constant 112 : index
      %get3A_1426 = tpu.vector_load %arg12[%get3A_1424, %get3A_1425] {strides = array<i32>} : memref<512x128xf32, #tpu.memory_space<vmem>>, vector<1x16xf32>,
      %get3A_1427 = vector.shape_cast %get3A_1426 : vector<1x16xf32> to vector<16xf32>
      %mul3A_1428 = arith.mulf %gather3A_1337, %get3A_69 : vector<16xf32>
      %add3A_1429 = arith.addf %mul3A_1428, %add3A_117 : vector<16xf32>
      %mul3A_1430 = arith.mulf %get3A_1427, %add3A_1429 : vector<16xf32>
      %swap3A_1431 = arith.index_cast %add3A_1339 : i32 to index
      %swap3A_1432 = arith.constant 112 : index
      %swap3A_1433 = tpu.vector_load %arg12[%swap3A_1431, %swap3A_1432] {strides = array<i32>} : memref<512x128xf32, #tpu.memory_space<vmem>>, vector<1x16xf32>,
      %swap3A_1434 = vector.shape_cast %swap3A_1433 : vector<1x16xf32> to vector<16xf32>
      %swap3A_1435 = vector.shape_cast %mul3A_1430 : vector<16xf32> to vector<1x16xf32>
      tpu.vector_store %arg12[%swap3A_1431, %swap3A_1432], %swap3A_1435 {strides = array<i32>} : memref<512x128xf32, #tpu.memory_space<vmem>>, vector<1x16xf32>,
      %lt3A_1436 = arith.constant 0 : i32
      %lt3A_1437 = vector.broadcast %lt3A_1436 : i32 to vector<16xi32>
      %lt3A_1438 = arith.cmpi slt, %broadcast_in_dim3A_140, %lt3A_1437 : vector<16xi32>
      %add3A_1439 = arith.constant 16 : i32
      %add3A_1440 = vector.broadcast %add3A_1439 : i32 to vector<16xi32>
      %add3A_1441 = arith.addi %broadcast_in_dim3A_140, %add3A_1440 : vector<16xi32>
      %select_n3A_1442 = arith.select %lt3A_1438, %add3A_1441, %broadcast_in_dim3A_140 : vector<16xi1>, vector<16xi32>
      %broadcast_in_dim3A_1443 = vector.shape_cast %select_n3A_1442 : vector<16xi32> to vector<16x1xi32>
      %gather3A_1444 = vector.shape_cast %broadcast_in_dim3A_1443 : vector<16x1xi32> to vector<16xi32>
      %gather3A_1445 = tpu.dynamic_gather %get3A_251[%gather3A_1444] in [0] : vector<16xf32>, vector<16xi32> -> vector<16xf32>
      %add3A_1446 = arith.constant 11 : i32
      %add3A_1447 = arith.addi %add3A_248, %add3A_1446 : i32
      %get3A_1448 = arith.index_cast %add3A_1447 : i32 to index
      %get3A_1449 = arith.constant 0 : index
      %get3A_1450 = tpu.vector_load %arg12[%get3A_1448, %get3A_1449] {strides = array<i32>} : memref<512x128xf32, #tpu.memory_space<vmem>>, vector<1x16xf32>,
      %get3A_1451 = vector.shape_cast %get3A_1450 : vector<1x16xf32> to vector<16xf32>
      %mul3A_1452 = arith.mulf %gather3A_1445, %get3A_48 : vector<16xf32>
      %add3A_1453 = arith.addf %mul3A_1452, %add3A_75 : vector<16xf32>
      %mul3A_1454 = arith.mulf %get3A_1451, %add3A_1453 : vector<16xf32>
      %swap3A_1455 = arith.index_cast %add3A_1447 : i32 to index
      %swap3A_1456 = arith.constant 0 : index
      %swap3A_1457 = tpu.vector_load %arg12[%swap3A_1455, %swap3A_1456] {strides = array<i32>} : memref<512x128xf32, #tpu.memory_space<vmem>>, vector<1x16xf32>,
      %swap3A_1458 = vector.shape_cast %swap3A_1457 : vector<1x16xf32> to vector<16xf32>
      %swap3A_1459 = vector.shape_cast %mul3A_1454 : vector<16xf32> to vector<1x16xf32>
      tpu.vector_store %arg12[%swap3A_1455, %swap3A_1456], %swap3A_1459 {strides = array<i32>} : memref<512x128xf32, #tpu.memory_space<vmem>>, vector<1x16xf32>,
      %get3A_1460 = arith.index_cast %add3A_1447 : i32 to index
      %get3A_1461 = arith.constant 16 : index
      %get3A_1462 = tpu.vector_load %arg12[%get3A_1460, %get3A_1461] {strides = array<i32>} : memref<512x128xf32, #tpu.memory_space<vmem>>, vector<1x16xf32>,
      %get3A_1463 = vector.shape_cast %get3A_1462 : vector<1x16xf32> to vector<16xf32>
      %mul3A_1464 = arith.mulf %gather3A_1445, %get3A_51 : vector<16xf32>
      %add3A_1465 = arith.addf %mul3A_1464, %add3A_81 : vector<16xf32>
      %mul3A_1466 = arith.mulf %get3A_1463, %add3A_1465 : vector<16xf32>
      %swap3A_1467 = arith.index_cast %add3A_1447 : i32 to index
      %swap3A_1468 = arith.constant 16 : index
      %swap3A_1469 = tpu.vector_load %arg12[%swap3A_1467, %swap3A_1468] {strides = array<i32>} : memref<512x128xf32, #tpu.memory_space<vmem>>, vector<1x16xf32>,
      %swap3A_1470 = vector.shape_cast %swap3A_1469 : vector<1x16xf32> to vector<16xf32>
      %swap3A_1471 = vector.shape_cast %mul3A_1466 : vector<16xf32> to vector<1x16xf32>
      tpu.vector_store %arg12[%swap3A_1467, %swap3A_1468], %swap3A_1471 {strides = array<i32>} : memref<512x128xf32, #tpu.memory_space<vmem>>, vector<1x16xf32>,
      %get3A_1472 = arith.index_cast %add3A_1447 : i32 to index
      %get3A_1473 = arith.constant 32 : index
      %get3A_1474 = tpu.vector_load %arg12[%get3A_1472, %get3A_1473] {strides = array<i32>} : memref<512x128xf32, #tpu.memory_space<vmem>>, vector<1x16xf32>,
      %get3A_1475 = vector.shape_cast %get3A_1474 : vector<1x16xf32> to vector<16xf32>
      %mul3A_1476 = arith.mulf %gather3A_1445, %get3A_54 : vector<16xf32>
      %add3A_1477 = arith.addf %mul3A_1476, %add3A_87 : vector<16xf32>
      %mul3A_1478 = arith.mulf %get3A_1475, %add3A_1477 : vector<16xf32>
      %swap3A_1479 = arith.index_cast %add3A_1447 : i32 to index
      %swap3A_1480 = arith.constant 32 : index
      %swap3A_1481 = tpu.vector_load %arg12[%swap3A_1479, %swap3A_1480] {strides = array<i32>} : memref<512x128xf32, #tpu.memory_space<vmem>>, vector<1x16xf32>,
      %swap3A_1482 = vector.shape_cast %swap3A_1481 : vector<1x16xf32> to vector<16xf32>
      %swap3A_1483 = vector.shape_cast %mul3A_1478 : vector<16xf32> to vector<1x16xf32>
      tpu.vector_store %arg12[%swap3A_1479, %swap3A_1480], %swap3A_1483 {strides = array<i32>} : memref<512x128xf32, #tpu.memory_space<vmem>>, vector<1x16xf32>,
      %get3A_1484 = arith.index_cast %add3A_1447 : i32 to index
      %get3A_1485 = arith.constant 48 : index
      %get3A_1486 = tpu.vector_load %arg12[%get3A_1484, %get3A_1485] {strides = array<i32>} : memref<512x128xf32, #tpu.memory_space<vmem>>, vector<1x16xf32>,
      %get3A_1487 = vector.shape_cast %get3A_1486 : vector<1x16xf32> to vector<16xf32>
      %mul3A_1488 = arith.mulf %gather3A_1445, %get3A_57 : vector<16xf32>
      %add3A_1489 = arith.addf %mul3A_1488, %add3A_93 : vector<16xf32>
      %mul3A_1490 = arith.mulf %get3A_1487, %add3A_1489 : vector<16xf32>
      %swap3A_1491 = arith.index_cast %add3A_1447 : i32 to index
      %swap3A_1492 = arith.constant 48 : index
      %swap3A_1493 = tpu.vector_load %arg12[%swap3A_1491, %swap3A_1492] {strides = array<i32>} : memref<512x128xf32, #tpu.memory_space<vmem>>, vector<1x16xf32>,
      %swap3A_1494 = vector.shape_cast %swap3A_1493 : vector<1x16xf32> to vector<16xf32>
      %swap3A_1495 = vector.shape_cast %mul3A_1490 : vector<16xf32> to vector<1x16xf32>
      tpu.vector_store %arg12[%swap3A_1491, %swap3A_1492], %swap3A_1495 {strides = array<i32>} : memref<512x128xf32, #tpu.memory_space<vmem>>, vector<1x16xf32>,
      %get3A_1496 = arith.index_cast %add3A_1447 : i32 to index
      %get3A_1497 = arith.constant 64 : index
      %get3A_1498 = tpu.vector_load %arg12[%get3A_1496, %get3A_1497] {strides = array<i32>} : memref<512x128xf32, #tpu.memory_space<vmem>>, vector<1x16xf32>,
      %get3A_1499 = vector.shape_cast %get3A_1498 : vector<1x16xf32> to vector<16xf32>
      %mul3A_1500 = arith.mulf %gather3A_1445, %get3A_60 : vector<16xf32>
      %add3A_1501 = arith.addf %mul3A_1500, %add3A_99 : vector<16xf32>
      %mul3A_1502 = arith.mulf %get3A_1499, %add3A_1501 : vector<16xf32>
      %swap3A_1503 = arith.index_cast %add3A_1447 : i32 to index
      %swap3A_1504 = arith.constant 64 : index
      %swap3A_1505 = tpu.vector_load %arg12[%swap3A_1503, %swap3A_1504] {strides = array<i32>} : memref<512x128xf32, #tpu.memory_space<vmem>>, vector<1x16xf32>,
      %swap3A_1506 = vector.shape_cast %swap3A_1505 : vector<1x16xf32> to vector<16xf32>
      %swap3A_1507 = vector.shape_cast %mul3A_1502 : vector<16xf32> to vector<1x16xf32>
      tpu.vector_store %arg12[%swap3A_1503, %swap3A_1504], %swap3A_1507 {strides = array<i32>} : memref<512x128xf32, #tpu.memory_space<vmem>>, vector<1x16xf32>,
      %get3A_1508 = arith.index_cast %add3A_1447 : i32 to index
      %get3A_1509 = arith.constant 80 : index
      %get3A_1510 = tpu.vector_load %arg12[%get3A_1508, %get3A_1509] {strides = array<i32>} : memref<512x128xf32, #tpu.memory_space<vmem>>, vector<1x16xf32>,
      %get3A_1511 = vector.shape_cast %get3A_1510 : vector<1x16xf32> to vector<16xf32>
      %mul3A_1512 = arith.mulf %gather3A_1445, %get3A_63 : vector<16xf32>
      %add3A_1513 = arith.addf %mul3A_1512, %add3A_105 : vector<16xf32>
      %mul3A_1514 = arith.mulf %get3A_1511, %add3A_1513 : vector<16xf32>
      %swap3A_1515 = arith.index_cast %add3A_1447 : i32 to index
      %swap3A_1516 = arith.constant 80 : index
      %swap3A_1517 = tpu.vector_load %arg12[%swap3A_1515, %swap3A_1516] {strides = array<i32>} : memref<512x128xf32, #tpu.memory_space<vmem>>, vector<1x16xf32>,
      %swap3A_1518 = vector.shape_cast %swap3A_1517 : vector<1x16xf32> to vector<16xf32>
      %swap3A_1519 = vector.shape_cast %mul3A_1514 : vector<16xf32> to vector<1x16xf32>
      tpu.vector_store %arg12[%swap3A_1515, %swap3A_1516], %swap3A_1519 {strides = array<i32>} : memref<512x128xf32, #tpu.memory_space<vmem>>, vector<1x16xf32>,
      %get3A_1520 = arith.index_cast %add3A_1447 : i32 to index
      %get3A_1521 = arith.constant 96 : index
      %get3A_1522 = tpu.vector_load %arg12[%get3A_1520, %get3A_1521] {strides = array<i32>} : memref<512x128xf32, #tpu.memory_space<vmem>>, vector<1x16xf32>,
      %get3A_1523 = vector.shape_cast %get3A_1522 : vector<1x16xf32> to vector<16xf32>
      %mul3A_1524 = arith.mulf %gather3A_1445, %get3A_66 : vector<16xf32>
      %add3A_1525 = arith.addf %mul3A_1524, %add3A_111 : vector<16xf32>
      %mul3A_1526 = arith.mulf %get3A_1523, %add3A_1525 : vector<16xf32>
      %swap3A_1527 = arith.index_cast %add3A_1447 : i32 to index
      %swap3A_1528 = arith.constant 96 : index
      %swap3A_1529 = tpu.vector_load %arg12[%swap3A_1527, %swap3A_1528] {strides = array<i32>} : memref<512x128xf32, #tpu.memory_space<vmem>>, vector<1x16xf32>,
      %swap3A_1530 = vector.shape_cast %swap3A_1529 : vector<1x16xf32> to vector<16xf32>
      %swap3A_1531 = vector.shape_cast %mul3A_1526 : vector<16xf32> to vector<1x16xf32>
      tpu.vector_store %arg12[%swap3A_1527, %swap3A_1528], %swap3A_1531 {strides = array<i32>} : memref<512x128xf32, #tpu.memory_space<vmem>>, vector<1x16xf32>,
      %get3A_1532 = arith.index_cast %add3A_1447 : i32 to index
      %get3A_1533 = arith.constant 112 : index
      %get3A_1534 = tpu.vector_load %arg12[%get3A_1532, %get3A_1533] {strides = array<i32>} : memref<512x128xf32, #tpu.memory_space<vmem>>, vector<1x16xf32>,
      %get3A_1535 = vector.shape_cast %get3A_1534 : vector<1x16xf32> to vector<16xf32>
      %mul3A_1536 = arith.mulf %gather3A_1445, %get3A_69 : vector<16xf32>
      %add3A_1537 = arith.addf %mul3A_1536, %add3A_117 : vector<16xf32>
      %mul3A_1538 = arith.mulf %get3A_1535, %add3A_1537 : vector<16xf32>
      %swap3A_1539 = arith.index_cast %add3A_1447 : i32 to index
      %swap3A_1540 = arith.constant 112 : index
      %swap3A_1541 = tpu.vector_load %arg12[%swap3A_1539, %swap3A_1540] {strides = array<i32>} : memref<512x128xf32, #tpu.memory_space<vmem>>, vector<1x16xf32>,
      %swap3A_1542 = vector.shape_cast %swap3A_1541 : vector<1x16xf32> to vector<16xf32>
      %swap3A_1543 = vector.shape_cast %mul3A_1538 : vector<16xf32> to vector<1x16xf32>
      tpu.vector_store %arg12[%swap3A_1539, %swap3A_1540], %swap3A_1543 {strides = array<i32>} : memref<512x128xf32, #tpu.memory_space<vmem>>, vector<1x16xf32>,
      %lt3A_1544 = arith.constant 0 : i32
      %lt3A_1545 = vector.broadcast %lt3A_1544 : i32 to vector<16xi32>
      %lt3A_1546 = arith.cmpi slt, %broadcast_in_dim3A_142, %lt3A_1545 : vector<16xi32>
      %add3A_1547 = arith.constant 16 : i32
      %add3A_1548 = vector.broadcast %add3A_1547 : i32 to vector<16xi32>
      %add3A_1549 = arith.addi %broadcast_in_dim3A_142, %add3A_1548 : vector<16xi32>
      %select_n3A_1550 = arith.select %lt3A_1546, %add3A_1549, %broadcast_in_dim3A_142 : vector<16xi1>, vector<16xi32>
      %broadcast_in_dim3A_1551 = vector.shape_cast %select_n3A_1550 : vector<16xi32> to vector<16x1xi32>
      %gather3A_1552 = vector.shape_cast %broadcast_in_dim3A_1551 : vector<16x1xi32> to vector<16xi32>
      %gather3A_1553 = tpu.dynamic_gather %get3A_251[%gather3A_1552] in [0] : vector<16xf32>, vector<16xi32> -> vector<16xf32>
      %add3A_1554 = arith.constant 12 : i32
      %add3A_1555 = arith.addi %add3A_248, %add3A_1554 : i32
      %get3A_1556 = arith.index_cast %add3A_1555 : i32 to index
      %get3A_1557 = arith.constant 0 : index
      %get3A_1558 = tpu.vector_load %arg12[%get3A_1556, %get3A_1557] {strides = array<i32>} : memref<512x128xf32, #tpu.memory_space<vmem>>, vector<1x16xf32>,
      %get3A_1559 = vector.shape_cast %get3A_1558 : vector<1x16xf32> to vector<16xf32>
      %mul3A_1560 = arith.mulf %gather3A_1553, %get3A_48 : vector<16xf32>
      %add3A_1561 = arith.addf %mul3A_1560, %add3A_75 : vector<16xf32>
      %mul3A_1562 = arith.mulf %get3A_1559, %add3A_1561 : vector<16xf32>
      %swap3A_1563 = arith.index_cast %add3A_1555 : i32 to index
      %swap3A_1564 = arith.constant 0 : index
      %swap3A_1565 = tpu.vector_load %arg12[%swap3A_1563, %swap3A_1564] {strides = array<i32>} : memref<512x128xf32, #tpu.memory_space<vmem>>, vector<1x16xf32>,
      %swap3A_1566 = vector.shape_cast %swap3A_1565 : vector<1x16xf32> to vector<16xf32>
      %swap3A_1567 = vector.shape_cast %mul3A_1562 : vector<16xf32> to vector<1x16xf32>
      tpu.vector_store %arg12[%swap3A_1563, %swap3A_1564], %swap3A_1567 {strides = array<i32>} : memref<512x128xf32, #tpu.memory_space<vmem>>, vector<1x16xf32>,
      %get3A_1568 = arith.index_cast %add3A_1555 : i32 to index
      %get3A_1569 = arith.constant 16 : index
      %get3A_1570 = tpu.vector_load %arg12[%get3A_1568, %get3A_1569] {strides = array<i32>} : memref<512x128xf32, #tpu.memory_space<vmem>>, vector<1x16xf32>,
      %get3A_1571 = vector.shape_cast %get3A_1570 : vector<1x16xf32> to vector<16xf32>
      %mul3A_1572 = arith.mulf %gather3A_1553, %get3A_51 : vector<16xf32>
      %add3A_1573 = arith.addf %mul3A_1572, %add3A_81 : vector<16xf32>
      %mul3A_1574 = arith.mulf %get3A_1571, %add3A_1573 : vector<16xf32>
      %swap3A_1575 = arith.index_cast %add3A_1555 : i32 to index
      %swap3A_1576 = arith.constant 16 : index
      %swap3A_1577 = tpu.vector_load %arg12[%swap3A_1575, %swap3A_1576] {strides = array<i32>} : memref<512x128xf32, #tpu.memory_space<vmem>>, vector<1x16xf32>,
      %swap3A_1578 = vector.shape_cast %swap3A_1577 : vector<1x16xf32> to vector<16xf32>
      %swap3A_1579 = vector.shape_cast %mul3A_1574 : vector<16xf32> to vector<1x16xf32>
      tpu.vector_store %arg12[%swap3A_1575, %swap3A_1576], %swap3A_1579 {strides = array<i32>} : memref<512x128xf32, #tpu.memory_space<vmem>>, vector<1x16xf32>,
      %get3A_1580 = arith.index_cast %add3A_1555 : i32 to index
      %get3A_1581 = arith.constant 32 : index
      %get3A_1582 = tpu.vector_load %arg12[%get3A_1580, %get3A_1581] {strides = array<i32>} : memref<512x128xf32, #tpu.memory_space<vmem>>, vector<1x16xf32>,
      %get3A_1583 = vector.shape_cast %get3A_1582 : vector<1x16xf32> to vector<16xf32>
      %mul3A_1584 = arith.mulf %gather3A_1553, %get3A_54 : vector<16xf32>
      %add3A_1585 = arith.addf %mul3A_1584, %add3A_87 : vector<16xf32>
      %mul3A_1586 = arith.mulf %get3A_1583, %add3A_1585 : vector<16xf32>
      %swap3A_1587 = arith.index_cast %add3A_1555 : i32 to index
      %swap3A_1588 = arith.constant 32 : index
      %swap3A_1589 = tpu.vector_load %arg12[%swap3A_1587, %swap3A_1588] {strides = array<i32>} : memref<512x128xf32, #tpu.memory_space<vmem>>, vector<1x16xf32>,
      %swap3A_1590 = vector.shape_cast %swap3A_1589 : vector<1x16xf32> to vector<16xf32>
      %swap3A_1591 = vector.shape_cast %mul3A_1586 : vector<16xf32> to vector<1x16xf32>
      tpu.vector_store %arg12[%swap3A_1587, %swap3A_1588], %swap3A_1591 {strides = array<i32>} : memref<512x128xf32, #tpu.memory_space<vmem>>, vector<1x16xf32>,
      %get3A_1592 = arith.index_cast %add3A_1555 : i32 to index
      %get3A_1593 = arith.constant 48 : index
      %get3A_1594 = tpu.vector_load %arg12[%get3A_1592, %get3A_1593] {strides = array<i32>} : memref<512x128xf32, #tpu.memory_space<vmem>>, vector<1x16xf32>,
      %get3A_1595 = vector.shape_cast %get3A_1594 : vector<1x16xf32> to vector<16xf32>
      %mul3A_1596 = arith.mulf %gather3A_1553, %get3A_57 : vector<16xf32>
      %add3A_1597 = arith.addf %mul3A_1596, %add3A_93 : vector<16xf32>
      %mul3A_1598 = arith.mulf %get3A_1595, %add3A_1597 : vector<16xf32>
      %swap3A_1599 = arith.index_cast %add3A_1555 : i32 to index
      %swap3A_1600 = arith.constant 48 : index
      %swap3A_1601 = tpu.vector_load %arg12[%swap3A_1599, %swap3A_1600] {strides = array<i32>} : memref<512x128xf32, #tpu.memory_space<vmem>>, vector<1x16xf32>,
      %swap3A_1602 = vector.shape_cast %swap3A_1601 : vector<1x16xf32> to vector<16xf32>
      %swap3A_1603 = vector.shape_cast %mul3A_1598 : vector<16xf32> to vector<1x16xf32>
      tpu.vector_store %arg12[%swap3A_1599, %swap3A_1600], %swap3A_1603 {strides = array<i32>} : memref<512x128xf32, #tpu.memory_space<vmem>>, vector<1x16xf32>,
      %get3A_1604 = arith.index_cast %add3A_1555 : i32 to index
      %get3A_1605 = arith.constant 64 : index
      %get3A_1606 = tpu.vector_load %arg12[%get3A_1604, %get3A_1605] {strides = array<i32>} : memref<512x128xf32, #tpu.memory_space<vmem>>, vector<1x16xf32>,
      %get3A_1607 = vector.shape_cast %get3A_1606 : vector<1x16xf32> to vector<16xf32>
      %mul3A_1608 = arith.mulf %gather3A_1553, %get3A_60 : vector<16xf32>
      %add3A_1609 = arith.addf %mul3A_1608, %add3A_99 : vector<16xf32>
      %mul3A_1610 = arith.mulf %get3A_1607, %add3A_1609 : vector<16xf32>
      %swap3A_1611 = arith.index_cast %add3A_1555 : i32 to index
      %swap3A_1612 = arith.constant 64 : index
      %swap3A_1613 = tpu.vector_load %arg12[%swap3A_1611, %swap3A_1612] {strides = array<i32>} : memref<512x128xf32, #tpu.memory_space<vmem>>, vector<1x16xf32>,
      %swap3A_1614 = vector.shape_cast %swap3A_1613 : vector<1x16xf32> to vector<16xf32>
      %swap3A_1615 = vector.shape_cast %mul3A_1610 : vector<16xf32> to vector<1x16xf32>
      tpu.vector_store %arg12[%swap3A_1611, %swap3A_1612], %swap3A_1615 {strides = array<i32>} : memref<512x128xf32, #tpu.memory_space<vmem>>, vector<1x16xf32>,
      %get3A_1616 = arith.index_cast %add3A_1555 : i32 to index
      %get3A_1617 = arith.constant 80 : index
      %get3A_1618 = tpu.vector_load %arg12[%get3A_1616, %get3A_1617] {strides = array<i32>} : memref<512x128xf32, #tpu.memory_space<vmem>>, vector<1x16xf32>,
      %get3A_1619 = vector.shape_cast %get3A_1618 : vector<1x16xf32> to vector<16xf32>
      %mul3A_1620 = arith.mulf %gather3A_1553, %get3A_63 : vector<16xf32>
      %add3A_1621 = arith.addf %mul3A_1620, %add3A_105 : vector<16xf32>
      %mul3A_1622 = arith.mulf %get3A_1619, %add3A_1621 : vector<16xf32>
      %swap3A_1623 = arith.index_cast %add3A_1555 : i32 to index
      %swap3A_1624 = arith.constant 80 : index
      %swap3A_1625 = tpu.vector_load %arg12[%swap3A_1623, %swap3A_1624] {strides = array<i32>} : memref<512x128xf32, #tpu.memory_space<vmem>>, vector<1x16xf32>,
      %swap3A_1626 = vector.shape_cast %swap3A_1625 : vector<1x16xf32> to vector<16xf32>
      %swap3A_1627 = vector.shape_cast %mul3A_1622 : vector<16xf32> to vector<1x16xf32>
      tpu.vector_store %arg12[%swap3A_1623, %swap3A_1624], %swap3A_1627 {strides = array<i32>} : memref<512x128xf32, #tpu.memory_space<vmem>>, vector<1x16xf32>,
      %get3A_1628 = arith.index_cast %add3A_1555 : i32 to index
      %get3A_1629 = arith.constant 96 : index
      %get3A_1630 = tpu.vector_load %arg12[%get3A_1628, %get3A_1629] {strides = array<i32>} : memref<512x128xf32, #tpu.memory_space<vmem>>, vector<1x16xf32>,
      %get3A_1631 = vector.shape_cast %get3A_1630 : vector<1x16xf32> to vector<16xf32>
      %mul3A_1632 = arith.mulf %gather3A_1553, %get3A_66 : vector<16xf32>
      %add3A_1633 = arith.addf %mul3A_1632, %add3A_111 : vector<16xf32>
      %mul3A_1634 = arith.mulf %get3A_1631, %add3A_1633 : vector<16xf32>
      %swap3A_1635 = arith.index_cast %add3A_1555 : i32 to index
      %swap3A_1636 = arith.constant 96 : index
      %swap3A_1637 = tpu.vector_load %arg12[%swap3A_1635, %swap3A_1636] {strides = array<i32>} : memref<512x128xf32, #tpu.memory_space<vmem>>, vector<1x16xf32>,
      %swap3A_1638 = vector.shape_cast %swap3A_1637 : vector<1x16xf32> to vector<16xf32>
      %swap3A_1639 = vector.shape_cast %mul3A_1634 : vector<16xf32> to vector<1x16xf32>
      tpu.vector_store %arg12[%swap3A_1635, %swap3A_1636], %swap3A_1639 {strides = array<i32>} : memref<512x128xf32, #tpu.memory_space<vmem>>, vector<1x16xf32>,
      %get3A_1640 = arith.index_cast %add3A_1555 : i32 to index
      %get3A_1641 = arith.constant 112 : index
      %get3A_1642 = tpu.vector_load %arg12[%get3A_1640, %get3A_1641] {strides = array<i32>} : memref<512x128xf32, #tpu.memory_space<vmem>>, vector<1x16xf32>,
      %get3A_1643 = vector.shape_cast %get3A_1642 : vector<1x16xf32> to vector<16xf32>
      %mul3A_1644 = arith.mulf %gather3A_1553, %get3A_69 : vector<16xf32>
      %add3A_1645 = arith.addf %mul3A_1644, %add3A_117 : vector<16xf32>
      %mul3A_1646 = arith.mulf %get3A_1643, %add3A_1645 : vector<16xf32>
      %swap3A_1647 = arith.index_cast %add3A_1555 : i32 to index
      %swap3A_1648 = arith.constant 112 : index
      %swap3A_1649 = tpu.vector_load %arg12[%swap3A_1647, %swap3A_1648] {strides = array<i32>} : memref<512x128xf32, #tpu.memory_space<vmem>>, vector<1x16xf32>,
      %swap3A_1650 = vector.shape_cast %swap3A_1649 : vector<1x16xf32> to vector<16xf32>
      %swap3A_1651 = vector.shape_cast %mul3A_1646 : vector<16xf32> to vector<1x16xf32>
      tpu.vector_store %arg12[%swap3A_1647, %swap3A_1648], %swap3A_1651 {strides = array<i32>} : memref<512x128xf32, #tpu.memory_space<vmem>>, vector<1x16xf32>,
      %lt3A_1652 = arith.constant 0 : i32
      %lt3A_1653 = vector.broadcast %lt3A_1652 : i32 to vector<16xi32>
      %lt3A_1654 = arith.cmpi slt, %broadcast_in_dim3A_144, %lt3A_1653 : vector<16xi32>
      %add3A_1655 = arith.constant 16 : i32
      %add3A_1656 = vector.broadcast %add3A_1655 : i32 to vector<16xi32>
      %add3A_1657 = arith.addi %broadcast_in_dim3A_144, %add3A_1656 : vector<16xi32>
      %select_n3A_1658 = arith.select %lt3A_1654, %add3A_1657, %broadcast_in_dim3A_144 : vector<16xi1>, vector<16xi32>
      %broadcast_in_dim3A_1659 = vector.shape_cast %select_n3A_1658 : vector<16xi32> to vector<16x1xi32>
      %gather3A_1660 = vector.shape_cast %broadcast_in_dim3A_1659 : vector<16x1xi32> to vector<16xi32>
      %gather3A_1661 = tpu.dynamic_gather %get3A_251[%gather3A_1660] in [0] : vector<16xf32>, vector<16xi32> -> vector<16xf32>
      %add3A_1662 = arith.constant 13 : i32
      %add3A_1663 = arith.addi %add3A_248, %add3A_1662 : i32
      %get3A_1664 = arith.index_cast %add3A_1663 : i32 to index
      %get3A_1665 = arith.constant 0 : index
      %get3A_1666 = tpu.vector_load %arg12[%get3A_1664, %get3A_1665] {strides = array<i32>} : memref<512x128xf32, #tpu.memory_space<vmem>>, vector<1x16xf32>,
      %get3A_1667 = vector.shape_cast %get3A_1666 : vector<1x16xf32> to vector<16xf32>
      %mul3A_1668 = arith.mulf %gather3A_1661, %get3A_48 : vector<16xf32>
      %add3A_1669 = arith.addf %mul3A_1668, %add3A_75 : vector<16xf32>
      %mul3A_1670 = arith.mulf %get3A_1667, %add3A_1669 : vector<16xf32>
      %swap3A_1671 = arith.index_cast %add3A_1663 : i32 to index
      %swap3A_1672 = arith.constant 0 : index
      %swap3A_1673 = tpu.vector_load %arg12[%swap3A_1671, %swap3A_1672] {strides = array<i32>} : memref<512x128xf32, #tpu.memory_space<vmem>>, vector<1x16xf32>,
      %swap3A_1674 = vector.shape_cast %swap3A_1673 : vector<1x16xf32> to vector<16xf32>
      %swap3A_1675 = vector.shape_cast %mul3A_1670 : vector<16xf32> to vector<1x16xf32>
      tpu.vector_store %arg12[%swap3A_1671, %swap3A_1672], %swap3A_1675 {strides = array<i32>} : memref<512x128xf32, #tpu.memory_space<vmem>>, vector<1x16xf32>,
      %get3A_1676 = arith.index_cast %add3A_1663 : i32 to index
      %get3A_1677 = arith.constant 16 : index
      %get3A_1678 = tpu.vector_load %arg12[%get3A_1676, %get3A_1677] {strides = array<i32>} : memref<512x128xf32, #tpu.memory_space<vmem>>, vector<1x16xf32>,
      %get3A_1679 = vector.shape_cast %get3A_1678 : vector<1x16xf32> to vector<16xf32>
      %mul3A_1680 = arith.mulf %gather3A_1661, %get3A_51 : vector<16xf32>
      %add3A_1681 = arith.addf %mul3A_1680, %add3A_81 : vector<16xf32>
      %mul3A_1682 = arith.mulf %get3A_1679, %add3A_1681 : vector<16xf32>
      %swap3A_1683 = arith.index_cast %add3A_1663 : i32 to index
      %swap3A_1684 = arith.constant 16 : index
      %swap3A_1685 = tpu.vector_load %arg12[%swap3A_1683, %swap3A_1684] {strides = array<i32>} : memref<512x128xf32, #tpu.memory_space<vmem>>, vector<1x16xf32>,
      %swap3A_1686 = vector.shape_cast %swap3A_1685 : vector<1x16xf32> to vector<16xf32>
      %swap3A_1687 = vector.shape_cast %mul3A_1682 : vector<16xf32> to vector<1x16xf32>
      tpu.vector_store %arg12[%swap3A_1683, %swap3A_1684], %swap3A_1687 {strides = array<i32>} : memref<512x128xf32, #tpu.memory_space<vmem>>, vector<1x16xf32>,
      %get3A_1688 = arith.index_cast %add3A_1663 : i32 to index
      %get3A_1689 = arith.constant 32 : index
      %get3A_1690 = tpu.vector_load %arg12[%get3A_1688, %get3A_1689] {strides = array<i32>} : memref<512x128xf32, #tpu.memory_space<vmem>>, vector<1x16xf32>,
      %get3A_1691 = vector.shape_cast %get3A_1690 : vector<1x16xf32> to vector<16xf32>
      %mul3A_1692 = arith.mulf %gather3A_1661, %get3A_54 : vector<16xf32>
      %add3A_1693 = arith.addf %mul3A_1692, %add3A_87 : vector<16xf32>
      %mul3A_1694 = arith.mulf %get3A_1691, %add3A_1693 : vector<16xf32>
      %swap3A_1695 = arith.index_cast %add3A_1663 : i32 to index
      %swap3A_1696 = arith.constant 32 : index
      %swap3A_1697 = tpu.vector_load %arg12[%swap3A_1695, %swap3A_1696] {strides = array<i32>} : memref<512x128xf32, #tpu.memory_space<vmem>>, vector<1x16xf32>,
      %swap3A_1698 = vector.shape_cast %swap3A_1697 : vector<1x16xf32> to vector<16xf32>
      %swap3A_1699 = vector.shape_cast %mul3A_1694 : vector<16xf32> to vector<1x16xf32>
      tpu.vector_store %arg12[%swap3A_1695, %swap3A_1696], %swap3A_1699 {strides = array<i32>} : memref<512x128xf32, #tpu.memory_space<vmem>>, vector<1x16xf32>,
      %get3A_1700 = arith.index_cast %add3A_1663 : i32 to index
      %get3A_1701 = arith.constant 48 : index
      %get3A_1702 = tpu.vector_load %arg12[%get3A_1700, %get3A_1701] {strides = array<i32>} : memref<512x128xf32, #tpu.memory_space<vmem>>, vector<1x16xf32>,
      %get3A_1703 = vector.shape_cast %get3A_1702 : vector<1x16xf32> to vector<16xf32>
      %mul3A_1704 = arith.mulf %gather3A_1661, %get3A_57 : vector<16xf32>
      %add3A_1705 = arith.addf %mul3A_1704, %add3A_93 : vector<16xf32>
      %mul3A_1706 = arith.mulf %get3A_1703, %add3A_1705 : vector<16xf32>
      %swap3A_1707 = arith.index_cast %add3A_1663 : i32 to index
      %swap3A_1708 = arith.constant 48 : index
      %swap3A_1709 = tpu.vector_load %arg12[%swap3A_1707, %swap3A_1708] {strides = array<i32>} : memref<512x128xf32, #tpu.memory_space<vmem>>, vector<1x16xf32>,
      %swap3A_1710 = vector.shape_cast %swap3A_1709 : vector<1x16xf32> to vector<16xf32>
      %swap3A_1711 = vector.shape_cast %mul3A_1706 : vector<16xf32> to vector<1x16xf32>
      tpu.vector_store %arg12[%swap3A_1707, %swap3A_1708], %swap3A_1711 {strides = array<i32>} : memref<512x128xf32, #tpu.memory_space<vmem>>, vector<1x16xf32>,
      %get3A_1712 = arith.index_cast %add3A_1663 : i32 to index
      %get3A_1713 = arith.constant 64 : index
      %get3A_1714 = tpu.vector_load %arg12[%get3A_1712, %get3A_1713] {strides = array<i32>} : memref<512x128xf32, #tpu.memory_space<vmem>>, vector<1x16xf32>,
      %get3A_1715 = vector.shape_cast %get3A_1714 : vector<1x16xf32> to vector<16xf32>
      %mul3A_1716 = arith.mulf %gather3A_1661, %get3A_60 : vector<16xf32>
      %add3A_1717 = arith.addf %mul3A_1716, %add3A_99 : vector<16xf32>
      %mul3A_1718 = arith.mulf %get3A_1715, %add3A_1717 : vector<16xf32>
      %swap3A_1719 = arith.index_cast %add3A_1663 : i32 to index
      %swap3A_1720 = arith.constant 64 : index
      %swap3A_1721 = tpu.vector_load %arg12[%swap3A_1719, %swap3A_1720] {strides = array<i32>} : memref<512x128xf32, #tpu.memory_space<vmem>>, vector<1x16xf32>,
      %swap3A_1722 = vector.shape_cast %swap3A_1721 : vector<1x16xf32> to vector<16xf32>
      %swap3A_1723 = vector.shape_cast %mul3A_1718 : vector<16xf32> to vector<1x16xf32>
      tpu.vector_store %arg12[%swap3A_1719, %swap3A_1720], %swap3A_1723 {strides = array<i32>} : memref<512x128xf32, #tpu.memory_space<vmem>>, vector<1x16xf32>,
      %get3A_1724 = arith.index_cast %add3A_1663 : i32 to index
      %get3A_1725 = arith.constant 80 : index
      %get3A_1726 = tpu.vector_load %arg12[%get3A_1724, %get3A_1725] {strides = array<i32>} : memref<512x128xf32, #tpu.memory_space<vmem>>, vector<1x16xf32>,
      %get3A_1727 = vector.shape_cast %get3A_1726 : vector<1x16xf32> to vector<16xf32>
      %mul3A_1728 = arith.mulf %gather3A_1661, %get3A_63 : vector<16xf32>
      %add3A_1729 = arith.addf %mul3A_1728, %add3A_105 : vector<16xf32>
      %mul3A_1730 = arith.mulf %get3A_1727, %add3A_1729 : vector<16xf32>
      %swap3A_1731 = arith.index_cast %add3A_1663 : i32 to index
      %swap3A_1732 = arith.constant 80 : index
      %swap3A_1733 = tpu.vector_load %arg12[%swap3A_1731, %swap3A_1732] {strides = array<i32>} : memref<512x128xf32, #tpu.memory_space<vmem>>, vector<1x16xf32>,
      %swap3A_1734 = vector.shape_cast %swap3A_1733 : vector<1x16xf32> to vector<16xf32>
      %swap3A_1735 = vector.shape_cast %mul3A_1730 : vector<16xf32> to vector<1x16xf32>
      tpu.vector_store %arg12[%swap3A_1731, %swap3A_1732], %swap3A_1735 {strides = array<i32>} : memref<512x128xf32, #tpu.memory_space<vmem>>, vector<1x16xf32>,
      %get3A_1736 = arith.index_cast %add3A_1663 : i32 to index
      %get3A_1737 = arith.constant 96 : index
      %get3A_1738 = tpu.vector_load %arg12[%get3A_1736, %get3A_1737] {strides = array<i32>} : memref<512x128xf32, #tpu.memory_space<vmem>>, vector<1x16xf32>,
      %get3A_1739 = vector.shape_cast %get3A_1738 : vector<1x16xf32> to vector<16xf32>
      %mul3A_1740 = arith.mulf %gather3A_1661, %get3A_66 : vector<16xf32>
      %add3A_1741 = arith.addf %mul3A_1740, %add3A_111 : vector<16xf32>
      %mul3A_1742 = arith.mulf %get3A_1739, %add3A_1741 : vector<16xf32>
      %swap3A_1743 = arith.index_cast %add3A_1663 : i32 to index
      %swap3A_1744 = arith.constant 96 : index
      %swap3A_1745 = tpu.vector_load %arg12[%swap3A_1743, %swap3A_1744] {strides = array<i32>} : memref<512x128xf32, #tpu.memory_space<vmem>>, vector<1x16xf32>,
      %swap3A_1746 = vector.shape_cast %swap3A_1745 : vector<1x16xf32> to vector<16xf32>
      %swap3A_1747 = vector.shape_cast %mul3A_1742 : vector<16xf32> to vector<1x16xf32>
      tpu.vector_store %arg12[%swap3A_1743, %swap3A_1744], %swap3A_1747 {strides = array<i32>} : memref<512x128xf32, #tpu.memory_space<vmem>>, vector<1x16xf32>,
      %get3A_1748 = arith.index_cast %add3A_1663 : i32 to index
      %get3A_1749 = arith.constant 112 : index
      %get3A_1750 = tpu.vector_load %arg12[%get3A_1748, %get3A_1749] {strides = array<i32>} : memref<512x128xf32, #tpu.memory_space<vmem>>, vector<1x16xf32>,
      %get3A_1751 = vector.shape_cast %get3A_1750 : vector<1x16xf32> to vector<16xf32>
      %mul3A_1752 = arith.mulf %gather3A_1661, %get3A_69 : vector<16xf32>
      %add3A_1753 = arith.addf %mul3A_1752, %add3A_117 : vector<16xf32>
      %mul3A_1754 = arith.mulf %get3A_1751, %add3A_1753 : vector<16xf32>
      %swap3A_1755 = arith.index_cast %add3A_1663 : i32 to index
      %swap3A_1756 = arith.constant 112 : index
      %swap3A_1757 = tpu.vector_load %arg12[%swap3A_1755, %swap3A_1756] {strides = array<i32>} : memref<512x128xf32, #tpu.memory_space<vmem>>, vector<1x16xf32>,
      %swap3A_1758 = vector.shape_cast %swap3A_1757 : vector<1x16xf32> to vector<16xf32>
      %swap3A_1759 = vector.shape_cast %mul3A_1754 : vector<16xf32> to vector<1x16xf32>
      tpu.vector_store %arg12[%swap3A_1755, %swap3A_1756], %swap3A_1759 {strides = array<i32>} : memref<512x128xf32, #tpu.memory_space<vmem>>, vector<1x16xf32>,
      %lt3A_1760 = arith.constant 0 : i32
      %lt3A_1761 = vector.broadcast %lt3A_1760 : i32 to vector<16xi32>
      %lt3A_1762 = arith.cmpi slt, %broadcast_in_dim3A_146, %lt3A_1761 : vector<16xi32>
      %add3A_1763 = arith.constant 16 : i32
      %add3A_1764 = vector.broadcast %add3A_1763 : i32 to vector<16xi32>
      %add3A_1765 = arith.addi %broadcast_in_dim3A_146, %add3A_1764 : vector<16xi32>
      %select_n3A_1766 = arith.select %lt3A_1762, %add3A_1765, %broadcast_in_dim3A_146 : vector<16xi1>, vector<16xi32>
      %broadcast_in_dim3A_1767 = vector.shape_cast %select_n3A_1766 : vector<16xi32> to vector<16x1xi32>
      %gather3A_1768 = vector.shape_cast %broadcast_in_dim3A_1767 : vector<16x1xi32> to vector<16xi32>
      %gather3A_1769 = tpu.dynamic_gather %get3A_251[%gather3A_1768] in [0] : vector<16xf32>, vector<16xi32> -> vector<16xf32>
      %add3A_1770 = arith.constant 14 : i32
      %add3A_1771 = arith.addi %add3A_248, %add3A_1770 : i32
      %get3A_1772 = arith.index_cast %add3A_1771 : i32 to index
      %get3A_1773 = arith.constant 0 : index
      %get3A_1774 = tpu.vector_load %arg12[%get3A_1772, %get3A_1773] {strides = array<i32>} : memref<512x128xf32, #tpu.memory_space<vmem>>, vector<1x16xf32>,
      %get3A_1775 = vector.shape_cast %get3A_1774 : vector<1x16xf32> to vector<16xf32>
      %mul3A_1776 = arith.mulf %gather3A_1769, %get3A_48 : vector<16xf32>
      %add3A_1777 = arith.addf %mul3A_1776, %add3A_75 : vector<16xf32>
      %mul3A_1778 = arith.mulf %get3A_1775, %add3A_1777 : vector<16xf32>
      %swap3A_1779 = arith.index_cast %add3A_1771 : i32 to index
      %swap3A_1780 = arith.constant 0 : index
      %swap3A_1781 = tpu.vector_load %arg12[%swap3A_1779, %swap3A_1780] {strides = array<i32>} : memref<512x128xf32, #tpu.memory_space<vmem>>, vector<1x16xf32>,
      %swap3A_1782 = vector.shape_cast %swap3A_1781 : vector<1x16xf32> to vector<16xf32>
      %swap3A_1783 = vector.shape_cast %mul3A_1778 : vector<16xf32> to vector<1x16xf32>
      tpu.vector_store %arg12[%swap3A_1779, %swap3A_1780], %swap3A_1783 {strides = array<i32>} : memref<512x128xf32, #tpu.memory_space<vmem>>, vector<1x16xf32>,
      %get3A_1784 = arith.index_cast %add3A_1771 : i32 to index
      %get3A_1785 = arith.constant 16 : index
      %get3A_1786 = tpu.vector_load %arg12[%get3A_1784, %get3A_1785] {strides = array<i32>} : memref<512x128xf32, #tpu.memory_space<vmem>>, vector<1x16xf32>,
      %get3A_1787 = vector.shape_cast %get3A_1786 : vector<1x16xf32> to vector<16xf32>
      %mul3A_1788 = arith.mulf %gather3A_1769, %get3A_51 : vector<16xf32>
      %add3A_1789 = arith.addf %mul3A_1788, %add3A_81 : vector<16xf32>
      %mul3A_1790 = arith.mulf %get3A_1787, %add3A_1789 : vector<16xf32>
      %swap3A_1791 = arith.index_cast %add3A_1771 : i32 to index
      %swap3A_1792 = arith.constant 16 : index
      %swap3A_1793 = tpu.vector_load %arg12[%swap3A_1791, %swap3A_1792] {strides = array<i32>} : memref<512x128xf32, #tpu.memory_space<vmem>>, vector<1x16xf32>,
      %swap3A_1794 = vector.shape_cast %swap3A_1793 : vector<1x16xf32> to vector<16xf32>
      %swap3A_1795 = vector.shape_cast %mul3A_1790 : vector<16xf32> to vector<1x16xf32>
      tpu.vector_store %arg12[%swap3A_1791, %swap3A_1792], %swap3A_1795 {strides = array<i32>} : memref<512x128xf32, #tpu.memory_space<vmem>>, vector<1x16xf32>,
      %get3A_1796 = arith.index_cast %add3A_1771 : i32 to index
      %get3A_1797 = arith.constant 32 : index
      %get3A_1798 = tpu.vector_load %arg12[%get3A_1796, %get3A_1797] {strides = array<i32>} : memref<512x128xf32, #tpu.memory_space<vmem>>, vector<1x16xf32>,
      %get3A_1799 = vector.shape_cast %get3A_1798 : vector<1x16xf32> to vector<16xf32>
      %mul3A_1800 = arith.mulf %gather3A_1769, %get3A_54 : vector<16xf32>
      %add3A_1801 = arith.addf %mul3A_1800, %add3A_87 : vector<16xf32>
      %mul3A_1802 = arith.mulf %get3A_1799, %add3A_1801 : vector<16xf32>
      %swap3A_1803 = arith.index_cast %add3A_1771 : i32 to index
      %swap3A_1804 = arith.constant 32 : index
      %swap3A_1805 = tpu.vector_load %arg12[%swap3A_1803, %swap3A_1804] {strides = array<i32>} : memref<512x128xf32, #tpu.memory_space<vmem>>, vector<1x16xf32>,
      %swap3A_1806 = vector.shape_cast %swap3A_1805 : vector<1x16xf32> to vector<16xf32>
      %swap3A_1807 = vector.shape_cast %mul3A_1802 : vector<16xf32> to vector<1x16xf32>
      tpu.vector_store %arg12[%swap3A_1803, %swap3A_1804], %swap3A_1807 {strides = array<i32>} : memref<512x128xf32, #tpu.memory_space<vmem>>, vector<1x16xf32>,
      %get3A_1808 = arith.index_cast %add3A_1771 : i32 to index
      %get3A_1809 = arith.constant 48 : index
      %get3A_1810 = tpu.vector_load %arg12[%get3A_1808, %get3A_1809] {strides = array<i32>} : memref<512x128xf32, #tpu.memory_space<vmem>>, vector<1x16xf32>,
      %get3A_1811 = vector.shape_cast %get3A_1810 : vector<1x16xf32> to vector<16xf32>
      %mul3A_1812 = arith.mulf %gather3A_1769, %get3A_57 : vector<16xf32>
      %add3A_1813 = arith.addf %mul3A_1812, %add3A_93 : vector<16xf32>
      %mul3A_1814 = arith.mulf %get3A_1811, %add3A_1813 : vector<16xf32>
      %swap3A_1815 = arith.index_cast %add3A_1771 : i32 to index
      %swap3A_1816 = arith.constant 48 : index
      %swap3A_1817 = tpu.vector_load %arg12[%swap3A_1815, %swap3A_1816] {strides = array<i32>} : memref<512x128xf32, #tpu.memory_space<vmem>>, vector<1x16xf32>,
      %swap3A_1818 = vector.shape_cast %swap3A_1817 : vector<1x16xf32> to vector<16xf32>
      %swap3A_1819 = vector.shape_cast %mul3A_1814 : vector<16xf32> to vector<1x16xf32>
      tpu.vector_store %arg12[%swap3A_1815, %swap3A_1816], %swap3A_1819 {strides = array<i32>} : memref<512x128xf32, #tpu.memory_space<vmem>>, vector<1x16xf32>,
      %get3A_1820 = arith.index_cast %add3A_1771 : i32 to index
      %get3A_1821 = arith.constant 64 : index
      %get3A_1822 = tpu.vector_load %arg12[%get3A_1820, %get3A_1821] {strides = array<i32>} : memref<512x128xf32, #tpu.memory_space<vmem>>, vector<1x16xf32>,
      %get3A_1823 = vector.shape_cast %get3A_1822 : vector<1x16xf32> to vector<16xf32>
      %mul3A_1824 = arith.mulf %gather3A_1769, %get3A_60 : vector<16xf32>
      %add3A_1825 = arith.addf %mul3A_1824, %add3A_99 : vector<16xf32>
      %mul3A_1826 = arith.mulf %get3A_1823, %add3A_1825 : vector<16xf32>
      %swap3A_1827 = arith.index_cast %add3A_1771 : i32 to index
      %swap3A_1828 = arith.constant 64 : index
      %swap3A_1829 = tpu.vector_load %arg12[%swap3A_1827, %swap3A_1828] {strides = array<i32>} : memref<512x128xf32, #tpu.memory_space<vmem>>, vector<1x16xf32>,
      %swap3A_1830 = vector.shape_cast %swap3A_1829 : vector<1x16xf32> to vector<16xf32>
      %swap3A_1831 = vector.shape_cast %mul3A_1826 : vector<16xf32> to vector<1x16xf32>
      tpu.vector_store %arg12[%swap3A_1827, %swap3A_1828], %swap3A_1831 {strides = array<i32>} : memref<512x128xf32, #tpu.memory_space<vmem>>, vector<1x16xf32>,
      %get3A_1832 = arith.index_cast %add3A_1771 : i32 to index
      %get3A_1833 = arith.constant 80 : index
      %get3A_1834 = tpu.vector_load %arg12[%get3A_1832, %get3A_1833] {strides = array<i32>} : memref<512x128xf32, #tpu.memory_space<vmem>>, vector<1x16xf32>,
      %get3A_1835 = vector.shape_cast %get3A_1834 : vector<1x16xf32> to vector<16xf32>
      %mul3A_1836 = arith.mulf %gather3A_1769, %get3A_63 : vector<16xf32>
      %add3A_1837 = arith.addf %mul3A_1836, %add3A_105 : vector<16xf32>
      %mul3A_1838 = arith.mulf %get3A_1835, %add3A_1837 : vector<16xf32>
      %swap3A_1839 = arith.index_cast %add3A_1771 : i32 to index
      %swap3A_1840 = arith.constant 80 : index
      %swap3A_1841 = tpu.vector_load %arg12[%swap3A_1839, %swap3A_1840] {strides = array<i32>} : memref<512x128xf32, #tpu.memory_space<vmem>>, vector<1x16xf32>,
      %swap3A_1842 = vector.shape_cast %swap3A_1841 : vector<1x16xf32> to vector<16xf32>
      %swap3A_1843 = vector.shape_cast %mul3A_1838 : vector<16xf32> to vector<1x16xf32>
      tpu.vector_store %arg12[%swap3A_1839, %swap3A_1840], %swap3A_1843 {strides = array<i32>} : memref<512x128xf32, #tpu.memory_space<vmem>>, vector<1x16xf32>,
      %get3A_1844 = arith.index_cast %add3A_1771 : i32 to index
      %get3A_1845 = arith.constant 96 : index
      %get3A_1846 = tpu.vector_load %arg12[%get3A_1844, %get3A_1845] {strides = array<i32>} : memref<512x128xf32, #tpu.memory_space<vmem>>, vector<1x16xf32>,
      %get3A_1847 = vector.shape_cast %get3A_1846 : vector<1x16xf32> to vector<16xf32>
      %mul3A_1848 = arith.mulf %gather3A_1769, %get3A_66 : vector<16xf32>
      %add3A_1849 = arith.addf %mul3A_1848, %add3A_111 : vector<16xf32>
      %mul3A_1850 = arith.mulf %get3A_1847, %add3A_1849 : vector<16xf32>
      %swap3A_1851 = arith.index_cast %add3A_1771 : i32 to index
      %swap3A_1852 = arith.constant 96 : index
      %swap3A_1853 = tpu.vector_load %arg12[%swap3A_1851, %swap3A_1852] {strides = array<i32>} : memref<512x128xf32, #tpu.memory_space<vmem>>, vector<1x16xf32>,
      %swap3A_1854 = vector.shape_cast %swap3A_1853 : vector<1x16xf32> to vector<16xf32>
      %swap3A_1855 = vector.shape_cast %mul3A_1850 : vector<16xf32> to vector<1x16xf32>
      tpu.vector_store %arg12[%swap3A_1851, %swap3A_1852], %swap3A_1855 {strides = array<i32>} : memref<512x128xf32, #tpu.memory_space<vmem>>, vector<1x16xf32>,
      %get3A_1856 = arith.index_cast %add3A_1771 : i32 to index
      %get3A_1857 = arith.constant 112 : index
      %get3A_1858 = tpu.vector_load %arg12[%get3A_1856, %get3A_1857] {strides = array<i32>} : memref<512x128xf32, #tpu.memory_space<vmem>>, vector<1x16xf32>,
      %get3A_1859 = vector.shape_cast %get3A_1858 : vector<1x16xf32> to vector<16xf32>
      %mul3A_1860 = arith.mulf %gather3A_1769, %get3A_69 : vector<16xf32>
      %add3A_1861 = arith.addf %mul3A_1860, %add3A_117 : vector<16xf32>
      %mul3A_1862 = arith.mulf %get3A_1859, %add3A_1861 : vector<16xf32>
      %swap3A_1863 = arith.index_cast %add3A_1771 : i32 to index
      %swap3A_1864 = arith.constant 112 : index
      %swap3A_1865 = tpu.vector_load %arg12[%swap3A_1863, %swap3A_1864] {strides = array<i32>} : memref<512x128xf32, #tpu.memory_space<vmem>>, vector<1x16xf32>,
      %swap3A_1866 = vector.shape_cast %swap3A_1865 : vector<1x16xf32> to vector<16xf32>
      %swap3A_1867 = vector.shape_cast %mul3A_1862 : vector<16xf32> to vector<1x16xf32>
      tpu.vector_store %arg12[%swap3A_1863, %swap3A_1864], %swap3A_1867 {strides = array<i32>} : memref<512x128xf32, #tpu.memory_space<vmem>>, vector<1x16xf32>,
      %lt3A_1868 = arith.constant 0 : i32
      %lt3A_1869 = vector.broadcast %lt3A_1868 : i32 to vector<16xi32>
      %lt3A_1870 = arith.cmpi slt, %broadcast_in_dim3A_148, %lt3A_1869 : vector<16xi32>
      %add3A_1871 = arith.constant 16 : i32
      %add3A_1872 = vector.broadcast %add3A_1871 : i32 to vector<16xi32>
      %add3A_1873 = arith.addi %broadcast_in_dim3A_148, %add3A_1872 : vector<16xi32>
      %select_n3A_1874 = arith.select %lt3A_1870, %add3A_1873, %broadcast_in_dim3A_148 : vector<16xi1>, vector<16xi32>
      %broadcast_in_dim3A_1875 = vector.shape_cast %select_n3A_1874 : vector<16xi32> to vector<16x1xi32>
      %gather3A_1876 = vector.shape_cast %broadcast_in_dim3A_1875 : vector<16x1xi32> to vector<16xi32>
      %gather3A_1877 = tpu.dynamic_gather %get3A_251[%gather3A_1876] in [0] : vector<16xf32>, vector<16xi32> -> vector<16xf32>
      %add3A_1878 = arith.constant 15 : i32
      %add3A_1879 = arith.addi %add3A_248, %add3A_1878 : i32
      %get3A_1880 = arith.index_cast %add3A_1879 : i32 to index
      %get3A_1881 = arith.constant 0 : index
      %get3A_1882 = tpu.vector_load %arg12[%get3A_1880, %get3A_1881] {strides = array<i32>} : memref<512x128xf32, #tpu.memory_space<vmem>>, vector<1x16xf32>,
      %get3A_1883 = vector.shape_cast %get3A_1882 : vector<1x16xf32> to vector<16xf32>
      %mul3A_1884 = arith.mulf %gather3A_1877, %get3A_48 : vector<16xf32>
      %add3A_1885 = arith.addf %mul3A_1884, %add3A_75 : vector<16xf32>
      %mul3A_1886 = arith.mulf %get3A_1883, %add3A_1885 : vector<16xf32>
      %swap3A_1887 = arith.index_cast %add3A_1879 : i32 to index
      %swap3A_1888 = arith.constant 0 : index
      %swap3A_1889 = tpu.vector_load %arg12[%swap3A_1887, %swap3A_1888] {strides = array<i32>} : memref<512x128xf32, #tpu.memory_space<vmem>>, vector<1x16xf32>,
      %swap3A_1890 = vector.shape_cast %swap3A_1889 : vector<1x16xf32> to vector<16xf32>
      %swap3A_1891 = vector.shape_cast %mul3A_1886 : vector<16xf32> to vector<1x16xf32>
      tpu.vector_store %arg12[%swap3A_1887, %swap3A_1888], %swap3A_1891 {strides = array<i32>} : memref<512x128xf32, #tpu.memory_space<vmem>>, vector<1x16xf32>,
      %get3A_1892 = arith.index_cast %add3A_1879 : i32 to index
      %get3A_1893 = arith.constant 16 : index
      %get3A_1894 = tpu.vector_load %arg12[%get3A_1892, %get3A_1893] {strides = array<i32>} : memref<512x128xf32, #tpu.memory_space<vmem>>, vector<1x16xf32>,
      %get3A_1895 = vector.shape_cast %get3A_1894 : vector<1x16xf32> to vector<16xf32>
      %mul3A_1896 = arith.mulf %gather3A_1877, %get3A_51 : vector<16xf32>
      %add3A_1897 = arith.addf %mul3A_1896, %add3A_81 : vector<16xf32>
      %mul3A_1898 = arith.mulf %get3A_1895, %add3A_1897 : vector<16xf32>
      %swap3A_1899 = arith.index_cast %add3A_1879 : i32 to index
      %swap3A_1900 = arith.constant 16 : index
      %swap3A_1901 = tpu.vector_load %arg12[%swap3A_1899, %swap3A_1900] {strides = array<i32>} : memref<512x128xf32, #tpu.memory_space<vmem>>, vector<1x16xf32>,
      %swap3A_1902 = vector.shape_cast %swap3A_1901 : vector<1x16xf32> to vector<16xf32>
      %swap3A_1903 = vector.shape_cast %mul3A_1898 : vector<16xf32> to vector<1x16xf32>
      tpu.vector_store %arg12[%swap3A_1899, %swap3A_1900], %swap3A_1903 {strides = array<i32>} : memref<512x128xf32, #tpu.memory_space<vmem>>, vector<1x16xf32>,
      %get3A_1904 = arith.index_cast %add3A_1879 : i32 to index
      %get3A_1905 = arith.constant 32 : index
      %get3A_1906 = tpu.vector_load %arg12[%get3A_1904, %get3A_1905] {strides = array<i32>} : memref<512x128xf32, #tpu.memory_space<vmem>>, vector<1x16xf32>,
      %get3A_1907 = vector.shape_cast %get3A_1906 : vector<1x16xf32> to vector<16xf32>
      %mul3A_1908 = arith.mulf %gather3A_1877, %get3A_54 : vector<16xf32>
      %add3A_1909 = arith.addf %mul3A_1908, %add3A_87 : vector<16xf32>
      %mul3A_1910 = arith.mulf %get3A_1907, %add3A_1909 : vector<16xf32>
      %swap3A_1911 = arith.index_cast %add3A_1879 : i32 to index
      %swap3A_1912 = arith.constant 32 : index
      %swap3A_1913 = tpu.vector_load %arg12[%swap3A_1911, %swap3A_1912] {strides = array<i32>} : memref<512x128xf32, #tpu.memory_space<vmem>>, vector<1x16xf32>,
      %swap3A_1914 = vector.shape_cast %swap3A_1913 : vector<1x16xf32> to vector<16xf32>
      %swap3A_1915 = vector.shape_cast %mul3A_1910 : vector<16xf32> to vector<1x16xf32>
      tpu.vector_store %arg12[%swap3A_1911, %swap3A_1912], %swap3A_1915 {strides = array<i32>} : memref<512x128xf32, #tpu.memory_space<vmem>>, vector<1x16xf32>,
      %get3A_1916 = arith.index_cast %add3A_1879 : i32 to index
      %get3A_1917 = arith.constant 48 : index
      %get3A_1918 = tpu.vector_load %arg12[%get3A_1916, %get3A_1917] {strides = array<i32>} : memref<512x128xf32, #tpu.memory_space<vmem>>, vector<1x16xf32>,
      %get3A_1919 = vector.shape_cast %get3A_1918 : vector<1x16xf32> to vector<16xf32>
      %mul3A_1920 = arith.mulf %gather3A_1877, %get3A_57 : vector<16xf32>
      %add3A_1921 = arith.addf %mul3A_1920, %add3A_93 : vector<16xf32>
      %mul3A_1922 = arith.mulf %get3A_1919, %add3A_1921 : vector<16xf32>
      %swap3A_1923 = arith.index_cast %add3A_1879 : i32 to index
      %swap3A_1924 = arith.constant 48 : index
      %swap3A_1925 = tpu.vector_load %arg12[%swap3A_1923, %swap3A_1924] {strides = array<i32>} : memref<512x128xf32, #tpu.memory_space<vmem>>, vector<1x16xf32>,
      %swap3A_1926 = vector.shape_cast %swap3A_1925 : vector<1x16xf32> to vector<16xf32>
      %swap3A_1927 = vector.shape_cast %mul3A_1922 : vector<16xf32> to vector<1x16xf32>
      tpu.vector_store %arg12[%swap3A_1923, %swap3A_1924], %swap3A_1927 {strides = array<i32>} : memref<512x128xf32, #tpu.memory_space<vmem>>, vector<1x16xf32>,
      %get3A_1928 = arith.index_cast %add3A_1879 : i32 to index
      %get3A_1929 = arith.constant 64 : index
      %get3A_1930 = tpu.vector_load %arg12[%get3A_1928, %get3A_1929] {strides = array<i32>} : memref<512x128xf32, #tpu.memory_space<vmem>>, vector<1x16xf32>,
      %get3A_1931 = vector.shape_cast %get3A_1930 : vector<1x16xf32> to vector<16xf32>
      %mul3A_1932 = arith.mulf %gather3A_1877, %get3A_60 : vector<16xf32>
      %add3A_1933 = arith.addf %mul3A_1932, %add3A_99 : vector<16xf32>
      %mul3A_1934 = arith.mulf %get3A_1931, %add3A_1933 : vector<16xf32>
      %swap3A_1935 = arith.index_cast %add3A_1879 : i32 to index
      %swap3A_1936 = arith.constant 64 : index
      %swap3A_1937 = tpu.vector_load %arg12[%swap3A_1935, %swap3A_1936] {strides = array<i32>} : memref<512x128xf32, #tpu.memory_space<vmem>>, vector<1x16xf32>,
      %swap3A_1938 = vector.shape_cast %swap3A_1937 : vector<1x16xf32> to vector<16xf32>
      %swap3A_1939 = vector.shape_cast %mul3A_1934 : vector<16xf32> to vector<1x16xf32>
      tpu.vector_store %arg12[%swap3A_1935, %swap3A_1936], %swap3A_1939 {strides = array<i32>} : memref<512x128xf32, #tpu.memory_space<vmem>>, vector<1x16xf32>,
      %get3A_1940 = arith.index_cast %add3A_1879 : i32 to index
      %get3A_1941 = arith.constant 80 : index
      %get3A_1942 = tpu.vector_load %arg12[%get3A_1940, %get3A_1941] {strides = array<i32>} : memref<512x128xf32, #tpu.memory_space<vmem>>, vector<1x16xf32>,
      %get3A_1943 = vector.shape_cast %get3A_1942 : vector<1x16xf32> to vector<16xf32>
      %mul3A_1944 = arith.mulf %gather3A_1877, %get3A_63 : vector<16xf32>
      %add3A_1945 = arith.addf %mul3A_1944, %add3A_105 : vector<16xf32>
      %mul3A_1946 = arith.mulf %get3A_1943, %add3A_1945 : vector<16xf32>
      %swap3A_1947 = arith.index_cast %add3A_1879 : i32 to index
      %swap3A_1948 = arith.constant 80 : index
      %swap3A_1949 = tpu.vector_load %arg12[%swap3A_1947, %swap3A_1948] {strides = array<i32>} : memref<512x128xf32, #tpu.memory_space<vmem>>, vector<1x16xf32>,
      %swap3A_1950 = vector.shape_cast %swap3A_1949 : vector<1x16xf32> to vector<16xf32>
      %swap3A_1951 = vector.shape_cast %mul3A_1946 : vector<16xf32> to vector<1x16xf32>
      tpu.vector_store %arg12[%swap3A_1947, %swap3A_1948], %swap3A_1951 {strides = array<i32>} : memref<512x128xf32, #tpu.memory_space<vmem>>, vector<1x16xf32>,
      %get3A_1952 = arith.index_cast %add3A_1879 : i32 to index
      %get3A_1953 = arith.constant 96 : index
      %get3A_1954 = tpu.vector_load %arg12[%get3A_1952, %get3A_1953] {strides = array<i32>} : memref<512x128xf32, #tpu.memory_space<vmem>>, vector<1x16xf32>,
      %get3A_1955 = vector.shape_cast %get3A_1954 : vector<1x16xf32> to vector<16xf32>
      %mul3A_1956 = arith.mulf %gather3A_1877, %get3A_66 : vector<16xf32>
      %add3A_1957 = arith.addf %mul3A_1956, %add3A_111 : vector<16xf32>
      %mul3A_1958 = arith.mulf %get3A_1955, %add3A_1957 : vector<16xf32>
      %swap3A_1959 = arith.index_cast %add3A_1879 : i32 to index
      %swap3A_1960 = arith.constant 96 : index
      %swap3A_1961 = tpu.vector_load %arg12[%swap3A_1959, %swap3A_1960] {strides = array<i32>} : memref<512x128xf32, #tpu.memory_space<vmem>>, vector<1x16xf32>,
      %swap3A_1962 = vector.shape_cast %swap3A_1961 : vector<1x16xf32> to vector<16xf32>
      %swap3A_1963 = vector.shape_cast %mul3A_1958 : vector<16xf32> to vector<1x16xf32>
      tpu.vector_store %arg12[%swap3A_1959, %swap3A_1960], %swap3A_1963 {strides = array<i32>} : memref<512x128xf32, #tpu.memory_space<vmem>>, vector<1x16xf32>,
      %get3A_1964 = arith.index_cast %add3A_1879 : i32 to index
      %get3A_1965 = arith.constant 112 : index
      %get3A_1966 = tpu.vector_load %arg12[%get3A_1964, %get3A_1965] {strides = array<i32>} : memref<512x128xf32, #tpu.memory_space<vmem>>, vector<1x16xf32>,
      %get3A_1967 = vector.shape_cast %get3A_1966 : vector<1x16xf32> to vector<16xf32>
      %mul3A_1968 = arith.mulf %gather3A_1877, %get3A_69 : vector<16xf32>
      %add3A_1969 = arith.addf %mul3A_1968, %add3A_117 : vector<16xf32>
      %mul3A_1970 = arith.mulf %get3A_1967, %add3A_1969 : vector<16xf32>
      %swap3A_1971 = arith.index_cast %add3A_1879 : i32 to index
      %swap3A_1972 = arith.constant 112 : index
      %swap3A_1973 = tpu.vector_load %arg12[%swap3A_1971, %swap3A_1972] {strides = array<i32>} : memref<512x128xf32, #tpu.memory_space<vmem>>, vector<1x16xf32>,
      %swap3A_1974 = vector.shape_cast %swap3A_1973 : vector<1x16xf32> to vector<16xf32>
      %swap3A_1975 = vector.shape_cast %mul3A_1970 : vector<16xf32> to vector<1x16xf32>
      tpu.vector_store %arg12[%swap3A_1971, %swap3A_1972], %swap3A_1975 {strides = array<i32>} : memref<512x128xf32, #tpu.memory_space<vmem>>, vector<1x16xf32>,
    }
    %scan3A_177 = arith.constant 16 : i32
    %dma_start3A_178 = arith.constant 0 : i32
    %dma_start3A_179 = arith.constant 0 : i32
    %dma_start3A_180 = tpu.memref_slice %arg12[%dma_start3A_178, %dma_start3A_179] : memref<512x128xf32, #tpu.memory_space<vmem>> -> memref<256x128xf32, #tpu.memory_space<vmem>>
    %dma_start3A_181 = arith.constant 0 : i32
    %dma_start3A_182 = tpu.memref_slice %arg7[%add3A_150, %dma_start3A_181] : memref<16384x128xf32, #tpu.memory_space<hbm>> -> memref<256x128xf32, #tpu.memory_space<hbm>>
    %dma_start3A_183 = arith.constant 0 : i32
    %dma_start3A_184 = tpu.memref_slice %arg7[%add3A_150, %dma_start3A_183] : memref<16384x128xf32, #tpu.memory_space<hbm>> -> memref<256x128xf32, #tpu.memory_space<hbm>>
    %dma_start3A_185 = arith.constant 0 : i32
    %dma_start3A_186 = arith.constant 0 : i32
    %dma_start3A_187 = tpu.memref_slice %arg12[%dma_start3A_185, %dma_start3A_186] : memref<512x128xf32, #tpu.memory_space<vmem>> -> memref<256x128xf32, #tpu.memory_space<vmem>>
    tpu.enqueue_dma source(%dma_start3A_187 : memref<256x128xf32, #tpu.memory_space<vmem>>) target(%dma_start3A_184 : memref<256x128xf32, #tpu.memory_space<hbm>>) target_semaphore(%arg14 : memref<!tpu.dma_semaphore, #tpu.memory_space<semaphore_mem>>)
    %dma_wait3A_188 = arith.constant 2 : i32
    %dma_wait3A_189 = arith.constant 256 : i32
    %dma_wait3A_190 = arith.constant 0 : i32
    %dma_wait3A_191 = tpu.memref_slice %arg12[%dma_wait3A_189, %dma_wait3A_190] : memref<512x128xf32, #tpu.memory_space<vmem>> -> memref<128x128xf32, #tpu.memory_space<vmem>>
    %dma_wait3A_192 = arith.constant 0 : i32
    %dma_wait3A_193 = tpu.memref_slice %arg8[%dma_wait3A_188, %dma_wait3A_192] : memref<4x128xi32, #tpu.memory_space<vmem>> -> memref<1x128xi32, #tpu.memory_space<vmem>>
    %dma_wait3A_194 = tpu.memref_squeeze %dma_wait3A_193 : memref<1x128xi32, #tpu.memory_space<vmem>> -> memref<128xi32, #tpu.memory_space<vmem>>
    %dma_wait3A_195 = arith.constant 0 : i32
    %dma_wait3A_196 = arith.constant 0 : i32
    %dma_wait3A_197 = tpu.memref_slice %arg2[%dma_wait3A_195, %dma_wait3A_196] : memref<1000000x128xf32, #tpu.memory_space<hbm>> -> memref<1000000x128xf32, #tpu.memory_space<hbm>>
    tpu.wait_indirect_dma semaphore(%arg13 : memref<!tpu.dma_semaphore, #tpu.memory_space<semaphore_mem>>) src(%dma_wait3A_197 : memref<1000000x128xf32, #tpu.memory_space<hbm>>) dst(%dma_wait3A_191 : memref<128x128xf32, #tpu.memory_space<vmem>>)
    %dma_wait3A_198 = arith.constant 3 : i32
    %dma_wait3A_199 = arith.constant 384 : i32
    %dma_wait3A_200 = arith.constant 0 : i32
    %dma_wait3A_201 = tpu.memref_slice %arg12[%dma_wait3A_199, %dma_wait3A_200] : memref<512x128xf32, #tpu.memory_space<vmem>> -> memref<128x128xf32, #tpu.memory_space<vmem>>
    %dma_wait3A_202 = arith.constant 0 : i32
    %dma_wait3A_203 = tpu.memref_slice %arg8[%dma_wait3A_198, %dma_wait3A_202] : memref<4x128xi32, #tpu.memory_space<vmem>> -> memref<1x128xi32, #tpu.memory_space<vmem>>
    %dma_wait3A_204 = tpu.memref_squeeze %dma_wait3A_203 : memref<1x128xi32, #tpu.memory_space<vmem>> -> memref<128xi32, #tpu.memory_space<vmem>>
    %dma_wait3A_205 = arith.constant 0 : i32
    %dma_wait3A_206 = arith.constant 0 : i32
    %dma_wait3A_207 = tpu.memref_slice %arg2[%dma_wait3A_205, %dma_wait3A_206] : memref<1000000x128xf32, #tpu.memory_space<hbm>> -> memref<1000000x128xf32, #tpu.memory_space<hbm>>
    tpu.wait_indirect_dma semaphore(%arg13 : memref<!tpu.dma_semaphore, #tpu.memory_space<semaphore_mem>>) src(%dma_wait3A_207 : memref<1000000x128xf32, #tpu.memory_space<hbm>>) dst(%dma_wait3A_201 : memref<128x128xf32, #tpu.memory_space<vmem>>)
    %scan3A_208 = arith.constant 0 : i32
    %scan3A_209 = arith.constant 0 : i32
    %scan3A_210 = arith.constant 16 : i32
    %scan3A_211 = arith.addi %scan3A_209, %scan3A_210 : i32
    %scan3A_212 = arith.constant 1 : i32
    scf.for %scan3A_244 = %scan3A_209 to %scan3A_211 step %scan3A_212  : i32 {
      %mul3A_245 = arith.constant 16 : i32
      %mul3A_246 = arith.muli %scan3A_244, %mul3A_245 : i32
      %add3A_247 = arith.constant 256 : i32
      %add3A_248 = arith.addi %add3A_247, %mul3A_246 : i32
      %get3A_249 = arith.index_cast %add3A_248 : i32 to index
      %get3A_250 = tpu.vector_load %arg9[%get3A_249] {strides = array<i32>} : memref<512xf32, #tpu.memory_space<vmem>>, vector<16xf32>,
      %get3A_251 = vector.shape_cast %get3A_250 : vector<16xf32> to vector<16xf32>
      %lt3A = arith.constant 0 : i32
      %lt3A_252 = vector.broadcast %lt3A : i32 to vector<16xi32>
      %lt3A_253 = arith.cmpi slt, %broadcast_in_dim3A_118, %lt3A_252 : vector<16xi32>
      %add3A_254 = arith.constant 16 : i32
      %add3A_255 = vector.broadcast %add3A_254 : i32 to vector<16xi32>
      %add3A_256 = arith.addi %broadcast_in_dim3A_118, %add3A_255 : vector<16xi32>
      %select_n3A = arith.select %lt3A_253, %add3A_256, %broadcast_in_dim3A_118 : vector<16xi1>, vector<16xi32>
      %broadcast_in_dim3A_257 = vector.shape_cast %select_n3A : vector<16xi32> to vector<16x1xi32>
      %gather3A = vector.shape_cast %broadcast_in_dim3A_257 : vector<16x1xi32> to vector<16xi32>
      %gather3A_258 = tpu.dynamic_gather %get3A_251[%gather3A] in [0] : vector<16xf32>, vector<16xi32> -> vector<16xf32>
      %add3A_259 = arith.constant 0 : i32
      %add3A_260 = arith.addi %add3A_248, %add3A_259 : i32
      %get3A_261 = arith.index_cast %add3A_260 : i32 to index
      %get3A_262 = arith.constant 0 : index
      %get3A_263 = tpu.vector_load %arg12[%get3A_261, %get3A_262] {strides = array<i32>} : memref<512x128xf32, #tpu.memory_space<vmem>>, vector<1x16xf32>,
      %get3A_264 = vector.shape_cast %get3A_263 : vector<1x16xf32> to vector<16xf32>
      %mul3A_265 = arith.mulf %gather3A_258, %get3A_48 : vector<16xf32>
      %add3A_266 = arith.addf %mul3A_265, %add3A_75 : vector<16xf32>
      %mul3A_267 = arith.mulf %get3A_264, %add3A_266 : vector<16xf32>
      %swap3A = arith.index_cast %add3A_260 : i32 to index
      %swap3A_268 = arith.constant 0 : index
      %swap3A_269 = tpu.vector_load %arg12[%swap3A, %swap3A_268] {strides = array<i32>} : memref<512x128xf32, #tpu.memory_space<vmem>>, vector<1x16xf32>,
      %swap3A_270 = vector.shape_cast %swap3A_269 : vector<1x16xf32> to vector<16xf32>
      %swap3A_271 = vector.shape_cast %mul3A_267 : vector<16xf32> to vector<1x16xf32>
      tpu.vector_store %arg12[%swap3A, %swap3A_268], %swap3A_271 {strides = array<i32>} : memref<512x128xf32, #tpu.memory_space<vmem>>, vector<1x16xf32>,
      %get3A_272 = arith.index_cast %add3A_260 : i32 to index
      %get3A_273 = arith.constant 16 : index
      %get3A_274 = tpu.vector_load %arg12[%get3A_272, %get3A_273] {strides = array<i32>} : memref<512x128xf32, #tpu.memory_space<vmem>>, vector<1x16xf32>,
      %get3A_275 = vector.shape_cast %get3A_274 : vector<1x16xf32> to vector<16xf32>
      %mul3A_276 = arith.mulf %gather3A_258, %get3A_51 : vector<16xf32>
      %add3A_277 = arith.addf %mul3A_276, %add3A_81 : vector<16xf32>
      %mul3A_278 = arith.mulf %get3A_275, %add3A_277 : vector<16xf32>
      %swap3A_279 = arith.index_cast %add3A_260 : i32 to index
      %swap3A_280 = arith.constant 16 : index
      %swap3A_281 = tpu.vector_load %arg12[%swap3A_279, %swap3A_280] {strides = array<i32>} : memref<512x128xf32, #tpu.memory_space<vmem>>, vector<1x16xf32>,
      %swap3A_282 = vector.shape_cast %swap3A_281 : vector<1x16xf32> to vector<16xf32>
      %swap3A_283 = vector.shape_cast %mul3A_278 : vector<16xf32> to vector<1x16xf32>
      tpu.vector_store %arg12[%swap3A_279, %swap3A_280], %swap3A_283 {strides = array<i32>} : memref<512x128xf32, #tpu.memory_space<vmem>>, vector<1x16xf32>,
      %get3A_284 = arith.index_cast %add3A_260 : i32 to index
      %get3A_285 = arith.constant 32 : index
      %get3A_286 = tpu.vector_load %arg12[%get3A_284, %get3A_285] {strides = array<i32>} : memref<512x128xf32, #tpu.memory_space<vmem>>, vector<1x16xf32>,
      %get3A_287 = vector.shape_cast %get3A_286 : vector<1x16xf32> to vector<16xf32>
      %mul3A_288 = arith.mulf %gather3A_258, %get3A_54 : vector<16xf32>
      %add3A_289 = arith.addf %mul3A_288, %add3A_87 : vector<16xf32>
      %mul3A_290 = arith.mulf %get3A_287, %add3A_289 : vector<16xf32>
      %swap3A_291 = arith.index_cast %add3A_260 : i32 to index
      %swap3A_292 = arith.constant 32 : index
      %swap3A_293 = tpu.vector_load %arg12[%swap3A_291, %swap3A_292] {strides = array<i32>} : memref<512x128xf32, #tpu.memory_space<vmem>>, vector<1x16xf32>,
      %swap3A_294 = vector.shape_cast %swap3A_293 : vector<1x16xf32> to vector<16xf32>
      %swap3A_295 = vector.shape_cast %mul3A_290 : vector<16xf32> to vector<1x16xf32>
      tpu.vector_store %arg12[%swap3A_291, %swap3A_292], %swap3A_295 {strides = array<i32>} : memref<512x128xf32, #tpu.memory_space<vmem>>, vector<1x16xf32>,
      %get3A_296 = arith.index_cast %add3A_260 : i32 to index
      %get3A_297 = arith.constant 48 : index
      %get3A_298 = tpu.vector_load %arg12[%get3A_296, %get3A_297] {strides = array<i32>} : memref<512x128xf32, #tpu.memory_space<vmem>>, vector<1x16xf32>,
      %get3A_299 = vector.shape_cast %get3A_298 : vector<1x16xf32> to vector<16xf32>
      %mul3A_300 = arith.mulf %gather3A_258, %get3A_57 : vector<16xf32>
      %add3A_301 = arith.addf %mul3A_300, %add3A_93 : vector<16xf32>
      %mul3A_302 = arith.mulf %get3A_299, %add3A_301 : vector<16xf32>
      %swap3A_303 = arith.index_cast %add3A_260 : i32 to index
      %swap3A_304 = arith.constant 48 : index
      %swap3A_305 = tpu.vector_load %arg12[%swap3A_303, %swap3A_304] {strides = array<i32>} : memref<512x128xf32, #tpu.memory_space<vmem>>, vector<1x16xf32>,
      %swap3A_306 = vector.shape_cast %swap3A_305 : vector<1x16xf32> to vector<16xf32>
      %swap3A_307 = vector.shape_cast %mul3A_302 : vector<16xf32> to vector<1x16xf32>
      tpu.vector_store %arg12[%swap3A_303, %swap3A_304], %swap3A_307 {strides = array<i32>} : memref<512x128xf32, #tpu.memory_space<vmem>>, vector<1x16xf32>,
      %get3A_308 = arith.index_cast %add3A_260 : i32 to index
      %get3A_309 = arith.constant 64 : index
      %get3A_310 = tpu.vector_load %arg12[%get3A_308, %get3A_309] {strides = array<i32>} : memref<512x128xf32, #tpu.memory_space<vmem>>, vector<1x16xf32>,
      %get3A_311 = vector.shape_cast %get3A_310 : vector<1x16xf32> to vector<16xf32>
      %mul3A_312 = arith.mulf %gather3A_258, %get3A_60 : vector<16xf32>
      %add3A_313 = arith.addf %mul3A_312, %add3A_99 : vector<16xf32>
      %mul3A_314 = arith.mulf %get3A_311, %add3A_313 : vector<16xf32>
      %swap3A_315 = arith.index_cast %add3A_260 : i32 to index
      %swap3A_316 = arith.constant 64 : index
      %swap3A_317 = tpu.vector_load %arg12[%swap3A_315, %swap3A_316] {strides = array<i32>} : memref<512x128xf32, #tpu.memory_space<vmem>>, vector<1x16xf32>,
      %swap3A_318 = vector.shape_cast %swap3A_317 : vector<1x16xf32> to vector<16xf32>
      %swap3A_319 = vector.shape_cast %mul3A_314 : vector<16xf32> to vector<1x16xf32>
      tpu.vector_store %arg12[%swap3A_315, %swap3A_316], %swap3A_319 {strides = array<i32>} : memref<512x128xf32, #tpu.memory_space<vmem>>, vector<1x16xf32>,
      %get3A_320 = arith.index_cast %add3A_260 : i32 to index
      %get3A_321 = arith.constant 80 : index
      %get3A_322 = tpu.vector_load %arg12[%get3A_320, %get3A_321] {strides = array<i32>} : memref<512x128xf32, #tpu.memory_space<vmem>>, vector<1x16xf32>,
      %get3A_323 = vector.shape_cast %get3A_322 : vector<1x16xf32> to vector<16xf32>
      %mul3A_324 = arith.mulf %gather3A_258, %get3A_63 : vector<16xf32>
      %add3A_325 = arith.addf %mul3A_324, %add3A_105 : vector<16xf32>
      %mul3A_326 = arith.mulf %get3A_323, %add3A_325 : vector<16xf32>
      %swap3A_327 = arith.index_cast %add3A_260 : i32 to index
      %swap3A_328 = arith.constant 80 : index
      %swap3A_329 = tpu.vector_load %arg12[%swap3A_327, %swap3A_328] {strides = array<i32>} : memref<512x128xf32, #tpu.memory_space<vmem>>, vector<1x16xf32>,
      %swap3A_330 = vector.shape_cast %swap3A_329 : vector<1x16xf32> to vector<16xf32>
      %swap3A_331 = vector.shape_cast %mul3A_326 : vector<16xf32> to vector<1x16xf32>
      tpu.vector_store %arg12[%swap3A_327, %swap3A_328], %swap3A_331 {strides = array<i32>} : memref<512x128xf32, #tpu.memory_space<vmem>>, vector<1x16xf32>,
      %get3A_332 = arith.index_cast %add3A_260 : i32 to index
      %get3A_333 = arith.constant 96 : index
      %get3A_334 = tpu.vector_load %arg12[%get3A_332, %get3A_333] {strides = array<i32>} : memref<512x128xf32, #tpu.memory_space<vmem>>, vector<1x16xf32>,
      %get3A_335 = vector.shape_cast %get3A_334 : vector<1x16xf32> to vector<16xf32>
      %mul3A_336 = arith.mulf %gather3A_258, %get3A_66 : vector<16xf32>
      %add3A_337 = arith.addf %mul3A_336, %add3A_111 : vector<16xf32>
      %mul3A_338 = arith.mulf %get3A_335, %add3A_337 : vector<16xf32>
      %swap3A_339 = arith.index_cast %add3A_260 : i32 to index
      %swap3A_340 = arith.constant 96 : index
      %swap3A_341 = tpu.vector_load %arg12[%swap3A_339, %swap3A_340] {strides = array<i32>} : memref<512x128xf32, #tpu.memory_space<vmem>>, vector<1x16xf32>,
      %swap3A_342 = vector.shape_cast %swap3A_341 : vector<1x16xf32> to vector<16xf32>
      %swap3A_343 = vector.shape_cast %mul3A_338 : vector<16xf32> to vector<1x16xf32>
      tpu.vector_store %arg12[%swap3A_339, %swap3A_340], %swap3A_343 {strides = array<i32>} : memref<512x128xf32, #tpu.memory_space<vmem>>, vector<1x16xf32>,
      %get3A_344 = arith.index_cast %add3A_260 : i32 to index
      %get3A_345 = arith.constant 112 : index
      %get3A_346 = tpu.vector_load %arg12[%get3A_344, %get3A_345] {strides = array<i32>} : memref<512x128xf32, #tpu.memory_space<vmem>>, vector<1x16xf32>,
      %get3A_347 = vector.shape_cast %get3A_346 : vector<1x16xf32> to vector<16xf32>
      %mul3A_348 = arith.mulf %gather3A_258, %get3A_69 : vector<16xf32>
      %add3A_349 = arith.addf %mul3A_348, %add3A_117 : vector<16xf32>
      %mul3A_350 = arith.mulf %get3A_347, %add3A_349 : vector<16xf32>
      %swap3A_351 = arith.index_cast %add3A_260 : i32 to index
      %swap3A_352 = arith.constant 112 : index
      %swap3A_353 = tpu.vector_load %arg12[%swap3A_351, %swap3A_352] {strides = array<i32>} : memref<512x128xf32, #tpu.memory_space<vmem>>, vector<1x16xf32>,
      %swap3A_354 = vector.shape_cast %swap3A_353 : vector<1x16xf32> to vector<16xf32>
      %swap3A_355 = vector.shape_cast %mul3A_350 : vector<16xf32> to vector<1x16xf32>
      tpu.vector_store %arg12[%swap3A_351, %swap3A_352], %swap3A_355 {strides = array<i32>} : memref<512x128xf32, #tpu.memory_space<vmem>>, vector<1x16xf32>,
      %lt3A_356 = arith.constant 0 : i32
      %lt3A_357 = vector.broadcast %lt3A_356 : i32 to vector<16xi32>
      %lt3A_358 = arith.cmpi slt, %broadcast_in_dim3A_120, %lt3A_357 : vector<16xi32>
      %add3A_359 = arith.constant 16 : i32
      %add3A_360 = vector.broadcast %add3A_359 : i32 to vector<16xi32>
      %add3A_361 = arith.addi %broadcast_in_dim3A_120, %add3A_360 : vector<16xi32>
      %select_n3A_362 = arith.select %lt3A_358, %add3A_361, %broadcast_in_dim3A_120 : vector<16xi1>, vector<16xi32>
      %broadcast_in_dim3A_363 = vector.shape_cast %select_n3A_362 : vector<16xi32> to vector<16x1xi32>
      %gather3A_364 = vector.shape_cast %broadcast_in_dim3A_363 : vector<16x1xi32> to vector<16xi32>
      %gather3A_365 = tpu.dynamic_gather %get3A_251[%gather3A_364] in [0] : vector<16xf32>, vector<16xi32> -> vector<16xf32>
      %add3A_366 = arith.constant 1 : i32
      %add3A_367 = arith.addi %add3A_248, %add3A_366 : i32
      %get3A_368 = arith.index_cast %add3A_367 : i32 to index
      %get3A_369 = arith.constant 0 : index
      %get3A_370 = tpu.vector_load %arg12[%get3A_368, %get3A_369] {strides = array<i32>} : memref<512x128xf32, #tpu.memory_space<vmem>>, vector<1x16xf32>,
      %get3A_371 = vector.shape_cast %get3A_370 : vector<1x16xf32> to vector<16xf32>
      %mul3A_372 = arith.mulf %gather3A_365, %get3A_48 : vector<16xf32>
      %add3A_373 = arith.addf %mul3A_372, %add3A_75 : vector<16xf32>
      %mul3A_374 = arith.mulf %get3A_371, %add3A_373 : vector<16xf32>
      %swap3A_375 = arith.index_cast %add3A_367 : i32 to index
      %swap3A_376 = arith.constant 0 : index
      %swap3A_377 = tpu.vector_load %arg12[%swap3A_375, %swap3A_376] {strides = array<i32>} : memref<512x128xf32, #tpu.memory_space<vmem>>, vector<1x16xf32>,
      %swap3A_378 = vector.shape_cast %swap3A_377 : vector<1x16xf32> to vector<16xf32>
      %swap3A_379 = vector.shape_cast %mul3A_374 : vector<16xf32> to vector<1x16xf32>
      tpu.vector_store %arg12[%swap3A_375, %swap3A_376], %swap3A_379 {strides = array<i32>} : memref<512x128xf32, #tpu.memory_space<vmem>>, vector<1x16xf32>,
      %get3A_380 = arith.index_cast %add3A_367 : i32 to index
      %get3A_381 = arith.constant 16 : index
      %get3A_382 = tpu.vector_load %arg12[%get3A_380, %get3A_381] {strides = array<i32>} : memref<512x128xf32, #tpu.memory_space<vmem>>, vector<1x16xf32>,
      %get3A_383 = vector.shape_cast %get3A_382 : vector<1x16xf32> to vector<16xf32>
      %mul3A_384 = arith.mulf %gather3A_365, %get3A_51 : vector<16xf32>
      %add3A_385 = arith.addf %mul3A_384, %add3A_81 : vector<16xf32>
      %mul3A_386 = arith.mulf %get3A_383, %add3A_385 : vector<16xf32>
      %swap3A_387 = arith.index_cast %add3A_367 : i32 to index
      %swap3A_388 = arith.constant 16 : index
      %swap3A_389 = tpu.vector_load %arg12[%swap3A_387, %swap3A_388] {strides = array<i32>} : memref<512x128xf32, #tpu.memory_space<vmem>>, vector<1x16xf32>,
      %swap3A_390 = vector.shape_cast %swap3A_389 : vector<1x16xf32> to vector<16xf32>
      %swap3A_391 = vector.shape_cast %mul3A_386 : vector<16xf32> to vector<1x16xf32>
      tpu.vector_store %arg12[%swap3A_387, %swap3A_388], %swap3A_391 {strides = array<i32>} : memref<512x128xf32, #tpu.memory_space<vmem>>, vector<1x16xf32>,
      %get3A_392 = arith.index_cast %add3A_367 : i32 to index
      %get3A_393 = arith.constant 32 : index
      %get3A_394 = tpu.vector_load %arg12[%get3A_392, %get3A_393] {strides = array<i32>} : memref<512x128xf32, #tpu.memory_space<vmem>>, vector<1x16xf32>,
      %get3A_395 = vector.shape_cast %get3A_394 : vector<1x16xf32> to vector<16xf32>
      %mul3A_396 = arith.mulf %gather3A_365, %get3A_54 : vector<16xf32>
      %add3A_397 = arith.addf %mul3A_396, %add3A_87 : vector<16xf32>
      %mul3A_398 = arith.mulf %get3A_395, %add3A_397 : vector<16xf32>
      %swap3A_399 = arith.index_cast %add3A_367 : i32 to index
      %swap3A_400 = arith.constant 32 : index
      %swap3A_401 = tpu.vector_load %arg12[%swap3A_399, %swap3A_400] {strides = array<i32>} : memref<512x128xf32, #tpu.memory_space<vmem>>, vector<1x16xf32>,
      %swap3A_402 = vector.shape_cast %swap3A_401 : vector<1x16xf32> to vector<16xf32>
      %swap3A_403 = vector.shape_cast %mul3A_398 : vector<16xf32> to vector<1x16xf32>
      tpu.vector_store %arg12[%swap3A_399, %swap3A_400], %swap3A_403 {strides = array<i32>} : memref<512x128xf32, #tpu.memory_space<vmem>>, vector<1x16xf32>,
      %get3A_404 = arith.index_cast %add3A_367 : i32 to index
      %get3A_405 = arith.constant 48 : index
      %get3A_406 = tpu.vector_load %arg12[%get3A_404, %get3A_405] {strides = array<i32>} : memref<512x128xf32, #tpu.memory_space<vmem>>, vector<1x16xf32>,
      %get3A_407 = vector.shape_cast %get3A_406 : vector<1x16xf32> to vector<16xf32>
      %mul3A_408 = arith.mulf %gather3A_365, %get3A_57 : vector<16xf32>
      %add3A_409 = arith.addf %mul3A_408, %add3A_93 : vector<16xf32>
      %mul3A_410 = arith.mulf %get3A_407, %add3A_409 : vector<16xf32>
      %swap3A_411 = arith.index_cast %add3A_367 : i32 to index
      %swap3A_412 = arith.constant 48 : index
      %swap3A_413 = tpu.vector_load %arg12[%swap3A_411, %swap3A_412] {strides = array<i32>} : memref<512x128xf32, #tpu.memory_space<vmem>>, vector<1x16xf32>,
      %swap3A_414 = vector.shape_cast %swap3A_413 : vector<1x16xf32> to vector<16xf32>
      %swap3A_415 = vector.shape_cast %mul3A_410 : vector<16xf32> to vector<1x16xf32>
      tpu.vector_store %arg12[%swap3A_411, %swap3A_412], %swap3A_415 {strides = array<i32>} : memref<512x128xf32, #tpu.memory_space<vmem>>, vector<1x16xf32>,
      %get3A_416 = arith.index_cast %add3A_367 : i32 to index
      %get3A_417 = arith.constant 64 : index
      %get3A_418 = tpu.vector_load %arg12[%get3A_416, %get3A_417] {strides = array<i32>} : memref<512x128xf32, #tpu.memory_space<vmem>>, vector<1x16xf32>,
      %get3A_419 = vector.shape_cast %get3A_418 : vector<1x16xf32> to vector<16xf32>
      %mul3A_420 = arith.mulf %gather3A_365, %get3A_60 : vector<16xf32>
      %add3A_421 = arith.addf %mul3A_420, %add3A_99 : vector<16xf32>
      %mul3A_422 = arith.mulf %get3A_419, %add3A_421 : vector<16xf32>
      %swap3A_423 = arith.index_cast %add3A_367 : i32 to index
      %swap3A_424 = arith.constant 64 : index
      %swap3A_425 = tpu.vector_load %arg12[%swap3A_423, %swap3A_424] {strides = array<i32>} : memref<512x128xf32, #tpu.memory_space<vmem>>, vector<1x16xf32>,
      %swap3A_426 = vector.shape_cast %swap3A_425 : vector<1x16xf32> to vector<16xf32>
      %swap3A_427 = vector.shape_cast %mul3A_422 : vector<16xf32> to vector<1x16xf32>
      tpu.vector_store %arg12[%swap3A_423, %swap3A_424], %swap3A_427 {strides = array<i32>} : memref<512x128xf32, #tpu.memory_space<vmem>>, vector<1x16xf32>,
      %get3A_428 = arith.index_cast %add3A_367 : i32 to index
      %get3A_429 = arith.constant 80 : index
      %get3A_430 = tpu.vector_load %arg12[%get3A_428, %get3A_429] {strides = array<i32>} : memref<512x128xf32, #tpu.memory_space<vmem>>, vector<1x16xf32>,
      %get3A_431 = vector.shape_cast %get3A_430 : vector<1x16xf32> to vector<16xf32>
      %mul3A_432 = arith.mulf %gather3A_365, %get3A_63 : vector<16xf32>
      %add3A_433 = arith.addf %mul3A_432, %add3A_105 : vector<16xf32>
      %mul3A_434 = arith.mulf %get3A_431, %add3A_433 : vector<16xf32>
      %swap3A_435 = arith.index_cast %add3A_367 : i32 to index
      %swap3A_436 = arith.constant 80 : index
      %swap3A_437 = tpu.vector_load %arg12[%swap3A_435, %swap3A_436] {strides = array<i32>} : memref<512x128xf32, #tpu.memory_space<vmem>>, vector<1x16xf32>,
      %swap3A_438 = vector.shape_cast %swap3A_437 : vector<1x16xf32> to vector<16xf32>
      %swap3A_439 = vector.shape_cast %mul3A_434 : vector<16xf32> to vector<1x16xf32>
      tpu.vector_store %arg12[%swap3A_435, %swap3A_436], %swap3A_439 {strides = array<i32>} : memref<512x128xf32, #tpu.memory_space<vmem>>, vector<1x16xf32>,
      %get3A_440 = arith.index_cast %add3A_367 : i32 to index
      %get3A_441 = arith.constant 96 : index
      %get3A_442 = tpu.vector_load %arg12[%get3A_440, %get3A_441] {strides = array<i32>} : memref<512x128xf32, #tpu.memory_space<vmem>>, vector<1x16xf32>,
      %get3A_443 = vector.shape_cast %get3A_442 : vector<1x16xf32> to vector<16xf32>
      %mul3A_444 = arith.mulf %gather3A_365, %get3A_66 : vector<16xf32>
      %add3A_445 = arith.addf %mul3A_444, %add3A_111 : vector<16xf32>
      %mul3A_446 = arith.mulf %get3A_443, %add3A_445 : vector<16xf32>
      %swap3A_447 = arith.index_cast %add3A_367 : i32 to index
      %swap3A_448 = arith.constant 96 : index
      %swap3A_449 = tpu.vector_load %arg12[%swap3A_447, %swap3A_448] {strides = array<i32>} : memref<512x128xf32, #tpu.memory_space<vmem>>, vector<1x16xf32>,
      %swap3A_450 = vector.shape_cast %swap3A_449 : vector<1x16xf32> to vector<16xf32>
      %swap3A_451 = vector.shape_cast %mul3A_446 : vector<16xf32> to vector<1x16xf32>
      tpu.vector_store %arg12[%swap3A_447, %swap3A_448], %swap3A_451 {strides = array<i32>} : memref<512x128xf32, #tpu.memory_space<vmem>>, vector<1x16xf32>,
      %get3A_452 = arith.index_cast %add3A_367 : i32 to index
      %get3A_453 = arith.constant 112 : index
      %get3A_454 = tpu.vector_load %arg12[%get3A_452, %get3A_453] {strides = array<i32>} : memref<512x128xf32, #tpu.memory_space<vmem>>, vector<1x16xf32>,
      %get3A_455 = vector.shape_cast %get3A_454 : vector<1x16xf32> to vector<16xf32>
      %mul3A_456 = arith.mulf %gather3A_365, %get3A_69 : vector<16xf32>
      %add3A_457 = arith.addf %mul3A_456, %add3A_117 : vector<16xf32>
      %mul3A_458 = arith.mulf %get3A_455, %add3A_457 : vector<16xf32>
      %swap3A_459 = arith.index_cast %add3A_367 : i32 to index
      %swap3A_460 = arith.constant 112 : index
      %swap3A_461 = tpu.vector_load %arg12[%swap3A_459, %swap3A_460] {strides = array<i32>} : memref<512x128xf32, #tpu.memory_space<vmem>>, vector<1x16xf32>,
      %swap3A_462 = vector.shape_cast %swap3A_461 : vector<1x16xf32> to vector<16xf32>
      %swap3A_463 = vector.shape_cast %mul3A_458 : vector<16xf32> to vector<1x16xf32>
      tpu.vector_store %arg12[%swap3A_459, %swap3A_460], %swap3A_463 {strides = array<i32>} : memref<512x128xf32, #tpu.memory_space<vmem>>, vector<1x16xf32>,
      %lt3A_464 = arith.constant 0 : i32
      %lt3A_465 = vector.broadcast %lt3A_464 : i32 to vector<16xi32>
      %lt3A_466 = arith.cmpi slt, %broadcast_in_dim3A_122, %lt3A_465 : vector<16xi32>
      %add3A_467 = arith.constant 16 : i32
      %add3A_468 = vector.broadcast %add3A_467 : i32 to vector<16xi32>
      %add3A_469 = arith.addi %broadcast_in_dim3A_122, %add3A_468 : vector<16xi32>
      %select_n3A_470 = arith.select %lt3A_466, %add3A_469, %broadcast_in_dim3A_122 : vector<16xi1>, vector<16xi32>
      %broadcast_in_dim3A_471 = vector.shape_cast %select_n3A_470 : vector<16xi32> to vector<16x1xi32>
      %gather3A_472 = vector.shape_cast %broadcast_in_dim3A_471 : vector<16x1xi32> to vector<16xi32>
      %gather3A_473 = tpu.dynamic_gather %get3A_251[%gather3A_472] in [0] : vector<16xf32>, vector<16xi32> -> vector<16xf32>
      %add3A_474 = arith.constant 2 : i32
      %add3A_475 = arith.addi %add3A_248, %add3A_474 : i32
      %get3A_476 = arith.index_cast %add3A_475 : i32 to index
      %get3A_477 = arith.constant 0 : index
      %get3A_478 = tpu.vector_load %arg12[%get3A_476, %get3A_477] {strides = array<i32>} : memref<512x128xf32, #tpu.memory_space<vmem>>, vector<1x16xf32>,
      %get3A_479 = vector.shape_cast %get3A_478 : vector<1x16xf32> to vector<16xf32>
      %mul3A_480 = arith.mulf %gather3A_473, %get3A_48 : vector<16xf32>
      %add3A_481 = arith.addf %mul3A_480, %add3A_75 : vector<16xf32>
      %mul3A_482 = arith.mulf %get3A_479, %add3A_481 : vector<16xf32>
      %swap3A_483 = arith.index_cast %add3A_475 : i32 to index
      %swap3A_484 = arith.constant 0 : index
      %swap3A_485 = tpu.vector_load %arg12[%swap3A_483, %swap3A_484] {strides = array<i32>} : memref<512x128xf32, #tpu.memory_space<vmem>>, vector<1x16xf32>,
      %swap3A_486 = vector.shape_cast %swap3A_485 : vector<1x16xf32> to vector<16xf32>
      %swap3A_487 = vector.shape_cast %mul3A_482 : vector<16xf32> to vector<1x16xf32>
      tpu.vector_store %arg12[%swap3A_483, %swap3A_484], %swap3A_487 {strides = array<i32>} : memref<512x128xf32, #tpu.memory_space<vmem>>, vector<1x16xf32>,
      %get3A_488 = arith.index_cast %add3A_475 : i32 to index
      %get3A_489 = arith.constant 16 : index
      %get3A_490 = tpu.vector_load %arg12[%get3A_488, %get3A_489] {strides = array<i32>} : memref<512x128xf32, #tpu.memory_space<vmem>>, vector<1x16xf32>,
      %get3A_491 = vector.shape_cast %get3A_490 : vector<1x16xf32> to vector<16xf32>
      %mul3A_492 = arith.mulf %gather3A_473, %get3A_51 : vector<16xf32>
      %add3A_493 = arith.addf %mul3A_492, %add3A_81 : vector<16xf32>
      %mul3A_494 = arith.mulf %get3A_491, %add3A_493 : vector<16xf32>
      %swap3A_495 = arith.index_cast %add3A_475 : i32 to index
      %swap3A_496 = arith.constant 16 : index
      %swap3A_497 = tpu.vector_load %arg12[%swap3A_495, %swap3A_496] {strides = array<i32>} : memref<512x128xf32, #tpu.memory_space<vmem>>, vector<1x16xf32>,
      %swap3A_498 = vector.shape_cast %swap3A_497 : vector<1x16xf32> to vector<16xf32>
      %swap3A_499 = vector.shape_cast %mul3A_494 : vector<16xf32> to vector<1x16xf32>
      tpu.vector_store %arg12[%swap3A_495, %swap3A_496], %swap3A_499 {strides = array<i32>} : memref<512x128xf32, #tpu.memory_space<vmem>>, vector<1x16xf32>,
      %get3A_500 = arith.index_cast %add3A_475 : i32 to index
      %get3A_501 = arith.constant 32 : index
      %get3A_502 = tpu.vector_load %arg12[%get3A_500, %get3A_501] {strides = array<i32>} : memref<512x128xf32, #tpu.memory_space<vmem>>, vector<1x16xf32>,
      %get3A_503 = vector.shape_cast %get3A_502 : vector<1x16xf32> to vector<16xf32>
      %mul3A_504 = arith.mulf %gather3A_473, %get3A_54 : vector<16xf32>
      %add3A_505 = arith.addf %mul3A_504, %add3A_87 : vector<16xf32>
      %mul3A_506 = arith.mulf %get3A_503, %add3A_505 : vector<16xf32>
      %swap3A_507 = arith.index_cast %add3A_475 : i32 to index
      %swap3A_508 = arith.constant 32 : index
      %swap3A_509 = tpu.vector_load %arg12[%swap3A_507, %swap3A_508] {strides = array<i32>} : memref<512x128xf32, #tpu.memory_space<vmem>>, vector<1x16xf32>,
      %swap3A_510 = vector.shape_cast %swap3A_509 : vector<1x16xf32> to vector<16xf32>
      %swap3A_511 = vector.shape_cast %mul3A_506 : vector<16xf32> to vector<1x16xf32>
      tpu.vector_store %arg12[%swap3A_507, %swap3A_508], %swap3A_511 {strides = array<i32>} : memref<512x128xf32, #tpu.memory_space<vmem>>, vector<1x16xf32>,
      %get3A_512 = arith.index_cast %add3A_475 : i32 to index
      %get3A_513 = arith.constant 48 : index
      %get3A_514 = tpu.vector_load %arg12[%get3A_512, %get3A_513] {strides = array<i32>} : memref<512x128xf32, #tpu.memory_space<vmem>>, vector<1x16xf32>,
      %get3A_515 = vector.shape_cast %get3A_514 : vector<1x16xf32> to vector<16xf32>
      %mul3A_516 = arith.mulf %gather3A_473, %get3A_57 : vector<16xf32>
      %add3A_517 = arith.addf %mul3A_516, %add3A_93 : vector<16xf32>
      %mul3A_518 = arith.mulf %get3A_515, %add3A_517 : vector<16xf32>
      %swap3A_519 = arith.index_cast %add3A_475 : i32 to index
      %swap3A_520 = arith.constant 48 : index
      %swap3A_521 = tpu.vector_load %arg12[%swap3A_519, %swap3A_520] {strides = array<i32>} : memref<512x128xf32, #tpu.memory_space<vmem>>, vector<1x16xf32>,
      %swap3A_522 = vector.shape_cast %swap3A_521 : vector<1x16xf32> to vector<16xf32>
      %swap3A_523 = vector.shape_cast %mul3A_518 : vector<16xf32> to vector<1x16xf32>
      tpu.vector_store %arg12[%swap3A_519, %swap3A_520], %swap3A_523 {strides = array<i32>} : memref<512x128xf32, #tpu.memory_space<vmem>>, vector<1x16xf32>,
      %get3A_524 = arith.index_cast %add3A_475 : i32 to index
      %get3A_525 = arith.constant 64 : index
      %get3A_526 = tpu.vector_load %arg12[%get3A_524, %get3A_525] {strides = array<i32>} : memref<512x128xf32, #tpu.memory_space<vmem>>, vector<1x16xf32>,
      %get3A_527 = vector.shape_cast %get3A_526 : vector<1x16xf32> to vector<16xf32>
      %mul3A_528 = arith.mulf %gather3A_473, %get3A_60 : vector<16xf32>
      %add3A_529 = arith.addf %mul3A_528, %add3A_99 : vector<16xf32>
      %mul3A_530 = arith.mulf %get3A_527, %add3A_529 : vector<16xf32>
      %swap3A_531 = arith.index_cast %add3A_475 : i32 to index
      %swap3A_532 = arith.constant 64 : index
      %swap3A_533 = tpu.vector_load %arg12[%swap3A_531, %swap3A_532] {strides = array<i32>} : memref<512x128xf32, #tpu.memory_space<vmem>>, vector<1x16xf32>,
      %swap3A_534 = vector.shape_cast %swap3A_533 : vector<1x16xf32> to vector<16xf32>
      %swap3A_535 = vector.shape_cast %mul3A_530 : vector<16xf32> to vector<1x16xf32>
      tpu.vector_store %arg12[%swap3A_531, %swap3A_532], %swap3A_535 {strides = array<i32>} : memref<512x128xf32, #tpu.memory_space<vmem>>, vector<1x16xf32>,
      %get3A_536 = arith.index_cast %add3A_475 : i32 to index
      %get3A_537 = arith.constant 80 : index
      %get3A_538 = tpu.vector_load %arg12[%get3A_536, %get3A_537] {strides = array<i32>} : memref<512x128xf32, #tpu.memory_space<vmem>>, vector<1x16xf32>,
      %get3A_539 = vector.shape_cast %get3A_538 : vector<1x16xf32> to vector<16xf32>
      %mul3A_540 = arith.mulf %gather3A_473, %get3A_63 : vector<16xf32>
      %add3A_541 = arith.addf %mul3A_540, %add3A_105 : vector<16xf32>
      %mul3A_542 = arith.mulf %get3A_539, %add3A_541 : vector<16xf32>
      %swap3A_543 = arith.index_cast %add3A_475 : i32 to index
      %swap3A_544 = arith.constant 80 : index
      %swap3A_545 = tpu.vector_load %arg12[%swap3A_543, %swap3A_544] {strides = array<i32>} : memref<512x128xf32, #tpu.memory_space<vmem>>, vector<1x16xf32>,
      %swap3A_546 = vector.shape_cast %swap3A_545 : vector<1x16xf32> to vector<16xf32>
      %swap3A_547 = vector.shape_cast %mul3A_542 : vector<16xf32> to vector<1x16xf32>
      tpu.vector_store %arg12[%swap3A_543, %swap3A_544], %swap3A_547 {strides = array<i32>} : memref<512x128xf32, #tpu.memory_space<vmem>>, vector<1x16xf32>,
      %get3A_548 = arith.index_cast %add3A_475 : i32 to index
      %get3A_549 = arith.constant 96 : index
      %get3A_550 = tpu.vector_load %arg12[%get3A_548, %get3A_549] {strides = array<i32>} : memref<512x128xf32, #tpu.memory_space<vmem>>, vector<1x16xf32>,
      %get3A_551 = vector.shape_cast %get3A_550 : vector<1x16xf32> to vector<16xf32>
      %mul3A_552 = arith.mulf %gather3A_473, %get3A_66 : vector<16xf32>
      %add3A_553 = arith.addf %mul3A_552, %add3A_111 : vector<16xf32>
      %mul3A_554 = arith.mulf %get3A_551, %add3A_553 : vector<16xf32>
      %swap3A_555 = arith.index_cast %add3A_475 : i32 to index
      %swap3A_556 = arith.constant 96 : index
      %swap3A_557 = tpu.vector_load %arg12[%swap3A_555, %swap3A_556] {strides = array<i32>} : memref<512x128xf32, #tpu.memory_space<vmem>>, vector<1x16xf32>,
      %swap3A_558 = vector.shape_cast %swap3A_557 : vector<1x16xf32> to vector<16xf32>
      %swap3A_559 = vector.shape_cast %mul3A_554 : vector<16xf32> to vector<1x16xf32>
      tpu.vector_store %arg12[%swap3A_555, %swap3A_556], %swap3A_559 {strides = array<i32>} : memref<512x128xf32, #tpu.memory_space<vmem>>, vector<1x16xf32>,
      %get3A_560 = arith.index_cast %add3A_475 : i32 to index
      %get3A_561 = arith.constant 112 : index
      %get3A_562 = tpu.vector_load %arg12[%get3A_560, %get3A_561] {strides = array<i32>} : memref<512x128xf32, #tpu.memory_space<vmem>>, vector<1x16xf32>,
      %get3A_563 = vector.shape_cast %get3A_562 : vector<1x16xf32> to vector<16xf32>
      %mul3A_564 = arith.mulf %gather3A_473, %get3A_69 : vector<16xf32>
      %add3A_565 = arith.addf %mul3A_564, %add3A_117 : vector<16xf32>
      %mul3A_566 = arith.mulf %get3A_563, %add3A_565 : vector<16xf32>
      %swap3A_567 = arith.index_cast %add3A_475 : i32 to index
      %swap3A_568 = arith.constant 112 : index
      %swap3A_569 = tpu.vector_load %arg12[%swap3A_567, %swap3A_568] {strides = array<i32>} : memref<512x128xf32, #tpu.memory_space<vmem>>, vector<1x16xf32>,
      %swap3A_570 = vector.shape_cast %swap3A_569 : vector<1x16xf32> to vector<16xf32>
      %swap3A_571 = vector.shape_cast %mul3A_566 : vector<16xf32> to vector<1x16xf32>
      tpu.vector_store %arg12[%swap3A_567, %swap3A_568], %swap3A_571 {strides = array<i32>} : memref<512x128xf32, #tpu.memory_space<vmem>>, vector<1x16xf32>,
      %lt3A_572 = arith.constant 0 : i32
      %lt3A_573 = vector.broadcast %lt3A_572 : i32 to vector<16xi32>
      %lt3A_574 = arith.cmpi slt, %broadcast_in_dim3A_124, %lt3A_573 : vector<16xi32>
      %add3A_575 = arith.constant 16 : i32
      %add3A_576 = vector.broadcast %add3A_575 : i32 to vector<16xi32>
      %add3A_577 = arith.addi %broadcast_in_dim3A_124, %add3A_576 : vector<16xi32>
      %select_n3A_578 = arith.select %lt3A_574, %add3A_577, %broadcast_in_dim3A_124 : vector<16xi1>, vector<16xi32>
      %broadcast_in_dim3A_579 = vector.shape_cast %select_n3A_578 : vector<16xi32> to vector<16x1xi32>
      %gather3A_580 = vector.shape_cast %broadcast_in_dim3A_579 : vector<16x1xi32> to vector<16xi32>
      %gather3A_581 = tpu.dynamic_gather %get3A_251[%gather3A_580] in [0] : vector<16xf32>, vector<16xi32> -> vector<16xf32>
      %add3A_582 = arith.constant 3 : i32
      %add3A_583 = arith.addi %add3A_248, %add3A_582 : i32
      %get3A_584 = arith.index_cast %add3A_583 : i32 to index
      %get3A_585 = arith.constant 0 : index
      %get3A_586 = tpu.vector_load %arg12[%get3A_584, %get3A_585] {strides = array<i32>} : memref<512x128xf32, #tpu.memory_space<vmem>>, vector<1x16xf32>,
      %get3A_587 = vector.shape_cast %get3A_586 : vector<1x16xf32> to vector<16xf32>
      %mul3A_588 = arith.mulf %gather3A_581, %get3A_48 : vector<16xf32>
      %add3A_589 = arith.addf %mul3A_588, %add3A_75 : vector<16xf32>
      %mul3A_590 = arith.mulf %get3A_587, %add3A_589 : vector<16xf32>
      %swap3A_591 = arith.index_cast %add3A_583 : i32 to index
      %swap3A_592 = arith.constant 0 : index
      %swap3A_593 = tpu.vector_load %arg12[%swap3A_591, %swap3A_592] {strides = array<i32>} : memref<512x128xf32, #tpu.memory_space<vmem>>, vector<1x16xf32>,
      %swap3A_594 = vector.shape_cast %swap3A_593 : vector<1x16xf32> to vector<16xf32>
      %swap3A_595 = vector.shape_cast %mul3A_590 : vector<16xf32> to vector<1x16xf32>
      tpu.vector_store %arg12[%swap3A_591, %swap3A_592], %swap3A_595 {strides = array<i32>} : memref<512x128xf32, #tpu.memory_space<vmem>>, vector<1x16xf32>,
      %get3A_596 = arith.index_cast %add3A_583 : i32 to index
      %get3A_597 = arith.constant 16 : index
      %get3A_598 = tpu.vector_load %arg12[%get3A_596, %get3A_597] {strides = array<i32>} : memref<512x128xf32, #tpu.memory_space<vmem>>, vector<1x16xf32>,
      %get3A_599 = vector.shape_cast %get3A_598 : vector<1x16xf32> to vector<16xf32>
      %mul3A_600 = arith.mulf %gather3A_581, %get3A_51 : vector<16xf32>
      %add3A_601 = arith.addf %mul3A_600, %add3A_81 : vector<16xf32>
      %mul3A_602 = arith.mulf %get3A_599, %add3A_601 : vector<16xf32>
      %swap3A_603 = arith.index_cast %add3A_583 : i32 to index
      %swap3A_604 = arith.constant 16 : index
      %swap3A_605 = tpu.vector_load %arg12[%swap3A_603, %swap3A_604] {strides = array<i32>} : memref<512x128xf32, #tpu.memory_space<vmem>>, vector<1x16xf32>,
      %swap3A_606 = vector.shape_cast %swap3A_605 : vector<1x16xf32> to vector<16xf32>
      %swap3A_607 = vector.shape_cast %mul3A_602 : vector<16xf32> to vector<1x16xf32>
      tpu.vector_store %arg12[%swap3A_603, %swap3A_604], %swap3A_607 {strides = array<i32>} : memref<512x128xf32, #tpu.memory_space<vmem>>, vector<1x16xf32>,
      %get3A_608 = arith.index_cast %add3A_583 : i32 to index
      %get3A_609 = arith.constant 32 : index
      %get3A_610 = tpu.vector_load %arg12[%get3A_608, %get3A_609] {strides = array<i32>} : memref<512x128xf32, #tpu.memory_space<vmem>>, vector<1x16xf32>,
      %get3A_611 = vector.shape_cast %get3A_610 : vector<1x16xf32> to vector<16xf32>
      %mul3A_612 = arith.mulf %gather3A_581, %get3A_54 : vector<16xf32>
      %add3A_613 = arith.addf %mul3A_612, %add3A_87 : vector<16xf32>
      %mul3A_614 = arith.mulf %get3A_611, %add3A_613 : vector<16xf32>
      %swap3A_615 = arith.index_cast %add3A_583 : i32 to index
      %swap3A_616 = arith.constant 32 : index
      %swap3A_617 = tpu.vector_load %arg12[%swap3A_615, %swap3A_616] {strides = array<i32>} : memref<512x128xf32, #tpu.memory_space<vmem>>, vector<1x16xf32>,
      %swap3A_618 = vector.shape_cast %swap3A_617 : vector<1x16xf32> to vector<16xf32>
      %swap3A_619 = vector.shape_cast %mul3A_614 : vector<16xf32> to vector<1x16xf32>
      tpu.vector_store %arg12[%swap3A_615, %swap3A_616], %swap3A_619 {strides = array<i32>} : memref<512x128xf32, #tpu.memory_space<vmem>>, vector<1x16xf32>,
      %get3A_620 = arith.index_cast %add3A_583 : i32 to index
      %get3A_621 = arith.constant 48 : index
      %get3A_622 = tpu.vector_load %arg12[%get3A_620, %get3A_621] {strides = array<i32>} : memref<512x128xf32, #tpu.memory_space<vmem>>, vector<1x16xf32>,
      %get3A_623 = vector.shape_cast %get3A_622 : vector<1x16xf32> to vector<16xf32>
      %mul3A_624 = arith.mulf %gather3A_581, %get3A_57 : vector<16xf32>
      %add3A_625 = arith.addf %mul3A_624, %add3A_93 : vector<16xf32>
      %mul3A_626 = arith.mulf %get3A_623, %add3A_625 : vector<16xf32>
      %swap3A_627 = arith.index_cast %add3A_583 : i32 to index
      %swap3A_628 = arith.constant 48 : index
      %swap3A_629 = tpu.vector_load %arg12[%swap3A_627, %swap3A_628] {strides = array<i32>} : memref<512x128xf32, #tpu.memory_space<vmem>>, vector<1x16xf32>,
      %swap3A_630 = vector.shape_cast %swap3A_629 : vector<1x16xf32> to vector<16xf32>
      %swap3A_631 = vector.shape_cast %mul3A_626 : vector<16xf32> to vector<1x16xf32>
      tpu.vector_store %arg12[%swap3A_627, %swap3A_628], %swap3A_631 {strides = array<i32>} : memref<512x128xf32, #tpu.memory_space<vmem>>, vector<1x16xf32>,
      %get3A_632 = arith.index_cast %add3A_583 : i32 to index
      %get3A_633 = arith.constant 64 : index
      %get3A_634 = tpu.vector_load %arg12[%get3A_632, %get3A_633] {strides = array<i32>} : memref<512x128xf32, #tpu.memory_space<vmem>>, vector<1x16xf32>,
      %get3A_635 = vector.shape_cast %get3A_634 : vector<1x16xf32> to vector<16xf32>
      %mul3A_636 = arith.mulf %gather3A_581, %get3A_60 : vector<16xf32>
      %add3A_637 = arith.addf %mul3A_636, %add3A_99 : vector<16xf32>
      %mul3A_638 = arith.mulf %get3A_635, %add3A_637 : vector<16xf32>
      %swap3A_639 = arith.index_cast %add3A_583 : i32 to index
      %swap3A_640 = arith.constant 64 : index
      %swap3A_641 = tpu.vector_load %arg12[%swap3A_639, %swap3A_640] {strides = array<i32>} : memref<512x128xf32, #tpu.memory_space<vmem>>, vector<1x16xf32>,
      %swap3A_642 = vector.shape_cast %swap3A_641 : vector<1x16xf32> to vector<16xf32>
      %swap3A_643 = vector.shape_cast %mul3A_638 : vector<16xf32> to vector<1x16xf32>
      tpu.vector_store %arg12[%swap3A_639, %swap3A_640], %swap3A_643 {strides = array<i32>} : memref<512x128xf32, #tpu.memory_space<vmem>>, vector<1x16xf32>,
      %get3A_644 = arith.index_cast %add3A_583 : i32 to index
      %get3A_645 = arith.constant 80 : index
      %get3A_646 = tpu.vector_load %arg12[%get3A_644, %get3A_645] {strides = array<i32>} : memref<512x128xf32, #tpu.memory_space<vmem>>, vector<1x16xf32>,
      %get3A_647 = vector.shape_cast %get3A_646 : vector<1x16xf32> to vector<16xf32>
      %mul3A_648 = arith.mulf %gather3A_581, %get3A_63 : vector<16xf32>
      %add3A_649 = arith.addf %mul3A_648, %add3A_105 : vector<16xf32>
      %mul3A_650 = arith.mulf %get3A_647, %add3A_649 : vector<16xf32>
      %swap3A_651 = arith.index_cast %add3A_583 : i32 to index
      %swap3A_652 = arith.constant 80 : index
      %swap3A_653 = tpu.vector_load %arg12[%swap3A_651, %swap3A_652] {strides = array<i32>} : memref<512x128xf32, #tpu.memory_space<vmem>>, vector<1x16xf32>,
      %swap3A_654 = vector.shape_cast %swap3A_653 : vector<1x16xf32> to vector<16xf32>
      %swap3A_655 = vector.shape_cast %mul3A_650 : vector<16xf32> to vector<1x16xf32>
      tpu.vector_store %arg12[%swap3A_651, %swap3A_652], %swap3A_655 {strides = array<i32>} : memref<512x128xf32, #tpu.memory_space<vmem>>, vector<1x16xf32>,
      %get3A_656 = arith.index_cast %add3A_583 : i32 to index
      %get3A_657 = arith.constant 96 : index
      %get3A_658 = tpu.vector_load %arg12[%get3A_656, %get3A_657] {strides = array<i32>} : memref<512x128xf32, #tpu.memory_space<vmem>>, vector<1x16xf32>,
      %get3A_659 = vector.shape_cast %get3A_658 : vector<1x16xf32> to vector<16xf32>
      %mul3A_660 = arith.mulf %gather3A_581, %get3A_66 : vector<16xf32>
      %add3A_661 = arith.addf %mul3A_660, %add3A_111 : vector<16xf32>
      %mul3A_662 = arith.mulf %get3A_659, %add3A_661 : vector<16xf32>
      %swap3A_663 = arith.index_cast %add3A_583 : i32 to index
      %swap3A_664 = arith.constant 96 : index
      %swap3A_665 = tpu.vector_load %arg12[%swap3A_663, %swap3A_664] {strides = array<i32>} : memref<512x128xf32, #tpu.memory_space<vmem>>, vector<1x16xf32>,
      %swap3A_666 = vector.shape_cast %swap3A_665 : vector<1x16xf32> to vector<16xf32>
      %swap3A_667 = vector.shape_cast %mul3A_662 : vector<16xf32> to vector<1x16xf32>
      tpu.vector_store %arg12[%swap3A_663, %swap3A_664], %swap3A_667 {strides = array<i32>} : memref<512x128xf32, #tpu.memory_space<vmem>>, vector<1x16xf32>,
      %get3A_668 = arith.index_cast %add3A_583 : i32 to index
      %get3A_669 = arith.constant 112 : index
      %get3A_670 = tpu.vector_load %arg12[%get3A_668, %get3A_669] {strides = array<i32>} : memref<512x128xf32, #tpu.memory_space<vmem>>, vector<1x16xf32>,
      %get3A_671 = vector.shape_cast %get3A_670 : vector<1x16xf32> to vector<16xf32>
      %mul3A_672 = arith.mulf %gather3A_581, %get3A_69 : vector<16xf32>
      %add3A_673 = arith.addf %mul3A_672, %add3A_117 : vector<16xf32>
      %mul3A_674 = arith.mulf %get3A_671, %add3A_673 : vector<16xf32>
      %swap3A_675 = arith.index_cast %add3A_583 : i32 to index
      %swap3A_676 = arith.constant 112 : index
      %swap3A_677 = tpu.vector_load %arg12[%swap3A_675, %swap3A_676] {strides = array<i32>} : memref<512x128xf32, #tpu.memory_space<vmem>>, vector<1x16xf32>,
      %swap3A_678 = vector.shape_cast %swap3A_677 : vector<1x16xf32> to vector<16xf32>
      %swap3A_679 = vector.shape_cast %mul3A_674 : vector<16xf32> to vector<1x16xf32>
      tpu.vector_store %arg12[%swap3A_675, %swap3A_676], %swap3A_679 {strides = array<i32>} : memref<512x128xf32, #tpu.memory_space<vmem>>, vector<1x16xf32>,
      %lt3A_680 = arith.constant 0 : i32
      %lt3A_681 = vector.broadcast %lt3A_680 : i32 to vector<16xi32>
      %lt3A_682 = arith.cmpi slt, %broadcast_in_dim3A_126, %lt3A_681 : vector<16xi32>
      %add3A_683 = arith.constant 16 : i32
      %add3A_684 = vector.broadcast %add3A_683 : i32 to vector<16xi32>
      %add3A_685 = arith.addi %broadcast_in_dim3A_126, %add3A_684 : vector<16xi32>
      %select_n3A_686 = arith.select %lt3A_682, %add3A_685, %broadcast_in_dim3A_126 : vector<16xi1>, vector<16xi32>
      %broadcast_in_dim3A_687 = vector.shape_cast %select_n3A_686 : vector<16xi32> to vector<16x1xi32>
      %gather3A_688 = vector.shape_cast %broadcast_in_dim3A_687 : vector<16x1xi32> to vector<16xi32>
      %gather3A_689 = tpu.dynamic_gather %get3A_251[%gather3A_688] in [0] : vector<16xf32>, vector<16xi32> -> vector<16xf32>
      %add3A_690 = arith.constant 4 : i32
      %add3A_691 = arith.addi %add3A_248, %add3A_690 : i32
      %get3A_692 = arith.index_cast %add3A_691 : i32 to index
      %get3A_693 = arith.constant 0 : index
      %get3A_694 = tpu.vector_load %arg12[%get3A_692, %get3A_693] {strides = array<i32>} : memref<512x128xf32, #tpu.memory_space<vmem>>, vector<1x16xf32>,
      %get3A_695 = vector.shape_cast %get3A_694 : vector<1x16xf32> to vector<16xf32>
      %mul3A_696 = arith.mulf %gather3A_689, %get3A_48 : vector<16xf32>
      %add3A_697 = arith.addf %mul3A_696, %add3A_75 : vector<16xf32>
      %mul3A_698 = arith.mulf %get3A_695, %add3A_697 : vector<16xf32>
      %swap3A_699 = arith.index_cast %add3A_691 : i32 to index
      %swap3A_700 = arith.constant 0 : index
      %swap3A_701 = tpu.vector_load %arg12[%swap3A_699, %swap3A_700] {strides = array<i32>} : memref<512x128xf32, #tpu.memory_space<vmem>>, vector<1x16xf32>,
      %swap3A_702 = vector.shape_cast %swap3A_701 : vector<1x16xf32> to vector<16xf32>
      %swap3A_703 = vector.shape_cast %mul3A_698 : vector<16xf32> to vector<1x16xf32>
      tpu.vector_store %arg12[%swap3A_699, %swap3A_700], %swap3A_703 {strides = array<i32>} : memref<512x128xf32, #tpu.memory_space<vmem>>, vector<1x16xf32>,
      %get3A_704 = arith.index_cast %add3A_691 : i32 to index
      %get3A_705 = arith.constant 16 : index
      %get3A_706 = tpu.vector_load %arg12[%get3A_704, %get3A_705] {strides = array<i32>} : memref<512x128xf32, #tpu.memory_space<vmem>>, vector<1x16xf32>,
      %get3A_707 = vector.shape_cast %get3A_706 : vector<1x16xf32> to vector<16xf32>
      %mul3A_708 = arith.mulf %gather3A_689, %get3A_51 : vector<16xf32>
      %add3A_709 = arith.addf %mul3A_708, %add3A_81 : vector<16xf32>
      %mul3A_710 = arith.mulf %get3A_707, %add3A_709 : vector<16xf32>
      %swap3A_711 = arith.index_cast %add3A_691 : i32 to index
      %swap3A_712 = arith.constant 16 : index
      %swap3A_713 = tpu.vector_load %arg12[%swap3A_711, %swap3A_712] {strides = array<i32>} : memref<512x128xf32, #tpu.memory_space<vmem>>, vector<1x16xf32>,
      %swap3A_714 = vector.shape_cast %swap3A_713 : vector<1x16xf32> to vector<16xf32>
      %swap3A_715 = vector.shape_cast %mul3A_710 : vector<16xf32> to vector<1x16xf32>
      tpu.vector_store %arg12[%swap3A_711, %swap3A_712], %swap3A_715 {strides = array<i32>} : memref<512x128xf32, #tpu.memory_space<vmem>>, vector<1x16xf32>,
      %get3A_716 = arith.index_cast %add3A_691 : i32 to index
      %get3A_717 = arith.constant 32 : index
      %get3A_718 = tpu.vector_load %arg12[%get3A_716, %get3A_717] {strides = array<i32>} : memref<512x128xf32, #tpu.memory_space<vmem>>, vector<1x16xf32>,
      %get3A_719 = vector.shape_cast %get3A_718 : vector<1x16xf32> to vector<16xf32>
      %mul3A_720 = arith.mulf %gather3A_689, %get3A_54 : vector<16xf32>
      %add3A_721 = arith.addf %mul3A_720, %add3A_87 : vector<16xf32>
      %mul3A_722 = arith.mulf %get3A_719, %add3A_721 : vector<16xf32>
      %swap3A_723 = arith.index_cast %add3A_691 : i32 to index
      %swap3A_724 = arith.constant 32 : index
      %swap3A_725 = tpu.vector_load %arg12[%swap3A_723, %swap3A_724] {strides = array<i32>} : memref<512x128xf32, #tpu.memory_space<vmem>>, vector<1x16xf32>,
      %swap3A_726 = vector.shape_cast %swap3A_725 : vector<1x16xf32> to vector<16xf32>
      %swap3A_727 = vector.shape_cast %mul3A_722 : vector<16xf32> to vector<1x16xf32>
      tpu.vector_store %arg12[%swap3A_723, %swap3A_724], %swap3A_727 {strides = array<i32>} : memref<512x128xf32, #tpu.memory_space<vmem>>, vector<1x16xf32>,
      %get3A_728 = arith.index_cast %add3A_691 : i32 to index
      %get3A_729 = arith.constant 48 : index
      %get3A_730 = tpu.vector_load %arg12[%get3A_728, %get3A_729] {strides = array<i32>} : memref<512x128xf32, #tpu.memory_space<vmem>>, vector<1x16xf32>,
      %get3A_731 = vector.shape_cast %get3A_730 : vector<1x16xf32> to vector<16xf32>
      %mul3A_732 = arith.mulf %gather3A_689, %get3A_57 : vector<16xf32>
      %add3A_733 = arith.addf %mul3A_732, %add3A_93 : vector<16xf32>
      %mul3A_734 = arith.mulf %get3A_731, %add3A_733 : vector<16xf32>
      %swap3A_735 = arith.index_cast %add3A_691 : i32 to index
      %swap3A_736 = arith.constant 48 : index
      %swap3A_737 = tpu.vector_load %arg12[%swap3A_735, %swap3A_736] {strides = array<i32>} : memref<512x128xf32, #tpu.memory_space<vmem>>, vector<1x16xf32>,
      %swap3A_738 = vector.shape_cast %swap3A_737 : vector<1x16xf32> to vector<16xf32>
      %swap3A_739 = vector.shape_cast %mul3A_734 : vector<16xf32> to vector<1x16xf32>
      tpu.vector_store %arg12[%swap3A_735, %swap3A_736], %swap3A_739 {strides = array<i32>} : memref<512x128xf32, #tpu.memory_space<vmem>>, vector<1x16xf32>,
      %get3A_740 = arith.index_cast %add3A_691 : i32 to index
      %get3A_741 = arith.constant 64 : index
      %get3A_742 = tpu.vector_load %arg12[%get3A_740, %get3A_741] {strides = array<i32>} : memref<512x128xf32, #tpu.memory_space<vmem>>, vector<1x16xf32>,
      %get3A_743 = vector.shape_cast %get3A_742 : vector<1x16xf32> to vector<16xf32>
      %mul3A_744 = arith.mulf %gather3A_689, %get3A_60 : vector<16xf32>
      %add3A_745 = arith.addf %mul3A_744, %add3A_99 : vector<16xf32>
      %mul3A_746 = arith.mulf %get3A_743, %add3A_745 : vector<16xf32>
      %swap3A_747 = arith.index_cast %add3A_691 : i32 to index
      %swap3A_748 = arith.constant 64 : index
      %swap3A_749 = tpu.vector_load %arg12[%swap3A_747, %swap3A_748] {strides = array<i32>} : memref<512x128xf32, #tpu.memory_space<vmem>>, vector<1x16xf32>,
      %swap3A_750 = vector.shape_cast %swap3A_749 : vector<1x16xf32> to vector<16xf32>
      %swap3A_751 = vector.shape_cast %mul3A_746 : vector<16xf32> to vector<1x16xf32>
      tpu.vector_store %arg12[%swap3A_747, %swap3A_748], %swap3A_751 {strides = array<i32>} : memref<512x128xf32, #tpu.memory_space<vmem>>, vector<1x16xf32>,
      %get3A_752 = arith.index_cast %add3A_691 : i32 to index
      %get3A_753 = arith.constant 80 : index
      %get3A_754 = tpu.vector_load %arg12[%get3A_752, %get3A_753] {strides = array<i32>} : memref<512x128xf32, #tpu.memory_space<vmem>>, vector<1x16xf32>,
      %get3A_755 = vector.shape_cast %get3A_754 : vector<1x16xf32> to vector<16xf32>
      %mul3A_756 = arith.mulf %gather3A_689, %get3A_63 : vector<16xf32>
      %add3A_757 = arith.addf %mul3A_756, %add3A_105 : vector<16xf32>
      %mul3A_758 = arith.mulf %get3A_755, %add3A_757 : vector<16xf32>
      %swap3A_759 = arith.index_cast %add3A_691 : i32 to index
      %swap3A_760 = arith.constant 80 : index
      %swap3A_761 = tpu.vector_load %arg12[%swap3A_759, %swap3A_760] {strides = array<i32>} : memref<512x128xf32, #tpu.memory_space<vmem>>, vector<1x16xf32>,
      %swap3A_762 = vector.shape_cast %swap3A_761 : vector<1x16xf32> to vector<16xf32>
      %swap3A_763 = vector.shape_cast %mul3A_758 : vector<16xf32> to vector<1x16xf32>
      tpu.vector_store %arg12[%swap3A_759, %swap3A_760], %swap3A_763 {strides = array<i32>} : memref<512x128xf32, #tpu.memory_space<vmem>>, vector<1x16xf32>,
      %get3A_764 = arith.index_cast %add3A_691 : i32 to index
      %get3A_765 = arith.constant 96 : index
      %get3A_766 = tpu.vector_load %arg12[%get3A_764, %get3A_765] {strides = array<i32>} : memref<512x128xf32, #tpu.memory_space<vmem>>, vector<1x16xf32>,
      %get3A_767 = vector.shape_cast %get3A_766 : vector<1x16xf32> to vector<16xf32>
      %mul3A_768 = arith.mulf %gather3A_689, %get3A_66 : vector<16xf32>
      %add3A_769 = arith.addf %mul3A_768, %add3A_111 : vector<16xf32>
      %mul3A_770 = arith.mulf %get3A_767, %add3A_769 : vector<16xf32>
      %swap3A_771 = arith.index_cast %add3A_691 : i32 to index
      %swap3A_772 = arith.constant 96 : index
      %swap3A_773 = tpu.vector_load %arg12[%swap3A_771, %swap3A_772] {strides = array<i32>} : memref<512x128xf32, #tpu.memory_space<vmem>>, vector<1x16xf32>,
      %swap3A_774 = vector.shape_cast %swap3A_773 : vector<1x16xf32> to vector<16xf32>
      %swap3A_775 = vector.shape_cast %mul3A_770 : vector<16xf32> to vector<1x16xf32>
      tpu.vector_store %arg12[%swap3A_771, %swap3A_772], %swap3A_775 {strides = array<i32>} : memref<512x128xf32, #tpu.memory_space<vmem>>, vector<1x16xf32>,
      %get3A_776 = arith.index_cast %add3A_691 : i32 to index
      %get3A_777 = arith.constant 112 : index
      %get3A_778 = tpu.vector_load %arg12[%get3A_776, %get3A_777] {strides = array<i32>} : memref<512x128xf32, #tpu.memory_space<vmem>>, vector<1x16xf32>,
      %get3A_779 = vector.shape_cast %get3A_778 : vector<1x16xf32> to vector<16xf32>
      %mul3A_780 = arith.mulf %gather3A_689, %get3A_69 : vector<16xf32>
      %add3A_781 = arith.addf %mul3A_780, %add3A_117 : vector<16xf32>
      %mul3A_782 = arith.mulf %get3A_779, %add3A_781 : vector<16xf32>
      %swap3A_783 = arith.index_cast %add3A_691 : i32 to index
      %swap3A_784 = arith.constant 112 : index
      %swap3A_785 = tpu.vector_load %arg12[%swap3A_783, %swap3A_784] {strides = array<i32>} : memref<512x128xf32, #tpu.memory_space<vmem>>, vector<1x16xf32>,
      %swap3A_786 = vector.shape_cast %swap3A_785 : vector<1x16xf32> to vector<16xf32>
      %swap3A_787 = vector.shape_cast %mul3A_782 : vector<16xf32> to vector<1x16xf32>
      tpu.vector_store %arg12[%swap3A_783, %swap3A_784], %swap3A_787 {strides = array<i32>} : memref<512x128xf32, #tpu.memory_space<vmem>>, vector<1x16xf32>,
      %lt3A_788 = arith.constant 0 : i32
      %lt3A_789 = vector.broadcast %lt3A_788 : i32 to vector<16xi32>
      %lt3A_790 = arith.cmpi slt, %broadcast_in_dim3A_128, %lt3A_789 : vector<16xi32>
      %add3A_791 = arith.constant 16 : i32
      %add3A_792 = vector.broadcast %add3A_791 : i32 to vector<16xi32>
      %add3A_793 = arith.addi %broadcast_in_dim3A_128, %add3A_792 : vector<16xi32>
      %select_n3A_794 = arith.select %lt3A_790, %add3A_793, %broadcast_in_dim3A_128 : vector<16xi1>, vector<16xi32>
      %broadcast_in_dim3A_795 = vector.shape_cast %select_n3A_794 : vector<16xi32> to vector<16x1xi32>
      %gather3A_796 = vector.shape_cast %broadcast_in_dim3A_795 : vector<16x1xi32> to vector<16xi32>
      %gather3A_797 = tpu.dynamic_gather %get3A_251[%gather3A_796] in [0] : vector<16xf32>, vector<16xi32> -> vector<16xf32>
      %add3A_798 = arith.constant 5 : i32
      %add3A_799 = arith.addi %add3A_248, %add3A_798 : i32
      %get3A_800 = arith.index_cast %add3A_799 : i32 to index
      %get3A_801 = arith.constant 0 : index
      %get3A_802 = tpu.vector_load %arg12[%get3A_800, %get3A_801] {strides = array<i32>} : memref<512x128xf32, #tpu.memory_space<vmem>>, vector<1x16xf32>,
      %get3A_803 = vector.shape_cast %get3A_802 : vector<1x16xf32> to vector<16xf32>
      %mul3A_804 = arith.mulf %gather3A_797, %get3A_48 : vector<16xf32>
      %add3A_805 = arith.addf %mul3A_804, %add3A_75 : vector<16xf32>
      %mul3A_806 = arith.mulf %get3A_803, %add3A_805 : vector<16xf32>
      %swap3A_807 = arith.index_cast %add3A_799 : i32 to index
      %swap3A_808 = arith.constant 0 : index
      %swap3A_809 = tpu.vector_load %arg12[%swap3A_807, %swap3A_808] {strides = array<i32>} : memref<512x128xf32, #tpu.memory_space<vmem>>, vector<1x16xf32>,
      %swap3A_810 = vector.shape_cast %swap3A_809 : vector<1x16xf32> to vector<16xf32>
      %swap3A_811 = vector.shape_cast %mul3A_806 : vector<16xf32> to vector<1x16xf32>
      tpu.vector_store %arg12[%swap3A_807, %swap3A_808], %swap3A_811 {strides = array<i32>} : memref<512x128xf32, #tpu.memory_space<vmem>>, vector<1x16xf32>,
      %get3A_812 = arith.index_cast %add3A_799 : i32 to index
      %get3A_813 = arith.constant 16 : index
      %get3A_814 = tpu.vector_load %arg12[%get3A_812, %get3A_813] {strides = array<i32>} : memref<512x128xf32, #tpu.memory_space<vmem>>, vector<1x16xf32>,
      %get3A_815 = vector.shape_cast %get3A_814 : vector<1x16xf32> to vector<16xf32>
      %mul3A_816 = arith.mulf %gather3A_797, %get3A_51 : vector<16xf32>
      %add3A_817 = arith.addf %mul3A_816, %add3A_81 : vector<16xf32>
      %mul3A_818 = arith.mulf %get3A_815, %add3A_817 : vector<16xf32>
      %swap3A_819 = arith.index_cast %add3A_799 : i32 to index
      %swap3A_820 = arith.constant 16 : index
      %swap3A_821 = tpu.vector_load %arg12[%swap3A_819, %swap3A_820] {strides = array<i32>} : memref<512x128xf32, #tpu.memory_space<vmem>>, vector<1x16xf32>,
      %swap3A_822 = vector.shape_cast %swap3A_821 : vector<1x16xf32> to vector<16xf32>
      %swap3A_823 = vector.shape_cast %mul3A_818 : vector<16xf32> to vector<1x16xf32>
      tpu.vector_store %arg12[%swap3A_819, %swap3A_820], %swap3A_823 {strides = array<i32>} : memref<512x128xf32, #tpu.memory_space<vmem>>, vector<1x16xf32>,
      %get3A_824 = arith.index_cast %add3A_799 : i32 to index
      %get3A_825 = arith.constant 32 : index
      %get3A_826 = tpu.vector_load %arg12[%get3A_824, %get3A_825] {strides = array<i32>} : memref<512x128xf32, #tpu.memory_space<vmem>>, vector<1x16xf32>,
      %get3A_827 = vector.shape_cast %get3A_826 : vector<1x16xf32> to vector<16xf32>
      %mul3A_828 = arith.mulf %gather3A_797, %get3A_54 : vector<16xf32>
      %add3A_829 = arith.addf %mul3A_828, %add3A_87 : vector<16xf32>
      %mul3A_830 = arith.mulf %get3A_827, %add3A_829 : vector<16xf32>
      %swap3A_831 = arith.index_cast %add3A_799 : i32 to index
      %swap3A_832 = arith.constant 32 : index
      %swap3A_833 = tpu.vector_load %arg12[%swap3A_831, %swap3A_832] {strides = array<i32>} : memref<512x128xf32, #tpu.memory_space<vmem>>, vector<1x16xf32>,
      %swap3A_834 = vector.shape_cast %swap3A_833 : vector<1x16xf32> to vector<16xf32>
      %swap3A_835 = vector.shape_cast %mul3A_830 : vector<16xf32> to vector<1x16xf32>
      tpu.vector_store %arg12[%swap3A_831, %swap3A_832], %swap3A_835 {strides = array<i32>} : memref<512x128xf32, #tpu.memory_space<vmem>>, vector<1x16xf32>,
      %get3A_836 = arith.index_cast %add3A_799 : i32 to index
      %get3A_837 = arith.constant 48 : index
      %get3A_838 = tpu.vector_load %arg12[%get3A_836, %get3A_837] {strides = array<i32>} : memref<512x128xf32, #tpu.memory_space<vmem>>, vector<1x16xf32>,
      %get3A_839 = vector.shape_cast %get3A_838 : vector<1x16xf32> to vector<16xf32>
      %mul3A_840 = arith.mulf %gather3A_797, %get3A_57 : vector<16xf32>
      %add3A_841 = arith.addf %mul3A_840, %add3A_93 : vector<16xf32>
      %mul3A_842 = arith.mulf %get3A_839, %add3A_841 : vector<16xf32>
      %swap3A_843 = arith.index_cast %add3A_799 : i32 to index
      %swap3A_844 = arith.constant 48 : index
      %swap3A_845 = tpu.vector_load %arg12[%swap3A_843, %swap3A_844] {strides = array<i32>} : memref<512x128xf32, #tpu.memory_space<vmem>>, vector<1x16xf32>,
      %swap3A_846 = vector.shape_cast %swap3A_845 : vector<1x16xf32> to vector<16xf32>
      %swap3A_847 = vector.shape_cast %mul3A_842 : vector<16xf32> to vector<1x16xf32>
      tpu.vector_store %arg12[%swap3A_843, %swap3A_844], %swap3A_847 {strides = array<i32>} : memref<512x128xf32, #tpu.memory_space<vmem>>, vector<1x16xf32>,
      %get3A_848 = arith.index_cast %add3A_799 : i32 to index
      %get3A_849 = arith.constant 64 : index
      %get3A_850 = tpu.vector_load %arg12[%get3A_848, %get3A_849] {strides = array<i32>} : memref<512x128xf32, #tpu.memory_space<vmem>>, vector<1x16xf32>,
      %get3A_851 = vector.shape_cast %get3A_850 : vector<1x16xf32> to vector<16xf32>
      %mul3A_852 = arith.mulf %gather3A_797, %get3A_60 : vector<16xf32>
      %add3A_853 = arith.addf %mul3A_852, %add3A_99 : vector<16xf32>
      %mul3A_854 = arith.mulf %get3A_851, %add3A_853 : vector<16xf32>
      %swap3A_855 = arith.index_cast %add3A_799 : i32 to index
      %swap3A_856 = arith.constant 64 : index
      %swap3A_857 = tpu.vector_load %arg12[%swap3A_855, %swap3A_856] {strides = array<i32>} : memref<512x128xf32, #tpu.memory_space<vmem>>, vector<1x16xf32>,
      %swap3A_858 = vector.shape_cast %swap3A_857 : vector<1x16xf32> to vector<16xf32>
      %swap3A_859 = vector.shape_cast %mul3A_854 : vector<16xf32> to vector<1x16xf32>
      tpu.vector_store %arg12[%swap3A_855, %swap3A_856], %swap3A_859 {strides = array<i32>} : memref<512x128xf32, #tpu.memory_space<vmem>>, vector<1x16xf32>,
      %get3A_860 = arith.index_cast %add3A_799 : i32 to index
      %get3A_861 = arith.constant 80 : index
      %get3A_862 = tpu.vector_load %arg12[%get3A_860, %get3A_861] {strides = array<i32>} : memref<512x128xf32, #tpu.memory_space<vmem>>, vector<1x16xf32>,
      %get3A_863 = vector.shape_cast %get3A_862 : vector<1x16xf32> to vector<16xf32>
      %mul3A_864 = arith.mulf %gather3A_797, %get3A_63 : vector<16xf32>
      %add3A_865 = arith.addf %mul3A_864, %add3A_105 : vector<16xf32>
      %mul3A_866 = arith.mulf %get3A_863, %add3A_865 : vector<16xf32>
      %swap3A_867 = arith.index_cast %add3A_799 : i32 to index
      %swap3A_868 = arith.constant 80 : index
      %swap3A_869 = tpu.vector_load %arg12[%swap3A_867, %swap3A_868] {strides = array<i32>} : memref<512x128xf32, #tpu.memory_space<vmem>>, vector<1x16xf32>,
      %swap3A_870 = vector.shape_cast %swap3A_869 : vector<1x16xf32> to vector<16xf32>
      %swap3A_871 = vector.shape_cast %mul3A_866 : vector<16xf32> to vector<1x16xf32>
      tpu.vector_store %arg12[%swap3A_867, %swap3A_868], %swap3A_871 {strides = array<i32>} : memref<512x128xf32, #tpu.memory_space<vmem>>, vector<1x16xf32>,
      %get3A_872 = arith.index_cast %add3A_799 : i32 to index
      %get3A_873 = arith.constant 96 : index
      %get3A_874 = tpu.vector_load %arg12[%get3A_872, %get3A_873] {strides = array<i32>} : memref<512x128xf32, #tpu.memory_space<vmem>>, vector<1x16xf32>,
      %get3A_875 = vector.shape_cast %get3A_874 : vector<1x16xf32> to vector<16xf32>
      %mul3A_876 = arith.mulf %gather3A_797, %get3A_66 : vector<16xf32>
      %add3A_877 = arith.addf %mul3A_876, %add3A_111 : vector<16xf32>
      %mul3A_878 = arith.mulf %get3A_875, %add3A_877 : vector<16xf32>
      %swap3A_879 = arith.index_cast %add3A_799 : i32 to index
      %swap3A_880 = arith.constant 96 : index
      %swap3A_881 = tpu.vector_load %arg12[%swap3A_879, %swap3A_880] {strides = array<i32>} : memref<512x128xf32, #tpu.memory_space<vmem>>, vector<1x16xf32>,
      %swap3A_882 = vector.shape_cast %swap3A_881 : vector<1x16xf32> to vector<16xf32>
      %swap3A_883 = vector.shape_cast %mul3A_878 : vector<16xf32> to vector<1x16xf32>
      tpu.vector_store %arg12[%swap3A_879, %swap3A_880], %swap3A_883 {strides = array<i32>} : memref<512x128xf32, #tpu.memory_space<vmem>>, vector<1x16xf32>,
      %get3A_884 = arith.index_cast %add3A_799 : i32 to index
      %get3A_885 = arith.constant 112 : index
      %get3A_886 = tpu.vector_load %arg12[%get3A_884, %get3A_885] {strides = array<i32>} : memref<512x128xf32, #tpu.memory_space<vmem>>, vector<1x16xf32>,
      %get3A_887 = vector.shape_cast %get3A_886 : vector<1x16xf32> to vector<16xf32>
      %mul3A_888 = arith.mulf %gather3A_797, %get3A_69 : vector<16xf32>
      %add3A_889 = arith.addf %mul3A_888, %add3A_117 : vector<16xf32>
      %mul3A_890 = arith.mulf %get3A_887, %add3A_889 : vector<16xf32>
      %swap3A_891 = arith.index_cast %add3A_799 : i32 to index
      %swap3A_892 = arith.constant 112 : index
      %swap3A_893 = tpu.vector_load %arg12[%swap3A_891, %swap3A_892] {strides = array<i32>} : memref<512x128xf32, #tpu.memory_space<vmem>>, vector<1x16xf32>,
      %swap3A_894 = vector.shape_cast %swap3A_893 : vector<1x16xf32> to vector<16xf32>
      %swap3A_895 = vector.shape_cast %mul3A_890 : vector<16xf32> to vector<1x16xf32>
      tpu.vector_store %arg12[%swap3A_891, %swap3A_892], %swap3A_895 {strides = array<i32>} : memref<512x128xf32, #tpu.memory_space<vmem>>, vector<1x16xf32>,
      %lt3A_896 = arith.constant 0 : i32
      %lt3A_897 = vector.broadcast %lt3A_896 : i32 to vector<16xi32>
      %lt3A_898 = arith.cmpi slt, %broadcast_in_dim3A_130, %lt3A_897 : vector<16xi32>
      %add3A_899 = arith.constant 16 : i32
      %add3A_900 = vector.broadcast %add3A_899 : i32 to vector<16xi32>
      %add3A_901 = arith.addi %broadcast_in_dim3A_130, %add3A_900 : vector<16xi32>
      %select_n3A_902 = arith.select %lt3A_898, %add3A_901, %broadcast_in_dim3A_130 : vector<16xi1>, vector<16xi32>
      %broadcast_in_dim3A_903 = vector.shape_cast %select_n3A_902 : vector<16xi32> to vector<16x1xi32>
      %gather3A_904 = vector.shape_cast %broadcast_in_dim3A_903 : vector<16x1xi32> to vector<16xi32>
      %gather3A_905 = tpu.dynamic_gather %get3A_251[%gather3A_904] in [0] : vector<16xf32>, vector<16xi32> -> vector<16xf32>
      %add3A_906 = arith.constant 6 : i32
      %add3A_907 = arith.addi %add3A_248, %add3A_906 : i32
      %get3A_908 = arith.index_cast %add3A_907 : i32 to index
      %get3A_909 = arith.constant 0 : index
      %get3A_910 = tpu.vector_load %arg12[%get3A_908, %get3A_909] {strides = array<i32>} : memref<512x128xf32, #tpu.memory_space<vmem>>, vector<1x16xf32>,
      %get3A_911 = vector.shape_cast %get3A_910 : vector<1x16xf32> to vector<16xf32>
      %mul3A_912 = arith.mulf %gather3A_905, %get3A_48 : vector<16xf32>
      %add3A_913 = arith.addf %mul3A_912, %add3A_75 : vector<16xf32>
      %mul3A_914 = arith.mulf %get3A_911, %add3A_913 : vector<16xf32>
      %swap3A_915 = arith.index_cast %add3A_907 : i32 to index
      %swap3A_916 = arith.constant 0 : index
      %swap3A_917 = tpu.vector_load %arg12[%swap3A_915, %swap3A_916] {strides = array<i32>} : memref<512x128xf32, #tpu.memory_space<vmem>>, vector<1x16xf32>,
      %swap3A_918 = vector.shape_cast %swap3A_917 : vector<1x16xf32> to vector<16xf32>
      %swap3A_919 = vector.shape_cast %mul3A_914 : vector<16xf32> to vector<1x16xf32>
      tpu.vector_store %arg12[%swap3A_915, %swap3A_916], %swap3A_919 {strides = array<i32>} : memref<512x128xf32, #tpu.memory_space<vmem>>, vector<1x16xf32>,
      %get3A_920 = arith.index_cast %add3A_907 : i32 to index
      %get3A_921 = arith.constant 16 : index
      %get3A_922 = tpu.vector_load %arg12[%get3A_920, %get3A_921] {strides = array<i32>} : memref<512x128xf32, #tpu.memory_space<vmem>>, vector<1x16xf32>,
      %get3A_923 = vector.shape_cast %get3A_922 : vector<1x16xf32> to vector<16xf32>
      %mul3A_924 = arith.mulf %gather3A_905, %get3A_51 : vector<16xf32>
      %add3A_925 = arith.addf %mul3A_924, %add3A_81 : vector<16xf32>
      %mul3A_926 = arith.mulf %get3A_923, %add3A_925 : vector<16xf32>
      %swap3A_927 = arith.index_cast %add3A_907 : i32 to index
      %swap3A_928 = arith.constant 16 : index
      %swap3A_929 = tpu.vector_load %arg12[%swap3A_927, %swap3A_928] {strides = array<i32>} : memref<512x128xf32, #tpu.memory_space<vmem>>, vector<1x16xf32>,
      %swap3A_930 = vector.shape_cast %swap3A_929 : vector<1x16xf32> to vector<16xf32>
      %swap3A_931 = vector.shape_cast %mul3A_926 : vector<16xf32> to vector<1x16xf32>
      tpu.vector_store %arg12[%swap3A_927, %swap3A_928], %swap3A_931 {strides = array<i32>} : memref<512x128xf32, #tpu.memory_space<vmem>>, vector<1x16xf32>,
      %get3A_932 = arith.index_cast %add3A_907 : i32 to index
      %get3A_933 = arith.constant 32 : index
      %get3A_934 = tpu.vector_load %arg12[%get3A_932, %get3A_933] {strides = array<i32>} : memref<512x128xf32, #tpu.memory_space<vmem>>, vector<1x16xf32>,
      %get3A_935 = vector.shape_cast %get3A_934 : vector<1x16xf32> to vector<16xf32>
      %mul3A_936 = arith.mulf %gather3A_905, %get3A_54 : vector<16xf32>
      %add3A_937 = arith.addf %mul3A_936, %add3A_87 : vector<16xf32>
      %mul3A_938 = arith.mulf %get3A_935, %add3A_937 : vector<16xf32>
      %swap3A_939 = arith.index_cast %add3A_907 : i32 to index
      %swap3A_940 = arith.constant 32 : index
      %swap3A_941 = tpu.vector_load %arg12[%swap3A_939, %swap3A_940] {strides = array<i32>} : memref<512x128xf32, #tpu.memory_space<vmem>>, vector<1x16xf32>,
      %swap3A_942 = vector.shape_cast %swap3A_941 : vector<1x16xf32> to vector<16xf32>
      %swap3A_943 = vector.shape_cast %mul3A_938 : vector<16xf32> to vector<1x16xf32>
      tpu.vector_store %arg12[%swap3A_939, %swap3A_940], %swap3A_943 {strides = array<i32>} : memref<512x128xf32, #tpu.memory_space<vmem>>, vector<1x16xf32>,
      %get3A_944 = arith.index_cast %add3A_907 : i32 to index
      %get3A_945 = arith.constant 48 : index
      %get3A_946 = tpu.vector_load %arg12[%get3A_944, %get3A_945] {strides = array<i32>} : memref<512x128xf32, #tpu.memory_space<vmem>>, vector<1x16xf32>,
      %get3A_947 = vector.shape_cast %get3A_946 : vector<1x16xf32> to vector<16xf32>
      %mul3A_948 = arith.mulf %gather3A_905, %get3A_57 : vector<16xf32>
      %add3A_949 = arith.addf %mul3A_948, %add3A_93 : vector<16xf32>
      %mul3A_950 = arith.mulf %get3A_947, %add3A_949 : vector<16xf32>
      %swap3A_951 = arith.index_cast %add3A_907 : i32 to index
      %swap3A_952 = arith.constant 48 : index
      %swap3A_953 = tpu.vector_load %arg12[%swap3A_951, %swap3A_952] {strides = array<i32>} : memref<512x128xf32, #tpu.memory_space<vmem>>, vector<1x16xf32>,
      %swap3A_954 = vector.shape_cast %swap3A_953 : vector<1x16xf32> to vector<16xf32>
      %swap3A_955 = vector.shape_cast %mul3A_950 : vector<16xf32> to vector<1x16xf32>
      tpu.vector_store %arg12[%swap3A_951, %swap3A_952], %swap3A_955 {strides = array<i32>} : memref<512x128xf32, #tpu.memory_space<vmem>>, vector<1x16xf32>,
      %get3A_956 = arith.index_cast %add3A_907 : i32 to index
      %get3A_957 = arith.constant 64 : index
      %get3A_958 = tpu.vector_load %arg12[%get3A_956, %get3A_957] {strides = array<i32>} : memref<512x128xf32, #tpu.memory_space<vmem>>, vector<1x16xf32>,
      %get3A_959 = vector.shape_cast %get3A_958 : vector<1x16xf32> to vector<16xf32>
      %mul3A_960 = arith.mulf %gather3A_905, %get3A_60 : vector<16xf32>
      %add3A_961 = arith.addf %mul3A_960, %add3A_99 : vector<16xf32>
      %mul3A_962 = arith.mulf %get3A_959, %add3A_961 : vector<16xf32>
      %swap3A_963 = arith.index_cast %add3A_907 : i32 to index
      %swap3A_964 = arith.constant 64 : index
      %swap3A_965 = tpu.vector_load %arg12[%swap3A_963, %swap3A_964] {strides = array<i32>} : memref<512x128xf32, #tpu.memory_space<vmem>>, vector<1x16xf32>,
      %swap3A_966 = vector.shape_cast %swap3A_965 : vector<1x16xf32> to vector<16xf32>
      %swap3A_967 = vector.shape_cast %mul3A_962 : vector<16xf32> to vector<1x16xf32>
      tpu.vector_store %arg12[%swap3A_963, %swap3A_964], %swap3A_967 {strides = array<i32>} : memref<512x128xf32, #tpu.memory_space<vmem>>, vector<1x16xf32>,
      %get3A_968 = arith.index_cast %add3A_907 : i32 to index
      %get3A_969 = arith.constant 80 : index
      %get3A_970 = tpu.vector_load %arg12[%get3A_968, %get3A_969] {strides = array<i32>} : memref<512x128xf32, #tpu.memory_space<vmem>>, vector<1x16xf32>,
      %get3A_971 = vector.shape_cast %get3A_970 : vector<1x16xf32> to vector<16xf32>
      %mul3A_972 = arith.mulf %gather3A_905, %get3A_63 : vector<16xf32>
      %add3A_973 = arith.addf %mul3A_972, %add3A_105 : vector<16xf32>
      %mul3A_974 = arith.mulf %get3A_971, %add3A_973 : vector<16xf32>
      %swap3A_975 = arith.index_cast %add3A_907 : i32 to index
      %swap3A_976 = arith.constant 80 : index
      %swap3A_977 = tpu.vector_load %arg12[%swap3A_975, %swap3A_976] {strides = array<i32>} : memref<512x128xf32, #tpu.memory_space<vmem>>, vector<1x16xf32>,
      %swap3A_978 = vector.shape_cast %swap3A_977 : vector<1x16xf32> to vector<16xf32>
      %swap3A_979 = vector.shape_cast %mul3A_974 : vector<16xf32> to vector<1x16xf32>
      tpu.vector_store %arg12[%swap3A_975, %swap3A_976], %swap3A_979 {strides = array<i32>} : memref<512x128xf32, #tpu.memory_space<vmem>>, vector<1x16xf32>,
      %get3A_980 = arith.index_cast %add3A_907 : i32 to index
      %get3A_981 = arith.constant 96 : index
      %get3A_982 = tpu.vector_load %arg12[%get3A_980, %get3A_981] {strides = array<i32>} : memref<512x128xf32, #tpu.memory_space<vmem>>, vector<1x16xf32>,
      %get3A_983 = vector.shape_cast %get3A_982 : vector<1x16xf32> to vector<16xf32>
      %mul3A_984 = arith.mulf %gather3A_905, %get3A_66 : vector<16xf32>
      %add3A_985 = arith.addf %mul3A_984, %add3A_111 : vector<16xf32>
      %mul3A_986 = arith.mulf %get3A_983, %add3A_985 : vector<16xf32>
      %swap3A_987 = arith.index_cast %add3A_907 : i32 to index
      %swap3A_988 = arith.constant 96 : index
      %swap3A_989 = tpu.vector_load %arg12[%swap3A_987, %swap3A_988] {strides = array<i32>} : memref<512x128xf32, #tpu.memory_space<vmem>>, vector<1x16xf32>,
      %swap3A_990 = vector.shape_cast %swap3A_989 : vector<1x16xf32> to vector<16xf32>
      %swap3A_991 = vector.shape_cast %mul3A_986 : vector<16xf32> to vector<1x16xf32>
      tpu.vector_store %arg12[%swap3A_987, %swap3A_988], %swap3A_991 {strides = array<i32>} : memref<512x128xf32, #tpu.memory_space<vmem>>, vector<1x16xf32>,
      %get3A_992 = arith.index_cast %add3A_907 : i32 to index
      %get3A_993 = arith.constant 112 : index
      %get3A_994 = tpu.vector_load %arg12[%get3A_992, %get3A_993] {strides = array<i32>} : memref<512x128xf32, #tpu.memory_space<vmem>>, vector<1x16xf32>,
      %get3A_995 = vector.shape_cast %get3A_994 : vector<1x16xf32> to vector<16xf32>
      %mul3A_996 = arith.mulf %gather3A_905, %get3A_69 : vector<16xf32>
      %add3A_997 = arith.addf %mul3A_996, %add3A_117 : vector<16xf32>
      %mul3A_998 = arith.mulf %get3A_995, %add3A_997 : vector<16xf32>
      %swap3A_999 = arith.index_cast %add3A_907 : i32 to index
      %swap3A_1000 = arith.constant 112 : index
      %swap3A_1001 = tpu.vector_load %arg12[%swap3A_999, %swap3A_1000] {strides = array<i32>} : memref<512x128xf32, #tpu.memory_space<vmem>>, vector<1x16xf32>,
      %swap3A_1002 = vector.shape_cast %swap3A_1001 : vector<1x16xf32> to vector<16xf32>
      %swap3A_1003 = vector.shape_cast %mul3A_998 : vector<16xf32> to vector<1x16xf32>
      tpu.vector_store %arg12[%swap3A_999, %swap3A_1000], %swap3A_1003 {strides = array<i32>} : memref<512x128xf32, #tpu.memory_space<vmem>>, vector<1x16xf32>,
      %lt3A_1004 = arith.constant 0 : i32
      %lt3A_1005 = vector.broadcast %lt3A_1004 : i32 to vector<16xi32>
      %lt3A_1006 = arith.cmpi slt, %broadcast_in_dim3A_132, %lt3A_1005 : vector<16xi32>
      %add3A_1007 = arith.constant 16 : i32
      %add3A_1008 = vector.broadcast %add3A_1007 : i32 to vector<16xi32>
      %add3A_1009 = arith.addi %broadcast_in_dim3A_132, %add3A_1008 : vector<16xi32>
      %select_n3A_1010 = arith.select %lt3A_1006, %add3A_1009, %broadcast_in_dim3A_132 : vector<16xi1>, vector<16xi32>
      %broadcast_in_dim3A_1011 = vector.shape_cast %select_n3A_1010 : vector<16xi32> to vector<16x1xi32>
      %gather3A_1012 = vector.shape_cast %broadcast_in_dim3A_1011 : vector<16x1xi32> to vector<16xi32>
      %gather3A_1013 = tpu.dynamic_gather %get3A_251[%gather3A_1012] in [0] : vector<16xf32>, vector<16xi32> -> vector<16xf32>
      %add3A_1014 = arith.constant 7 : i32
      %add3A_1015 = arith.addi %add3A_248, %add3A_1014 : i32
      %get3A_1016 = arith.index_cast %add3A_1015 : i32 to index
      %get3A_1017 = arith.constant 0 : index
      %get3A_1018 = tpu.vector_load %arg12[%get3A_1016, %get3A_1017] {strides = array<i32>} : memref<512x128xf32, #tpu.memory_space<vmem>>, vector<1x16xf32>,
      %get3A_1019 = vector.shape_cast %get3A_1018 : vector<1x16xf32> to vector<16xf32>
      %mul3A_1020 = arith.mulf %gather3A_1013, %get3A_48 : vector<16xf32>
      %add3A_1021 = arith.addf %mul3A_1020, %add3A_75 : vector<16xf32>
      %mul3A_1022 = arith.mulf %get3A_1019, %add3A_1021 : vector<16xf32>
      %swap3A_1023 = arith.index_cast %add3A_1015 : i32 to index
      %swap3A_1024 = arith.constant 0 : index
      %swap3A_1025 = tpu.vector_load %arg12[%swap3A_1023, %swap3A_1024] {strides = array<i32>} : memref<512x128xf32, #tpu.memory_space<vmem>>, vector<1x16xf32>,
      %swap3A_1026 = vector.shape_cast %swap3A_1025 : vector<1x16xf32> to vector<16xf32>
      %swap3A_1027 = vector.shape_cast %mul3A_1022 : vector<16xf32> to vector<1x16xf32>
      tpu.vector_store %arg12[%swap3A_1023, %swap3A_1024], %swap3A_1027 {strides = array<i32>} : memref<512x128xf32, #tpu.memory_space<vmem>>, vector<1x16xf32>,
      %get3A_1028 = arith.index_cast %add3A_1015 : i32 to index
      %get3A_1029 = arith.constant 16 : index
      %get3A_1030 = tpu.vector_load %arg12[%get3A_1028, %get3A_1029] {strides = array<i32>} : memref<512x128xf32, #tpu.memory_space<vmem>>, vector<1x16xf32>,
      %get3A_1031 = vector.shape_cast %get3A_1030 : vector<1x16xf32> to vector<16xf32>
      %mul3A_1032 = arith.mulf %gather3A_1013, %get3A_51 : vector<16xf32>
      %add3A_1033 = arith.addf %mul3A_1032, %add3A_81 : vector<16xf32>
      %mul3A_1034 = arith.mulf %get3A_1031, %add3A_1033 : vector<16xf32>
      %swap3A_1035 = arith.index_cast %add3A_1015 : i32 to index
      %swap3A_1036 = arith.constant 16 : index
      %swap3A_1037 = tpu.vector_load %arg12[%swap3A_1035, %swap3A_1036] {strides = array<i32>} : memref<512x128xf32, #tpu.memory_space<vmem>>, vector<1x16xf32>,
      %swap3A_1038 = vector.shape_cast %swap3A_1037 : vector<1x16xf32> to vector<16xf32>
      %swap3A_1039 = vector.shape_cast %mul3A_1034 : vector<16xf32> to vector<1x16xf32>
      tpu.vector_store %arg12[%swap3A_1035, %swap3A_1036], %swap3A_1039 {strides = array<i32>} : memref<512x128xf32, #tpu.memory_space<vmem>>, vector<1x16xf32>,
      %get3A_1040 = arith.index_cast %add3A_1015 : i32 to index
      %get3A_1041 = arith.constant 32 : index
      %get3A_1042 = tpu.vector_load %arg12[%get3A_1040, %get3A_1041] {strides = array<i32>} : memref<512x128xf32, #tpu.memory_space<vmem>>, vector<1x16xf32>,
      %get3A_1043 = vector.shape_cast %get3A_1042 : vector<1x16xf32> to vector<16xf32>
      %mul3A_1044 = arith.mulf %gather3A_1013, %get3A_54 : vector<16xf32>
      %add3A_1045 = arith.addf %mul3A_1044, %add3A_87 : vector<16xf32>
      %mul3A_1046 = arith.mulf %get3A_1043, %add3A_1045 : vector<16xf32>
      %swap3A_1047 = arith.index_cast %add3A_1015 : i32 to index
      %swap3A_1048 = arith.constant 32 : index
      %swap3A_1049 = tpu.vector_load %arg12[%swap3A_1047, %swap3A_1048] {strides = array<i32>} : memref<512x128xf32, #tpu.memory_space<vmem>>, vector<1x16xf32>,
      %swap3A_1050 = vector.shape_cast %swap3A_1049 : vector<1x16xf32> to vector<16xf32>
      %swap3A_1051 = vector.shape_cast %mul3A_1046 : vector<16xf32> to vector<1x16xf32>
      tpu.vector_store %arg12[%swap3A_1047, %swap3A_1048], %swap3A_1051 {strides = array<i32>} : memref<512x128xf32, #tpu.memory_space<vmem>>, vector<1x16xf32>,
      %get3A_1052 = arith.index_cast %add3A_1015 : i32 to index
      %get3A_1053 = arith.constant 48 : index
      %get3A_1054 = tpu.vector_load %arg12[%get3A_1052, %get3A_1053] {strides = array<i32>} : memref<512x128xf32, #tpu.memory_space<vmem>>, vector<1x16xf32>,
      %get3A_1055 = vector.shape_cast %get3A_1054 : vector<1x16xf32> to vector<16xf32>
      %mul3A_1056 = arith.mulf %gather3A_1013, %get3A_57 : vector<16xf32>
      %add3A_1057 = arith.addf %mul3A_1056, %add3A_93 : vector<16xf32>
      %mul3A_1058 = arith.mulf %get3A_1055, %add3A_1057 : vector<16xf32>
      %swap3A_1059 = arith.index_cast %add3A_1015 : i32 to index
      %swap3A_1060 = arith.constant 48 : index
      %swap3A_1061 = tpu.vector_load %arg12[%swap3A_1059, %swap3A_1060] {strides = array<i32>} : memref<512x128xf32, #tpu.memory_space<vmem>>, vector<1x16xf32>,
      %swap3A_1062 = vector.shape_cast %swap3A_1061 : vector<1x16xf32> to vector<16xf32>
      %swap3A_1063 = vector.shape_cast %mul3A_1058 : vector<16xf32> to vector<1x16xf32>
      tpu.vector_store %arg12[%swap3A_1059, %swap3A_1060], %swap3A_1063 {strides = array<i32>} : memref<512x128xf32, #tpu.memory_space<vmem>>, vector<1x16xf32>,
      %get3A_1064 = arith.index_cast %add3A_1015 : i32 to index
      %get3A_1065 = arith.constant 64 : index
      %get3A_1066 = tpu.vector_load %arg12[%get3A_1064, %get3A_1065] {strides = array<i32>} : memref<512x128xf32, #tpu.memory_space<vmem>>, vector<1x16xf32>,
      %get3A_1067 = vector.shape_cast %get3A_1066 : vector<1x16xf32> to vector<16xf32>
      %mul3A_1068 = arith.mulf %gather3A_1013, %get3A_60 : vector<16xf32>
      %add3A_1069 = arith.addf %mul3A_1068, %add3A_99 : vector<16xf32>
      %mul3A_1070 = arith.mulf %get3A_1067, %add3A_1069 : vector<16xf32>
      %swap3A_1071 = arith.index_cast %add3A_1015 : i32 to index
      %swap3A_1072 = arith.constant 64 : index
      %swap3A_1073 = tpu.vector_load %arg12[%swap3A_1071, %swap3A_1072] {strides = array<i32>} : memref<512x128xf32, #tpu.memory_space<vmem>>, vector<1x16xf32>,
      %swap3A_1074 = vector.shape_cast %swap3A_1073 : vector<1x16xf32> to vector<16xf32>
      %swap3A_1075 = vector.shape_cast %mul3A_1070 : vector<16xf32> to vector<1x16xf32>
      tpu.vector_store %arg12[%swap3A_1071, %swap3A_1072], %swap3A_1075 {strides = array<i32>} : memref<512x128xf32, #tpu.memory_space<vmem>>, vector<1x16xf32>,
      %get3A_1076 = arith.index_cast %add3A_1015 : i32 to index
      %get3A_1077 = arith.constant 80 : index
      %get3A_1078 = tpu.vector_load %arg12[%get3A_1076, %get3A_1077] {strides = array<i32>} : memref<512x128xf32, #tpu.memory_space<vmem>>, vector<1x16xf32>,
      %get3A_1079 = vector.shape_cast %get3A_1078 : vector<1x16xf32> to vector<16xf32>
      %mul3A_1080 = arith.mulf %gather3A_1013, %get3A_63 : vector<16xf32>
      %add3A_1081 = arith.addf %mul3A_1080, %add3A_105 : vector<16xf32>
      %mul3A_1082 = arith.mulf %get3A_1079, %add3A_1081 : vector<16xf32>
      %swap3A_1083 = arith.index_cast %add3A_1015 : i32 to index
      %swap3A_1084 = arith.constant 80 : index
      %swap3A_1085 = tpu.vector_load %arg12[%swap3A_1083, %swap3A_1084] {strides = array<i32>} : memref<512x128xf32, #tpu.memory_space<vmem>>, vector<1x16xf32>,
      %swap3A_1086 = vector.shape_cast %swap3A_1085 : vector<1x16xf32> to vector<16xf32>
      %swap3A_1087 = vector.shape_cast %mul3A_1082 : vector<16xf32> to vector<1x16xf32>
      tpu.vector_store %arg12[%swap3A_1083, %swap3A_1084], %swap3A_1087 {strides = array<i32>} : memref<512x128xf32, #tpu.memory_space<vmem>>, vector<1x16xf32>,
      %get3A_1088 = arith.index_cast %add3A_1015 : i32 to index
      %get3A_1089 = arith.constant 96 : index
      %get3A_1090 = tpu.vector_load %arg12[%get3A_1088, %get3A_1089] {strides = array<i32>} : memref<512x128xf32, #tpu.memory_space<vmem>>, vector<1x16xf32>,
      %get3A_1091 = vector.shape_cast %get3A_1090 : vector<1x16xf32> to vector<16xf32>
      %mul3A_1092 = arith.mulf %gather3A_1013, %get3A_66 : vector<16xf32>
      %add3A_1093 = arith.addf %mul3A_1092, %add3A_111 : vector<16xf32>
      %mul3A_1094 = arith.mulf %get3A_1091, %add3A_1093 : vector<16xf32>
      %swap3A_1095 = arith.index_cast %add3A_1015 : i32 to index
      %swap3A_1096 = arith.constant 96 : index
      %swap3A_1097 = tpu.vector_load %arg12[%swap3A_1095, %swap3A_1096] {strides = array<i32>} : memref<512x128xf32, #tpu.memory_space<vmem>>, vector<1x16xf32>,
      %swap3A_1098 = vector.shape_cast %swap3A_1097 : vector<1x16xf32> to vector<16xf32>
      %swap3A_1099 = vector.shape_cast %mul3A_1094 : vector<16xf32> to vector<1x16xf32>
      tpu.vector_store %arg12[%swap3A_1095, %swap3A_1096], %swap3A_1099 {strides = array<i32>} : memref<512x128xf32, #tpu.memory_space<vmem>>, vector<1x16xf32>,
      %get3A_1100 = arith.index_cast %add3A_1015 : i32 to index
      %get3A_1101 = arith.constant 112 : index
      %get3A_1102 = tpu.vector_load %arg12[%get3A_1100, %get3A_1101] {strides = array<i32>} : memref<512x128xf32, #tpu.memory_space<vmem>>, vector<1x16xf32>,
      %get3A_1103 = vector.shape_cast %get3A_1102 : vector<1x16xf32> to vector<16xf32>
      %mul3A_1104 = arith.mulf %gather3A_1013, %get3A_69 : vector<16xf32>
      %add3A_1105 = arith.addf %mul3A_1104, %add3A_117 : vector<16xf32>
      %mul3A_1106 = arith.mulf %get3A_1103, %add3A_1105 : vector<16xf32>
      %swap3A_1107 = arith.index_cast %add3A_1015 : i32 to index
      %swap3A_1108 = arith.constant 112 : index
      %swap3A_1109 = tpu.vector_load %arg12[%swap3A_1107, %swap3A_1108] {strides = array<i32>} : memref<512x128xf32, #tpu.memory_space<vmem>>, vector<1x16xf32>,
      %swap3A_1110 = vector.shape_cast %swap3A_1109 : vector<1x16xf32> to vector<16xf32>
      %swap3A_1111 = vector.shape_cast %mul3A_1106 : vector<16xf32> to vector<1x16xf32>
      tpu.vector_store %arg12[%swap3A_1107, %swap3A_1108], %swap3A_1111 {strides = array<i32>} : memref<512x128xf32, #tpu.memory_space<vmem>>, vector<1x16xf32>,
      %lt3A_1112 = arith.constant 0 : i32
      %lt3A_1113 = vector.broadcast %lt3A_1112 : i32 to vector<16xi32>
      %lt3A_1114 = arith.cmpi slt, %broadcast_in_dim3A_134, %lt3A_1113 : vector<16xi32>
      %add3A_1115 = arith.constant 16 : i32
      %add3A_1116 = vector.broadcast %add3A_1115 : i32 to vector<16xi32>
      %add3A_1117 = arith.addi %broadcast_in_dim3A_134, %add3A_1116 : vector<16xi32>
      %select_n3A_1118 = arith.select %lt3A_1114, %add3A_1117, %broadcast_in_dim3A_134 : vector<16xi1>, vector<16xi32>
      %broadcast_in_dim3A_1119 = vector.shape_cast %select_n3A_1118 : vector<16xi32> to vector<16x1xi32>
      %gather3A_1120 = vector.shape_cast %broadcast_in_dim3A_1119 : vector<16x1xi32> to vector<16xi32>
      %gather3A_1121 = tpu.dynamic_gather %get3A_251[%gather3A_1120] in [0] : vector<16xf32>, vector<16xi32> -> vector<16xf32>
      %add3A_1122 = arith.constant 8 : i32
      %add3A_1123 = arith.addi %add3A_248, %add3A_1122 : i32
      %get3A_1124 = arith.index_cast %add3A_1123 : i32 to index
      %get3A_1125 = arith.constant 0 : index
      %get3A_1126 = tpu.vector_load %arg12[%get3A_1124, %get3A_1125] {strides = array<i32>} : memref<512x128xf32, #tpu.memory_space<vmem>>, vector<1x16xf32>,
      %get3A_1127 = vector.shape_cast %get3A_1126 : vector<1x16xf32> to vector<16xf32>
      %mul3A_1128 = arith.mulf %gather3A_1121, %get3A_48 : vector<16xf32>
      %add3A_1129 = arith.addf %mul3A_1128, %add3A_75 : vector<16xf32>
      %mul3A_1130 = arith.mulf %get3A_1127, %add3A_1129 : vector<16xf32>
      %swap3A_1131 = arith.index_cast %add3A_1123 : i32 to index
      %swap3A_1132 = arith.constant 0 : index
      %swap3A_1133 = tpu.vector_load %arg12[%swap3A_1131, %swap3A_1132] {strides = array<i32>} : memref<512x128xf32, #tpu.memory_space<vmem>>, vector<1x16xf32>,
      %swap3A_1134 = vector.shape_cast %swap3A_1133 : vector<1x16xf32> to vector<16xf32>
      %swap3A_1135 = vector.shape_cast %mul3A_1130 : vector<16xf32> to vector<1x16xf32>
      tpu.vector_store %arg12[%swap3A_1131, %swap3A_1132], %swap3A_1135 {strides = array<i32>} : memref<512x128xf32, #tpu.memory_space<vmem>>, vector<1x16xf32>,
      %get3A_1136 = arith.index_cast %add3A_1123 : i32 to index
      %get3A_1137 = arith.constant 16 : index
      %get3A_1138 = tpu.vector_load %arg12[%get3A_1136, %get3A_1137] {strides = array<i32>} : memref<512x128xf32, #tpu.memory_space<vmem>>, vector<1x16xf32>,
      %get3A_1139 = vector.shape_cast %get3A_1138 : vector<1x16xf32> to vector<16xf32>
      %mul3A_1140 = arith.mulf %gather3A_1121, %get3A_51 : vector<16xf32>
      %add3A_1141 = arith.addf %mul3A_1140, %add3A_81 : vector<16xf32>
      %mul3A_1142 = arith.mulf %get3A_1139, %add3A_1141 : vector<16xf32>
      %swap3A_1143 = arith.index_cast %add3A_1123 : i32 to index
      %swap3A_1144 = arith.constant 16 : index
      %swap3A_1145 = tpu.vector_load %arg12[%swap3A_1143, %swap3A_1144] {strides = array<i32>} : memref<512x128xf32, #tpu.memory_space<vmem>>, vector<1x16xf32>,
      %swap3A_1146 = vector.shape_cast %swap3A_1145 : vector<1x16xf32> to vector<16xf32>
      %swap3A_1147 = vector.shape_cast %mul3A_1142 : vector<16xf32> to vector<1x16xf32>
      tpu.vector_store %arg12[%swap3A_1143, %swap3A_1144], %swap3A_1147 {strides = array<i32>} : memref<512x128xf32, #tpu.memory_space<vmem>>, vector<1x16xf32>,
      %get3A_1148 = arith.index_cast %add3A_1123 : i32 to index
      %get3A_1149 = arith.constant 32 : index
      %get3A_1150 = tpu.vector_load %arg12[%get3A_1148, %get3A_1149] {strides = array<i32>} : memref<512x128xf32, #tpu.memory_space<vmem>>, vector<1x16xf32>,
      %get3A_1151 = vector.shape_cast %get3A_1150 : vector<1x16xf32> to vector<16xf32>
      %mul3A_1152 = arith.mulf %gather3A_1121, %get3A_54 : vector<16xf32>
      %add3A_1153 = arith.addf %mul3A_1152, %add3A_87 : vector<16xf32>
      %mul3A_1154 = arith.mulf %get3A_1151, %add3A_1153 : vector<16xf32>
      %swap3A_1155 = arith.index_cast %add3A_1123 : i32 to index
      %swap3A_1156 = arith.constant 32 : index
      %swap3A_1157 = tpu.vector_load %arg12[%swap3A_1155, %swap3A_1156] {strides = array<i32>} : memref<512x128xf32, #tpu.memory_space<vmem>>, vector<1x16xf32>,
      %swap3A_1158 = vector.shape_cast %swap3A_1157 : vector<1x16xf32> to vector<16xf32>
      %swap3A_1159 = vector.shape_cast %mul3A_1154 : vector<16xf32> to vector<1x16xf32>
      tpu.vector_store %arg12[%swap3A_1155, %swap3A_1156], %swap3A_1159 {strides = array<i32>} : memref<512x128xf32, #tpu.memory_space<vmem>>, vector<1x16xf32>,
      %get3A_1160 = arith.index_cast %add3A_1123 : i32 to index
      %get3A_1161 = arith.constant 48 : index
      %get3A_1162 = tpu.vector_load %arg12[%get3A_1160, %get3A_1161] {strides = array<i32>} : memref<512x128xf32, #tpu.memory_space<vmem>>, vector<1x16xf32>,
      %get3A_1163 = vector.shape_cast %get3A_1162 : vector<1x16xf32> to vector<16xf32>
      %mul3A_1164 = arith.mulf %gather3A_1121, %get3A_57 : vector<16xf32>
      %add3A_1165 = arith.addf %mul3A_1164, %add3A_93 : vector<16xf32>
      %mul3A_1166 = arith.mulf %get3A_1163, %add3A_1165 : vector<16xf32>
      %swap3A_1167 = arith.index_cast %add3A_1123 : i32 to index
      %swap3A_1168 = arith.constant 48 : index
      %swap3A_1169 = tpu.vector_load %arg12[%swap3A_1167, %swap3A_1168] {strides = array<i32>} : memref<512x128xf32, #tpu.memory_space<vmem>>, vector<1x16xf32>,
      %swap3A_1170 = vector.shape_cast %swap3A_1169 : vector<1x16xf32> to vector<16xf32>
      %swap3A_1171 = vector.shape_cast %mul3A_1166 : vector<16xf32> to vector<1x16xf32>
      tpu.vector_store %arg12[%swap3A_1167, %swap3A_1168], %swap3A_1171 {strides = array<i32>} : memref<512x128xf32, #tpu.memory_space<vmem>>, vector<1x16xf32>,
      %get3A_1172 = arith.index_cast %add3A_1123 : i32 to index
      %get3A_1173 = arith.constant 64 : index
      %get3A_1174 = tpu.vector_load %arg12[%get3A_1172, %get3A_1173] {strides = array<i32>} : memref<512x128xf32, #tpu.memory_space<vmem>>, vector<1x16xf32>,
      %get3A_1175 = vector.shape_cast %get3A_1174 : vector<1x16xf32> to vector<16xf32>
      %mul3A_1176 = arith.mulf %gather3A_1121, %get3A_60 : vector<16xf32>
      %add3A_1177 = arith.addf %mul3A_1176, %add3A_99 : vector<16xf32>
      %mul3A_1178 = arith.mulf %get3A_1175, %add3A_1177 : vector<16xf32>
      %swap3A_1179 = arith.index_cast %add3A_1123 : i32 to index
      %swap3A_1180 = arith.constant 64 : index
      %swap3A_1181 = tpu.vector_load %arg12[%swap3A_1179, %swap3A_1180] {strides = array<i32>} : memref<512x128xf32, #tpu.memory_space<vmem>>, vector<1x16xf32>,
      %swap3A_1182 = vector.shape_cast %swap3A_1181 : vector<1x16xf32> to vector<16xf32>
      %swap3A_1183 = vector.shape_cast %mul3A_1178 : vector<16xf32> to vector<1x16xf32>
      tpu.vector_store %arg12[%swap3A_1179, %swap3A_1180], %swap3A_1183 {strides = array<i32>} : memref<512x128xf32, #tpu.memory_space<vmem>>, vector<1x16xf32>,
      %get3A_1184 = arith.index_cast %add3A_1123 : i32 to index
      %get3A_1185 = arith.constant 80 : index
      %get3A_1186 = tpu.vector_load %arg12[%get3A_1184, %get3A_1185] {strides = array<i32>} : memref<512x128xf32, #tpu.memory_space<vmem>>, vector<1x16xf32>,
      %get3A_1187 = vector.shape_cast %get3A_1186 : vector<1x16xf32> to vector<16xf32>
      %mul3A_1188 = arith.mulf %gather3A_1121, %get3A_63 : vector<16xf32>
      %add3A_1189 = arith.addf %mul3A_1188, %add3A_105 : vector<16xf32>
      %mul3A_1190 = arith.mulf %get3A_1187, %add3A_1189 : vector<16xf32>
      %swap3A_1191 = arith.index_cast %add3A_1123 : i32 to index
      %swap3A_1192 = arith.constant 80 : index
      %swap3A_1193 = tpu.vector_load %arg12[%swap3A_1191, %swap3A_1192] {strides = array<i32>} : memref<512x128xf32, #tpu.memory_space<vmem>>, vector<1x16xf32>,
      %swap3A_1194 = vector.shape_cast %swap3A_1193 : vector<1x16xf32> to vector<16xf32>
      %swap3A_1195 = vector.shape_cast %mul3A_1190 : vector<16xf32> to vector<1x16xf32>
      tpu.vector_store %arg12[%swap3A_1191, %swap3A_1192], %swap3A_1195 {strides = array<i32>} : memref<512x128xf32, #tpu.memory_space<vmem>>, vector<1x16xf32>,
      %get3A_1196 = arith.index_cast %add3A_1123 : i32 to index
      %get3A_1197 = arith.constant 96 : index
      %get3A_1198 = tpu.vector_load %arg12[%get3A_1196, %get3A_1197] {strides = array<i32>} : memref<512x128xf32, #tpu.memory_space<vmem>>, vector<1x16xf32>,
      %get3A_1199 = vector.shape_cast %get3A_1198 : vector<1x16xf32> to vector<16xf32>
      %mul3A_1200 = arith.mulf %gather3A_1121, %get3A_66 : vector<16xf32>
      %add3A_1201 = arith.addf %mul3A_1200, %add3A_111 : vector<16xf32>
      %mul3A_1202 = arith.mulf %get3A_1199, %add3A_1201 : vector<16xf32>
      %swap3A_1203 = arith.index_cast %add3A_1123 : i32 to index
      %swap3A_1204 = arith.constant 96 : index
      %swap3A_1205 = tpu.vector_load %arg12[%swap3A_1203, %swap3A_1204] {strides = array<i32>} : memref<512x128xf32, #tpu.memory_space<vmem>>, vector<1x16xf32>,
      %swap3A_1206 = vector.shape_cast %swap3A_1205 : vector<1x16xf32> to vector<16xf32>
      %swap3A_1207 = vector.shape_cast %mul3A_1202 : vector<16xf32> to vector<1x16xf32>
      tpu.vector_store %arg12[%swap3A_1203, %swap3A_1204], %swap3A_1207 {strides = array<i32>} : memref<512x128xf32, #tpu.memory_space<vmem>>, vector<1x16xf32>,
      %get3A_1208 = arith.index_cast %add3A_1123 : i32 to index
      %get3A_1209 = arith.constant 112 : index
      %get3A_1210 = tpu.vector_load %arg12[%get3A_1208, %get3A_1209] {strides = array<i32>} : memref<512x128xf32, #tpu.memory_space<vmem>>, vector<1x16xf32>,
      %get3A_1211 = vector.shape_cast %get3A_1210 : vector<1x16xf32> to vector<16xf32>
      %mul3A_1212 = arith.mulf %gather3A_1121, %get3A_69 : vector<16xf32>
      %add3A_1213 = arith.addf %mul3A_1212, %add3A_117 : vector<16xf32>
      %mul3A_1214 = arith.mulf %get3A_1211, %add3A_1213 : vector<16xf32>
      %swap3A_1215 = arith.index_cast %add3A_1123 : i32 to index
      %swap3A_1216 = arith.constant 112 : index
      %swap3A_1217 = tpu.vector_load %arg12[%swap3A_1215, %swap3A_1216] {strides = array<i32>} : memref<512x128xf32, #tpu.memory_space<vmem>>, vector<1x16xf32>,
      %swap3A_1218 = vector.shape_cast %swap3A_1217 : vector<1x16xf32> to vector<16xf32>
      %swap3A_1219 = vector.shape_cast %mul3A_1214 : vector<16xf32> to vector<1x16xf32>
      tpu.vector_store %arg12[%swap3A_1215, %swap3A_1216], %swap3A_1219 {strides = array<i32>} : memref<512x128xf32, #tpu.memory_space<vmem>>, vector<1x16xf32>,
      %lt3A_1220 = arith.constant 0 : i32
      %lt3A_1221 = vector.broadcast %lt3A_1220 : i32 to vector<16xi32>
      %lt3A_1222 = arith.cmpi slt, %broadcast_in_dim3A_136, %lt3A_1221 : vector<16xi32>
      %add3A_1223 = arith.constant 16 : i32
      %add3A_1224 = vector.broadcast %add3A_1223 : i32 to vector<16xi32>
      %add3A_1225 = arith.addi %broadcast_in_dim3A_136, %add3A_1224 : vector<16xi32>
      %select_n3A_1226 = arith.select %lt3A_1222, %add3A_1225, %broadcast_in_dim3A_136 : vector<16xi1>, vector<16xi32>
      %broadcast_in_dim3A_1227 = vector.shape_cast %select_n3A_1226 : vector<16xi32> to vector<16x1xi32>
      %gather3A_1228 = vector.shape_cast %broadcast_in_dim3A_1227 : vector<16x1xi32> to vector<16xi32>
      %gather3A_1229 = tpu.dynamic_gather %get3A_251[%gather3A_1228] in [0] : vector<16xf32>, vector<16xi32> -> vector<16xf32>
      %add3A_1230 = arith.constant 9 : i32
      %add3A_1231 = arith.addi %add3A_248, %add3A_1230 : i32
      %get3A_1232 = arith.index_cast %add3A_1231 : i32 to index
      %get3A_1233 = arith.constant 0 : index
      %get3A_1234 = tpu.vector_load %arg12[%get3A_1232, %get3A_1233] {strides = array<i32>} : memref<512x128xf32, #tpu.memory_space<vmem>>, vector<1x16xf32>,
      %get3A_1235 = vector.shape_cast %get3A_1234 : vector<1x16xf32> to vector<16xf32>
      %mul3A_1236 = arith.mulf %gather3A_1229, %get3A_48 : vector<16xf32>
      %add3A_1237 = arith.addf %mul3A_1236, %add3A_75 : vector<16xf32>
      %mul3A_1238 = arith.mulf %get3A_1235, %add3A_1237 : vector<16xf32>
      %swap3A_1239 = arith.index_cast %add3A_1231 : i32 to index
      %swap3A_1240 = arith.constant 0 : index
      %swap3A_1241 = tpu.vector_load %arg12[%swap3A_1239, %swap3A_1240] {strides = array<i32>} : memref<512x128xf32, #tpu.memory_space<vmem>>, vector<1x16xf32>,
      %swap3A_1242 = vector.shape_cast %swap3A_1241 : vector<1x16xf32> to vector<16xf32>
      %swap3A_1243 = vector.shape_cast %mul3A_1238 : vector<16xf32> to vector<1x16xf32>
      tpu.vector_store %arg12[%swap3A_1239, %swap3A_1240], %swap3A_1243 {strides = array<i32>} : memref<512x128xf32, #tpu.memory_space<vmem>>, vector<1x16xf32>,
      %get3A_1244 = arith.index_cast %add3A_1231 : i32 to index
      %get3A_1245 = arith.constant 16 : index
      %get3A_1246 = tpu.vector_load %arg12[%get3A_1244, %get3A_1245] {strides = array<i32>} : memref<512x128xf32, #tpu.memory_space<vmem>>, vector<1x16xf32>,
      %get3A_1247 = vector.shape_cast %get3A_1246 : vector<1x16xf32> to vector<16xf32>
      %mul3A_1248 = arith.mulf %gather3A_1229, %get3A_51 : vector<16xf32>
      %add3A_1249 = arith.addf %mul3A_1248, %add3A_81 : vector<16xf32>
      %mul3A_1250 = arith.mulf %get3A_1247, %add3A_1249 : vector<16xf32>
      %swap3A_1251 = arith.index_cast %add3A_1231 : i32 to index
      %swap3A_1252 = arith.constant 16 : index
      %swap3A_1253 = tpu.vector_load %arg12[%swap3A_1251, %swap3A_1252] {strides = array<i32>} : memref<512x128xf32, #tpu.memory_space<vmem>>, vector<1x16xf32>,
      %swap3A_1254 = vector.shape_cast %swap3A_1253 : vector<1x16xf32> to vector<16xf32>
      %swap3A_1255 = vector.shape_cast %mul3A_1250 : vector<16xf32> to vector<1x16xf32>
      tpu.vector_store %arg12[%swap3A_1251, %swap3A_1252], %swap3A_1255 {strides = array<i32>} : memref<512x128xf32, #tpu.memory_space<vmem>>, vector<1x16xf32>,
      %get3A_1256 = arith.index_cast %add3A_1231 : i32 to index
      %get3A_1257 = arith.constant 32 : index
      %get3A_1258 = tpu.vector_load %arg12[%get3A_1256, %get3A_1257] {strides = array<i32>} : memref<512x128xf32, #tpu.memory_space<vmem>>, vector<1x16xf32>,
      %get3A_1259 = vector.shape_cast %get3A_1258 : vector<1x16xf32> to vector<16xf32>
      %mul3A_1260 = arith.mulf %gather3A_1229, %get3A_54 : vector<16xf32>
      %add3A_1261 = arith.addf %mul3A_1260, %add3A_87 : vector<16xf32>
      %mul3A_1262 = arith.mulf %get3A_1259, %add3A_1261 : vector<16xf32>
      %swap3A_1263 = arith.index_cast %add3A_1231 : i32 to index
      %swap3A_1264 = arith.constant 32 : index
      %swap3A_1265 = tpu.vector_load %arg12[%swap3A_1263, %swap3A_1264] {strides = array<i32>} : memref<512x128xf32, #tpu.memory_space<vmem>>, vector<1x16xf32>,
      %swap3A_1266 = vector.shape_cast %swap3A_1265 : vector<1x16xf32> to vector<16xf32>
      %swap3A_1267 = vector.shape_cast %mul3A_1262 : vector<16xf32> to vector<1x16xf32>
      tpu.vector_store %arg12[%swap3A_1263, %swap3A_1264], %swap3A_1267 {strides = array<i32>} : memref<512x128xf32, #tpu.memory_space<vmem>>, vector<1x16xf32>,
      %get3A_1268 = arith.index_cast %add3A_1231 : i32 to index
      %get3A_1269 = arith.constant 48 : index
      %get3A_1270 = tpu.vector_load %arg12[%get3A_1268, %get3A_1269] {strides = array<i32>} : memref<512x128xf32, #tpu.memory_space<vmem>>, vector<1x16xf32>,
      %get3A_1271 = vector.shape_cast %get3A_1270 : vector<1x16xf32> to vector<16xf32>
      %mul3A_1272 = arith.mulf %gather3A_1229, %get3A_57 : vector<16xf32>
      %add3A_1273 = arith.addf %mul3A_1272, %add3A_93 : vector<16xf32>
      %mul3A_1274 = arith.mulf %get3A_1271, %add3A_1273 : vector<16xf32>
      %swap3A_1275 = arith.index_cast %add3A_1231 : i32 to index
      %swap3A_1276 = arith.constant 48 : index
      %swap3A_1277 = tpu.vector_load %arg12[%swap3A_1275, %swap3A_1276] {strides = array<i32>} : memref<512x128xf32, #tpu.memory_space<vmem>>, vector<1x16xf32>,
      %swap3A_1278 = vector.shape_cast %swap3A_1277 : vector<1x16xf32> to vector<16xf32>
      %swap3A_1279 = vector.shape_cast %mul3A_1274 : vector<16xf32> to vector<1x16xf32>
      tpu.vector_store %arg12[%swap3A_1275, %swap3A_1276], %swap3A_1279 {strides = array<i32>} : memref<512x128xf32, #tpu.memory_space<vmem>>, vector<1x16xf32>,
      %get3A_1280 = arith.index_cast %add3A_1231 : i32 to index
      %get3A_1281 = arith.constant 64 : index
      %get3A_1282 = tpu.vector_load %arg12[%get3A_1280, %get3A_1281] {strides = array<i32>} : memref<512x128xf32, #tpu.memory_space<vmem>>, vector<1x16xf32>,
      %get3A_1283 = vector.shape_cast %get3A_1282 : vector<1x16xf32> to vector<16xf32>
      %mul3A_1284 = arith.mulf %gather3A_1229, %get3A_60 : vector<16xf32>
      %add3A_1285 = arith.addf %mul3A_1284, %add3A_99 : vector<16xf32>
      %mul3A_1286 = arith.mulf %get3A_1283, %add3A_1285 : vector<16xf32>
      %swap3A_1287 = arith.index_cast %add3A_1231 : i32 to index
      %swap3A_1288 = arith.constant 64 : index
      %swap3A_1289 = tpu.vector_load %arg12[%swap3A_1287, %swap3A_1288] {strides = array<i32>} : memref<512x128xf32, #tpu.memory_space<vmem>>, vector<1x16xf32>,
      %swap3A_1290 = vector.shape_cast %swap3A_1289 : vector<1x16xf32> to vector<16xf32>
      %swap3A_1291 = vector.shape_cast %mul3A_1286 : vector<16xf32> to vector<1x16xf32>
      tpu.vector_store %arg12[%swap3A_1287, %swap3A_1288], %swap3A_1291 {strides = array<i32>} : memref<512x128xf32, #tpu.memory_space<vmem>>, vector<1x16xf32>,
      %get3A_1292 = arith.index_cast %add3A_1231 : i32 to index
      %get3A_1293 = arith.constant 80 : index
      %get3A_1294 = tpu.vector_load %arg12[%get3A_1292, %get3A_1293] {strides = array<i32>} : memref<512x128xf32, #tpu.memory_space<vmem>>, vector<1x16xf32>,
      %get3A_1295 = vector.shape_cast %get3A_1294 : vector<1x16xf32> to vector<16xf32>
      %mul3A_1296 = arith.mulf %gather3A_1229, %get3A_63 : vector<16xf32>
      %add3A_1297 = arith.addf %mul3A_1296, %add3A_105 : vector<16xf32>
      %mul3A_1298 = arith.mulf %get3A_1295, %add3A_1297 : vector<16xf32>
      %swap3A_1299 = arith.index_cast %add3A_1231 : i32 to index
      %swap3A_1300 = arith.constant 80 : index
      %swap3A_1301 = tpu.vector_load %arg12[%swap3A_1299, %swap3A_1300] {strides = array<i32>} : memref<512x128xf32, #tpu.memory_space<vmem>>, vector<1x16xf32>,
      %swap3A_1302 = vector.shape_cast %swap3A_1301 : vector<1x16xf32> to vector<16xf32>
      %swap3A_1303 = vector.shape_cast %mul3A_1298 : vector<16xf32> to vector<1x16xf32>
      tpu.vector_store %arg12[%swap3A_1299, %swap3A_1300], %swap3A_1303 {strides = array<i32>} : memref<512x128xf32, #tpu.memory_space<vmem>>, vector<1x16xf32>,
      %get3A_1304 = arith.index_cast %add3A_1231 : i32 to index
      %get3A_1305 = arith.constant 96 : index
      %get3A_1306 = tpu.vector_load %arg12[%get3A_1304, %get3A_1305] {strides = array<i32>} : memref<512x128xf32, #tpu.memory_space<vmem>>, vector<1x16xf32>,
      %get3A_1307 = vector.shape_cast %get3A_1306 : vector<1x16xf32> to vector<16xf32>
      %mul3A_1308 = arith.mulf %gather3A_1229, %get3A_66 : vector<16xf32>
      %add3A_1309 = arith.addf %mul3A_1308, %add3A_111 : vector<16xf32>
      %mul3A_1310 = arith.mulf %get3A_1307, %add3A_1309 : vector<16xf32>
      %swap3A_1311 = arith.index_cast %add3A_1231 : i32 to index
      %swap3A_1312 = arith.constant 96 : index
      %swap3A_1313 = tpu.vector_load %arg12[%swap3A_1311, %swap3A_1312] {strides = array<i32>} : memref<512x128xf32, #tpu.memory_space<vmem>>, vector<1x16xf32>,
      %swap3A_1314 = vector.shape_cast %swap3A_1313 : vector<1x16xf32> to vector<16xf32>
      %swap3A_1315 = vector.shape_cast %mul3A_1310 : vector<16xf32> to vector<1x16xf32>
      tpu.vector_store %arg12[%swap3A_1311, %swap3A_1312], %swap3A_1315 {strides = array<i32>} : memref<512x128xf32, #tpu.memory_space<vmem>>, vector<1x16xf32>,
      %get3A_1316 = arith.index_cast %add3A_1231 : i32 to index
      %get3A_1317 = arith.constant 112 : index
      %get3A_1318 = tpu.vector_load %arg12[%get3A_1316, %get3A_1317] {strides = array<i32>} : memref<512x128xf32, #tpu.memory_space<vmem>>, vector<1x16xf32>,
      %get3A_1319 = vector.shape_cast %get3A_1318 : vector<1x16xf32> to vector<16xf32>
      %mul3A_1320 = arith.mulf %gather3A_1229, %get3A_69 : vector<16xf32>
      %add3A_1321 = arith.addf %mul3A_1320, %add3A_117 : vector<16xf32>
      %mul3A_1322 = arith.mulf %get3A_1319, %add3A_1321 : vector<16xf32>
      %swap3A_1323 = arith.index_cast %add3A_1231 : i32 to index
      %swap3A_1324 = arith.constant 112 : index
      %swap3A_1325 = tpu.vector_load %arg12[%swap3A_1323, %swap3A_1324] {strides = array<i32>} : memref<512x128xf32, #tpu.memory_space<vmem>>, vector<1x16xf32>,
      %swap3A_1326 = vector.shape_cast %swap3A_1325 : vector<1x16xf32> to vector<16xf32>
      %swap3A_1327 = vector.shape_cast %mul3A_1322 : vector<16xf32> to vector<1x16xf32>
      tpu.vector_store %arg12[%swap3A_1323, %swap3A_1324], %swap3A_1327 {strides = array<i32>} : memref<512x128xf32, #tpu.memory_space<vmem>>, vector<1x16xf32>,
      %lt3A_1328 = arith.constant 0 : i32
      %lt3A_1329 = vector.broadcast %lt3A_1328 : i32 to vector<16xi32>
      %lt3A_1330 = arith.cmpi slt, %broadcast_in_dim3A_138, %lt3A_1329 : vector<16xi32>
      %add3A_1331 = arith.constant 16 : i32
      %add3A_1332 = vector.broadcast %add3A_1331 : i32 to vector<16xi32>
      %add3A_1333 = arith.addi %broadcast_in_dim3A_138, %add3A_1332 : vector<16xi32>
      %select_n3A_1334 = arith.select %lt3A_1330, %add3A_1333, %broadcast_in_dim3A_138 : vector<16xi1>, vector<16xi32>
      %broadcast_in_dim3A_1335 = vector.shape_cast %select_n3A_1334 : vector<16xi32> to vector<16x1xi32>
      %gather3A_1336 = vector.shape_cast %broadcast_in_dim3A_1335 : vector<16x1xi32> to vector<16xi32>
      %gather3A_1337 = tpu.dynamic_gather %get3A_251[%gather3A_1336] in [0] : vector<16xf32>, vector<16xi32> -> vector<16xf32>
      %add3A_1338 = arith.constant 10 : i32
      %add3A_1339 = arith.addi %add3A_248, %add3A_1338 : i32
      %get3A_1340 = arith.index_cast %add3A_1339 : i32 to index
      %get3A_1341 = arith.constant 0 : index
      %get3A_1342 = tpu.vector_load %arg12[%get3A_1340, %get3A_1341] {strides = array<i32>} : memref<512x128xf32, #tpu.memory_space<vmem>>, vector<1x16xf32>,
      %get3A_1343 = vector.shape_cast %get3A_1342 : vector<1x16xf32> to vector<16xf32>
      %mul3A_1344 = arith.mulf %gather3A_1337, %get3A_48 : vector<16xf32>
      %add3A_1345 = arith.addf %mul3A_1344, %add3A_75 : vector<16xf32>
      %mul3A_1346 = arith.mulf %get3A_1343, %add3A_1345 : vector<16xf32>
      %swap3A_1347 = arith.index_cast %add3A_1339 : i32 to index
      %swap3A_1348 = arith.constant 0 : index
      %swap3A_1349 = tpu.vector_load %arg12[%swap3A_1347, %swap3A_1348] {strides = array<i32>} : memref<512x128xf32, #tpu.memory_space<vmem>>, vector<1x16xf32>,
      %swap3A_1350 = vector.shape_cast %swap3A_1349 : vector<1x16xf32> to vector<16xf32>
      %swap3A_1351 = vector.shape_cast %mul3A_1346 : vector<16xf32> to vector<1x16xf32>
      tpu.vector_store %arg12[%swap3A_1347, %swap3A_1348], %swap3A_1351 {strides = array<i32>} : memref<512x128xf32, #tpu.memory_space<vmem>>, vector<1x16xf32>,
      %get3A_1352 = arith.index_cast %add3A_1339 : i32 to index
      %get3A_1353 = arith.constant 16 : index
      %get3A_1354 = tpu.vector_load %arg12[%get3A_1352, %get3A_1353] {strides = array<i32>} : memref<512x128xf32, #tpu.memory_space<vmem>>, vector<1x16xf32>,
      %get3A_1355 = vector.shape_cast %get3A_1354 : vector<1x16xf32> to vector<16xf32>
      %mul3A_1356 = arith.mulf %gather3A_1337, %get3A_51 : vector<16xf32>
      %add3A_1357 = arith.addf %mul3A_1356, %add3A_81 : vector<16xf32>
      %mul3A_1358 = arith.mulf %get3A_1355, %add3A_1357 : vector<16xf32>
      %swap3A_1359 = arith.index_cast %add3A_1339 : i32 to index
      %swap3A_1360 = arith.constant 16 : index
      %swap3A_1361 = tpu.vector_load %arg12[%swap3A_1359, %swap3A_1360] {strides = array<i32>} : memref<512x128xf32, #tpu.memory_space<vmem>>, vector<1x16xf32>,
      %swap3A_1362 = vector.shape_cast %swap3A_1361 : vector<1x16xf32> to vector<16xf32>
      %swap3A_1363 = vector.shape_cast %mul3A_1358 : vector<16xf32> to vector<1x16xf32>
      tpu.vector_store %arg12[%swap3A_1359, %swap3A_1360], %swap3A_1363 {strides = array<i32>} : memref<512x128xf32, #tpu.memory_space<vmem>>, vector<1x16xf32>,
      %get3A_1364 = arith.index_cast %add3A_1339 : i32 to index
      %get3A_1365 = arith.constant 32 : index
      %get3A_1366 = tpu.vector_load %arg12[%get3A_1364, %get3A_1365] {strides = array<i32>} : memref<512x128xf32, #tpu.memory_space<vmem>>, vector<1x16xf32>,
      %get3A_1367 = vector.shape_cast %get3A_1366 : vector<1x16xf32> to vector<16xf32>
      %mul3A_1368 = arith.mulf %gather3A_1337, %get3A_54 : vector<16xf32>
      %add3A_1369 = arith.addf %mul3A_1368, %add3A_87 : vector<16xf32>
      %mul3A_1370 = arith.mulf %get3A_1367, %add3A_1369 : vector<16xf32>
      %swap3A_1371 = arith.index_cast %add3A_1339 : i32 to index
      %swap3A_1372 = arith.constant 32 : index
      %swap3A_1373 = tpu.vector_load %arg12[%swap3A_1371, %swap3A_1372] {strides = array<i32>} : memref<512x128xf32, #tpu.memory_space<vmem>>, vector<1x16xf32>,
      %swap3A_1374 = vector.shape_cast %swap3A_1373 : vector<1x16xf32> to vector<16xf32>
      %swap3A_1375 = vector.shape_cast %mul3A_1370 : vector<16xf32> to vector<1x16xf32>
      tpu.vector_store %arg12[%swap3A_1371, %swap3A_1372], %swap3A_1375 {strides = array<i32>} : memref<512x128xf32, #tpu.memory_space<vmem>>, vector<1x16xf32>,
      %get3A_1376 = arith.index_cast %add3A_1339 : i32 to index
      %get3A_1377 = arith.constant 48 : index
      %get3A_1378 = tpu.vector_load %arg12[%get3A_1376, %get3A_1377] {strides = array<i32>} : memref<512x128xf32, #tpu.memory_space<vmem>>, vector<1x16xf32>,
      %get3A_1379 = vector.shape_cast %get3A_1378 : vector<1x16xf32> to vector<16xf32>
      %mul3A_1380 = arith.mulf %gather3A_1337, %get3A_57 : vector<16xf32>
      %add3A_1381 = arith.addf %mul3A_1380, %add3A_93 : vector<16xf32>
      %mul3A_1382 = arith.mulf %get3A_1379, %add3A_1381 : vector<16xf32>
      %swap3A_1383 = arith.index_cast %add3A_1339 : i32 to index
      %swap3A_1384 = arith.constant 48 : index
      %swap3A_1385 = tpu.vector_load %arg12[%swap3A_1383, %swap3A_1384] {strides = array<i32>} : memref<512x128xf32, #tpu.memory_space<vmem>>, vector<1x16xf32>,
      %swap3A_1386 = vector.shape_cast %swap3A_1385 : vector<1x16xf32> to vector<16xf32>
      %swap3A_1387 = vector.shape_cast %mul3A_1382 : vector<16xf32> to vector<1x16xf32>
      tpu.vector_store %arg12[%swap3A_1383, %swap3A_1384], %swap3A_1387 {strides = array<i32>} : memref<512x128xf32, #tpu.memory_space<vmem>>, vector<1x16xf32>,
      %get3A_1388 = arith.index_cast %add3A_1339 : i32 to index
      %get3A_1389 = arith.constant 64 : index
      %get3A_1390 = tpu.vector_load %arg12[%get3A_1388, %get3A_1389] {strides = array<i32>} : memref<512x128xf32, #tpu.memory_space<vmem>>, vector<1x16xf32>,
      %get3A_1391 = vector.shape_cast %get3A_1390 : vector<1x16xf32> to vector<16xf32>
      %mul3A_1392 = arith.mulf %gather3A_1337, %get3A_60 : vector<16xf32>
      %add3A_1393 = arith.addf %mul3A_1392, %add3A_99 : vector<16xf32>
      %mul3A_1394 = arith.mulf %get3A_1391, %add3A_1393 : vector<16xf32>
      %swap3A_1395 = arith.index_cast %add3A_1339 : i32 to index
      %swap3A_1396 = arith.constant 64 : index
      %swap3A_1397 = tpu.vector_load %arg12[%swap3A_1395, %swap3A_1396] {strides = array<i32>} : memref<512x128xf32, #tpu.memory_space<vmem>>, vector<1x16xf32>,
      %swap3A_1398 = vector.shape_cast %swap3A_1397 : vector<1x16xf32> to vector<16xf32>
      %swap3A_1399 = vector.shape_cast %mul3A_1394 : vector<16xf32> to vector<1x16xf32>
      tpu.vector_store %arg12[%swap3A_1395, %swap3A_1396], %swap3A_1399 {strides = array<i32>} : memref<512x128xf32, #tpu.memory_space<vmem>>, vector<1x16xf32>,
      %get3A_1400 = arith.index_cast %add3A_1339 : i32 to index
      %get3A_1401 = arith.constant 80 : index
      %get3A_1402 = tpu.vector_load %arg12[%get3A_1400, %get3A_1401] {strides = array<i32>} : memref<512x128xf32, #tpu.memory_space<vmem>>, vector<1x16xf32>,
      %get3A_1403 = vector.shape_cast %get3A_1402 : vector<1x16xf32> to vector<16xf32>
      %mul3A_1404 = arith.mulf %gather3A_1337, %get3A_63 : vector<16xf32>
      %add3A_1405 = arith.addf %mul3A_1404, %add3A_105 : vector<16xf32>
      %mul3A_1406 = arith.mulf %get3A_1403, %add3A_1405 : vector<16xf32>
      %swap3A_1407 = arith.index_cast %add3A_1339 : i32 to index
      %swap3A_1408 = arith.constant 80 : index
      %swap3A_1409 = tpu.vector_load %arg12[%swap3A_1407, %swap3A_1408] {strides = array<i32>} : memref<512x128xf32, #tpu.memory_space<vmem>>, vector<1x16xf32>,
      %swap3A_1410 = vector.shape_cast %swap3A_1409 : vector<1x16xf32> to vector<16xf32>
      %swap3A_1411 = vector.shape_cast %mul3A_1406 : vector<16xf32> to vector<1x16xf32>
      tpu.vector_store %arg12[%swap3A_1407, %swap3A_1408], %swap3A_1411 {strides = array<i32>} : memref<512x128xf32, #tpu.memory_space<vmem>>, vector<1x16xf32>,
      %get3A_1412 = arith.index_cast %add3A_1339 : i32 to index
      %get3A_1413 = arith.constant 96 : index
      %get3A_1414 = tpu.vector_load %arg12[%get3A_1412, %get3A_1413] {strides = array<i32>} : memref<512x128xf32, #tpu.memory_space<vmem>>, vector<1x16xf32>,
      %get3A_1415 = vector.shape_cast %get3A_1414 : vector<1x16xf32> to vector<16xf32>
      %mul3A_1416 = arith.mulf %gather3A_1337, %get3A_66 : vector<16xf32>
      %add3A_1417 = arith.addf %mul3A_1416, %add3A_111 : vector<16xf32>
      %mul3A_1418 = arith.mulf %get3A_1415, %add3A_1417 : vector<16xf32>
      %swap3A_1419 = arith.index_cast %add3A_1339 : i32 to index
      %swap3A_1420 = arith.constant 96 : index
      %swap3A_1421 = tpu.vector_load %arg12[%swap3A_1419, %swap3A_1420] {strides = array<i32>} : memref<512x128xf32, #tpu.memory_space<vmem>>, vector<1x16xf32>,
      %swap3A_1422 = vector.shape_cast %swap3A_1421 : vector<1x16xf32> to vector<16xf32>
      %swap3A_1423 = vector.shape_cast %mul3A_1418 : vector<16xf32> to vector<1x16xf32>
      tpu.vector_store %arg12[%swap3A_1419, %swap3A_1420], %swap3A_1423 {strides = array<i32>} : memref<512x128xf32, #tpu.memory_space<vmem>>, vector<1x16xf32>,
      %get3A_1424 = arith.index_cast %add3A_1339 : i32 to index
      %get3A_1425 = arith.constant 112 : index
      %get3A_1426 = tpu.vector_load %arg12[%get3A_1424, %get3A_1425] {strides = array<i32>} : memref<512x128xf32, #tpu.memory_space<vmem>>, vector<1x16xf32>,
      %get3A_1427 = vector.shape_cast %get3A_1426 : vector<1x16xf32> to vector<16xf32>
      %mul3A_1428 = arith.mulf %gather3A_1337, %get3A_69 : vector<16xf32>
      %add3A_1429 = arith.addf %mul3A_1428, %add3A_117 : vector<16xf32>
      %mul3A_1430 = arith.mulf %get3A_1427, %add3A_1429 : vector<16xf32>
      %swap3A_1431 = arith.index_cast %add3A_1339 : i32 to index
      %swap3A_1432 = arith.constant 112 : index
      %swap3A_1433 = tpu.vector_load %arg12[%swap3A_1431, %swap3A_1432] {strides = array<i32>} : memref<512x128xf32, #tpu.memory_space<vmem>>, vector<1x16xf32>,
      %swap3A_1434 = vector.shape_cast %swap3A_1433 : vector<1x16xf32> to vector<16xf32>
      %swap3A_1435 = vector.shape_cast %mul3A_1430 : vector<16xf32> to vector<1x16xf32>
      tpu.vector_store %arg12[%swap3A_1431, %swap3A_1432], %swap3A_1435 {strides = array<i32>} : memref<512x128xf32, #tpu.memory_space<vmem>>, vector<1x16xf32>,
      %lt3A_1436 = arith.constant 0 : i32
      %lt3A_1437 = vector.broadcast %lt3A_1436 : i32 to vector<16xi32>
      %lt3A_1438 = arith.cmpi slt, %broadcast_in_dim3A_140, %lt3A_1437 : vector<16xi32>
      %add3A_1439 = arith.constant 16 : i32
      %add3A_1440 = vector.broadcast %add3A_1439 : i32 to vector<16xi32>
      %add3A_1441 = arith.addi %broadcast_in_dim3A_140, %add3A_1440 : vector<16xi32>
      %select_n3A_1442 = arith.select %lt3A_1438, %add3A_1441, %broadcast_in_dim3A_140 : vector<16xi1>, vector<16xi32>
      %broadcast_in_dim3A_1443 = vector.shape_cast %select_n3A_1442 : vector<16xi32> to vector<16x1xi32>
      %gather3A_1444 = vector.shape_cast %broadcast_in_dim3A_1443 : vector<16x1xi32> to vector<16xi32>
      %gather3A_1445 = tpu.dynamic_gather %get3A_251[%gather3A_1444] in [0] : vector<16xf32>, vector<16xi32> -> vector<16xf32>
      %add3A_1446 = arith.constant 11 : i32
      %add3A_1447 = arith.addi %add3A_248, %add3A_1446 : i32
      %get3A_1448 = arith.index_cast %add3A_1447 : i32 to index
      %get3A_1449 = arith.constant 0 : index
      %get3A_1450 = tpu.vector_load %arg12[%get3A_1448, %get3A_1449] {strides = array<i32>} : memref<512x128xf32, #tpu.memory_space<vmem>>, vector<1x16xf32>,
      %get3A_1451 = vector.shape_cast %get3A_1450 : vector<1x16xf32> to vector<16xf32>
      %mul3A_1452 = arith.mulf %gather3A_1445, %get3A_48 : vector<16xf32>
      %add3A_1453 = arith.addf %mul3A_1452, %add3A_75 : vector<16xf32>
      %mul3A_1454 = arith.mulf %get3A_1451, %add3A_1453 : vector<16xf32>
      %swap3A_1455 = arith.index_cast %add3A_1447 : i32 to index
      %swap3A_1456 = arith.constant 0 : index
      %swap3A_1457 = tpu.vector_load %arg12[%swap3A_1455, %swap3A_1456] {strides = array<i32>} : memref<512x128xf32, #tpu.memory_space<vmem>>, vector<1x16xf32>,
      %swap3A_1458 = vector.shape_cast %swap3A_1457 : vector<1x16xf32> to vector<16xf32>
      %swap3A_1459 = vector.shape_cast %mul3A_1454 : vector<16xf32> to vector<1x16xf32>
      tpu.vector_store %arg12[%swap3A_1455, %swap3A_1456], %swap3A_1459 {strides = array<i32>} : memref<512x128xf32, #tpu.memory_space<vmem>>, vector<1x16xf32>,
      %get3A_1460 = arith.index_cast %add3A_1447 : i32 to index
      %get3A_1461 = arith.constant 16 : index
      %get3A_1462 = tpu.vector_load %arg12[%get3A_1460, %get3A_1461] {strides = array<i32>} : memref<512x128xf32, #tpu.memory_space<vmem>>, vector<1x16xf32>,
      %get3A_1463 = vector.shape_cast %get3A_1462 : vector<1x16xf32> to vector<16xf32>
      %mul3A_1464 = arith.mulf %gather3A_1445, %get3A_51 : vector<16xf32>
      %add3A_1465 = arith.addf %mul3A_1464, %add3A_81 : vector<16xf32>
      %mul3A_1466 = arith.mulf %get3A_1463, %add3A_1465 : vector<16xf32>
      %swap3A_1467 = arith.index_cast %add3A_1447 : i32 to index
      %swap3A_1468 = arith.constant 16 : index
      %swap3A_1469 = tpu.vector_load %arg12[%swap3A_1467, %swap3A_1468] {strides = array<i32>} : memref<512x128xf32, #tpu.memory_space<vmem>>, vector<1x16xf32>,
      %swap3A_1470 = vector.shape_cast %swap3A_1469 : vector<1x16xf32> to vector<16xf32>
      %swap3A_1471 = vector.shape_cast %mul3A_1466 : vector<16xf32> to vector<1x16xf32>
      tpu.vector_store %arg12[%swap3A_1467, %swap3A_1468], %swap3A_1471 {strides = array<i32>} : memref<512x128xf32, #tpu.memory_space<vmem>>, vector<1x16xf32>,
      %get3A_1472 = arith.index_cast %add3A_1447 : i32 to index
      %get3A_1473 = arith.constant 32 : index
      %get3A_1474 = tpu.vector_load %arg12[%get3A_1472, %get3A_1473] {strides = array<i32>} : memref<512x128xf32, #tpu.memory_space<vmem>>, vector<1x16xf32>,
      %get3A_1475 = vector.shape_cast %get3A_1474 : vector<1x16xf32> to vector<16xf32>
      %mul3A_1476 = arith.mulf %gather3A_1445, %get3A_54 : vector<16xf32>
      %add3A_1477 = arith.addf %mul3A_1476, %add3A_87 : vector<16xf32>
      %mul3A_1478 = arith.mulf %get3A_1475, %add3A_1477 : vector<16xf32>
      %swap3A_1479 = arith.index_cast %add3A_1447 : i32 to index
      %swap3A_1480 = arith.constant 32 : index
      %swap3A_1481 = tpu.vector_load %arg12[%swap3A_1479, %swap3A_1480] {strides = array<i32>} : memref<512x128xf32, #tpu.memory_space<vmem>>, vector<1x16xf32>,
      %swap3A_1482 = vector.shape_cast %swap3A_1481 : vector<1x16xf32> to vector<16xf32>
      %swap3A_1483 = vector.shape_cast %mul3A_1478 : vector<16xf32> to vector<1x16xf32>
      tpu.vector_store %arg12[%swap3A_1479, %swap3A_1480], %swap3A_1483 {strides = array<i32>} : memref<512x128xf32, #tpu.memory_space<vmem>>, vector<1x16xf32>,
      %get3A_1484 = arith.index_cast %add3A_1447 : i32 to index
      %get3A_1485 = arith.constant 48 : index
      %get3A_1486 = tpu.vector_load %arg12[%get3A_1484, %get3A_1485] {strides = array<i32>} : memref<512x128xf32, #tpu.memory_space<vmem>>, vector<1x16xf32>,
      %get3A_1487 = vector.shape_cast %get3A_1486 : vector<1x16xf32> to vector<16xf32>
      %mul3A_1488 = arith.mulf %gather3A_1445, %get3A_57 : vector<16xf32>
      %add3A_1489 = arith.addf %mul3A_1488, %add3A_93 : vector<16xf32>
      %mul3A_1490 = arith.mulf %get3A_1487, %add3A_1489 : vector<16xf32>
      %swap3A_1491 = arith.index_cast %add3A_1447 : i32 to index
      %swap3A_1492 = arith.constant 48 : index
      %swap3A_1493 = tpu.vector_load %arg12[%swap3A_1491, %swap3A_1492] {strides = array<i32>} : memref<512x128xf32, #tpu.memory_space<vmem>>, vector<1x16xf32>,
      %swap3A_1494 = vector.shape_cast %swap3A_1493 : vector<1x16xf32> to vector<16xf32>
      %swap3A_1495 = vector.shape_cast %mul3A_1490 : vector<16xf32> to vector<1x16xf32>
      tpu.vector_store %arg12[%swap3A_1491, %swap3A_1492], %swap3A_1495 {strides = array<i32>} : memref<512x128xf32, #tpu.memory_space<vmem>>, vector<1x16xf32>,
      %get3A_1496 = arith.index_cast %add3A_1447 : i32 to index
      %get3A_1497 = arith.constant 64 : index
      %get3A_1498 = tpu.vector_load %arg12[%get3A_1496, %get3A_1497] {strides = array<i32>} : memref<512x128xf32, #tpu.memory_space<vmem>>, vector<1x16xf32>,
      %get3A_1499 = vector.shape_cast %get3A_1498 : vector<1x16xf32> to vector<16xf32>
      %mul3A_1500 = arith.mulf %gather3A_1445, %get3A_60 : vector<16xf32>
      %add3A_1501 = arith.addf %mul3A_1500, %add3A_99 : vector<16xf32>
      %mul3A_1502 = arith.mulf %get3A_1499, %add3A_1501 : vector<16xf32>
      %swap3A_1503 = arith.index_cast %add3A_1447 : i32 to index
      %swap3A_1504 = arith.constant 64 : index
      %swap3A_1505 = tpu.vector_load %arg12[%swap3A_1503, %swap3A_1504] {strides = array<i32>} : memref<512x128xf32, #tpu.memory_space<vmem>>, vector<1x16xf32>,
      %swap3A_1506 = vector.shape_cast %swap3A_1505 : vector<1x16xf32> to vector<16xf32>
      %swap3A_1507 = vector.shape_cast %mul3A_1502 : vector<16xf32> to vector<1x16xf32>
      tpu.vector_store %arg12[%swap3A_1503, %swap3A_1504], %swap3A_1507 {strides = array<i32>} : memref<512x128xf32, #tpu.memory_space<vmem>>, vector<1x16xf32>,
      %get3A_1508 = arith.index_cast %add3A_1447 : i32 to index
      %get3A_1509 = arith.constant 80 : index
      %get3A_1510 = tpu.vector_load %arg12[%get3A_1508, %get3A_1509] {strides = array<i32>} : memref<512x128xf32, #tpu.memory_space<vmem>>, vector<1x16xf32>,
      %get3A_1511 = vector.shape_cast %get3A_1510 : vector<1x16xf32> to vector<16xf32>
      %mul3A_1512 = arith.mulf %gather3A_1445, %get3A_63 : vector<16xf32>
      %add3A_1513 = arith.addf %mul3A_1512, %add3A_105 : vector<16xf32>
      %mul3A_1514 = arith.mulf %get3A_1511, %add3A_1513 : vector<16xf32>
      %swap3A_1515 = arith.index_cast %add3A_1447 : i32 to index
      %swap3A_1516 = arith.constant 80 : index
      %swap3A_1517 = tpu.vector_load %arg12[%swap3A_1515, %swap3A_1516] {strides = array<i32>} : memref<512x128xf32, #tpu.memory_space<vmem>>, vector<1x16xf32>,
      %swap3A_1518 = vector.shape_cast %swap3A_1517 : vector<1x16xf32> to vector<16xf32>
      %swap3A_1519 = vector.shape_cast %mul3A_1514 : vector<16xf32> to vector<1x16xf32>
      tpu.vector_store %arg12[%swap3A_1515, %swap3A_1516], %swap3A_1519 {strides = array<i32>} : memref<512x128xf32, #tpu.memory_space<vmem>>, vector<1x16xf32>,
      %get3A_1520 = arith.index_cast %add3A_1447 : i32 to index
      %get3A_1521 = arith.constant 96 : index
      %get3A_1522 = tpu.vector_load %arg12[%get3A_1520, %get3A_1521] {strides = array<i32>} : memref<512x128xf32, #tpu.memory_space<vmem>>, vector<1x16xf32>,
      %get3A_1523 = vector.shape_cast %get3A_1522 : vector<1x16xf32> to vector<16xf32>
      %mul3A_1524 = arith.mulf %gather3A_1445, %get3A_66 : vector<16xf32>
      %add3A_1525 = arith.addf %mul3A_1524, %add3A_111 : vector<16xf32>
      %mul3A_1526 = arith.mulf %get3A_1523, %add3A_1525 : vector<16xf32>
      %swap3A_1527 = arith.index_cast %add3A_1447 : i32 to index
      %swap3A_1528 = arith.constant 96 : index
      %swap3A_1529 = tpu.vector_load %arg12[%swap3A_1527, %swap3A_1528] {strides = array<i32>} : memref<512x128xf32, #tpu.memory_space<vmem>>, vector<1x16xf32>,
      %swap3A_1530 = vector.shape_cast %swap3A_1529 : vector<1x16xf32> to vector<16xf32>
      %swap3A_1531 = vector.shape_cast %mul3A_1526 : vector<16xf32> to vector<1x16xf32>
      tpu.vector_store %arg12[%swap3A_1527, %swap3A_1528], %swap3A_1531 {strides = array<i32>} : memref<512x128xf32, #tpu.memory_space<vmem>>, vector<1x16xf32>,
      %get3A_1532 = arith.index_cast %add3A_1447 : i32 to index
      %get3A_1533 = arith.constant 112 : index
      %get3A_1534 = tpu.vector_load %arg12[%get3A_1532, %get3A_1533] {strides = array<i32>} : memref<512x128xf32, #tpu.memory_space<vmem>>, vector<1x16xf32>,
      %get3A_1535 = vector.shape_cast %get3A_1534 : vector<1x16xf32> to vector<16xf32>
      %mul3A_1536 = arith.mulf %gather3A_1445, %get3A_69 : vector<16xf32>
      %add3A_1537 = arith.addf %mul3A_1536, %add3A_117 : vector<16xf32>
      %mul3A_1538 = arith.mulf %get3A_1535, %add3A_1537 : vector<16xf32>
      %swap3A_1539 = arith.index_cast %add3A_1447 : i32 to index
      %swap3A_1540 = arith.constant 112 : index
      %swap3A_1541 = tpu.vector_load %arg12[%swap3A_1539, %swap3A_1540] {strides = array<i32>} : memref<512x128xf32, #tpu.memory_space<vmem>>, vector<1x16xf32>,
      %swap3A_1542 = vector.shape_cast %swap3A_1541 : vector<1x16xf32> to vector<16xf32>
      %swap3A_1543 = vector.shape_cast %mul3A_1538 : vector<16xf32> to vector<1x16xf32>
      tpu.vector_store %arg12[%swap3A_1539, %swap3A_1540], %swap3A_1543 {strides = array<i32>} : memref<512x128xf32, #tpu.memory_space<vmem>>, vector<1x16xf32>,
      %lt3A_1544 = arith.constant 0 : i32
      %lt3A_1545 = vector.broadcast %lt3A_1544 : i32 to vector<16xi32>
      %lt3A_1546 = arith.cmpi slt, %broadcast_in_dim3A_142, %lt3A_1545 : vector<16xi32>
      %add3A_1547 = arith.constant 16 : i32
      %add3A_1548 = vector.broadcast %add3A_1547 : i32 to vector<16xi32>
      %add3A_1549 = arith.addi %broadcast_in_dim3A_142, %add3A_1548 : vector<16xi32>
      %select_n3A_1550 = arith.select %lt3A_1546, %add3A_1549, %broadcast_in_dim3A_142 : vector<16xi1>, vector<16xi32>
      %broadcast_in_dim3A_1551 = vector.shape_cast %select_n3A_1550 : vector<16xi32> to vector<16x1xi32>
      %gather3A_1552 = vector.shape_cast %broadcast_in_dim3A_1551 : vector<16x1xi32> to vector<16xi32>
      %gather3A_1553 = tpu.dynamic_gather %get3A_251[%gather3A_1552] in [0] : vector<16xf32>, vector<16xi32> -> vector<16xf32>
      %add3A_1554 = arith.constant 12 : i32
      %add3A_1555 = arith.addi %add3A_248, %add3A_1554 : i32
      %get3A_1556 = arith.index_cast %add3A_1555 : i32 to index
      %get3A_1557 = arith.constant 0 : index
      %get3A_1558 = tpu.vector_load %arg12[%get3A_1556, %get3A_1557] {strides = array<i32>} : memref<512x128xf32, #tpu.memory_space<vmem>>, vector<1x16xf32>,
      %get3A_1559 = vector.shape_cast %get3A_1558 : vector<1x16xf32> to vector<16xf32>
      %mul3A_1560 = arith.mulf %gather3A_1553, %get3A_48 : vector<16xf32>
      %add3A_1561 = arith.addf %mul3A_1560, %add3A_75 : vector<16xf32>
      %mul3A_1562 = arith.mulf %get3A_1559, %add3A_1561 : vector<16xf32>
      %swap3A_1563 = arith.index_cast %add3A_1555 : i32 to index
      %swap3A_1564 = arith.constant 0 : index
      %swap3A_1565 = tpu.vector_load %arg12[%swap3A_1563, %swap3A_1564] {strides = array<i32>} : memref<512x128xf32, #tpu.memory_space<vmem>>, vector<1x16xf32>,
      %swap3A_1566 = vector.shape_cast %swap3A_1565 : vector<1x16xf32> to vector<16xf32>
      %swap3A_1567 = vector.shape_cast %mul3A_1562 : vector<16xf32> to vector<1x16xf32>
      tpu.vector_store %arg12[%swap3A_1563, %swap3A_1564], %swap3A_1567 {strides = array<i32>} : memref<512x128xf32, #tpu.memory_space<vmem>>, vector<1x16xf32>,
      %get3A_1568 = arith.index_cast %add3A_1555 : i32 to index
      %get3A_1569 = arith.constant 16 : index
      %get3A_1570 = tpu.vector_load %arg12[%get3A_1568, %get3A_1569] {strides = array<i32>} : memref<512x128xf32, #tpu.memory_space<vmem>>, vector<1x16xf32>,
      %get3A_1571 = vector.shape_cast %get3A_1570 : vector<1x16xf32> to vector<16xf32>
      %mul3A_1572 = arith.mulf %gather3A_1553, %get3A_51 : vector<16xf32>
      %add3A_1573 = arith.addf %mul3A_1572, %add3A_81 : vector<16xf32>
      %mul3A_1574 = arith.mulf %get3A_1571, %add3A_1573 : vector<16xf32>
      %swap3A_1575 = arith.index_cast %add3A_1555 : i32 to index
      %swap3A_1576 = arith.constant 16 : index
      %swap3A_1577 = tpu.vector_load %arg12[%swap3A_1575, %swap3A_1576] {strides = array<i32>} : memref<512x128xf32, #tpu.memory_space<vmem>>, vector<1x16xf32>,
      %swap3A_1578 = vector.shape_cast %swap3A_1577 : vector<1x16xf32> to vector<16xf32>
      %swap3A_1579 = vector.shape_cast %mul3A_1574 : vector<16xf32> to vector<1x16xf32>
      tpu.vector_store %arg12[%swap3A_1575, %swap3A_1576], %swap3A_1579 {strides = array<i32>} : memref<512x128xf32, #tpu.memory_space<vmem>>, vector<1x16xf32>,
      %get3A_1580 = arith.index_cast %add3A_1555 : i32 to index
      %get3A_1581 = arith.constant 32 : index
      %get3A_1582 = tpu.vector_load %arg12[%get3A_1580, %get3A_1581] {strides = array<i32>} : memref<512x128xf32, #tpu.memory_space<vmem>>, vector<1x16xf32>,
      %get3A_1583 = vector.shape_cast %get3A_1582 : vector<1x16xf32> to vector<16xf32>
      %mul3A_1584 = arith.mulf %gather3A_1553, %get3A_54 : vector<16xf32>
      %add3A_1585 = arith.addf %mul3A_1584, %add3A_87 : vector<16xf32>
      %mul3A_1586 = arith.mulf %get3A_1583, %add3A_1585 : vector<16xf32>
      %swap3A_1587 = arith.index_cast %add3A_1555 : i32 to index
      %swap3A_1588 = arith.constant 32 : index
      %swap3A_1589 = tpu.vector_load %arg12[%swap3A_1587, %swap3A_1588] {strides = array<i32>} : memref<512x128xf32, #tpu.memory_space<vmem>>, vector<1x16xf32>,
      %swap3A_1590 = vector.shape_cast %swap3A_1589 : vector<1x16xf32> to vector<16xf32>
      %swap3A_1591 = vector.shape_cast %mul3A_1586 : vector<16xf32> to vector<1x16xf32>
      tpu.vector_store %arg12[%swap3A_1587, %swap3A_1588], %swap3A_1591 {strides = array<i32>} : memref<512x128xf32, #tpu.memory_space<vmem>>, vector<1x16xf32>,
      %get3A_1592 = arith.index_cast %add3A_1555 : i32 to index
      %get3A_1593 = arith.constant 48 : index
      %get3A_1594 = tpu.vector_load %arg12[%get3A_1592, %get3A_1593] {strides = array<i32>} : memref<512x128xf32, #tpu.memory_space<vmem>>, vector<1x16xf32>,
      %get3A_1595 = vector.shape_cast %get3A_1594 : vector<1x16xf32> to vector<16xf32>
      %mul3A_1596 = arith.mulf %gather3A_1553, %get3A_57 : vector<16xf32>
      %add3A_1597 = arith.addf %mul3A_1596, %add3A_93 : vector<16xf32>
      %mul3A_1598 = arith.mulf %get3A_1595, %add3A_1597 : vector<16xf32>
      %swap3A_1599 = arith.index_cast %add3A_1555 : i32 to index
      %swap3A_1600 = arith.constant 48 : index
      %swap3A_1601 = tpu.vector_load %arg12[%swap3A_1599, %swap3A_1600] {strides = array<i32>} : memref<512x128xf32, #tpu.memory_space<vmem>>, vector<1x16xf32>,
      %swap3A_1602 = vector.shape_cast %swap3A_1601 : vector<1x16xf32> to vector<16xf32>
      %swap3A_1603 = vector.shape_cast %mul3A_1598 : vector<16xf32> to vector<1x16xf32>
      tpu.vector_store %arg12[%swap3A_1599, %swap3A_1600], %swap3A_1603 {strides = array<i32>} : memref<512x128xf32, #tpu.memory_space<vmem>>, vector<1x16xf32>,
      %get3A_1604 = arith.index_cast %add3A_1555 : i32 to index
      %get3A_1605 = arith.constant 64 : index
      %get3A_1606 = tpu.vector_load %arg12[%get3A_1604, %get3A_1605] {strides = array<i32>} : memref<512x128xf32, #tpu.memory_space<vmem>>, vector<1x16xf32>,
      %get3A_1607 = vector.shape_cast %get3A_1606 : vector<1x16xf32> to vector<16xf32>
      %mul3A_1608 = arith.mulf %gather3A_1553, %get3A_60 : vector<16xf32>
      %add3A_1609 = arith.addf %mul3A_1608, %add3A_99 : vector<16xf32>
      %mul3A_1610 = arith.mulf %get3A_1607, %add3A_1609 : vector<16xf32>
      %swap3A_1611 = arith.index_cast %add3A_1555 : i32 to index
      %swap3A_1612 = arith.constant 64 : index
      %swap3A_1613 = tpu.vector_load %arg12[%swap3A_1611, %swap3A_1612] {strides = array<i32>} : memref<512x128xf32, #tpu.memory_space<vmem>>, vector<1x16xf32>,
      %swap3A_1614 = vector.shape_cast %swap3A_1613 : vector<1x16xf32> to vector<16xf32>
      %swap3A_1615 = vector.shape_cast %mul3A_1610 : vector<16xf32> to vector<1x16xf32>
      tpu.vector_store %arg12[%swap3A_1611, %swap3A_1612], %swap3A_1615 {strides = array<i32>} : memref<512x128xf32, #tpu.memory_space<vmem>>, vector<1x16xf32>,
      %get3A_1616 = arith.index_cast %add3A_1555 : i32 to index
      %get3A_1617 = arith.constant 80 : index
      %get3A_1618 = tpu.vector_load %arg12[%get3A_1616, %get3A_1617] {strides = array<i32>} : memref<512x128xf32, #tpu.memory_space<vmem>>, vector<1x16xf32>,
      %get3A_1619 = vector.shape_cast %get3A_1618 : vector<1x16xf32> to vector<16xf32>
      %mul3A_1620 = arith.mulf %gather3A_1553, %get3A_63 : vector<16xf32>
      %add3A_1621 = arith.addf %mul3A_1620, %add3A_105 : vector<16xf32>
      %mul3A_1622 = arith.mulf %get3A_1619, %add3A_1621 : vector<16xf32>
      %swap3A_1623 = arith.index_cast %add3A_1555 : i32 to index
      %swap3A_1624 = arith.constant 80 : index
      %swap3A_1625 = tpu.vector_load %arg12[%swap3A_1623, %swap3A_1624] {strides = array<i32>} : memref<512x128xf32, #tpu.memory_space<vmem>>, vector<1x16xf32>,
      %swap3A_1626 = vector.shape_cast %swap3A_1625 : vector<1x16xf32> to vector<16xf32>
      %swap3A_1627 = vector.shape_cast %mul3A_1622 : vector<16xf32> to vector<1x16xf32>
      tpu.vector_store %arg12[%swap3A_1623, %swap3A_1624], %swap3A_1627 {strides = array<i32>} : memref<512x128xf32, #tpu.memory_space<vmem>>, vector<1x16xf32>,
      %get3A_1628 = arith.index_cast %add3A_1555 : i32 to index
      %get3A_1629 = arith.constant 96 : index
      %get3A_1630 = tpu.vector_load %arg12[%get3A_1628, %get3A_1629] {strides = array<i32>} : memref<512x128xf32, #tpu.memory_space<vmem>>, vector<1x16xf32>,
      %get3A_1631 = vector.shape_cast %get3A_1630 : vector<1x16xf32> to vector<16xf32>
      %mul3A_1632 = arith.mulf %gather3A_1553, %get3A_66 : vector<16xf32>
      %add3A_1633 = arith.addf %mul3A_1632, %add3A_111 : vector<16xf32>
      %mul3A_1634 = arith.mulf %get3A_1631, %add3A_1633 : vector<16xf32>
      %swap3A_1635 = arith.index_cast %add3A_1555 : i32 to index
      %swap3A_1636 = arith.constant 96 : index
      %swap3A_1637 = tpu.vector_load %arg12[%swap3A_1635, %swap3A_1636] {strides = array<i32>} : memref<512x128xf32, #tpu.memory_space<vmem>>, vector<1x16xf32>,
      %swap3A_1638 = vector.shape_cast %swap3A_1637 : vector<1x16xf32> to vector<16xf32>
      %swap3A_1639 = vector.shape_cast %mul3A_1634 : vector<16xf32> to vector<1x16xf32>
      tpu.vector_store %arg12[%swap3A_1635, %swap3A_1636], %swap3A_1639 {strides = array<i32>} : memref<512x128xf32, #tpu.memory_space<vmem>>, vector<1x16xf32>,
      %get3A_1640 = arith.index_cast %add3A_1555 : i32 to index
      %get3A_1641 = arith.constant 112 : index
      %get3A_1642 = tpu.vector_load %arg12[%get3A_1640, %get3A_1641] {strides = array<i32>} : memref<512x128xf32, #tpu.memory_space<vmem>>, vector<1x16xf32>,
      %get3A_1643 = vector.shape_cast %get3A_1642 : vector<1x16xf32> to vector<16xf32>
      %mul3A_1644 = arith.mulf %gather3A_1553, %get3A_69 : vector<16xf32>
      %add3A_1645 = arith.addf %mul3A_1644, %add3A_117 : vector<16xf32>
      %mul3A_1646 = arith.mulf %get3A_1643, %add3A_1645 : vector<16xf32>
      %swap3A_1647 = arith.index_cast %add3A_1555 : i32 to index
      %swap3A_1648 = arith.constant 112 : index
      %swap3A_1649 = tpu.vector_load %arg12[%swap3A_1647, %swap3A_1648] {strides = array<i32>} : memref<512x128xf32, #tpu.memory_space<vmem>>, vector<1x16xf32>,
      %swap3A_1650 = vector.shape_cast %swap3A_1649 : vector<1x16xf32> to vector<16xf32>
      %swap3A_1651 = vector.shape_cast %mul3A_1646 : vector<16xf32> to vector<1x16xf32>
      tpu.vector_store %arg12[%swap3A_1647, %swap3A_1648], %swap3A_1651 {strides = array<i32>} : memref<512x128xf32, #tpu.memory_space<vmem>>, vector<1x16xf32>,
      %lt3A_1652 = arith.constant 0 : i32
      %lt3A_1653 = vector.broadcast %lt3A_1652 : i32 to vector<16xi32>
      %lt3A_1654 = arith.cmpi slt, %broadcast_in_dim3A_144, %lt3A_1653 : vector<16xi32>
      %add3A_1655 = arith.constant 16 : i32
      %add3A_1656 = vector.broadcast %add3A_1655 : i32 to vector<16xi32>
      %add3A_1657 = arith.addi %broadcast_in_dim3A_144, %add3A_1656 : vector<16xi32>
      %select_n3A_1658 = arith.select %lt3A_1654, %add3A_1657, %broadcast_in_dim3A_144 : vector<16xi1>, vector<16xi32>
      %broadcast_in_dim3A_1659 = vector.shape_cast %select_n3A_1658 : vector<16xi32> to vector<16x1xi32>
      %gather3A_1660 = vector.shape_cast %broadcast_in_dim3A_1659 : vector<16x1xi32> to vector<16xi32>
      %gather3A_1661 = tpu.dynamic_gather %get3A_251[%gather3A_1660] in [0] : vector<16xf32>, vector<16xi32> -> vector<16xf32>
      %add3A_1662 = arith.constant 13 : i32
      %add3A_1663 = arith.addi %add3A_248, %add3A_1662 : i32
      %get3A_1664 = arith.index_cast %add3A_1663 : i32 to index
      %get3A_1665 = arith.constant 0 : index
      %get3A_1666 = tpu.vector_load %arg12[%get3A_1664, %get3A_1665] {strides = array<i32>} : memref<512x128xf32, #tpu.memory_space<vmem>>, vector<1x16xf32>,
      %get3A_1667 = vector.shape_cast %get3A_1666 : vector<1x16xf32> to vector<16xf32>
      %mul3A_1668 = arith.mulf %gather3A_1661, %get3A_48 : vector<16xf32>
      %add3A_1669 = arith.addf %mul3A_1668, %add3A_75 : vector<16xf32>
      %mul3A_1670 = arith.mulf %get3A_1667, %add3A_1669 : vector<16xf32>
      %swap3A_1671 = arith.index_cast %add3A_1663 : i32 to index
      %swap3A_1672 = arith.constant 0 : index
      %swap3A_1673 = tpu.vector_load %arg12[%swap3A_1671, %swap3A_1672] {strides = array<i32>} : memref<512x128xf32, #tpu.memory_space<vmem>>, vector<1x16xf32>,
      %swap3A_1674 = vector.shape_cast %swap3A_1673 : vector<1x16xf32> to vector<16xf32>
      %swap3A_1675 = vector.shape_cast %mul3A_1670 : vector<16xf32> to vector<1x16xf32>
      tpu.vector_store %arg12[%swap3A_1671, %swap3A_1672], %swap3A_1675 {strides = array<i32>} : memref<512x128xf32, #tpu.memory_space<vmem>>, vector<1x16xf32>,
      %get3A_1676 = arith.index_cast %add3A_1663 : i32 to index
      %get3A_1677 = arith.constant 16 : index
      %get3A_1678 = tpu.vector_load %arg12[%get3A_1676, %get3A_1677] {strides = array<i32>} : memref<512x128xf32, #tpu.memory_space<vmem>>, vector<1x16xf32>,
      %get3A_1679 = vector.shape_cast %get3A_1678 : vector<1x16xf32> to vector<16xf32>
      %mul3A_1680 = arith.mulf %gather3A_1661, %get3A_51 : vector<16xf32>
      %add3A_1681 = arith.addf %mul3A_1680, %add3A_81 : vector<16xf32>
      %mul3A_1682 = arith.mulf %get3A_1679, %add3A_1681 : vector<16xf32>
      %swap3A_1683 = arith.index_cast %add3A_1663 : i32 to index
      %swap3A_1684 = arith.constant 16 : index
      %swap3A_1685 = tpu.vector_load %arg12[%swap3A_1683, %swap3A_1684] {strides = array<i32>} : memref<512x128xf32, #tpu.memory_space<vmem>>, vector<1x16xf32>,
      %swap3A_1686 = vector.shape_cast %swap3A_1685 : vector<1x16xf32> to vector<16xf32>
      %swap3A_1687 = vector.shape_cast %mul3A_1682 : vector<16xf32> to vector<1x16xf32>
      tpu.vector_store %arg12[%swap3A_1683, %swap3A_1684], %swap3A_1687 {strides = array<i32>} : memref<512x128xf32, #tpu.memory_space<vmem>>, vector<1x16xf32>,
      %get3A_1688 = arith.index_cast %add3A_1663 : i32 to index
      %get3A_1689 = arith.constant 32 : index
      %get3A_1690 = tpu.vector_load %arg12[%get3A_1688, %get3A_1689] {strides = array<i32>} : memref<512x128xf32, #tpu.memory_space<vmem>>, vector<1x16xf32>,
      %get3A_1691 = vector.shape_cast %get3A_1690 : vector<1x16xf32> to vector<16xf32>
      %mul3A_1692 = arith.mulf %gather3A_1661, %get3A_54 : vector<16xf32>
      %add3A_1693 = arith.addf %mul3A_1692, %add3A_87 : vector<16xf32>
      %mul3A_1694 = arith.mulf %get3A_1691, %add3A_1693 : vector<16xf32>
      %swap3A_1695 = arith.index_cast %add3A_1663 : i32 to index
      %swap3A_1696 = arith.constant 32 : index
      %swap3A_1697 = tpu.vector_load %arg12[%swap3A_1695, %swap3A_1696] {strides = array<i32>} : memref<512x128xf32, #tpu.memory_space<vmem>>, vector<1x16xf32>,
      %swap3A_1698 = vector.shape_cast %swap3A_1697 : vector<1x16xf32> to vector<16xf32>
      %swap3A_1699 = vector.shape_cast %mul3A_1694 : vector<16xf32> to vector<1x16xf32>
      tpu.vector_store %arg12[%swap3A_1695, %swap3A_1696], %swap3A_1699 {strides = array<i32>} : memref<512x128xf32, #tpu.memory_space<vmem>>, vector<1x16xf32>,
      %get3A_1700 = arith.index_cast %add3A_1663 : i32 to index
      %get3A_1701 = arith.constant 48 : index
      %get3A_1702 = tpu.vector_load %arg12[%get3A_1700, %get3A_1701] {strides = array<i32>} : memref<512x128xf32, #tpu.memory_space<vmem>>, vector<1x16xf32>,
      %get3A_1703 = vector.shape_cast %get3A_1702 : vector<1x16xf32> to vector<16xf32>
      %mul3A_1704 = arith.mulf %gather3A_1661, %get3A_57 : vector<16xf32>
      %add3A_1705 = arith.addf %mul3A_1704, %add3A_93 : vector<16xf32>
      %mul3A_1706 = arith.mulf %get3A_1703, %add3A_1705 : vector<16xf32>
      %swap3A_1707 = arith.index_cast %add3A_1663 : i32 to index
      %swap3A_1708 = arith.constant 48 : index
      %swap3A_1709 = tpu.vector_load %arg12[%swap3A_1707, %swap3A_1708] {strides = array<i32>} : memref<512x128xf32, #tpu.memory_space<vmem>>, vector<1x16xf32>,
      %swap3A_1710 = vector.shape_cast %swap3A_1709 : vector<1x16xf32> to vector<16xf32>
      %swap3A_1711 = vector.shape_cast %mul3A_1706 : vector<16xf32> to vector<1x16xf32>
      tpu.vector_store %arg12[%swap3A_1707, %swap3A_1708], %swap3A_1711 {strides = array<i32>} : memref<512x128xf32, #tpu.memory_space<vmem>>, vector<1x16xf32>,
      %get3A_1712 = arith.index_cast %add3A_1663 : i32 to index
      %get3A_1713 = arith.constant 64 : index
      %get3A_1714 = tpu.vector_load %arg12[%get3A_1712, %get3A_1713] {strides = array<i32>} : memref<512x128xf32, #tpu.memory_space<vmem>>, vector<1x16xf32>,
      %get3A_1715 = vector.shape_cast %get3A_1714 : vector<1x16xf32> to vector<16xf32>
      %mul3A_1716 = arith.mulf %gather3A_1661, %get3A_60 : vector<16xf32>
      %add3A_1717 = arith.addf %mul3A_1716, %add3A_99 : vector<16xf32>
      %mul3A_1718 = arith.mulf %get3A_1715, %add3A_1717 : vector<16xf32>
      %swap3A_1719 = arith.index_cast %add3A_1663 : i32 to index
      %swap3A_1720 = arith.constant 64 : index
      %swap3A_1721 = tpu.vector_load %arg12[%swap3A_1719, %swap3A_1720] {strides = array<i32>} : memref<512x128xf32, #tpu.memory_space<vmem>>, vector<1x16xf32>,
      %swap3A_1722 = vector.shape_cast %swap3A_1721 : vector<1x16xf32> to vector<16xf32>
      %swap3A_1723 = vector.shape_cast %mul3A_1718 : vector<16xf32> to vector<1x16xf32>
      tpu.vector_store %arg12[%swap3A_1719, %swap3A_1720], %swap3A_1723 {strides = array<i32>} : memref<512x128xf32, #tpu.memory_space<vmem>>, vector<1x16xf32>,
      %get3A_1724 = arith.index_cast %add3A_1663 : i32 to index
      %get3A_1725 = arith.constant 80 : index
      %get3A_1726 = tpu.vector_load %arg12[%get3A_1724, %get3A_1725] {strides = array<i32>} : memref<512x128xf32, #tpu.memory_space<vmem>>, vector<1x16xf32>,
      %get3A_1727 = vector.shape_cast %get3A_1726 : vector<1x16xf32> to vector<16xf32>
      %mul3A_1728 = arith.mulf %gather3A_1661, %get3A_63 : vector<16xf32>
      %add3A_1729 = arith.addf %mul3A_1728, %add3A_105 : vector<16xf32>
      %mul3A_1730 = arith.mulf %get3A_1727, %add3A_1729 : vector<16xf32>
      %swap3A_1731 = arith.index_cast %add3A_1663 : i32 to index
      %swap3A_1732 = arith.constant 80 : index
      %swap3A_1733 = tpu.vector_load %arg12[%swap3A_1731, %swap3A_1732] {strides = array<i32>} : memref<512x128xf32, #tpu.memory_space<vmem>>, vector<1x16xf32>,
      %swap3A_1734 = vector.shape_cast %swap3A_1733 : vector<1x16xf32> to vector<16xf32>
      %swap3A_1735 = vector.shape_cast %mul3A_1730 : vector<16xf32> to vector<1x16xf32>
      tpu.vector_store %arg12[%swap3A_1731, %swap3A_1732], %swap3A_1735 {strides = array<i32>} : memref<512x128xf32, #tpu.memory_space<vmem>>, vector<1x16xf32>,
      %get3A_1736 = arith.index_cast %add3A_1663 : i32 to index
      %get3A_1737 = arith.constant 96 : index
      %get3A_1738 = tpu.vector_load %arg12[%get3A_1736, %get3A_1737] {strides = array<i32>} : memref<512x128xf32, #tpu.memory_space<vmem>>, vector<1x16xf32>,
      %get3A_1739 = vector.shape_cast %get3A_1738 : vector<1x16xf32> to vector<16xf32>
      %mul3A_1740 = arith.mulf %gather3A_1661, %get3A_66 : vector<16xf32>
      %add3A_1741 = arith.addf %mul3A_1740, %add3A_111 : vector<16xf32>
      %mul3A_1742 = arith.mulf %get3A_1739, %add3A_1741 : vector<16xf32>
      %swap3A_1743 = arith.index_cast %add3A_1663 : i32 to index
      %swap3A_1744 = arith.constant 96 : index
      %swap3A_1745 = tpu.vector_load %arg12[%swap3A_1743, %swap3A_1744] {strides = array<i32>} : memref<512x128xf32, #tpu.memory_space<vmem>>, vector<1x16xf32>,
      %swap3A_1746 = vector.shape_cast %swap3A_1745 : vector<1x16xf32> to vector<16xf32>
      %swap3A_1747 = vector.shape_cast %mul3A_1742 : vector<16xf32> to vector<1x16xf32>
      tpu.vector_store %arg12[%swap3A_1743, %swap3A_1744], %swap3A_1747 {strides = array<i32>} : memref<512x128xf32, #tpu.memory_space<vmem>>, vector<1x16xf32>,
      %get3A_1748 = arith.index_cast %add3A_1663 : i32 to index
      %get3A_1749 = arith.constant 112 : index
      %get3A_1750 = tpu.vector_load %arg12[%get3A_1748, %get3A_1749] {strides = array<i32>} : memref<512x128xf32, #tpu.memory_space<vmem>>, vector<1x16xf32>,
      %get3A_1751 = vector.shape_cast %get3A_1750 : vector<1x16xf32> to vector<16xf32>
      %mul3A_1752 = arith.mulf %gather3A_1661, %get3A_69 : vector<16xf32>
      %add3A_1753 = arith.addf %mul3A_1752, %add3A_117 : vector<16xf32>
      %mul3A_1754 = arith.mulf %get3A_1751, %add3A_1753 : vector<16xf32>
      %swap3A_1755 = arith.index_cast %add3A_1663 : i32 to index
      %swap3A_1756 = arith.constant 112 : index
      %swap3A_1757 = tpu.vector_load %arg12[%swap3A_1755, %swap3A_1756] {strides = array<i32>} : memref<512x128xf32, #tpu.memory_space<vmem>>, vector<1x16xf32>,
      %swap3A_1758 = vector.shape_cast %swap3A_1757 : vector<1x16xf32> to vector<16xf32>
      %swap3A_1759 = vector.shape_cast %mul3A_1754 : vector<16xf32> to vector<1x16xf32>
      tpu.vector_store %arg12[%swap3A_1755, %swap3A_1756], %swap3A_1759 {strides = array<i32>} : memref<512x128xf32, #tpu.memory_space<vmem>>, vector<1x16xf32>,
      %lt3A_1760 = arith.constant 0 : i32
      %lt3A_1761 = vector.broadcast %lt3A_1760 : i32 to vector<16xi32>
      %lt3A_1762 = arith.cmpi slt, %broadcast_in_dim3A_146, %lt3A_1761 : vector<16xi32>
      %add3A_1763 = arith.constant 16 : i32
      %add3A_1764 = vector.broadcast %add3A_1763 : i32 to vector<16xi32>
      %add3A_1765 = arith.addi %broadcast_in_dim3A_146, %add3A_1764 : vector<16xi32>
      %select_n3A_1766 = arith.select %lt3A_1762, %add3A_1765, %broadcast_in_dim3A_146 : vector<16xi1>, vector<16xi32>
      %broadcast_in_dim3A_1767 = vector.shape_cast %select_n3A_1766 : vector<16xi32> to vector<16x1xi32>
      %gather3A_1768 = vector.shape_cast %broadcast_in_dim3A_1767 : vector<16x1xi32> to vector<16xi32>
      %gather3A_1769 = tpu.dynamic_gather %get3A_251[%gather3A_1768] in [0] : vector<16xf32>, vector<16xi32> -> vector<16xf32>
      %add3A_1770 = arith.constant 14 : i32
      %add3A_1771 = arith.addi %add3A_248, %add3A_1770 : i32
      %get3A_1772 = arith.index_cast %add3A_1771 : i32 to index
      %get3A_1773 = arith.constant 0 : index
      %get3A_1774 = tpu.vector_load %arg12[%get3A_1772, %get3A_1773] {strides = array<i32>} : memref<512x128xf32, #tpu.memory_space<vmem>>, vector<1x16xf32>,
      %get3A_1775 = vector.shape_cast %get3A_1774 : vector<1x16xf32> to vector<16xf32>
      %mul3A_1776 = arith.mulf %gather3A_1769, %get3A_48 : vector<16xf32>
      %add3A_1777 = arith.addf %mul3A_1776, %add3A_75 : vector<16xf32>
      %mul3A_1778 = arith.mulf %get3A_1775, %add3A_1777 : vector<16xf32>
      %swap3A_1779 = arith.index_cast %add3A_1771 : i32 to index
      %swap3A_1780 = arith.constant 0 : index
      %swap3A_1781 = tpu.vector_load %arg12[%swap3A_1779, %swap3A_1780] {strides = array<i32>} : memref<512x128xf32, #tpu.memory_space<vmem>>, vector<1x16xf32>,
      %swap3A_1782 = vector.shape_cast %swap3A_1781 : vector<1x16xf32> to vector<16xf32>
      %swap3A_1783 = vector.shape_cast %mul3A_1778 : vector<16xf32> to vector<1x16xf32>
      tpu.vector_store %arg12[%swap3A_1779, %swap3A_1780], %swap3A_1783 {strides = array<i32>} : memref<512x128xf32, #tpu.memory_space<vmem>>, vector<1x16xf32>,
      %get3A_1784 = arith.index_cast %add3A_1771 : i32 to index
      %get3A_1785 = arith.constant 16 : index
      %get3A_1786 = tpu.vector_load %arg12[%get3A_1784, %get3A_1785] {strides = array<i32>} : memref<512x128xf32, #tpu.memory_space<vmem>>, vector<1x16xf32>,
      %get3A_1787 = vector.shape_cast %get3A_1786 : vector<1x16xf32> to vector<16xf32>
      %mul3A_1788 = arith.mulf %gather3A_1769, %get3A_51 : vector<16xf32>
      %add3A_1789 = arith.addf %mul3A_1788, %add3A_81 : vector<16xf32>
      %mul3A_1790 = arith.mulf %get3A_1787, %add3A_1789 : vector<16xf32>
      %swap3A_1791 = arith.index_cast %add3A_1771 : i32 to index
      %swap3A_1792 = arith.constant 16 : index
      %swap3A_1793 = tpu.vector_load %arg12[%swap3A_1791, %swap3A_1792] {strides = array<i32>} : memref<512x128xf32, #tpu.memory_space<vmem>>, vector<1x16xf32>,
      %swap3A_1794 = vector.shape_cast %swap3A_1793 : vector<1x16xf32> to vector<16xf32>
      %swap3A_1795 = vector.shape_cast %mul3A_1790 : vector<16xf32> to vector<1x16xf32>
      tpu.vector_store %arg12[%swap3A_1791, %swap3A_1792], %swap3A_1795 {strides = array<i32>} : memref<512x128xf32, #tpu.memory_space<vmem>>, vector<1x16xf32>,
      %get3A_1796 = arith.index_cast %add3A_1771 : i32 to index
      %get3A_1797 = arith.constant 32 : index
      %get3A_1798 = tpu.vector_load %arg12[%get3A_1796, %get3A_1797] {strides = array<i32>} : memref<512x128xf32, #tpu.memory_space<vmem>>, vector<1x16xf32>,
      %get3A_1799 = vector.shape_cast %get3A_1798 : vector<1x16xf32> to vector<16xf32>
      %mul3A_1800 = arith.mulf %gather3A_1769, %get3A_54 : vector<16xf32>
      %add3A_1801 = arith.addf %mul3A_1800, %add3A_87 : vector<16xf32>
      %mul3A_1802 = arith.mulf %get3A_1799, %add3A_1801 : vector<16xf32>
      %swap3A_1803 = arith.index_cast %add3A_1771 : i32 to index
      %swap3A_1804 = arith.constant 32 : index
      %swap3A_1805 = tpu.vector_load %arg12[%swap3A_1803, %swap3A_1804] {strides = array<i32>} : memref<512x128xf32, #tpu.memory_space<vmem>>, vector<1x16xf32>,
      %swap3A_1806 = vector.shape_cast %swap3A_1805 : vector<1x16xf32> to vector<16xf32>
      %swap3A_1807 = vector.shape_cast %mul3A_1802 : vector<16xf32> to vector<1x16xf32>
      tpu.vector_store %arg12[%swap3A_1803, %swap3A_1804], %swap3A_1807 {strides = array<i32>} : memref<512x128xf32, #tpu.memory_space<vmem>>, vector<1x16xf32>,
      %get3A_1808 = arith.index_cast %add3A_1771 : i32 to index
      %get3A_1809 = arith.constant 48 : index
      %get3A_1810 = tpu.vector_load %arg12[%get3A_1808, %get3A_1809] {strides = array<i32>} : memref<512x128xf32, #tpu.memory_space<vmem>>, vector<1x16xf32>,
      %get3A_1811 = vector.shape_cast %get3A_1810 : vector<1x16xf32> to vector<16xf32>
      %mul3A_1812 = arith.mulf %gather3A_1769, %get3A_57 : vector<16xf32>
      %add3A_1813 = arith.addf %mul3A_1812, %add3A_93 : vector<16xf32>
      %mul3A_1814 = arith.mulf %get3A_1811, %add3A_1813 : vector<16xf32>
      %swap3A_1815 = arith.index_cast %add3A_1771 : i32 to index
      %swap3A_1816 = arith.constant 48 : index
      %swap3A_1817 = tpu.vector_load %arg12[%swap3A_1815, %swap3A_1816] {strides = array<i32>} : memref<512x128xf32, #tpu.memory_space<vmem>>, vector<1x16xf32>,
      %swap3A_1818 = vector.shape_cast %swap3A_1817 : vector<1x16xf32> to vector<16xf32>
      %swap3A_1819 = vector.shape_cast %mul3A_1814 : vector<16xf32> to vector<1x16xf32>
      tpu.vector_store %arg12[%swap3A_1815, %swap3A_1816], %swap3A_1819 {strides = array<i32>} : memref<512x128xf32, #tpu.memory_space<vmem>>, vector<1x16xf32>,
      %get3A_1820 = arith.index_cast %add3A_1771 : i32 to index
      %get3A_1821 = arith.constant 64 : index
      %get3A_1822 = tpu.vector_load %arg12[%get3A_1820, %get3A_1821] {strides = array<i32>} : memref<512x128xf32, #tpu.memory_space<vmem>>, vector<1x16xf32>,
      %get3A_1823 = vector.shape_cast %get3A_1822 : vector<1x16xf32> to vector<16xf32>
      %mul3A_1824 = arith.mulf %gather3A_1769, %get3A_60 : vector<16xf32>
      %add3A_1825 = arith.addf %mul3A_1824, %add3A_99 : vector<16xf32>
      %mul3A_1826 = arith.mulf %get3A_1823, %add3A_1825 : vector<16xf32>
      %swap3A_1827 = arith.index_cast %add3A_1771 : i32 to index
      %swap3A_1828 = arith.constant 64 : index
      %swap3A_1829 = tpu.vector_load %arg12[%swap3A_1827, %swap3A_1828] {strides = array<i32>} : memref<512x128xf32, #tpu.memory_space<vmem>>, vector<1x16xf32>,
      %swap3A_1830 = vector.shape_cast %swap3A_1829 : vector<1x16xf32> to vector<16xf32>
      %swap3A_1831 = vector.shape_cast %mul3A_1826 : vector<16xf32> to vector<1x16xf32>
      tpu.vector_store %arg12[%swap3A_1827, %swap3A_1828], %swap3A_1831 {strides = array<i32>} : memref<512x128xf32, #tpu.memory_space<vmem>>, vector<1x16xf32>,
      %get3A_1832 = arith.index_cast %add3A_1771 : i32 to index
      %get3A_1833 = arith.constant 80 : index
      %get3A_1834 = tpu.vector_load %arg12[%get3A_1832, %get3A_1833] {strides = array<i32>} : memref<512x128xf32, #tpu.memory_space<vmem>>, vector<1x16xf32>,
      %get3A_1835 = vector.shape_cast %get3A_1834 : vector<1x16xf32> to vector<16xf32>
      %mul3A_1836 = arith.mulf %gather3A_1769, %get3A_63 : vector<16xf32>
      %add3A_1837 = arith.addf %mul3A_1836, %add3A_105 : vector<16xf32>
      %mul3A_1838 = arith.mulf %get3A_1835, %add3A_1837 : vector<16xf32>
      %swap3A_1839 = arith.index_cast %add3A_1771 : i32 to index
      %swap3A_1840 = arith.constant 80 : index
      %swap3A_1841 = tpu.vector_load %arg12[%swap3A_1839, %swap3A_1840] {strides = array<i32>} : memref<512x128xf32, #tpu.memory_space<vmem>>, vector<1x16xf32>,
      %swap3A_1842 = vector.shape_cast %swap3A_1841 : vector<1x16xf32> to vector<16xf32>
      %swap3A_1843 = vector.shape_cast %mul3A_1838 : vector<16xf32> to vector<1x16xf32>
      tpu.vector_store %arg12[%swap3A_1839, %swap3A_1840], %swap3A_1843 {strides = array<i32>} : memref<512x128xf32, #tpu.memory_space<vmem>>, vector<1x16xf32>,
      %get3A_1844 = arith.index_cast %add3A_1771 : i32 to index
      %get3A_1845 = arith.constant 96 : index
      %get3A_1846 = tpu.vector_load %arg12[%get3A_1844, %get3A_1845] {strides = array<i32>} : memref<512x128xf32, #tpu.memory_space<vmem>>, vector<1x16xf32>,
      %get3A_1847 = vector.shape_cast %get3A_1846 : vector<1x16xf32> to vector<16xf32>
      %mul3A_1848 = arith.mulf %gather3A_1769, %get3A_66 : vector<16xf32>
      %add3A_1849 = arith.addf %mul3A_1848, %add3A_111 : vector<16xf32>
      %mul3A_1850 = arith.mulf %get3A_1847, %add3A_1849 : vector<16xf32>
      %swap3A_1851 = arith.index_cast %add3A_1771 : i32 to index
      %swap3A_1852 = arith.constant 96 : index
      %swap3A_1853 = tpu.vector_load %arg12[%swap3A_1851, %swap3A_1852] {strides = array<i32>} : memref<512x128xf32, #tpu.memory_space<vmem>>, vector<1x16xf32>,
      %swap3A_1854 = vector.shape_cast %swap3A_1853 : vector<1x16xf32> to vector<16xf32>
      %swap3A_1855 = vector.shape_cast %mul3A_1850 : vector<16xf32> to vector<1x16xf32>
      tpu.vector_store %arg12[%swap3A_1851, %swap3A_1852], %swap3A_1855 {strides = array<i32>} : memref<512x128xf32, #tpu.memory_space<vmem>>, vector<1x16xf32>,
      %get3A_1856 = arith.index_cast %add3A_1771 : i32 to index
      %get3A_1857 = arith.constant 112 : index
      %get3A_1858 = tpu.vector_load %arg12[%get3A_1856, %get3A_1857] {strides = array<i32>} : memref<512x128xf32, #tpu.memory_space<vmem>>, vector<1x16xf32>,
      %get3A_1859 = vector.shape_cast %get3A_1858 : vector<1x16xf32> to vector<16xf32>
      %mul3A_1860 = arith.mulf %gather3A_1769, %get3A_69 : vector<16xf32>
      %add3A_1861 = arith.addf %mul3A_1860, %add3A_117 : vector<16xf32>
      %mul3A_1862 = arith.mulf %get3A_1859, %add3A_1861 : vector<16xf32>
      %swap3A_1863 = arith.index_cast %add3A_1771 : i32 to index
      %swap3A_1864 = arith.constant 112 : index
      %swap3A_1865 = tpu.vector_load %arg12[%swap3A_1863, %swap3A_1864] {strides = array<i32>} : memref<512x128xf32, #tpu.memory_space<vmem>>, vector<1x16xf32>,
      %swap3A_1866 = vector.shape_cast %swap3A_1865 : vector<1x16xf32> to vector<16xf32>
      %swap3A_1867 = vector.shape_cast %mul3A_1862 : vector<16xf32> to vector<1x16xf32>
      tpu.vector_store %arg12[%swap3A_1863, %swap3A_1864], %swap3A_1867 {strides = array<i32>} : memref<512x128xf32, #tpu.memory_space<vmem>>, vector<1x16xf32>,
      %lt3A_1868 = arith.constant 0 : i32
      %lt3A_1869 = vector.broadcast %lt3A_1868 : i32 to vector<16xi32>
      %lt3A_1870 = arith.cmpi slt, %broadcast_in_dim3A_148, %lt3A_1869 : vector<16xi32>
      %add3A_1871 = arith.constant 16 : i32
      %add3A_1872 = vector.broadcast %add3A_1871 : i32 to vector<16xi32>
      %add3A_1873 = arith.addi %broadcast_in_dim3A_148, %add3A_1872 : vector<16xi32>
      %select_n3A_1874 = arith.select %lt3A_1870, %add3A_1873, %broadcast_in_dim3A_148 : vector<16xi1>, vector<16xi32>
      %broadcast_in_dim3A_1875 = vector.shape_cast %select_n3A_1874 : vector<16xi32> to vector<16x1xi32>
      %gather3A_1876 = vector.shape_cast %broadcast_in_dim3A_1875 : vector<16x1xi32> to vector<16xi32>
      %gather3A_1877 = tpu.dynamic_gather %get3A_251[%gather3A_1876] in [0] : vector<16xf32>, vector<16xi32> -> vector<16xf32>
      %add3A_1878 = arith.constant 15 : i32
      %add3A_1879 = arith.addi %add3A_248, %add3A_1878 : i32
      %get3A_1880 = arith.index_cast %add3A_1879 : i32 to index
      %get3A_1881 = arith.constant 0 : index
      %get3A_1882 = tpu.vector_load %arg12[%get3A_1880, %get3A_1881] {strides = array<i32>} : memref<512x128xf32, #tpu.memory_space<vmem>>, vector<1x16xf32>,
      %get3A_1883 = vector.shape_cast %get3A_1882 : vector<1x16xf32> to vector<16xf32>
      %mul3A_1884 = arith.mulf %gather3A_1877, %get3A_48 : vector<16xf32>
      %add3A_1885 = arith.addf %mul3A_1884, %add3A_75 : vector<16xf32>
      %mul3A_1886 = arith.mulf %get3A_1883, %add3A_1885 : vector<16xf32>
      %swap3A_1887 = arith.index_cast %add3A_1879 : i32 to index
      %swap3A_1888 = arith.constant 0 : index
      %swap3A_1889 = tpu.vector_load %arg12[%swap3A_1887, %swap3A_1888] {strides = array<i32>} : memref<512x128xf32, #tpu.memory_space<vmem>>, vector<1x16xf32>,
      %swap3A_1890 = vector.shape_cast %swap3A_1889 : vector<1x16xf32> to vector<16xf32>
      %swap3A_1891 = vector.shape_cast %mul3A_1886 : vector<16xf32> to vector<1x16xf32>
      tpu.vector_store %arg12[%swap3A_1887, %swap3A_1888], %swap3A_1891 {strides = array<i32>} : memref<512x128xf32, #tpu.memory_space<vmem>>, vector<1x16xf32>,
      %get3A_1892 = arith.index_cast %add3A_1879 : i32 to index
      %get3A_1893 = arith.constant 16 : index
      %get3A_1894 = tpu.vector_load %arg12[%get3A_1892, %get3A_1893] {strides = array<i32>} : memref<512x128xf32, #tpu.memory_space<vmem>>, vector<1x16xf32>,
      %get3A_1895 = vector.shape_cast %get3A_1894 : vector<1x16xf32> to vector<16xf32>
      %mul3A_1896 = arith.mulf %gather3A_1877, %get3A_51 : vector<16xf32>
      %add3A_1897 = arith.addf %mul3A_1896, %add3A_81 : vector<16xf32>
      %mul3A_1898 = arith.mulf %get3A_1895, %add3A_1897 : vector<16xf32>
      %swap3A_1899 = arith.index_cast %add3A_1879 : i32 to index
      %swap3A_1900 = arith.constant 16 : index
      %swap3A_1901 = tpu.vector_load %arg12[%swap3A_1899, %swap3A_1900] {strides = array<i32>} : memref<512x128xf32, #tpu.memory_space<vmem>>, vector<1x16xf32>,
      %swap3A_1902 = vector.shape_cast %swap3A_1901 : vector<1x16xf32> to vector<16xf32>
      %swap3A_1903 = vector.shape_cast %mul3A_1898 : vector<16xf32> to vector<1x16xf32>
      tpu.vector_store %arg12[%swap3A_1899, %swap3A_1900], %swap3A_1903 {strides = array<i32>} : memref<512x128xf32, #tpu.memory_space<vmem>>, vector<1x16xf32>,
      %get3A_1904 = arith.index_cast %add3A_1879 : i32 to index
      %get3A_1905 = arith.constant 32 : index
      %get3A_1906 = tpu.vector_load %arg12[%get3A_1904, %get3A_1905] {strides = array<i32>} : memref<512x128xf32, #tpu.memory_space<vmem>>, vector<1x16xf32>,
      %get3A_1907 = vector.shape_cast %get3A_1906 : vector<1x16xf32> to vector<16xf32>
      %mul3A_1908 = arith.mulf %gather3A_1877, %get3A_54 : vector<16xf32>
      %add3A_1909 = arith.addf %mul3A_1908, %add3A_87 : vector<16xf32>
      %mul3A_1910 = arith.mulf %get3A_1907, %add3A_1909 : vector<16xf32>
      %swap3A_1911 = arith.index_cast %add3A_1879 : i32 to index
      %swap3A_1912 = arith.constant 32 : index
      %swap3A_1913 = tpu.vector_load %arg12[%swap3A_1911, %swap3A_1912] {strides = array<i32>} : memref<512x128xf32, #tpu.memory_space<vmem>>, vector<1x16xf32>,
      %swap3A_1914 = vector.shape_cast %swap3A_1913 : vector<1x16xf32> to vector<16xf32>
      %swap3A_1915 = vector.shape_cast %mul3A_1910 : vector<16xf32> to vector<1x16xf32>
      tpu.vector_store %arg12[%swap3A_1911, %swap3A_1912], %swap3A_1915 {strides = array<i32>} : memref<512x128xf32, #tpu.memory_space<vmem>>, vector<1x16xf32>,
      %get3A_1916 = arith.index_cast %add3A_1879 : i32 to index
      %get3A_1917 = arith.constant 48 : index
      %get3A_1918 = tpu.vector_load %arg12[%get3A_1916, %get3A_1917] {strides = array<i32>} : memref<512x128xf32, #tpu.memory_space<vmem>>, vector<1x16xf32>,
      %get3A_1919 = vector.shape_cast %get3A_1918 : vector<1x16xf32> to vector<16xf32>
      %mul3A_1920 = arith.mulf %gather3A_1877, %get3A_57 : vector<16xf32>
      %add3A_1921 = arith.addf %mul3A_1920, %add3A_93 : vector<16xf32>
      %mul3A_1922 = arith.mulf %get3A_1919, %add3A_1921 : vector<16xf32>
      %swap3A_1923 = arith.index_cast %add3A_1879 : i32 to index
      %swap3A_1924 = arith.constant 48 : index
      %swap3A_1925 = tpu.vector_load %arg12[%swap3A_1923, %swap3A_1924] {strides = array<i32>} : memref<512x128xf32, #tpu.memory_space<vmem>>, vector<1x16xf32>,
      %swap3A_1926 = vector.shape_cast %swap3A_1925 : vector<1x16xf32> to vector<16xf32>
      %swap3A_1927 = vector.shape_cast %mul3A_1922 : vector<16xf32> to vector<1x16xf32>
      tpu.vector_store %arg12[%swap3A_1923, %swap3A_1924], %swap3A_1927 {strides = array<i32>} : memref<512x128xf32, #tpu.memory_space<vmem>>, vector<1x16xf32>,
      %get3A_1928 = arith.index_cast %add3A_1879 : i32 to index
      %get3A_1929 = arith.constant 64 : index
      %get3A_1930 = tpu.vector_load %arg12[%get3A_1928, %get3A_1929] {strides = array<i32>} : memref<512x128xf32, #tpu.memory_space<vmem>>, vector<1x16xf32>,
      %get3A_1931 = vector.shape_cast %get3A_1930 : vector<1x16xf32> to vector<16xf32>
      %mul3A_1932 = arith.mulf %gather3A_1877, %get3A_60 : vector<16xf32>
      %add3A_1933 = arith.addf %mul3A_1932, %add3A_99 : vector<16xf32>
      %mul3A_1934 = arith.mulf %get3A_1931, %add3A_1933 : vector<16xf32>
      %swap3A_1935 = arith.index_cast %add3A_1879 : i32 to index
      %swap3A_1936 = arith.constant 64 : index
      %swap3A_1937 = tpu.vector_load %arg12[%swap3A_1935, %swap3A_1936] {strides = array<i32>} : memref<512x128xf32, #tpu.memory_space<vmem>>, vector<1x16xf32>,
      %swap3A_1938 = vector.shape_cast %swap3A_1937 : vector<1x16xf32> to vector<16xf32>
      %swap3A_1939 = vector.shape_cast %mul3A_1934 : vector<16xf32> to vector<1x16xf32>
      tpu.vector_store %arg12[%swap3A_1935, %swap3A_1936], %swap3A_1939 {strides = array<i32>} : memref<512x128xf32, #tpu.memory_space<vmem>>, vector<1x16xf32>,
      %get3A_1940 = arith.index_cast %add3A_1879 : i32 to index
      %get3A_1941 = arith.constant 80 : index
      %get3A_1942 = tpu.vector_load %arg12[%get3A_1940, %get3A_1941] {strides = array<i32>} : memref<512x128xf32, #tpu.memory_space<vmem>>, vector<1x16xf32>,
      %get3A_1943 = vector.shape_cast %get3A_1942 : vector<1x16xf32> to vector<16xf32>
      %mul3A_1944 = arith.mulf %gather3A_1877, %get3A_63 : vector<16xf32>
      %add3A_1945 = arith.addf %mul3A_1944, %add3A_105 : vector<16xf32>
      %mul3A_1946 = arith.mulf %get3A_1943, %add3A_1945 : vector<16xf32>
      %swap3A_1947 = arith.index_cast %add3A_1879 : i32 to index
      %swap3A_1948 = arith.constant 80 : index
      %swap3A_1949 = tpu.vector_load %arg12[%swap3A_1947, %swap3A_1948] {strides = array<i32>} : memref<512x128xf32, #tpu.memory_space<vmem>>, vector<1x16xf32>,
      %swap3A_1950 = vector.shape_cast %swap3A_1949 : vector<1x16xf32> to vector<16xf32>
      %swap3A_1951 = vector.shape_cast %mul3A_1946 : vector<16xf32> to vector<1x16xf32>
      tpu.vector_store %arg12[%swap3A_1947, %swap3A_1948], %swap3A_1951 {strides = array<i32>} : memref<512x128xf32, #tpu.memory_space<vmem>>, vector<1x16xf32>,
      %get3A_1952 = arith.index_cast %add3A_1879 : i32 to index
      %get3A_1953 = arith.constant 96 : index
      %get3A_1954 = tpu.vector_load %arg12[%get3A_1952, %get3A_1953] {strides = array<i32>} : memref<512x128xf32, #tpu.memory_space<vmem>>, vector<1x16xf32>,
      %get3A_1955 = vector.shape_cast %get3A_1954 : vector<1x16xf32> to vector<16xf32>
      %mul3A_1956 = arith.mulf %gather3A_1877, %get3A_66 : vector<16xf32>
      %add3A_1957 = arith.addf %mul3A_1956, %add3A_111 : vector<16xf32>
      %mul3A_1958 = arith.mulf %get3A_1955, %add3A_1957 : vector<16xf32>
      %swap3A_1959 = arith.index_cast %add3A_1879 : i32 to index
      %swap3A_1960 = arith.constant 96 : index
      %swap3A_1961 = tpu.vector_load %arg12[%swap3A_1959, %swap3A_1960] {strides = array<i32>} : memref<512x128xf32, #tpu.memory_space<vmem>>, vector<1x16xf32>,
      %swap3A_1962 = vector.shape_cast %swap3A_1961 : vector<1x16xf32> to vector<16xf32>
      %swap3A_1963 = vector.shape_cast %mul3A_1958 : vector<16xf32> to vector<1x16xf32>
      tpu.vector_store %arg12[%swap3A_1959, %swap3A_1960], %swap3A_1963 {strides = array<i32>} : memref<512x128xf32, #tpu.memory_space<vmem>>, vector<1x16xf32>,
      %get3A_1964 = arith.index_cast %add3A_1879 : i32 to index
      %get3A_1965 = arith.constant 112 : index
      %get3A_1966 = tpu.vector_load %arg12[%get3A_1964, %get3A_1965] {strides = array<i32>} : memref<512x128xf32, #tpu.memory_space<vmem>>, vector<1x16xf32>,
      %get3A_1967 = vector.shape_cast %get3A_1966 : vector<1x16xf32> to vector<16xf32>
      %mul3A_1968 = arith.mulf %gather3A_1877, %get3A_69 : vector<16xf32>
      %add3A_1969 = arith.addf %mul3A_1968, %add3A_117 : vector<16xf32>
      %mul3A_1970 = arith.mulf %get3A_1967, %add3A_1969 : vector<16xf32>
      %swap3A_1971 = arith.index_cast %add3A_1879 : i32 to index
      %swap3A_1972 = arith.constant 112 : index
      %swap3A_1973 = tpu.vector_load %arg12[%swap3A_1971, %swap3A_1972] {strides = array<i32>} : memref<512x128xf32, #tpu.memory_space<vmem>>, vector<1x16xf32>,
      %swap3A_1974 = vector.shape_cast %swap3A_1973 : vector<1x16xf32> to vector<16xf32>
      %swap3A_1975 = vector.shape_cast %mul3A_1970 : vector<16xf32> to vector<1x16xf32>
      tpu.vector_store %arg12[%swap3A_1971, %swap3A_1972], %swap3A_1975 {strides = array<i32>} : memref<512x128xf32, #tpu.memory_space<vmem>>, vector<1x16xf32>,
    }
    %scan3A_213 = arith.constant 16 : i32
    %dma_start3A_214 = arith.constant 256 : i32
    %dma_start3A_215 = arith.constant 0 : i32
    %dma_start3A_216 = tpu.memref_slice %arg12[%dma_start3A_214, %dma_start3A_215] : memref<512x128xf32, #tpu.memory_space<vmem>> -> memref<256x128xf32, #tpu.memory_space<vmem>>
    %dma_start3A_217 = arith.constant 0 : i32
    %dma_start3A_218 = tpu.memref_slice %arg7[%add3A_152, %dma_start3A_217] : memref<16384x128xf32, #tpu.memory_space<hbm>> -> memref<256x128xf32, #tpu.memory_space<hbm>>
    %dma_start3A_219 = arith.constant 0 : i32
    %dma_start3A_220 = tpu.memref_slice %arg7[%add3A_152, %dma_start3A_219] : memref<16384x128xf32, #tpu.memory_space<hbm>> -> memref<256x128xf32, #tpu.memory_space<hbm>>
    %dma_start3A_221 = arith.constant 256 : i32
    %dma_start3A_222 = arith.constant 0 : i32
    %dma_start3A_223 = tpu.memref_slice %arg12[%dma_start3A_221, %dma_start3A_222] : memref<512x128xf32, #tpu.memory_space<vmem>> -> memref<256x128xf32, #tpu.memory_space<vmem>>
    tpu.enqueue_dma source(%dma_start3A_223 : memref<256x128xf32, #tpu.memory_space<vmem>>) target(%dma_start3A_220 : memref<256x128xf32, #tpu.memory_space<hbm>>) target_semaphore(%arg14 : memref<!tpu.dma_semaphore, #tpu.memory_space<semaphore_mem>>)
    %dma_wait3A_224 = arith.constant 0 : i32
    %dma_wait3A_225 = arith.constant 0 : i32
    %dma_wait3A_226 = tpu.memref_slice %arg12[%dma_wait3A_224, %dma_wait3A_225] : memref<512x128xf32, #tpu.memory_space<vmem>> -> memref<256x128xf32, #tpu.memory_space<vmem>>
    %dma_wait3A_227 = arith.constant 0 : i32
    %dma_wait3A_228 = tpu.memref_slice %arg7[%add3A_150, %dma_wait3A_227] : memref<16384x128xf32, #tpu.memory_space<hbm>> -> memref<256x128xf32, #tpu.memory_space<hbm>>
    %dma_wait3A_229 = arith.constant 0 : i32
    %dma_wait3A_230 = tpu.memref_slice %arg7[%add3A_150, %dma_wait3A_229] : memref<16384x128xf32, #tpu.memory_space<hbm>> -> memref<256x128xf32, #tpu.memory_space<hbm>>
    %dma_wait3A_231 = arith.constant 0 : i32
    %dma_wait3A_232 = arith.constant 0 : i32
    %dma_wait3A_233 = tpu.memref_slice %arg12[%dma_wait3A_231, %dma_wait3A_232] : memref<512x128xf32, #tpu.memory_space<vmem>> -> memref<256x128xf32, #tpu.memory_space<vmem>>
    tpu.wait_dma2 semaphore(%arg14 : memref<!tpu.dma_semaphore, #tpu.memory_space<semaphore_mem>>) src(%dma_wait3A_233 : memref<256x128xf32, #tpu.memory_space<vmem>>) dst(%dma_wait3A_230 : memref<256x128xf32, #tpu.memory_space<hbm>>)
    %dma_wait3A_234 = arith.constant 256 : i32
    %dma_wait3A_235 = arith.constant 0 : i32
    %dma_wait3A_236 = tpu.memref_slice %arg12[%dma_wait3A_234, %dma_wait3A_235] : memref<512x128xf32, #tpu.memory_space<vmem>> -> memref<256x128xf32, #tpu.memory_space<vmem>>
    %dma_wait3A_237 = arith.constant 0 : i32
    %dma_wait3A_238 = tpu.memref_slice %arg7[%add3A_152, %dma_wait3A_237] : memref<16384x128xf32, #tpu.memory_space<hbm>> -> memref<256x128xf32, #tpu.memory_space<hbm>>
    %dma_wait3A_239 = arith.constant 0 : i32
    %dma_wait3A_240 = tpu.memref_slice %arg7[%add3A_152, %dma_wait3A_239] : memref<16384x128xf32, #tpu.memory_space<hbm>> -> memref<256x128xf32, #tpu.memory_space<hbm>>
    %dma_wait3A_241 = arith.constant 256 : i32
    %dma_wait3A_242 = arith.constant 0 : i32
    %dma_wait3A_243 = tpu.memref_slice %arg12[%dma_wait3A_241, %dma_wait3A_242] : memref<512x128xf32, #tpu.memory_space<vmem>> -> memref<256x128xf32, #tpu.memory_space<vmem>>
    tpu.wait_dma2 semaphore(%arg14 : memref<!tpu.dma_semaphore, #tpu.memory_space<semaphore_mem>>) src(%dma_wait3A_243 : memref<256x128xf32, #tpu.memory_space<vmem>>) dst(%dma_wait3A_240 : memref<256x128xf32, #tpu.memory_space<hbm>>)
    return
  }
}

</mosaic_0001>

<sc_bundles>
// kernel: _run.3.cloned.1.call-start
scs
__scs_entry_jumppad:
0x0: {  	(pc) =	sbr.rel $0x88, $3  }
0x1: {  	(tag) =	ssettag $0x0;
	lr =	simm.s32 $0x1  }
0x2: {  	[smem:$0x3F9C] =	sst lr;
	_ =	strace $0xD0000000  }
0x3: {  	_ = 	snop  }
0x4: {  	_ = 	snop  }
0x5: {  	_ = 	snop  }
0x6: {  	_ = 	snop  }
0x7: {  	_ = 	snop  }
__scs_overlays_trampoline_lowered:
0x8: {  	[smem:$0x3FAB] =	sst s0  }
0x9: {  	[smem:$0x3FAC] =	sst s1  }
0xa: {  	[smem:$0x3FAD] =	sst s2  }
0xb: {  	[smem:$0x3FAE] =	sst s3  }
0xc: {  	[smem:$0x3FAF] =	sst s4  }
0xd: {  	[smem:$0x3FB0] =	sst s5  }
0xe: {  	[smem:$0x3FB1] =	sst s6  }
0xf: {  	[smem:$0x3FB2] =	sst s7  }
0x10: {  	[smem:$0x3FB3] =	sst s8  }
0x11: {  	[smem:$0x3FB4] =	sst s9;
	s0 =	simm.s32 @!p0 $0x0  }
0x12: {  	s1 =	sld [smem:$0x3F9A];
	s0 =	simm.s32 @p0 $0x1  }
0x13: {  	[smem:$0x3FB5] =	sst s0;
	s0 =	simm.s32 @!p1 $0x0  }
0x14: {  	s2 =	sld [smem:$0x3F99];
	s0 =	simm.s32 @p1 $0x1  }
0x15: {  	[smem:$0x3FB6] =	sst s0;
	s0 =	simm.s32 @!p2 $0x0  }
0x16: {  	s3 =	sld [smem:$0x3FDB];
	s0 =	simm.s32 @p2 $0x1  }
0x17: {  	s4 =	simm.s32 $0x1BF5;
	[smem:$0x3FB8] =	sst s0  }
0x18: {  	s0 =	sld [smem:$0x3F9B];
	_ =	swait.ge [sflag:s4], $0x0  }
0x19: {  	s7 =	sld [smem:$0x3F9C]  }
0x1a: {  	s8 =	sadd.s32 $0xFFFFE003, lr  }
0x1b: {  	s9 =	sadd.s32 $0xFFFFFEF7, lr;
	s5 =	simm.s32 $0xFFFFFFFF;
	p2 =	slt.u32 s8, $0xFFFFF086  }
0x1c: {  	p1 =	slt.u32 s9, $0xF7A;
	s5 =	simm.s32 @!p2 $0x0  }
0x1d: {  	s5 =	simm.s32 @p1 $0x1;
	p0 =	seq.s32 s7, s2  }
0x1e: {  	s7 =	smul.u32 @!p0 $0xF7A, s2;
	p2 =	seq.s32 @!p0 s5, $0x0  }
0x1f: {  	s9 =	smul.u32 $0xF7A, s1;
	s8 =	simm.s32 @!p0 $0x1BF5;
	p2 =	por !p2, p0  }
0x20: {  	[sflag:s8] =	ssyncset.s32 @!p0 $0xFFFFF086;
	s6 =	sadd.s32 @!p0 s3, s7;
	s7 =	simm.s32 @!p0 $0x108  }
0x21: {  	s3 =	sadd.s32 s3, s9;
	s6 =	sadd.s32 @!p0 $0x88, s6;
	s7 =	simm.s32 @p2 $0x1082  }
0x22: {  	[simem:s7], [sflag:s8] =	dma.local @!p0 [hbm:s6], $0xF7A  }
0x23: {  	s9 =	sor.u32 $0xD0000000, s2;
	s6 =	simm.s32 $0x108;
	_ =	swait.ge @!p0 [sflag:s8], $0x0  }
0x24: {  	s3 =	sadd.s32 $0x88, s3;
	s6 =	simm.s32 @!p1 $0x1082;
	[sflag:s4] =	ssyncset.s32 $0xFFFFF086  }
0x25: {  	[simem:s6], [sflag:s4] =	dma.local [hbm:s3], $0xF7A  }
0x26: {  	[smem:$0x3F9C] =	sst s1;
	(tag) =	ssettag s2;
	_ =	strace s9  }
0x27: {  	s1 =	sld [smem:$0x3FAC]  }
0x28: {  	s2 =	sld [smem:$0x3FAD]  }
0x29: {  	s4 =	sld [smem:$0x3FAF]  }
0x2a: {  	p0 =	seq.s32 s5, $0x0;
	s5 =	sld [smem:$0x3FB0]  }
0x2b: {  	s6 =	sld [smem:$0x3FB1]  }
0x2c: {  	s7 =	sld [smem:$0x3FB2]  }
0x2d: {  	s3 =	simm.s32 $0x108;
	s8 =	sld [smem:$0x3FB3]  }
0x2e: {  	s3 =	simm.s32 @!p0 $0x1082;
	s9 =	sld [smem:$0x3FB4]  }
0x2f: {  	lr =	sadd.s32 s0, s3;
	s0 =	sld [smem:$0x3FAB]  }
0x30: {  	s3 =	sld [smem:$0x3FAE]  }
0x31: {  	[smem:$0x3FB7] =	sst s10  }
0x32: {  	s10 =	sld [smem:$0x3FB5];
	_ =	sdelay $0x3  }
0x33: {  	p0 =	seq.s32 s10, $0x1;
	s10 =	sld [smem:$0x3FB7];
	_ =	sdelay $0x3  }
0x34: {  	[smem:$0x3FB7] =	sst s10  }
0x35: {  	s10 =	sld [smem:$0x3FB6];
	_ =	sdelay $0x3  }
0x36: {  	p1 =	seq.s32 s10, $0x1;
	s10 =	sld [smem:$0x3FB7];
	_ =	sdelay $0x3  }
0x37: {  	[smem:$0x3FB7] =	sst s10  }
0x38: {  	s10 =	sld [smem:$0x3FB8]  }
0x39: {  	_ = 	snop;
	(pc) =	sbr.ind lr, $3  }
0x3a: {  	_ = 	snop  }
0x3b: {  	_ = 	snop  }
0x3c: {  	p2 =	seq.s32 s10, $0x1;
	s10 =	sld [smem:$0x3FB7]  }
0x3d: {  	_ =	shalt  }
0x3e: {  	_ =	shalt  }
0x3f: {  	_ =	shalt  }
0x40: {  	_ =	shalt  }
0x41: {  	_ =	shalt  }
0x42: {  	_ =	shalt  }
0x43: {  	_ =	shalt  }
0x44: {  	_ =	shalt  }
0x45: {  	_ =	shalt  }
0x46: {  	_ =	shalt  }
0x47: {  	_ =	shalt  }
0x48: {  	_ =	shalt  }
0x49: {  	_ =	shalt  }
0x4a: {  	_ =	shalt  }
0x4b: {  	_ =	shalt  }
0x4c: {  	_ =	shalt  }
0x4d: {  	_ =	shalt  }
0x4e: {  	_ =	shalt  }
0x4f: {  	_ =	shalt  }
0x50: {  	_ =	shalt  }
0x51: {  	_ =	shalt  }
0x52: {  	_ =	shalt  }
0x53: {  	_ =	shalt  }
0x54: {  	_ =	shalt  }
0x55: {  	_ =	shalt  }
0x56: {  	_ =	shalt  }
0x57: {  	_ =	shalt  }
0x58: {  	_ =	shalt  }
0x59: {  	_ =	shalt  }
0x5a: {  	_ =	shalt  }
0x5b: {  	_ =	shalt  }
0x5c: {  	_ =	shalt  }
0x5d: {  	_ =	shalt  }
0x5e: {  	_ =	shalt  }
0x5f: {  	_ =	shalt  }
0x60: {  	_ =	shalt  }
0x61: {  	_ =	shalt  }
0x62: {  	_ =	shalt  }
0x63: {  	_ =	shalt  }
0x64: {  	_ =	shalt  }
0x65: {  	_ =	shalt  }
0x66: {  	_ =	shalt  }
0x67: {  	_ =	shalt  }
0x68: {  	_ =	shalt  }
0x69: {  	_ =	shalt  }
0x6a: {  	_ =	shalt  }
0x6b: {  	_ =	shalt  }
0x6c: {  	_ =	shalt  }
0x6d: {  	_ =	shalt  }
0x6e: {  	_ =	shalt  }
0x6f: {  	_ =	shalt  }
0x70: {  	_ =	shalt  }
0x71: {  	_ =	shalt  }
0x72: {  	_ =	shalt  }
0x73: {  	_ =	shalt  }
0x74: {  	_ =	shalt  }
0x75: {  	_ =	shalt  }
0x76: {  	_ =	shalt  }
0x77: {  	_ =	shalt  }
0x78: {  	_ =	shalt  }
0x79: {  	_ =	shalt  }
0x7a: {  	_ =	shalt  }
0x7b: {  	_ =	shalt  }
0x7c: {  	_ =	shalt  }
0x7d: {  	_ =	shalt  }
0x7e: {  	_ =	shalt  }
0x7f: {  	_ =	shalt  }
0x80: {  	_ =	shalt  }
0x81: {  	_ =	shalt  }
0x82: {  	_ =	shalt  }
0x83: {  	_ =	shalt  }
0x84: {  	_ =	shalt  }
0x85: {  	_ =	shalt  }
0x86: {  	_ =	shalt  }
0x87: {  	_ =	shalt  }
.Lfunc_end0:
.L_simem_size_0:
called_computation_lowered:
.L_overlay_start_0:
0x88: {  	s2 =	sld [smem:$0x3FD9]  }
0x89: {  	s3 =	sld [smem:$0x3FFE];
	_ =	sdelay $0x1  }
0x8a: {  	s1 =	srdreg.scid  }
0x8b: {  	s0 =	sand.u32 $0x1, s1  }
0x8c: {  	s18 =	sshll.u32 s0, $0xA;
	s2 =	sadd.s32 s3, s2  }
0x8d: {  	s2 =	sadd.s32 s2, s18  }
0x8e: {  	[smem:$0x3FC3] =	sst s2  }
0x8f: {  	_ = 	snop  }
0x90: {  	s2 =	sld [smem:$0x3FC9]  }
0x91: {  	s19 =	sld [smem:$0x3FC8]  }
0x92: {  	s4 =	sld [smem:$0x3FC7]  }
0x93: {  	s5 =	sld [smem:$0x3FC6]  }
0x94: {  	s6 =	sld [smem:$0x3FC5]  }
0x95: {  	s7 =	sld [smem:$0x3FD0];
	(tm) =	ssettm $0x1  }
0x96: {  	s8 =	sld [smem:$0x3FFB];
	_ =	sdelay $0x3  }
0x97: {  	_ =	strace s8  }
0x98: {  	s8 =	sld [smem:$0x3FFC];
	_ =	sdelay $0x3  }
0x99: {  	_ =	strace s8  }
0x9a: {  	s8 =	sld [smem:$0x3FFD];
	_ =	sdelay $0x3  }
0x9b: {  	_ =	strace s8  }
0x9c: {  	_ =	strace $0x8FFFFFFF  }
0x9d: {  	s20 =	sld [smem:$0x3FDB];
	_ =	sdelay $0x1  }
0x9e: {  	s9 =	simm.s32 $_scs_section_size  }
0x9f: {  	s10 =	simm.s32 $_size__tile_overlayer_lowered;
	s11 =	simm.s32 $_tile_overlayer_lowered  }
0xa0: {  	s23 =	simm.s32 $0x1BFF;
	s22 =	sshll.u32 s11, $0x1;
	s8 =	sadd.s32 s9, s20  }
0xa1: {  	s12 =	simm.s32 $0x0;
	s21 =	sshll.u32 s10, $0x1;
	s10 =	sadd.s32 s22, s8  }
0xa2: {  	[timem:s12], [sflag:s23] =	dma.local [hbm:s10], s21  }
0xa3: {  	_ =	swait.ge [sflag:s23], s21  }
0xa4: {  	s9 =	ssub.s32 $0x0, s21;
	[sflag:s23] =	ssyncset.done $0x0  }
0xa5: {  	[sflag:s23] =	ssyncadd.s32 s9;
	_ =	sdelay $0x1  }
0xa6: {  	s24 =	simm.s32 $0x1B8B  }
0xa7: {  	_ =	swait.ge [sflag:s24], $0x1  }
0xa8: {  	[sflag:s24] =	ssyncset.done $0x0  }
0xa9: {  	s25 =	simm.s32 $0x1B8E;
	[sflag:s24] =	ssyncadd.s32 $0xFFFFFFFF  }
0xaa: {  	s26 =	simm.s32 $execute0_lowered;
	[smem:$0x3FD2] =	sst s25  }
0xab: {  	s9 =	sshll.u32 s26, $0x1;
	_ =	strace $0x80000046;
	[dreg:$0x1] =	wrdreg $0xFFFFFFFF  }
0xac: {  	s28 =	simm.s32 $_size_execute0_lowered;
	s8 =	sadd.s32 s8, s9;
	[dreg:$0x0] =	wrdreg $0x0  }
0xad: {  	s9 =	sshll.u32 s28, $0x1;
	[dreg:$0x2] =	wrdreg s8  }
0xae: {  	[dreg:$0x3] =	wrdreg s9  }
0xaf: {  	[dreg:$0x4] =	wrdreg $0xC0  }
0xb0: {  	_ =	task [dreg:s12], $0x5FFFF  }
0xb1: {  	[dreg:$0x1] =	wrdreg $0xFFFFFFFF  }
0xb2: {  	[dreg:$0x0] =	wrdreg $0x60  }
0xb3: {  	[dreg:$0x2] =	wrdreg s2  }
0xb4: {  	[dreg:$0x3] =	wrdreg s19  }
0xb5: {  	[dreg:$0x4] =	wrdreg s4  }
0xb6: {  	[dreg:$0x5] =	wrdreg s5  }
0xb7: {  	[dreg:$0x6] =	wrdreg s6  }
0xb8: {  	[dreg:$0x7] =	wrdreg s7  }
0xb9: {  	[dreg:$0x8] =	wrdreg $0x9  }
0xba: {  	_ =	task.clear_ibuf [dreg:s12], $0x9FFFF;
	_ =	strace $0x90000046  }
0xbb: {  	s29 =	simm.s32 $0x9;
	_ =	strace $0x80000048  }
0xbc: {  	_ =	swait.ge [sflag:s29], $0x1  }
0xbd: {  	[sflag:s29] =	ssyncadd.s32 $0xFFFFFFFF  }
0xbe: {  	_ =	strace $0x90000048  }
0xbf: {  	_ =	sfence  }
0xc0: {  	s30 =	sld [smem:$0x0];
	_ =	sdelay $0x2  }
0xc1: {  	s31 =	sshll.u32 s1, $0xD;
	s1 =	sshrl.u32 s1, $0x2  }
0xc2: {  	s3 =	sand.u32 $0x4000, s31;
	s1 =	sadd.s32 s1, s30  }
0xc3: {  	s0 =	sor.u32 s3, s0;
	s1 =	sshll.u32 s1, $0x11  }
0xc4: {  	s0 =	sor.u32 s1, s0  }
0xc5: {  	s0 =	sadd.s32 $0x8F2B, s0  }
0xc6: {  	[sflag:s0] =	ssyncadd.remote.s32 $0x1  }
0xc7: {  	_ =	sfence.sel $0xFFFF  }
0xc8: {  	[dreg:$0x0] =	wrdreg $0xFFFFFFFF;
	(pc) =	sbr.abs _section_cstart, $3  }
0xc9: {  	[dreg:$0x1] =	wrdreg $0xFFFFFFFF  }
0xca: {  	_ =	task.clear_ibuf [dreg:s12], $0x2FFFF;
	_ =	strace $0x9FFFFFFF  }
0xcb: {  	(tm) =	ssettm $0x7FFFFFFF  }
tec
execute0_lowered:
.L_overlay_start_1:
0x0: {  	(tag) =	ssettag $0x1  }
0x1: {  	s0 =	rddreg [dreg:$0x0]  }
0x2: {  	s7 =	rddreg [dreg:$0x1]  }
0x3: {  	s6 =	rddreg [dreg:$0x2]  }
0x4: {  	s2 =	rddreg [dreg:$0x3]  }
0x5: {  	s4 =	rddreg [dreg:$0x4]  }
0x6: {  	s8 =	rddreg [dreg:$0x5];
	s5 =	srdreg.scid  }
0x7: {  	s1 =	rddreg [dreg:$0x6];
	s3 =	stileid.u32;
	s13 =	simm.s32 $0x480  }
0x8: {  	s14 =	simm.s32 $0x4;
	s15 =	simm.s32 $0x80;
	s16 =	simm.s32 $0x500  }
0x9: {  	s17 =	simm.s32 $0x4500;
	s18 =	simm.s32 $0x100;
	s19 =	simm.s32 $0x8500  }
0xa: {  	s20 =	simm.s32 $0x180;
	s21 =	simm.s32 $0xC500;
	s22 =	simm.s32 $0x3  }
0xb: {  	s23 =	simm.s32 $0x1;
	s24 =	simm.s32 $0x2;
	s25 =	simm.s32 $0x0  }
0xc: {  	s9 =	sand.u32 $0x1, s5;
	s5 =	simm.s32 $0x0;
	s11 =	sshll.u32 s3, $0x1  }
0xd: {  	v0 =	vimm.s32 $0x0;
	s31 =	sshll.u32 s3, $0x7;
	s10 =	ssub.s32 $0x2, s9;
	[smem:$0x7FF] =	sst s5  }
0xe: {  	v1 =	vimm.s32 $0x1;
	v2 =	vimm.s32 $0x2;
	v3 =	vimm.s32 $0x3;
	s11 =	sor.u32 s9, s11;
	s9 =	sshll.u32 s9, $0x6;
	s12 =	sshrl.u32 s10, $0x1  }
0xf: {  	v4 =	vimm.s32 $0x4;
	v5 =	vimm.s32 $0x5;
	v6 =	vimm.s32 $0x6;
	_ =	strace $0x80000047;
	s30 =	sshll.u32 s11, $0x6;
	s11 =	sshll.u32 s11, $0xD  }
0x10: {  	v7 =	vimm.s32 $0x7;
	v8 =	vimm.s32 $0x8;
	v9 =	vimm.s32 $0x9;
	s9 =	sadd.s32 s7, s9;
	s10 =	ssub.s32 s10, s12;
	s6 =	sadd.s32 s6, s30  }
0x11: {  	v10 =	vimm.s32 $0xA;
	v11 =	vimm.s32 $0xB;
	v12 =	vimm.s32 $0xC;
	s7 =	sadd.s32 s8, s11;
	s8 =	sadd.s32 s31, s9;
	s11 =	simm.s32 $0x200  }
0x12: {  	v13 =	vimm.s32 $0xD;
	v14 =	vimm.s32 $0xE;
	v15 =	vimm.s32 $0xF;
	s12 =	simm.s32 $0x400;
	s9 =	sadd.s32 $0x1000, s7;
	s10 =	smax.u32 s10, $0x1  }
.LBB2_1:
0x13: {  	[tilespmem:s11], [sflag:$0x3] =	stream.linear.gather [hbm4b:s6+s5], $0x200, $0x38;
	[tilespmem:$0x10500] =	vst v63  }
0x14: {  	_ = 	snop  }
0x15: {  	[tilespmem:s12], [sflag:$0x3] =	stream.linear.gather [hbm4b:s2+s5], $0x80, $0x38;
	[tilespmem:$0x10500] =	vst v63  }
0x16: {  	_ = 	snop  }
0x17: {  	[tilespmem:s13], [sflag:$0x3] =	stream.linear.gather [hbm4b:s4+s5], $0x80, $0x38;
	[tilespmem:$0x10500] =	vst v63  }
0x18: {  	_ = 	snop  }
0x19: {  	[tilespmem:s5], [sflag:$0x4] =	stream.linear.gather [hbm4b:s8+s5], $0x200, $0x38;
	[tilespmem:$0x10500] =	vst v63  }
0x1a: {  	_ =	swait.ge [sflag:s14], $0x200  }
0x1b: {  	[sflag:s14] =	ssyncset.done $0x0  }
0x1c: {  	[sflag:s14] =	ssyncadd.s32 $0xFFFFFE00  }
0x1d: {  	[tilespmem:s16], [sflag:$0x1] =	stream.indirect.gather [hbm4b:s0+s15], $0x80, s5, s15, $0xb8;
	[tilespmem:$0x10500] =	vst v63  }
0x1e: {  	_ = 	snop  }
0x1f: {  	[tilespmem:s17], [sflag:$0x1] =	stream.indirect.gather [hbm4b:s0+s15], $0x80, s15, s15, $0xb8;
	[tilespmem:$0x10500] =	vst v63  }
0x20: {  	_ = 	snop  }
0x21: {  	[tilespmem:s19], [sflag:$0x1] =	stream.indirect.gather [hbm4b:s0+s15], $0x80, s18, s15, $0xb8;
	[tilespmem:$0x10500] =	vst v63  }
0x22: {  	_ = 	snop  }
0x23: {  	[tilespmem:s21], [sflag:$0x1] =	stream.indirect.gather [hbm4b:s0+s15], $0x80, s20, s15, $0xb8;
	[tilespmem:$0x10500] =	vst v63  }
0x24: {  	_ =	swait.ge [sflag:s22], $0x200  }
0x25: {  	[sflag:s22] =	ssyncset.done $0x0  }
0x26: {  	[sflag:s22] =	ssyncadd.s32 $0xFFFFFE00  }
0x27: {  	_ =	swait.ge [sflag:s22], $0x80  }
0x28: {  	[sflag:s22] =	ssyncset.done $0x0  }
0x29: {  	[sflag:s22] =	ssyncadd.s32 $0xFFFFFF80  }
0x2a: {  	_ =	swait.ge [sflag:s22], $0x80  }
0x2b: {  	[sflag:s22] =	ssyncset.done $0x0  }
0x2c: {  	[sflag:s22] =	ssyncadd.s32 $0xFFFFFF80  }
0x2d: {  	v16 =	vld [tilespmem:$0x400]  }
0x2e: {  	v17 =	vld [tilespmem:$0x410]  }
0x2f: {  	v18 =	vld [tilespmem:$0x420]  }
0x30: {  	v19 =	vld [tilespmem:$0x430]  }
0x31: {  	v20 =	vld [tilespmem:$0x440]  }
0x32: {  	v21 =	vld [tilespmem:$0x450]  }
0x33: {  	v22 =	vld [tilespmem:$0x460]  }
0x34: {  	v23 =	vld [tilespmem:$0x470]  }
0x35: {  	v24 =	vld [tilespmem:$0x480]  }
0x36: {  	v25 =	vld [tilespmem:$0x490]  }
0x37: {  	v26 =	vld [tilespmem:$0x4A0]  }
0x38: {  	v27 =	vld [tilespmem:$0x4B0]  }
0x39: {  	v28 =	vld [tilespmem:$0x4C0]  }
0x3a: {  	v29 =	vld [tilespmem:$0x4D0]  }
0x3b: {  	v30 =	vld [tilespmem:$0x4E0]  }
0x3c: {  	v31 =	vld [tilespmem:$0x4F0];
	_ =	swait.ge [sflag:s23], $0x4000  }
0x3d: {  	[sflag:s23] =	ssyncset.done $0x0  }
0x3e: {  	[sflag:s23] =	ssyncadd.s32 $0xFFFFC000;
	v24 =	vadd.f32 $1.000000000e+00, v24;
	v25 =	vadd.f32 $1.000000000e+00, v25  }
0x3f: {  	_ =	swait.ge [sflag:s23], $0x4000;
	v26 =	vadd.f32 $1.000000000e+00, v26;
	v27 =	vadd.f32 $1.000000000e+00, v27  }
0x40: {  	[sflag:s23] =	ssyncset.done $0x0;
	v28 =	vadd.f32 $1.000000000e+00, v28;
	v29 =	vadd.f32 $1.000000000e+00, v29  }
0x41: {  	s26 =	simm.s32 $0x0;
	v30 =	vadd.f32 $1.000000000e+00, v30;
	v31 =	vadd.f32 $1.000000000e+00, v31;
	[sflag:s23] =	ssyncadd.s32 $0xFFFFC000  }
.LBB2_2:
0x42: {  	s28 =	sshll.u32 s26, $0x4  }
0x43: {  	s28 =	sand.u32 $0x3FFFFFF0, s28  }
0x44: {  	v32 =	vld [tilespmem:s28+$0x200];
	_ =	sdelay $0x3  }
0x45: {  	s31 =	sshll.u32 s26, $0xB  }
0x46: {  	s28 =	sand.u32 $0x3FFFF800, s31;
	v33 =	vperm.xlane v32, v0  }
0x47: {  	v34 =	vld [tilespmem:s28+$0x500];
	v63 =	vperm.xlane v32, v1;
	v52 =	vperm.xlane v32, v2  }
0x48: {  	v35 =	vld [tilespmem:s28+$0x510];
	v36 =	vmul.f32 v33, v16;
	v38 =	vmul.f32 v33, v17  }
0x49: {  	v37 =	vld [tilespmem:s28+$0x520];
	v40 =	vmul.f32 v33, v18;
	v41 =	vmul.f32 v33, v19  }
0x4a: {  	v39 =	vld [tilespmem:s28+$0x530];
	v43 =	vmul.f32 v33, v20;
	v60 =	vmul.f32 v33, v21  }
0x4b: {  	v42 =	vld [tilespmem:s28+$0x540];
	v45 =	vmul.f32 v33, v22;
	v33 =	vmul.f32 v33, v23  }
0x4c: {  	v58 =	vld [tilespmem:s28+$0x550];
	v55 =	vmul.f32 v63, v16;
	v48 =	vmul.f32 v63, v17  }
0x4d: {  	v44 =	vld [tilespmem:s28+$0x560];
	v50 =	vmul.f32 v63, v18;
	v36 =	vadd.f32 v36, v24;
	v38 =	vadd.f32 v38, v25  }
0x4e: {  	v61 =	vld [tilespmem:s28+$0x570];
	v51 =	vmul.f32 v63, v19;
	v56 =	vadd.f32 v40, v26;
	v57 =	vadd.f32 v41, v27  }
0x4f: {  	v54 =	vld [tilespmem:s28+$0x580];
	v53 =	vmul.f32 v63, v22;
	v59 =	vadd.f32 v43, v28;
	v62 =	vadd.f32 v60, v29  }
0x50: {  	v46 =	vld [tilespmem:s28+$0x590];
	v45 =	vadd.f32 v45, v30;
	v60 =	vmul.f32 v63, v20;
	v34 =	vmul.f32 v36, v34  }
0x51: {  	v47 =	vld [tilespmem:s28+$0x5A0];
	v33 =	vadd.f32 v33, v31;
	v35 =	vmul.f32 v35, v38;
	v36 =	vmul.f32 v37, v56  }
0x52: {  	v49 =	vld [tilespmem:s28+$0x5B0];
	v41 =	vadd.f32 v55, v24;
	v37 =	vmul.f32 v39, v57;
	v38 =	vmul.f32 v42, v59  }
0x53: {  	v55 =	vld [tilespmem:s28+$0x610];
	v40 =	vmul.f32 v58, v62;
	v44 =	vmul.f32 v44, v45  }
0x54: {  	v33 =	vmul.f32 v61, v33;
	v56 =	vadd.f32 v48, v25;
	v41 =	vmul.f32 v41, v54;
	v59 =	vld [tilespmem:s28+$0x5C0]  }
0x55: {  	v57 =	vadd.f32 v50, v26;
	v58 =	vadd.f32 v51, v27;
	v50 =	vld [tilespmem:s28+$0x5D0];
	v61 =	vmul.f32 v63, v21  }
0x56: {  	v53 =	vadd.f32 v53, v30;
	v62 =	vld [tilespmem:s28+$0x5F0];
	v42 =	vmul.f32 v63, v23;
	v39 =	vmul.f32 v46, v56  }
0x57: {  	v54 =	vld [tilespmem:s28+$0x600];
	v43 =	vmul.f32 v47, v57;
	v45 =	vmul.f32 v49, v58;
	v46 =	vadd.f32 v60, v28  }
0x58: {  	v51 =	vld [tilespmem:s28+$0x630];
	v63 =	vadd.f32 v61, v29;
	v60 =	vmul.f32 v52, v16;
	v58 =	vmul.f32 v52, v19  }
0x59: {  	v47 =	vld [tilespmem:s28+$0x5E0];
	v42 =	vadd.f32 v42, v31;
	v56 =	vmul.f32 v52, v17;
	v61 =	vmul.f32 v52, v18  }
0x5a: {  	v57 =	vld [tilespmem:s28+$0x620];
	v49 =	vadd.f32 v60, v24;
	v60 =	vadd.f32 v58, v27;
	v46 =	vmul.f32 v59, v46  }
0x5b: {  	[tilespmem:s28+$0x500] =	vst v34;
	v48 =	vmul.f32 v50, v63;
	v42 =	vmul.f32 v62, v42;
	v62 =	vadd.f32 v56, v25  }
0x5c: {  	[tilespmem:s28+$0x510] =	vst v35;
	v63 =	vadd.f32 v61, v26;
	v59 =	vmul.f32 v52, v20;
	v61 =	vmul.f32 v52, v21  }
0x5d: {  	[tilespmem:s28+$0x550] =	vst v40;
	v35 =	vmul.f32 v49, v54;
	v54 =	vld [tilespmem:s28+$0x650];
	v40 =	vmul.f32 v51, v60  }
0x5e: {  	[tilespmem:s28+$0x520] =	vst v36;
	v34 =	vmul.f32 v47, v53;
	v53 =	vld [tilespmem:s28+$0x640];
	v36 =	vmul.f32 v55, v62  }
0x5f: {  	[tilespmem:s28+$0x530] =	vst v37;
	v37 =	vmul.f32 v57, v63;
	v55 =	vld [tilespmem:s28+$0x660];
	v63 =	vmul.f32 v52, v22  }
0x60: {  	[tilespmem:s28+$0x540] =	vst v38;
	v56 =	vld [tilespmem:s28+$0x670];
	v60 =	vmul.f32 v52, v23;
	v62 =	vadd.f32 v59, v28;
	v57 =	vperm.xlane v32, v3  }
0x61: {  	[tilespmem:s28+$0x560] =	vst v44;
	v50 =	vperm.xlane v32, v4;
	v59 =	vadd.f32 v61, v29;
	v52 =	vld [tilespmem:s28+$0x690];
	v61 =	vadd.f32 v63, v30  }
0x62: {  	[tilespmem:s28+$0x570] =	vst v33;
	v51 =	vld [tilespmem:s28+$0x680];
	v63 =	vadd.f32 v60, v31;
	v58 =	vmul.f32 v57, v17;
	v60 =	vmul.f32 v57, v18  }
0x63: {  	[tilespmem:s28+$0x580] =	vst v41;
	v38 =	vmul.f32 v53, v62;
	v62 =	vmul.f32 v57, v16;
	v53 =	vld [tilespmem:s28+$0x6A0]  }
0x64: {  	[tilespmem:s28+$0x590] =	vst v39;
	v33 =	vmul.f32 v54, v59;
	v41 =	vmul.f32 v55, v61;
	v61 =	vadd.f32 v58, v25;
	v55 =	vld [tilespmem:s28+$0x6C0]  }
0x65: {  	[tilespmem:s28+$0x5A0] =	vst v43;
	v54 =	vld [tilespmem:s28+$0x6B0];
	v39 =	vmul.f32 v56, v63;
	v56 =	vmul.f32 v57, v20;
	v59 =	vadd.f32 v62, v24  }
0x66: {  	[tilespmem:s28+$0x5B0] =	vst v45;
	v63 =	vadd.f32 v60, v26;
	v62 =	vmul.f32 v57, v19;
	v45 =	vmul.f32 v52, v61;
	v52 =	vld [tilespmem:s28+$0x6E0]  }
0x67: {  	[tilespmem:s28+$0x5C0] =	vst v46;
	v47 =	vperm.xlane v32, v5;
	v60 =	vadd.f32 v56, v28;
	v43 =	vmul.f32 v59, v51;
	v51 =	vld [tilespmem:s28+$0x6D0]  }
0x68: {  	[tilespmem:s28+$0x5D0] =	vst v48;
	v61 =	vmul.f32 v57, v22;
	v58 =	vadd.f32 v62, v27;
	v44 =	vmul.f32 v53, v63;
	v53 =	vld [tilespmem:s28+$0x6F0]  }
0x69: {  	[tilespmem:s28+$0x5E0] =	vst v34;
	v59 =	vmul.f32 v57, v21;
	v34 =	vmul.f32 v55, v60;
	v55 =	vld [tilespmem:s28+$0x710]  }
0x6a: {  	[tilespmem:s28+$0x5F0] =	vst v42;
	v63 =	vadd.f32 v61, v30;
	v48 =	vmul.f32 v54, v58;
	v54 =	vld [tilespmem:s28+$0x700];
	v58 =	vmul.f32 v57, v23  }
0x6b: {  	[tilespmem:s28+$0x600] =	vst v35;
	v60 =	vmul.f32 v50, v17;
	v62 =	vadd.f32 v59, v29;
	v59 =	vmul.f32 v50, v16;
	v57 =	vld [tilespmem:s28+$0x740]  }
0x6c: {  	[tilespmem:s28+$0x630] =	vst v40;
	v35 =	vmul.f32 v52, v63;
	v52 =	vld [tilespmem:s28+$0x730];
	v63 =	vmul.f32 v50, v19;
	v46 =	vadd.f32 v58, v31  }
0x6d: {  	[tilespmem:s28+$0x610] =	vst v36;
	v61 =	vadd.f32 v59, v24;
	v59 =	vmul.f32 v50, v20;
	v42 =	vmul.f32 v51, v62  }
0x6e: {  	[tilespmem:s28+$0x620] =	vst v37;
	v58 =	vadd.f32 v60, v25;
	v51 =	vld [tilespmem:s28+$0x720];
	v62 =	vmul.f32 v50, v18;
	v37 =	vmul.f32 v53, v46  }
0x6f: {  	[tilespmem:s28+$0x650] =	vst v33;
	v36 =	vmul.f32 v61, v54;
	v61 =	vadd.f32 v63, v27;
	v63 =	vadd.f32 v59, v28  }
0x70: {  	[tilespmem:s28+$0x640] =	vst v38;
	v38 =	vmul.f32 v55, v58;
	v58 =	vmul.f32 v50, v21;
	v60 =	vadd.f32 v62, v26;
	v62 =	vld [tilespmem:s28+$0x750]  }
0x71: {  	v49 =	vld [tilespmem:s28+$0x770];
	[tilespmem:s28+$0x660] =	vst v41;
	v40 =	vmul.f32 v52, v61;
	v41 =	vmul.f32 v57, v63  }
0x72: {  	[tilespmem:s28+$0x670] =	vst v39;
	v56 =	vld [tilespmem:s28+$0x7C0];
	v61 =	vmul.f32 v47, v16;
	v57 =	vmul.f32 v47, v20  }
0x73: {  	[tilespmem:s28+$0x690] =	vst v45;
	v54 =	vld [tilespmem:s28+$0x760];
	v59 =	vadd.f32 v58, v29;
	v33 =	vmul.f32 v51, v60;
	v60 =	vmul.f32 v50, v22  }
0x74: {  	[tilespmem:s28+$0x680] =	vst v43;
	v51 =	vld [tilespmem:s28+$0x780];
	v50 =	vmul.f32 v50, v23;
	v63 =	vadd.f32 v61, v24;
	v61 =	vmul.f32 v47, v19  }
0x75: {  	[tilespmem:s28+$0x6A0] =	vst v44;
	v53 =	vld [tilespmem:s28+$0x7A0];
	v58 =	vadd.f32 v57, v28;
	v43 =	vmul.f32 v62, v59;
	v39 =	vadd.f32 v60, v30  }
0x76: {  	[tilespmem:s28+$0x6C0] =	vst v34;
	v52 =	vld [tilespmem:s28+$0x790];
	v45 =	vadd.f32 v50, v31;
	v62 =	vmul.f32 v47, v17;
	v60 =	vmul.f32 v47, v18  }
0x77: {  	v55 =	vld [tilespmem:s28+$0x7B0];
	[tilespmem:s28+$0x6F0] =	vst v37;
	v59 =	vmul.f32 v47, v21;
	v37 =	vmul.f32 v56, v58  }
0x78: {  	[tilespmem:s28+$0x6B0] =	vst v48;
	v50 =	vld [tilespmem:s28+$0x7D0];
	v39 =	vmul.f32 v54, v39;
	v45 =	vmul.f32 v49, v45  }
0x79: {  	[tilespmem:s28+$0x6E0] =	vst v35;
	v62 =	vadd.f32 v62, v25;
	v54 =	vadd.f32 v61, v27;
	v34 =	vmul.f32 v63, v51  }
0x7a: {  	v46 =	vld [tilespmem:s28+$0x7E0];
	[tilespmem:s28+$0x6D0] =	vst v42;
	v63 =	vadd.f32 v60, v26;
	v60 =	vmul.f32 v47, v22;
	v47 =	vmul.f32 v47, v23  }
0x7b: {  	[tilespmem:s28+$0x710] =	vst v38;
	v61 =	vadd.f32 v59, v29;
	v51 =	vld [tilespmem:s28+$0x7F0];
	v42 =	vmul.f32 v52, v62;
	v52 =	vperm.xlane v32, v6  }
0x7c: {  	[tilespmem:s28+$0x700] =	vst v36;
	v44 =	vmul.f32 v55, v54;
	v35 =	vmul.f32 v53, v63;
	v53 =	vld [tilespmem:s28+$0x800]  }
0x7d: {  	[tilespmem:s28+$0x730] =	vst v40;
	v49 =	vld [tilespmem:s28+$0x810];
	v63 =	vadd.f32 v60, v30;
	v38 =	vmul.f32 v50, v61;
	v62 =	vmul.f32 v52, v16  }
0x7e: {  	[tilespmem:s28+$0x740] =	vst v41;
	v59 =	vld [tilespmem:s28+$0x820];
	v57 =	vadd.f32 v47, v31;
	v58 =	vmul.f32 v52, v17;
	v61 =	vmul.f32 v52, v18  }
0x7f: {  	[tilespmem:s28+$0x720] =	vst v33;
	v55 =	vmul.f32 v52, v19;
	v33 =	vmul.f32 v46, v63;
	v63 =	vld [tilespmem:s28+$0x830];
	v60 =	vadd.f32 v62, v24  }
0x80: {  	v56 =	vld [tilespmem:s28+$0x840];
	[tilespmem:s28+$0x750] =	vst v43;
	v46 =	vperm.xlane v32, v8;
	v36 =	vmul.f32 v51, v57;
	v62 =	vadd.f32 v58, v25  }
0x81: {  	[tilespmem:s28+$0x7C0] =	vst v37;
	v57 =	vmul.f32 v52, v20;
	v40 =	vmul.f32 v60, v53;
	v53 =	vadd.f32 v61, v26  }
0x82: {  	[tilespmem:s28+$0x760] =	vst v39;
	v50 =	vld [tilespmem:s28+$0x860];
	v58 =	vadd.f32 v55, v27;
	v39 =	vmul.f32 v49, v62;
	v61 =	vmul.f32 v52, v22  }
0x83: {  	[tilespmem:s28+$0x770] =	vst v45;
	v49 =	vld [tilespmem:s28+$0x850];
	v60 =	vadd.f32 v57, v28;
	v43 =	vmul.f32 v59, v53;
	v59 =	vmul.f32 v52, v21  }
0x84: {  	[tilespmem:s28+$0x790] =	vst v42;
	v62 =	vld [tilespmem:s28+$0x870];
	v53 =	vperm.xlane v32, v7;
	v42 =	vmul.f32 v63, v58  }
0x85: {  	[tilespmem:s28+$0x780] =	vst v34;
	v52 =	vmul.f32 v52, v23;
	v34 =	vmul.f32 v56, v60;
	v55 =	vadd.f32 v61, v30  }
0x86: {  	v54 =	vld [tilespmem:s28+$0x880];
	[tilespmem:s28+$0x7B0] =	vst v44;
	v63 =	vadd.f32 v59, v29;
	v56 =	vmul.f32 v53, v16;
	v59 =	vmul.f32 v53, v17  }
0x87: {  	[tilespmem:s28+$0x7A0] =	vst v35;
	v57 =	vld [tilespmem:s28+$0x890];
	v58 =	vadd.f32 v52, v31;
	v35 =	vmul.f32 v50, v55;
	v61 =	vmul.f32 v53, v18  }
0x88: {  	v51 =	vld [tilespmem:s28+$0x8C0];
	v55 =	vmul.f32 v53, v20;
	[tilespmem:s28+$0x820] =	vst v43;
	v43 =	vperm.xlane v32, v9  }
0x89: {  	[tilespmem:s28+$0x7D0] =	vst v38;
	v50 =	vld [tilespmem:s28+$0x8B0];
	v44 =	vmul.f32 v49, v63;
	v60 =	vadd.f32 v56, v24;
	v38 =	vmul.f32 v62, v58  }
0x8a: {  	v48 =	vld [tilespmem:s28+$0x930];
	[tilespmem:s28+$0x7E0] =	vst v33;
	v62 =	vadd.f32 v59, v25;
	v63 =	vmul.f32 v53, v19;
	v58 =	vmul.f32 v53, v21  }
0x8b: {  	[tilespmem:s28+$0x7F0] =	vst v36;
	v49 =	vld [tilespmem:s28+$0x8A0];
	v52 =	vmul.f32 v43, v20;
	v33 =	vmul.f32 v60, v54  }
0x8c: {  	[tilespmem:s28+$0x800] =	vst v40;
	v56 =	vld [tilespmem:s28+$0x8D0];
	v36 =	vmul.f32 v57, v62;
	v57 =	vadd.f32 v63, v27;
	v60 =	vadd.f32 v55, v28  }
0x8d: {  	[tilespmem:s28+$0x810] =	vst v39;
	v59 =	vld [tilespmem:s28+$0x8E0];
	v54 =	vadd.f32 v61, v26;
	v61 =	vmul.f32 v53, v22;
	v55 =	vmul.f32 v46, v16  }
0x8e: {  	[tilespmem:s28+$0x830] =	vst v42;
	v62 =	vld [tilespmem:s28+$0x8F0];
	v63 =	vadd.f32 v58, v29;
	v39 =	vmul.f32 v50, v57;
	v40 =	vmul.f32 v51, v60  }
0x8f: {  	[tilespmem:s28+$0x840] =	vst v34;
	v50 =	vld [tilespmem:s28+$0x900];
	v41 =	vadd.f32 v61, v30;
	v57 =	vmul.f32 v46, v17;
	v60 =	vmul.f32 v46, v19  }
0x90: {  	v45 =	vld [tilespmem:s28+$0x970];
	[tilespmem:s28+$0x860] =	vst v35;
	v58 =	vadd.f32 v55, v24;
	v37 =	vmul.f32 v49, v54;
	v54 =	vmul.f32 v53, v23  }
0x91: {  	v47 =	vld [tilespmem:s28+$0x920];
	[tilespmem:s28+$0x850] =	vst v44;
	v42 =	vmul.f32 v56, v63;
	v63 =	vmul.f32 v46, v20;
	v55 =	vadd.f32 v60, v27  }
0x92: {  	[tilespmem:s28+$0x870] =	vst v38;
	v51 =	vld [tilespmem:s28+$0x910];
	v34 =	vmul.f32 v59, v41;
	v59 =	vmul.f32 v46, v18;
	v56 =	vadd.f32 v54, v31  }
0x93: {  	v61 =	vld [tilespmem:s28+$0x940];
	[tilespmem:s28+$0x880] =	vst v33;
	v60 =	vmul.f32 v46, v22;
	v44 =	vmul.f32 v48, v55  }
0x94: {  	[tilespmem:s28+$0x890] =	vst v36;
	v49 =	vld [tilespmem:s28+$0x9A0];
	v54 =	vadd.f32 v59, v26;
	v35 =	vmul.f32 v62, v56;
	v38 =	vmul.f32 v58, v50  }
0x95: {  	[tilespmem:s28+$0x8B0] =	vst v39;
	v48 =	vld [tilespmem:s28+$0x990];
	v62 =	vadd.f32 v57, v25;
	v58 =	vmul.f32 v46, v21;
	v46 =	vmul.f32 v46, v23  }
0x96: {  	[tilespmem:s28+$0x8C0] =	vst v40;
	v56 =	vld [tilespmem:s28+$0x950];
	v57 =	vadd.f32 v63, v28;
	v63 =	vmul.f32 v43, v17;
	v36 =	vmul.f32 v47, v54  }
0x97: {  	[tilespmem:s28+$0x8A0] =	vst v37;
	v39 =	vadd.f32 v60, v30;
	v50 =	vld [tilespmem:s28+$0x960];
	v54 =	vmul.f32 v43, v21;
	v33 =	vmul.f32 v51, v62  }
0x98: {  	[tilespmem:s28+$0x8D0] =	vst v42;
	v47 =	vld [tilespmem:s28+$0x980];
	v37 =	vmul.f32 v61, v57;
	v61 =	vmul.f32 v43, v16;
	v60 =	vadd.f32 v63, v25  }
0x99: {  	[tilespmem:s28+$0x8E0] =	vst v34;
	v59 =	vadd.f32 v58, v29;
	v62 =	vadd.f32 v46, v31;
	v58 =	vmul.f32 v43, v18  }
0x9a: {  	v63 =	vld [tilespmem:s28+$0x9C0];
	v57 =	vadd.f32 v61, v24;
	[tilespmem:s28+$0x910] =	vst v33;
	v33 =	vmul.f32 v48, v60;
	v48 =	vperm.xlane v32, v10  }
0x9b: {  	[tilespmem:s28+$0x930] =	vst v44;
	v61 =	vadd.f32 v58, v26;
	v40 =	vmul.f32 v56, v59;
	v59 =	vmul.f32 v43, v19  }
0x9c: {  	[tilespmem:s28+$0x8F0] =	vst v35;
	v56 =	vld [tilespmem:s28+$0x9B0];
	v35 =	vmul.f32 v50, v39;
	v39 =	vmul.f32 v45, v62  }
0x9d: {  	v53 =	vld [tilespmem:s28+$0x9D0];
	v42 =	vadd.f32 v52, v28;
	[tilespmem:s28+$0x920] =	vst v36;
	v34 =	vmul.f32 v57, v47;
	v36 =	vmul.f32 v49, v61  }
0x9e: {  	[tilespmem:s28+$0x900] =	vst v38;
	v58 =	vadd.f32 v54, v29;
	v54 =	vmul.f32 v48, v18;
	v49 =	vperm.xlane v32, v11  }
0x9f: {  	v57 =	vld [tilespmem:s28+$0xA00];
	v62 =	vadd.f32 v59, v27;
	[tilespmem:s28+$0x950] =	vst v40;
	v40 =	vmul.f32 v63, v42;
	v59 =	vmul.f32 v48, v16  }
0xa0: {  	v41 =	vld [tilespmem:s28+$0x9E0];
	[tilespmem:s28+$0x940] =	vst v37;
	v63 =	vmul.f32 v48, v17;
	v42 =	vperm.xlane v32, v12  }
0xa1: {  	v55 =	vld [tilespmem:s28+$0x9F0];
	[tilespmem:s28+$0x990] =	vst v33;
	v38 =	vmul.f32 v56, v62;
	v56 =	vmul.f32 v43, v22  }
0xa2: {  	v52 =	vld [tilespmem:s28+$0xA20];
	[tilespmem:s28+$0x960] =	vst v35;
	v43 =	vmul.f32 v43, v23;
	v62 =	vmul.f32 v53, v58;
	v53 =	vadd.f32 v59, v24  }
0xa3: {  	v45 =	vld [tilespmem:s28+$0xA10];
	v51 =	vmul.f32 v49, v18;
	[tilespmem:s28+$0x9C0] =	vst v40;
	v40 =	vperm.xlane v32, v13;
	v60 =	vadd.f32 v56, v30  }
0xa4: {  	[tilespmem:s28+$0x970] =	vst v39;
	v58 =	vmul.f32 v48, v19;
	v61 =	vadd.f32 v43, v31;
	v56 =	vld [tilespmem:s28+$0xA30];
	v33 =	vmul.f32 v53, v57  }
0xa5: {  	[tilespmem:s28+$0x980] =	vst v34;
	v59 =	vld [tilespmem:s28+$0xA40];
	v57 =	vadd.f32 v54, v26;
	v54 =	vmul.f32 v48, v22;
	v34 =	vmul.f32 v41, v60  }
0xa6: {  	[tilespmem:s28+$0x9A0] =	vst v36;
	v53 =	vld [tilespmem:s28+$0xA60];
	v35 =	vmul.f32 v55, v61;
	v55 =	vadd.f32 v63, v25;
	v60 =	vmul.f32 v48, v20  }
0xa7: {  	[tilespmem:s28+$0x9B0] =	vst v38;
	v61 =	vld [tilespmem:s28+$0xA50];
	v38 =	vmul.f32 v52, v57;
	v63 =	vadd.f32 v58, v27;
	v52 =	vmul.f32 v48, v21  }
0xa8: {  	[tilespmem:s28+$0x9D0] =	vst v62;
	v57 =	vmul.f32 v49, v16;
	v36 =	vmul.f32 v45, v55;
	v55 =	vld [tilespmem:s28+$0xA70]  }
0xa9: {  	v58 =	vld [tilespmem:s28+$0xA90];
	[tilespmem:s28+$0xA00] =	vst v33;
	v37 =	vadd.f32 v60, v28;
	v39 =	vmul.f32 v56, v63;
	v63 =	vmul.f32 v48, v23  }
0xaa: {  	v62 =	vadd.f32 v52, v29;
	[tilespmem:s28+$0x9E0] =	vst v34;
	v60 =	vmul.f32 v49, v17;
	v48 =	vld [tilespmem:s28+$0xA80];
	v56 =	vadd.f32 v54, v30  }
0xab: {  	[tilespmem:s28+$0x9F0] =	vst v35;
	v52 =	vld [tilespmem:s28+$0xAB0];
	v54 =	vmul.f32 v49, v19;
	v34 =	vmul.f32 v59, v37;
	v59 =	vadd.f32 v63, v31  }
0xac: {  	v50 =	vadd.f32 v57, v24;
	[tilespmem:s28+$0xA20] =	vst v38;
	v35 =	vmul.f32 v61, v62;
	v61 =	vld [tilespmem:s28+$0xAA0];
	v63 =	vmul.f32 v49, v20  }
0xad: {  	[tilespmem:s28+$0xA10] =	vst v36;
	v33 =	vmul.f32 v53, v56;
	v53 =	vadd.f32 v60, v25;
	v36 =	vmul.f32 v55, v59;
	v55 =	vld [tilespmem:s28+$0xAC0]  }
0xae: {  	v57 =	vmul.f32 v49, v21;
	v62 =	vadd.f32 v51, v26;
	[tilespmem:s28+$0xA30] =	vst v39;
	v59 =	vadd.f32 v63, v28;
	v63 =	vld [tilespmem:s28+$0xB00]  }
0xaf: {  	v56 =	vadd.f32 v54, v27;
	v60 =	vmul.f32 v49, v22;
	[tilespmem:s28+$0xA40] =	vst v34;
	v37 =	vmul.f32 v50, v48;
	v48 =	vld [tilespmem:s28+$0xAD0]  }
0xb0: {  	[tilespmem:s28+$0xA50] =	vst v35;
	v50 =	vmul.f32 v58, v53;
	v58 =	vld [tilespmem:s28+$0xAE0];
	v53 =	vmul.f32 v42, v16  }
0xb1: {  	v43 =	vld [tilespmem:s28+$0xB20];
	v35 =	vmul.f32 v52, v56;
	[tilespmem:s28+$0xA60] =	vst v33;
	v34 =	vmul.f32 v61, v62  }
0xb2: {  	[tilespmem:s28+$0xA70] =	vst v36;
	v61 =	vld [tilespmem:s28+$0xAF0];
	v62 =	vadd.f32 v57, v29;
	v56 =	vadd.f32 v53, v24;
	v57 =	vmul.f32 v42, v18  }
0xb3: {  	v51 =	vadd.f32 v60, v30;
	v52 =	vmul.f32 v49, v23;
	[tilespmem:s28+$0xAB0] =	vst v35;
	v33 =	vmul.f32 v55, v59  }
0xb4: {  	v47 =	vld [tilespmem:s28+$0xB10];
	[tilespmem:s28+$0xA90] =	vst v50;
	v55 =	vmul.f32 v42, v17;
	v63 =	vmul.f32 v56, v63;
	v50 =	vadd.f32 v57, v26  }
0xb5: {  	v44 =	vld [tilespmem:s28+$0xB30];
	v54 =	vadd.f32 v52, v31;
	[tilespmem:s28+$0xA80] =	vst v37;
	v36 =	vmul.f32 v48, v62;
	v37 =	vmul.f32 v58, v51  }
0xb6: {  	v59 =	vld [tilespmem:s28+$0xB40];
	[tilespmem:s28+$0xAA0] =	vst v34;
	v58 =	vmul.f32 v42, v19;
	v56 =	vmul.f32 v43, v50  }
0xb7: {  	v52 =	vld [tilespmem:s28+$0xB50];
	v62 =	vmul.f32 v42, v20;
	[tilespmem:s28+$0xAC0] =	vst v33;
	v60 =	vmul.f32 v61, v54;
	v61 =	vadd.f32 v55, v25  }
0xb8: {  	v46 =	vld [tilespmem:s28+$0xB60];
	v51 =	vadd.f32 v58, v27;
	v55 =	vmul.f32 v42, v21;
	[tilespmem:s28+$0xB20] =	vst v56;
	v56 =	vmul.f32 v40, v19  }
0xb9: {  	v57 =	vld [tilespmem:s28+$0xB70];
	v54 =	vadd.f32 v62, v28;
	v53 =	vmul.f32 v47, v61;
	[tilespmem:s28+$0xAF0] =	vst v60;
	v60 =	vmul.f32 v42, v22  }
0xba: {  	v45 =	vld [tilespmem:s28+$0xBA0];
	[tilespmem:s28+$0xB00] =	vst v63;
	v39 =	vmul.f32 v44, v51;
	v58 =	vadd.f32 v55, v29;
	v42 =	vmul.f32 v42, v23  }
0xbb: {  	[tilespmem:s28+$0xAE0] =	vst v37;
	v37 =	vmul.f32 v59, v54;
	v59 =	vld [tilespmem:s28+$0xB80];
	v55 =	vmul.f32 v40, v18;
	v62 =	vadd.f32 v60, v30  }
0xbc: {  	[tilespmem:s28+$0xAD0] =	vst v36;
	v44 =	vld [tilespmem:s28+$0xB90];
	v61 =	vmul.f32 v40, v16;
	v35 =	vmul.f32 v52, v58;
	v63 =	vadd.f32 v42, v31  }
0xbd: {  	[tilespmem:s28+$0xB10] =	vst v53;
	v52 =	vmul.f32 v40, v17;
	v53 =	vld [tilespmem:s28+$0xBB0];
	v58 =	vadd.f32 v55, v26;
	v33 =	vmul.f32 v46, v62  }
0xbe: {  	v54 =	vadd.f32 v61, v24;
	[tilespmem:s28+$0xB30] =	vst v39;
	v60 =	vld [tilespmem:s28+$0xBC0];
	v34 =	vmul.f32 v57, v63;
	v62 =	vmul.f32 v40, v20  }
0xbf: {  	[tilespmem:s28+$0xB40] =	vst v37;
	v57 =	vadd.f32 v52, v25;
	v48 =	vmul.f32 v45, v58;
	v52 =	vmul.f32 v40, v21  }
0xc0: {  	[tilespmem:s28+$0xB50] =	vst v35;
	v63 =	vld [tilespmem:s28+$0xBD0];
	v36 =	vmul.f32 v54, v59;
	v59 =	vadd.f32 v56, v27;
	v54 =	vmul.f32 v40, v22  }
0xc1: {  	v50 =	vld [tilespmem:s28+$0xBE0];
	v40 =	vmul.f32 v40, v23;
	v61 =	vmul.f32 v44, v57;
	[tilespmem:s28+$0xB60] =	vst v33;
	v51 =	vadd.f32 v62, v28  }
0xc2: {  	v55 =	vld [tilespmem:s28+$0xC00];
	[tilespmem:s28+$0xB70] =	vst v34;
	v44 =	vperm.xlane v32, v14;
	v32 =	vperm.xlane v32, v15  }
0xc3: {  	v56 =	vadd.f32 v52, v29;
	[tilespmem:s28+$0xBA0] =	vst v48;
	v49 =	vmul.f32 v53, v59;
	v53 =	vld [tilespmem:s28+$0xBF0];
	v34 =	vmul.f32 v60, v51  }
0xc4: {  	v58 =	vld [tilespmem:s28+$0xC10];
	v59 =	vadd.f32 v54, v30;
	[tilespmem:s28+$0xB90] =	vst v61;
	v57 =	vmul.f32 v44, v16;
	v61 =	vmul.f32 v44, v17  }
0xc5: {  	v62 =	vld [tilespmem:s28+$0xC20];
	[tilespmem:s28+$0xB80] =	vst v36;
	v60 =	vadd.f32 v40, v31;
	v42 =	vmul.f32 v44, v18;
	v35 =	vmul.f32 v63, v56  }
0xc6: {  	[tilespmem:s28+$0xBB0] =	vst v49;
	v33 =	vmul.f32 v50, v59;
	v49 =	vld [tilespmem:s28+$0xC30];
	v59 =	vmul.f32 v44, v21;
	v63 =	vadd.f32 v57, v24  }
0xc7: {  	v52 =	vmul.f32 v44, v19;
	v56 =	vld [tilespmem:s28+$0xC50];
	[tilespmem:s28+$0xBC0] =	vst v34;
	v48 =	vadd.f32 v61, v25;
	v51 =	vadd.f32 v42, v26  }
0xc8: {  	[tilespmem:s28+$0xBD0] =	vst v35;
	v46 =	vadd.f32 v59, v29;
	v59 =	vmul.f32 v32, v18;
	v47 =	vmul.f32 v53, v60;
	v53 =	vld [tilespmem:s28+$0xC40]  }
0xc9: {  	[tilespmem:s28+$0xBE0] =	vst v33;
	v50 =	vmul.f32 v63, v55;
	v55 =	vmul.f32 v44, v20;
	v60 =	vld [tilespmem:s28+$0xC60]  }
0xca: {  	v54 =	vmul.f32 v58, v48;
	v57 =	vmul.f32 v62, v51;
	v58 =	vadd.f32 v52, v27;
	v48 =	vld [tilespmem:s28+$0xC80];
	[tilespmem:s28+$0xBF0] =	vst v47  }
0xcb: {  	v62 =	vmul.f32 v44, v22;
	v63 =	vld [tilespmem:s28+$0xC70];
	v51 =	vmul.f32 v32, v16;
	[tilespmem:s28+$0xC00] =	vst v50;
	v61 =	vadd.f32 v55, v28  }
0xcc: {  	[tilespmem:s28+$0xC10] =	vst v54;
	v45 =	vmul.f32 v49, v58;
	v47 =	vmul.f32 v44, v23  }
0xcd: {  	v52 =	vld [tilespmem:s28+$0xC90];
	[tilespmem:s28+$0xC20] =	vst v57;
	v50 =	vadd.f32 v62, v30;
	v58 =	vadd.f32 v51, v24;
	v49 =	vmul.f32 v53, v61  }
0xce: {  	v55 =	vmul.f32 v32, v17;
	[tilespmem:s28+$0xC30] =	vst v45;
	v54 =	vadd.f32 v47, v31;
	v53 =	vmul.f32 v56, v46;
	v56 =	vld [tilespmem:s28+$0xCA0]  }
0xcf: {  	v57 =	vmul.f32 v60, v50;
	v60 =	vld [tilespmem:s28+$0xCB0];
	v46 =	vmul.f32 v58, v48;
	[tilespmem:s28+$0xC40] =	vst v49  }
0xd0: {  	v62 =	vadd.f32 v55, v25;
	v45 =	vld [tilespmem:s28+$0xCC0];
	v61 =	vmul.f32 v63, v54;
	v63 =	vmul.f32 v32, v19;
	[tilespmem:s28+$0xC50] =	vst v53  }
0xd1: {  	v47 =	vadd.f32 v59, v26;
	v48 =	vmul.f32 v32, v20;
	[tilespmem:s28+$0xC60] =	vst v57;
	v49 =	vld [tilespmem:s28+$0xCD0]  }
0xd2: {  	v50 =	vmul.f32 v52, v62;
	v52 =	vmul.f32 v32, v21;
	v53 =	vld [tilespmem:s28+$0xCE0];
	[tilespmem:s28+$0xC80] =	vst v46;
	v51 =	vadd.f32 v63, v27  }
0xd3: {  	v55 =	vadd.f32 v48, v28;
	v57 =	vld [tilespmem:s28+$0xCF0];
	[tilespmem:s28+$0xC70] =	vst v61;
	v54 =	vmul.f32 v56, v47;
	v56 =	vmul.f32 v32, v22  }
0xd4: {  	[tilespmem:s28+$0xC90] =	vst v50;
	v59 =	vadd.f32 v52, v29;
	v58 =	vmul.f32 v60, v51;
	v32 =	vmul.f32 v32, v23  }
0xd5: {  	p0 =	sne.s32 s26, $0xF;
	v60 =	vmul.f32 v45, v55;
	[tilespmem:s28+$0xCA0] =	vst v54;
	v61 =	vadd.f32 v56, v30  }
.Ltmp0:
0xd6: {  	[tilespmem:s28+$0xCB0] =	vst v58;
	v62 =	vmul.f32 v49, v59;
	v32 =	vadd.f32 v32, v31;
	(pc) =	sbr.rel @p0 .LBB2_2-.Ltmp0, $4  }
0xd7: {  	[tilespmem:s28+$0xCC0] =	vst v60;
	v63 =	vmul.f32 v53, v61  }
0xd8: {  	[tilespmem:s28+$0xCD0] =	vst v62;
	v32 =	vmul.f32 v57, v32  }
0xd9: {  	[tilespmem:s28+$0xCE0] =	vst v63  }
0xda: {  	s26 =	sadd.s32 $0x1, s26;
	[tilespmem:s28+$0xCF0] =	vst v32  }
0xdb: {  	s26 =	simm.s32 $0x0  }
0xdc: {  	[hbm4b:s7+s26] =	stream.linear.scatter [tilespmem:s16], [sflag:$0x2], $0x8000, $0x38;
	[tilespmem:$0x10500] =	vst v63  }
0xdd: {  	_ =	swait.ge [sflag:s23], $0x4000  }
0xde: {  	[sflag:s23] =	ssyncset.done $0x0  }
0xdf: {  	[sflag:s23] =	ssyncadd.s32 $0xFFFFC000  }
0xe0: {  	_ =	swait.ge [sflag:s23], $0x4000  }
0xe1: {  	[sflag:s23] =	ssyncset.done $0x0  }
0xe2: {  	[sflag:s23] =	ssyncadd.s32 $0xFFFFC000  }
.LBB2_4:
0xe3: {  	s28 =	sshll.u32 s26, $0x4  }
0xe4: {  	s28 =	sor.u32 $0x100, s28  }
0xe5: {  	s29 =	sand.u32 $0x1F0, s28  }
0xe6: {  	v32 =	vld [tilespmem:s29+$0x200];
	_ =	sdelay $0x3  }
0xe7: {  	s28 =	sshll.u32 s28, $0x7  }
0xe8: {  	s28 =	sand.u32 $0x3FFFF800, s28;
	v33 =	vperm.xlane v32, v0  }
0xe9: {  	v34 =	vld [tilespmem:s28+$0x500]  }
0xea: {  	v36 =	vld [tilespmem:s28+$0x510];
	v35 =	vmul.f32 v33, v16  }
0xeb: {  	v38 =	vld [tilespmem:s28+$0x520];
	v37 =	vmul.f32 v33, v17  }
0xec: {  	v40 =	vld [tilespmem:s28+$0x530];
	v39 =	vmul.f32 v33, v18;
	v35 =	vadd.f32 v35, v24  }
0xed: {  	v42 =	vld [tilespmem:s28+$0x540];
	v41 =	vmul.f32 v33, v19;
	v37 =	vadd.f32 v37, v25  }
0xee: {  	v43 =	vld [tilespmem:s28+$0x550];
	v50 =	vmul.f32 v33, v20;
	v49 =	vadd.f32 v39, v26;
	v34 =	vmul.f32 v35, v34  }
0xef: {  	v44 =	vld [tilespmem:s28+$0x560];
	v52 =	vmul.f32 v33, v21;
	v51 =	vadd.f32 v41, v27;
	v36 =	vmul.f32 v36, v37  }
0xf0: {  	v56 =	vld [tilespmem:s28+$0x570];
	v55 =	vmul.f32 v33, v22;
	v54 =	vadd.f32 v50, v28;
	v53 =	vmul.f32 v38, v49;
	[tilespmem:s28+$0x500] =	vst v34  }
0xf1: {  	v33 =	vmul.f32 v33, v23;
	v58 =	vadd.f32 v52, v29;
	v57 =	vmul.f32 v40, v51;
	[tilespmem:s28+$0x510] =	vst v36  }
0xf2: {  	v60 =	vadd.f32 v55, v30;
	v59 =	vmul.f32 v42, v54;
	[tilespmem:s28+$0x520] =	vst v53  }
0xf3: {  	v33 =	vadd.f32 v33, v31;
	v61 =	vmul.f32 v43, v58;
	[tilespmem:s28+$0x530] =	vst v57  }
0xf4: {  	v62 =	vmul.f32 v44, v60;
	[tilespmem:s28+$0x540] =	vst v59  }
0xf5: {  	v33 =	vmul.f32 v56, v33;
	[tilespmem:s28+$0x550] =	vst v61  }
0xf6: {  	s30 =	sshll.u32 s26, $0xB;
	[tilespmem:s28+$0x560] =	vst v62  }
0xf7: {  	s31 =	sand.u32 $0x3FFFF800, s30;
	[tilespmem:s28+$0x570] =	vst v33  }
0xf8: {  	v63 =	vperm.xlane v32, v1;
	v34 =	vld [tilespmem:s31+$0x8580]  }
0xf9: {  	v45 =	vld [tilespmem:s31+$0x8590]  }
0xfa: {  	v46 =	vmul.f32 v63, v16;
	v48 =	vmul.f32 v63, v17;
	v47 =	vld [tilespmem:s31+$0x85A0]  }
0xfb: {  	v50 =	vmul.f32 v63, v18;
	v55 =	vmul.f32 v63, v20;
	v49 =	vld [tilespmem:s31+$0x85B0]  }
0xfc: {  	v51 =	vmul.f32 v63, v19;
	v38 =	vadd.f32 v48, v25;
	v44 =	vperm.xlane v32, v2;
	v54 =	vld [tilespmem:s31+$0x85C0]  }
0xfd: {  	v52 =	vadd.f32 v50, v26;
	v58 =	vmul.f32 v63, v21;
	v36 =	vadd.f32 v46, v24;
	v56 =	vld [tilespmem:s31+$0x85D0]  }
0xfe: {  	v53 =	vadd.f32 v51, v27;
	v33 =	vmul.f32 v63, v23;
	v60 =	vmul.f32 v44, v16;
	v59 =	vld [tilespmem:s31+$0x85F0]  }
0xff: {  	v40 =	vadd.f32 v58, v29;
	v48 =	vmul.f32 v44, v17;
	v61 =	vmul.f32 v44, v18;
	v46 =	vld [tilespmem:s31+$0x8600]  }
0x100: {  	v58 =	vmul.f32 v44, v20;
	v57 =	vld [tilespmem:s31+$0x85E0];
	v33 =	vadd.f32 v33, v31;
	v34 =	vmul.f32 v36, v34  }
0x101: {  	v51 =	vld [tilespmem:s31+$0x8660];
	v41 =	vadd.f32 v60, v24;
	v35 =	vmul.f32 v45, v38;
	v36 =	vmul.f32 v47, v52  }
0x102: {  	v62 =	vadd.f32 v48, v25;
	v37 =	vmul.f32 v49, v53;
	v45 =	vmul.f32 v63, v22;
	v47 =	vld [tilespmem:s31+$0x8610]  }
0x103: {  	v42 =	vadd.f32 v61, v26;
	v49 =	vld [tilespmem:s31+$0x8620];
	v40 =	vmul.f32 v56, v40;
	v33 =	vmul.f32 v59, v33  }
0x104: {  	v38 =	vadd.f32 v55, v28;
	v63 =	vld [tilespmem:s31+$0x8630];
	v41 =	vmul.f32 v41, v46;
	v52 =	vmul.f32 v44, v22  }
0x105: {  	v50 =	vld [tilespmem:s31+$0x8650];
	v56 =	vmul.f32 v44, v19;
	v59 =	vmul.f32 v44, v21;
	v45 =	vadd.f32 v45, v30  }
0x106: {  	v44 =	vmul.f32 v44, v23;
	v38 =	vmul.f32 v54, v38;
	v61 =	vadd.f32 v52, v30  }
0x107: {  	v53 =	vld [tilespmem:s31+$0x8670];
	v46 =	vadd.f32 v56, v27;
	v54 =	vperm.xlane v32, v3;
	v39 =	vmul.f32 v57, v45  }
0x108: {  	v60 =	vadd.f32 v59, v29;
	[tilespmem:s31+$0x8580] =	vst v34;
	v34 =	vmul.f32 v51, v61;
	v43 =	vmul.f32 v47, v62  }
0x109: {  	v55 =	vld [tilespmem:s31+$0x8690];
	v42 =	vmul.f32 v49, v42;
	v45 =	vmul.f32 v63, v46  }
0x10a: {  	v44 =	vadd.f32 v44, v31;
	v57 =	vld [tilespmem:s31+$0x8640];
	v62 =	vmul.f32 v54, v16;
	v46 =	vmul.f32 v50, v60  }
0x10b: {  	v56 =	vld [tilespmem:s31+$0x86A0];
	[tilespmem:s31+$0x8590] =	vst v35;
	v47 =	vadd.f32 v58, v28;
	v63 =	vmul.f32 v54, v17;
	v58 =	vmul.f32 v54, v18  }
0x10c: {  	v52 =	vld [tilespmem:s31+$0x86B0];
	[tilespmem:s31+$0x85A0] =	vst v36;
	v35 =	vmul.f32 v53, v44;
	v60 =	vmul.f32 v54, v19  }
0x10d: {  	[tilespmem:s31+$0x85B0] =	vst v37;
	v49 =	vld [tilespmem:s31+$0x8680];
	v50 =	vperm.xlane v32, v4;
	v59 =	vadd.f32 v63, v25;
	v61 =	vadd.f32 v58, v26  }
0x10e: {  	[tilespmem:s31+$0x85D0] =	vst v40;
	v51 =	vld [tilespmem:s31+$0x86D0];
	v44 =	vadd.f32 v60, v27;
	v63 =	vmul.f32 v54, v21;
	v58 =	vmul.f32 v54, v23  }
0x10f: {  	[tilespmem:s31+$0x85F0] =	vst v33;
	v53 =	vld [tilespmem:s31+$0x86C0];
	v47 =	vmul.f32 v57, v47;
	v57 =	vadd.f32 v62, v24;
	v62 =	vmul.f32 v54, v20  }
0x110: {  	[tilespmem:s31+$0x85C0] =	vst v38;
	v60 =	vld [tilespmem:s31+$0x86E0];
	v37 =	vmul.f32 v55, v59;
	v38 =	vmul.f32 v56, v61  }
0x111: {  	[tilespmem:s31+$0x8600] =	vst v41;
	v56 =	vld [tilespmem:s31+$0x86F0];
	v40 =	vmul.f32 v52, v44;
	v63 =	vadd.f32 v63, v29;
	v59 =	vmul.f32 v50, v16  }
0x112: {  	[tilespmem:s31+$0x85E0] =	vst v39;
	v52 =	vld [tilespmem:s31+$0x8700];
	v36 =	vmul.f32 v57, v49;
	v61 =	vadd.f32 v62, v28;
	v62 =	vmul.f32 v54, v22  }
0x113: {  	[tilespmem:s31+$0x8610] =	vst v43;
	v33 =	vmul.f32 v51, v63;
	v51 =	vld [tilespmem:s31+$0x8720];
	v43 =	vadd.f32 v59, v24;
	v63 =	vmul.f32 v50, v19  }
0x114: {  	[tilespmem:s31+$0x8660] =	vst v34;
	v54 =	vld [tilespmem:s31+$0x8730];
	v59 =	vmul.f32 v50, v21;
	v49 =	vperm.xlane v32, v5;
	v57 =	vadd.f32 v62, v30  }
0x115: {  	[tilespmem:s31+$0x8620] =	vst v42;
	v39 =	vmul.f32 v53, v61;
	v53 =	vld [tilespmem:s31+$0x8710];
	v62 =	vmul.f32 v50, v18  }
0x116: {  	[tilespmem:s31+$0x8630] =	vst v45;
	v61 =	vmul.f32 v50, v17;
	v41 =	vmul.f32 v60, v57;
	v60 =	vadd.f32 v58, v31  }
0x117: {  	[tilespmem:s31+$0x8650] =	vst v46;
	v43 =	vmul.f32 v43, v52;
	v57 =	vld [tilespmem:s31+$0x8740];
	v44 =	vadd.f32 v62, v26;
	v62 =	vadd.f32 v63, v27  }
0x118: {  	[tilespmem:s31+$0x8670] =	vst v35;
	v63 =	vld [tilespmem:s31+$0x8750];
	v42 =	vmul.f32 v56, v60;
	v60 =	vadd.f32 v61, v25;
	v61 =	vmul.f32 v50, v20  }
0x119: {  	[tilespmem:s31+$0x8640] =	vst v47;
	v44 =	vmul.f32 v51, v44;
	v45 =	vmul.f32 v54, v62  }
0x11a: {  	v46 =	vld [tilespmem:s31+$0x8770];
	[tilespmem:s31+$0x8690] =	vst v37;
	v62 =	vmul.f32 v49, v16;
	v47 =	vmul.f32 v53, v60;
	v58 =	vadd.f32 v61, v28  }
0x11b: {  	[tilespmem:s31+$0x86A0] =	vst v38;
	v51 =	vld [tilespmem:s31+$0x8780];
	v60 =	vadd.f32 v59, v29;
	v61 =	vmul.f32 v50, v22;
	v50 =	vmul.f32 v50, v23  }
0x11c: {  	v53 =	vld [tilespmem:s31+$0x8760];
	v59 =	vmul.f32 v49, v20;
	[tilespmem:s31+$0x8720] =	vst v44;
	v44 =	vperm.xlane v32, v9  }
0x11d: {  	v55 =	vld [tilespmem:s31+$0x87B0];
	[tilespmem:s31+$0x8680] =	vst v36;
	v34 =	vmul.f32 v57, v58;
	v36 =	vmul.f32 v63, v60  }
0x11e: {  	[tilespmem:s31+$0x86B0] =	vst v40;
	v52 =	vld [tilespmem:s31+$0x87A0];
	v37 =	vadd.f32 v50, v31;
	v60 =	vadd.f32 v62, v24;
	v62 =	vmul.f32 v49, v19  }
0x11f: {  	[tilespmem:s31+$0x86D0] =	vst v33;
	v54 =	vld [tilespmem:s31+$0x8790];
	v35 =	vadd.f32 v61, v30;
	v63 =	vmul.f32 v49, v17;
	v61 =	vmul.f32 v49, v18  }
0x120: {  	[tilespmem:s31+$0x86C0] =	vst v39;
	v58 =	vld [tilespmem:s31+$0x87C0];
	v37 =	vmul.f32 v46, v37;
	v38 =	vmul.f32 v60, v51;
	v57 =	vadd.f32 v62, v27  }
0x121: {  	[tilespmem:s31+$0x8700] =	vst v43;
	v60 =	vld [tilespmem:s31+$0x87D0];
	v62 =	vmul.f32 v49, v22;
	v35 =	vmul.f32 v53, v35;
	v53 =	vadd.f32 v61, v26  }
0x122: {  	[tilespmem:s31+$0x86E0] =	vst v41;
	v63 =	vadd.f32 v63, v25;
	v46 =	vld [tilespmem:s31+$0x87E0];
	v61 =	vmul.f32 v49, v21;
	v49 =	vmul.f32 v49, v23  }
0x123: {  	[tilespmem:s31+$0x86F0] =	vst v42;
	v40 =	vadd.f32 v59, v28;
	v51 =	vld [tilespmem:s31+$0x87F0];
	v39 =	vmul.f32 v52, v53;
	v52 =	vperm.xlane v32, v6  }
0x124: {  	[tilespmem:s31+$0x8730] =	vst v45;
	v33 =	vmul.f32 v54, v63;
	v41 =	vmul.f32 v55, v57;
	v42 =	vadd.f32 v61, v29  }
0x125: {  	v48 =	vld [tilespmem:s31+$0x8810];
	[tilespmem:s31+$0x8710] =	vst v47;
	v43 =	vadd.f32 v62, v30;
	v40 =	vmul.f32 v58, v40;
	v63 =	vmul.f32 v52, v16  }
0x126: {  	[tilespmem:s31+$0x8740] =	vst v34;
	v53 =	vld [tilespmem:s31+$0x8800];
	v57 =	vadd.f32 v49, v31;
	v58 =	vmul.f32 v52, v17;
	v42 =	vmul.f32 v60, v42  }
0x127: {  	v59 =	vld [tilespmem:s31+$0x8820];
	[tilespmem:s31+$0x8750] =	vst v36;
	v61 =	vmul.f32 v52, v18;
	v34 =	vmul.f32 v46, v43  }
0x128: {  	[tilespmem:s31+$0x8770] =	vst v37;
	v49 =	vld [tilespmem:s31+$0x8840];
	v43 =	vmul.f32 v51, v57;
	v55 =	vmul.f32 v52, v19  }
0x129: {  	[tilespmem:s31+$0x8780] =	vst v38;
	v56 =	vmul.f32 v52, v20;
	v60 =	vadd.f32 v63, v24;
	v62 =	vadd.f32 v58, v25;
	v63 =	vld [tilespmem:s31+$0x8830]  }
0x12a: {  	[tilespmem:s31+$0x8760] =	vst v35;
	v46 =	vperm.xlane v32, v8;
	v57 =	vadd.f32 v55, v27;
	v58 =	vmul.f32 v52, v21  }
0x12b: {  	v45 =	vld [tilespmem:s31+$0x8970];
	[tilespmem:s31+$0x8790] =	vst v33;
	v36 =	vmul.f32 v60, v53;
	v53 =	vadd.f32 v61, v26;
	v35 =	vmul.f32 v48, v62  }
0x12c: {  	[tilespmem:s31+$0x87B0] =	vst v41;
	v48 =	vld [tilespmem:s31+$0x8850];
	v60 =	vadd.f32 v56, v28;
	v61 =	vmul.f32 v52, v22;
	v52 =	vmul.f32 v52, v23  }
0x12d: {  	[tilespmem:s31+$0x87A0] =	vst v39;
	v62 =	vld [tilespmem:s31+$0x8870];
	v37 =	vmul.f32 v59, v53;
	v53 =	vperm.xlane v32, v7  }
0x12e: {  	[tilespmem:s31+$0x87C0] =	vst v40;
	v59 =	vld [tilespmem:s31+$0x8860];
	v38 =	vmul.f32 v49, v60;
	v33 =	vmul.f32 v63, v57  }
0x12f: {  	[tilespmem:s31+$0x87D0] =	vst v42;
	v49 =	vld [tilespmem:s31+$0x8890];
	v63 =	vadd.f32 v58, v29;
	v57 =	vadd.f32 v52, v31;
	v52 =	vmul.f32 v44, v20  }
0x130: {  	v54 =	vld [tilespmem:s31+$0x8880];
	[tilespmem:s31+$0x87E0] =	vst v34;
	v56 =	vmul.f32 v53, v16;
	v58 =	vmul.f32 v53, v17  }
0x131: {  	v50 =	vld [tilespmem:s31+$0x88B0];
	[tilespmem:s31+$0x87F0] =	vst v43;
	v55 =	vadd.f32 v61, v30;
	v60 =	vmul.f32 v53, v18;
	v41 =	vmul.f32 v48, v63  }
0x132: {  	[tilespmem:s31+$0x8800] =	vst v36;
	v48 =	vld [tilespmem:s31+$0x88A0];
	v42 =	vmul.f32 v62, v57;
	v62 =	vmul.f32 v53, v19;
	v61 =	vadd.f32 v58, v25  }
0x133: {  	[tilespmem:s31+$0x8810] =	vst v35;
	v63 =	vld [tilespmem:s31+$0x88C0];
	v58 =	vmul.f32 v53, v21;
	v39 =	vmul.f32 v59, v55;
	v59 =	vadd.f32 v56, v24  }
0x134: {  	[tilespmem:s31+$0x8820] =	vst v37;
	v55 =	vmul.f32 v53, v20;
	v56 =	vld [tilespmem:s31+$0x88D0];
	v57 =	vadd.f32 v62, v27;
	v43 =	vmul.f32 v49, v61  }
0x135: {  	[tilespmem:s31+$0x8840] =	vst v38;
	v61 =	vmul.f32 v53, v22;
	v34 =	vmul.f32 v59, v54;
	v54 =	vadd.f32 v60, v26;
	v59 =	vld [tilespmem:s31+$0x88E0]  }
0x136: {  	v51 =	vld [tilespmem:s31+$0x8910];
	[tilespmem:s31+$0x8830] =	vst v33;
	v60 =	vadd.f32 v55, v28;
	v35 =	vmul.f32 v50, v57;
	v55 =	vmul.f32 v46, v16  }
0x137: {  	[tilespmem:s31+$0x8850] =	vst v41;
	v62 =	vadd.f32 v58, v29;
	v50 =	vld [tilespmem:s31+$0x8900];
	v57 =	vmul.f32 v46, v17;
	v36 =	vmul.f32 v48, v54  }
0x138: {  	[tilespmem:s31+$0x8870] =	vst v42;
	v48 =	vld [tilespmem:s31+$0x88F0];
	v37 =	vmul.f32 v63, v60;
	v63 =	vadd.f32 v61, v30;
	v60 =	vmul.f32 v46, v19  }
0x139: {  	v49 =	vld [tilespmem:s31+$0x8930];
	[tilespmem:s31+$0x8860] =	vst v39;
	v54 =	vmul.f32 v53, v23;
	v58 =	vadd.f32 v55, v24;
	v33 =	vmul.f32 v56, v62  }
0x13a: {  	v47 =	vld [tilespmem:s31+$0x8920];
	[tilespmem:s31+$0x8890] =	vst v43;
	v55 =	vadd.f32 v60, v27;
	v60 =	vmul.f32 v46, v22;
	v38 =	vmul.f32 v59, v63  }
0x13b: {  	v61 =	vld [tilespmem:s31+$0x8940];
	[tilespmem:s31+$0x8880] =	vst v34;
	v56 =	vadd.f32 v54, v31;
	v59 =	vmul.f32 v46, v18;
	v63 =	vmul.f32 v46, v20  }
0x13c: {  	[tilespmem:s31+$0x88B0] =	vst v35;
	v53 =	vld [tilespmem:s31+$0x89D0];
	v62 =	vadd.f32 v57, v25;
	v41 =	vmul.f32 v58, v50;
	v58 =	vmul.f32 v46, v21  }
0x13d: {  	[tilespmem:s31+$0x88A0] =	vst v36;
	v46 =	vmul.f32 v46, v23;
	v39 =	vmul.f32 v48, v56;
	v54 =	vadd.f32 v59, v26;
	v56 =	vld [tilespmem:s31+$0x8950]  }
0x13e: {  	[tilespmem:s31+$0x88C0] =	vst v37;
	v34 =	vmul.f32 v51, v62;
	v50 =	vld [tilespmem:s31+$0x8960];
	v43 =	vmul.f32 v49, v55;
	v57 =	vadd.f32 v63, v28  }
0x13f: {  	[tilespmem:s31+$0x88D0] =	vst v33;
	v62 =	vadd.f32 v60, v30;
	v63 =	vadd.f32 v46, v31;
	v42 =	vmul.f32 v47, v54;
	v47 =	vld [tilespmem:s31+$0x8980]  }
0x140: {  	v59 =	vadd.f32 v58, v29;
	[tilespmem:s31+$0x88E0] =	vst v38;
	v36 =	vmul.f32 v61, v57;
	v61 =	vmul.f32 v44, v16;
	v57 =	vld [tilespmem:s31+$0x89B0]  }
0x141: {  	v60 =	vmul.f32 v44, v19;
	[tilespmem:s31+$0x88F0] =	vst v39;
	v35 =	vmul.f32 v45, v63;
	v63 =	vld [tilespmem:s31+$0x89C0];
	v39 =	vadd.f32 v52, v28  }
0x142: {  	v48 =	vld [tilespmem:s31+$0x89A0];
	[tilespmem:s31+$0x8900] =	vst v41;
	v58 =	vadd.f32 v61, v24;
	v37 =	vmul.f32 v56, v59;
	v56 =	vmul.f32 v44, v17  }
0x143: {  	v49 =	vld [tilespmem:s31+$0x8990];
	[tilespmem:s31+$0x8910] =	vst v34;
	v33 =	vmul.f32 v50, v62;
	v62 =	vadd.f32 v60, v27;
	v59 =	vmul.f32 v44, v18  }
0x144: {  	[tilespmem:s31+$0x8930] =	vst v43;
	v54 =	vmul.f32 v44, v21;
	v61 =	vadd.f32 v56, v25;
	v38 =	vmul.f32 v58, v47  }
0x145: {  	[tilespmem:s31+$0x8920] =	vst v42;
	v42 =	vld [tilespmem:s31+$0x89E0];
	v40 =	vadd.f32 v59, v26;
	v41 =	vmul.f32 v57, v62;
	v56 =	vmul.f32 v44, v22  }
0x146: {  	v55 =	vld [tilespmem:s31+$0x89F0];
	v44 =	vmul.f32 v44, v23;
	[tilespmem:s31+$0x8950] =	vst v37;
	v37 =	vmul.f32 v63, v39;
	v57 =	vadd.f32 v54, v29  }
0x147: {  	[tilespmem:s31+$0x8940] =	vst v36;
	v40 =	vmul.f32 v48, v40;
	v48 =	vperm.xlane v32, v10  }
0x148: {  	v52 =	vld [tilespmem:s31+$0x8A10];
	[tilespmem:s31+$0x8970] =	vst v35;
	v34 =	vmul.f32 v49, v61;
	v59 =	vadd.f32 v56, v30;
	v63 =	vmul.f32 v53, v57  }
0x149: {  	[tilespmem:s31+$0x8960] =	vst v33;
	v62 =	vld [tilespmem:s31+$0x8A20];
	v60 =	vadd.f32 v44, v31;
	v58 =	vmul.f32 v48, v16;
	v61 =	vmul.f32 v48, v17  }
0x14a: {  	v49 =	vld [tilespmem:s31+$0x8A00];
	[tilespmem:s31+$0x8980] =	vst v38;
	v54 =	vmul.f32 v48, v18;
	v33 =	vmul.f32 v42, v59  }
0x14b: {  	v56 =	vld [tilespmem:s31+$0x8A30];
	[tilespmem:s31+$0x89B0] =	vst v41;
	v36 =	vmul.f32 v55, v60;
	v51 =	vmul.f32 v48, v20;
	v55 =	vadd.f32 v61, v25  }
0x14c: {  	v59 =	vld [tilespmem:s31+$0x8A40];
	[tilespmem:s31+$0x89A0] =	vst v40;
	v42 =	vperm.xlane v32, v12;
	v40 =	vperm.xlane v32, v13;
	v53 =	vadd.f32 v58, v24  }
0x14d: {  	[tilespmem:s31+$0x89C0] =	vst v37;
	v57 =	vadd.f32 v54, v26;
	v58 =	vmul.f32 v48, v19;
	v38 =	vmul.f32 v52, v55;
	v52 =	vld [tilespmem:s31+$0x8A50]  }
0x14e: {  	[tilespmem:s31+$0x8990] =	vst v34;
	v54 =	vmul.f32 v48, v21;
	v60 =	vadd.f32 v51, v28;
	v61 =	vmul.f32 v48, v22;
	v55 =	vld [tilespmem:s31+$0x8A60]  }
0x14f: {  	[tilespmem:s31+$0x89D0] =	vst v63;
	v34 =	vmul.f32 v53, v49;
	v39 =	vmul.f32 v62, v57;
	v53 =	vadd.f32 v58, v27;
	v62 =	vld [tilespmem:s31+$0x8A70]  }
0x150: {  	v48 =	vmul.f32 v48, v23;
	[tilespmem:s31+$0x89E0] =	vst v33;
	v49 =	vperm.xlane v32, v11;
	v63 =	vadd.f32 v54, v29  }
0x151: {  	v50 =	vld [tilespmem:s31+$0x8A80];
	[tilespmem:s31+$0x89F0] =	vst v36;
	v33 =	vmul.f32 v59, v60;
	v35 =	vmul.f32 v56, v53;
	v56 =	vadd.f32 v61, v30  }
0x152: {  	v58 =	vld [tilespmem:s31+$0x8A90];
	v59 =	vadd.f32 v48, v31;
	v57 =	vmul.f32 v49, v16;
	v60 =	vmul.f32 v49, v17;
	[tilespmem:s31+$0x8A00] =	vst v34  }
0x153: {  	v46 =	vld [tilespmem:s31+$0x8B00];
	[tilespmem:s31+$0x8A10] =	vst v38;
	v36 =	vmul.f32 v52, v63;
	v34 =	vmul.f32 v55, v56  }
0x154: {  	v61 =	vld [tilespmem:s31+$0x8AA0];
	[tilespmem:s31+$0x8A20] =	vst v39;
	v51 =	vadd.f32 v57, v24;
	v52 =	vmul.f32 v49, v18;
	v54 =	vmul.f32 v62, v59  }
0x155: {  	v53 =	vld [tilespmem:s31+$0x8AB0];
	[tilespmem:s31+$0x8A40] =	vst v33;
	v55 =	vadd.f32 v60, v25;
	v56 =	vmul.f32 v49, v19;
	v63 =	vmul.f32 v49, v20  }
0x156: {  	v48 =	vld [tilespmem:s31+$0x8AD0];
	[tilespmem:s31+$0x8A30] =	vst v35;
	v59 =	vmul.f32 v49, v21;
	v37 =	vmul.f32 v51, v50;
	v62 =	vadd.f32 v52, v26  }
0x157: {  	v57 =	vld [tilespmem:s31+$0x8AC0];
	v50 =	vmul.f32 v58, v55;
	v58 =	vadd.f32 v56, v27;
	[tilespmem:s31+$0x8A70] =	vst v54;
	v54 =	vmul.f32 v42, v16  }
0x158: {  	v43 =	vld [tilespmem:s31+$0x8B20];
	[tilespmem:s31+$0x8A50] =	vst v36;
	v51 =	vadd.f32 v59, v29;
	v56 =	vmul.f32 v42, v17;
	v59 =	vmul.f32 v42, v18  }
0x159: {  	v60 =	vld [tilespmem:s31+$0x8AE0];
	[tilespmem:s31+$0x8A60] =	vst v34;
	v33 =	vmul.f32 v61, v62;
	v62 =	vmul.f32 v49, v22  }
0x15a: {  	[tilespmem:s31+$0x8A80] =	vst v37;
	v61 =	vadd.f32 v63, v28;
	v63 =	vld [tilespmem:s31+$0x8AF0];
	v36 =	vmul.f32 v53, v58;
	v53 =	vmul.f32 v49, v23  }
0x15b: {  	v38 =	vmul.f32 v48, v51;
	[tilespmem:s31+$0x8A90] =	vst v50;
	v58 =	vadd.f32 v54, v24;
	v51 =	vadd.f32 v59, v26  }
0x15c: {  	v47 =	vld [tilespmem:s31+$0x8B10];
	v50 =	vmul.f32 v42, v20;
	v34 =	vmul.f32 v57, v61;
	v52 =	vadd.f32 v62, v30;
	[tilespmem:s31+$0x8AA0] =	vst v33  }
0x15d: {  	v55 =	vadd.f32 v53, v31;
	v61 =	vld [tilespmem:s31+$0x8B40];
	[tilespmem:s31+$0x8AB0] =	vst v36;
	v35 =	vmul.f32 v58, v46;
	v36 =	vmul.f32 v43, v51  }
0x15e: {  	v57 =	vld [tilespmem:s31+$0x8B30];
	[tilespmem:s31+$0x8AD0] =	vst v38;
	v37 =	vmul.f32 v60, v52;
	v60 =	vmul.f32 v42, v19  }
0x15f: {  	v53 =	vld [tilespmem:s31+$0x8B50];
	[tilespmem:s31+$0x8AC0] =	vst v34;
	v62 =	vmul.f32 v63, v55;
	v63 =	vadd.f32 v56, v25;
	v55 =	vadd.f32 v50, v28  }
0x160: {  	v45 =	vld [tilespmem:s31+$0x8BA0];
	[tilespmem:s31+$0x8B00] =	vst v35;
	v56 =	vmul.f32 v42, v21;
	v52 =	vadd.f32 v60, v27;
	v60 =	vmul.f32 v42, v22  }
0x161: {  	v46 =	vld [tilespmem:s31+$0x8B60];
	[tilespmem:s31+$0x8AE0] =	vst v37;
	v42 =	vmul.f32 v42, v23;
	v54 =	vmul.f32 v47, v63  }
0x162: {  	v59 =	vld [tilespmem:s31+$0x8B80];
	v37 =	vmul.f32 v61, v55;
	v58 =	vadd.f32 v56, v29;
	[tilespmem:s31+$0x8AF0] =	vst v62;
	v62 =	vmul.f32 v40, v16  }
0x163: {  	[tilespmem:s31+$0x8B20] =	vst v36;
	v55 =	vmul.f32 v40, v18;
	v38 =	vmul.f32 v57, v52;
	v57 =	vld [tilespmem:s31+$0x8B70]  }
0x164: {  	v56 =	vmul.f32 v40, v19;
	v33 =	vadd.f32 v60, v30;
	v61 =	vmul.f32 v53, v58;
	[tilespmem:s31+$0x8B10] =	vst v54;
	v53 =	vld [tilespmem:s31+$0x8BB0]  }
0x165: {  	v44 =	vld [tilespmem:s31+$0x8B90];
	v52 =	vmul.f32 v40, v17;
	v54 =	vadd.f32 v62, v24;
	[tilespmem:s31+$0x8B40] =	vst v37;
	v58 =	vadd.f32 v55, v26  }
0x166: {  	v63 =	vadd.f32 v42, v31;
	v60 =	vld [tilespmem:s31+$0x8BC0];
	v62 =	vmul.f32 v40, v20;
	[tilespmem:s31+$0x8B30] =	vst v38;
	v33 =	vmul.f32 v46, v33  }
0x167: {  	v36 =	vmul.f32 v54, v59;
	v59 =	vadd.f32 v56, v27;
	[tilespmem:s31+$0x8B50] =	vst v61;
	v48 =	vmul.f32 v45, v58  }
0x168: {  	v50 =	vld [tilespmem:s31+$0x8BE0];
	v54 =	vmul.f32 v40, v22;
	[tilespmem:s31+$0x8B60] =	vst v33;
	v34 =	vmul.f32 v57, v63;
	v57 =	vadd.f32 v52, v25  }
0x169: {  	v51 =	vadd.f32 v62, v28;
	v63 =	vld [tilespmem:s31+$0x8BD0];
	v52 =	vmul.f32 v40, v21;
	[tilespmem:s31+$0x8B80] =	vst v36;
	v49 =	vmul.f32 v53, v59  }
0x16a: {  	[tilespmem:s31+$0x8BA0] =	vst v48;
	v53 =	vld [tilespmem:s31+$0x8BF0];
	v61 =	vmul.f32 v44, v57;
	v44 =	vperm.xlane v32, v14  }
0x16b: {  	v55 =	vld [tilespmem:s31+$0x8C00];
	v40 =	vmul.f32 v40, v23;
	v59 =	vadd.f32 v54, v30;
	[tilespmem:s31+$0x8B70] =	vst v34;
	v34 =	vmul.f32 v60, v51  }
0x16c: {  	v58 =	vld [tilespmem:s31+$0x8C10];
	v56 =	vadd.f32 v52, v29;
	v32 =	vperm.xlane v32, v15;
	[tilespmem:s31+$0x8BB0] =	vst v49;
	v57 =	vmul.f32 v44, v16  }
0x16d: {  	v62 =	vld [tilespmem:s31+$0x8C20];
	v60 =	vadd.f32 v40, v31;
	v33 =	vmul.f32 v50, v59;
	[tilespmem:s31+$0x8B90] =	vst v61;
	v61 =	vmul.f32 v44, v17  }
0x16e: {  	v49 =	vld [tilespmem:s31+$0x8C30];
	v42 =	vmul.f32 v44, v18;
	[tilespmem:s31+$0x8BC0] =	vst v34;
	v35 =	vmul.f32 v63, v56;
	v63 =	vadd.f32 v57, v24  }
0x16f: {  	v52 =	vmul.f32 v44, v19;
	[tilespmem:s31+$0x8BE0] =	vst v33;
	v47 =	vmul.f32 v53, v60;
	v48 =	vadd.f32 v61, v25;
	v53 =	vld [tilespmem:s31+$0x8C40]  }
0x170: {  	v56 =	vld [tilespmem:s31+$0x8C50];
	v51 =	vadd.f32 v42, v26;
	[tilespmem:s31+$0x8BD0] =	vst v35;
	v50 =	vmul.f32 v63, v55;
	v55 =	vmul.f32 v44, v20  }
0x171: {  	v59 =	vmul.f32 v44, v21;
	v60 =	vld [tilespmem:s31+$0x8C60];
	v54 =	vmul.f32 v58, v48;
	[tilespmem:s31+$0x8BF0] =	vst v47;
	v58 =	vadd.f32 v52, v27  }
0x172: {  	v57 =	vmul.f32 v62, v51;
	v62 =	vmul.f32 v44, v22;
	v63 =	vld [tilespmem:s31+$0x8C70];
	[tilespmem:s31+$0x8C00] =	vst v50;
	v61 =	vadd.f32 v55, v28  }
0x173: {  	v46 =	vadd.f32 v59, v29;
	v47 =	vmul.f32 v44, v23;
	v48 =	vld [tilespmem:s31+$0x8C80];
	[tilespmem:s31+$0x8C10] =	vst v54;
	v45 =	vmul.f32 v49, v58  }
0x174: {  	v51 =	vmul.f32 v32, v16;
	v52 =	vld [tilespmem:s31+$0x8C90];
	[tilespmem:s31+$0x8C20] =	vst v57;
	v50 =	vadd.f32 v62, v30;
	v49 =	vmul.f32 v53, v61  }
0x175: {  	v54 =	vadd.f32 v47, v31;
	v55 =	vmul.f32 v32, v17;
	[tilespmem:s31+$0x8C30] =	vst v45;
	v53 =	vmul.f32 v56, v46;
	v56 =	vld [tilespmem:s31+$0x8CA0]  }
0x176: {  	v59 =	vmul.f32 v32, v18;
	v58 =	vadd.f32 v51, v24;
	v57 =	vmul.f32 v60, v50;
	v60 =	vld [tilespmem:s31+$0x8CB0];
	[tilespmem:s31+$0x8C40] =	vst v49  }
0x177: {  	v62 =	vadd.f32 v55, v25;
	v45 =	vld [tilespmem:s31+$0x8CC0];
	v61 =	vmul.f32 v63, v54;
	v63 =	vmul.f32 v32, v19;
	[tilespmem:s31+$0x8C50] =	vst v53  }
0x178: {  	v47 =	vadd.f32 v59, v26;
	v46 =	vmul.f32 v58, v48;
	v48 =	vmul.f32 v32, v20;
	[tilespmem:s31+$0x8C60] =	vst v57;
	v49 =	vld [tilespmem:s31+$0x8CD0]  }
0x179: {  	v50 =	vmul.f32 v52, v62;
	v52 =	vmul.f32 v32, v21;
	v53 =	vld [tilespmem:s31+$0x8CE0];
	[tilespmem:s31+$0x8C70] =	vst v61;
	v51 =	vadd.f32 v63, v27  }
0x17a: {  	v57 =	vld [tilespmem:s31+$0x8CF0];
	[tilespmem:s31+$0x8C80] =	vst v46;
	v55 =	vadd.f32 v48, v28;
	v54 =	vmul.f32 v56, v47;
	v56 =	vmul.f32 v32, v22  }
0x17b: {  	[tilespmem:s31+$0x8C90] =	vst v50;
	v59 =	vadd.f32 v52, v29;
	v58 =	vmul.f32 v60, v51;
	v32 =	vmul.f32 v32, v23  }
0x17c: {  	p0 =	sne.s32 s26, $0xF;
	v60 =	vmul.f32 v45, v55;
	[tilespmem:s31+$0x8CA0] =	vst v54;
	v61 =	vadd.f32 v56, v30  }
.Ltmp1:
0x17d: {  	[tilespmem:s31+$0x8CB0] =	vst v58;
	v62 =	vmul.f32 v49, v59;
	v32 =	vadd.f32 v32, v31;
	(pc) =	sbr.rel @p0 .LBB2_4-.Ltmp1, $4  }
0x17e: {  	[tilespmem:s31+$0x8CC0] =	vst v60;
	v63 =	vmul.f32 v53, v61  }
0x17f: {  	[tilespmem:s31+$0x8CD0] =	vst v62;
	v32 =	vmul.f32 v57, v32  }
0x180: {  	[tilespmem:s31+$0x8CE0] =	vst v63  }
0x181: {  	s26 =	sadd.s32 $0x1, s26;
	[tilespmem:s31+$0x8CF0] =	vst v32  }
0x182: {  	[hbm4b:s9+s5] =	stream.linear.scatter [tilespmem:s19], [sflag:$0x2], $0x8000, $0x38;
	[tilespmem:$0x10500] =	vst v63  }
0x183: {  	s25 =	sadd.s32 $0x1, s25  }
0x184: {  	_ =	swait.ge [sflag:s24], $0x8000;
	p0 =	sne.s32 s25, s10  }
.Ltmp2:
0x185: {  	[sflag:s24] =	ssyncset.done $0x0;
	(pc) =	sbr.rel @p0 .LBB2_1-.Ltmp2, $4  }
0x186: {  	[sflag:s24] =	ssyncadd.s32 $0xFFFF8000  }
0x187: {  	_ =	swait.ge [sflag:s24], $0x8000  }
0x188: {  	[sflag:s24] =	ssyncset.done $0x0  }
0x189: {  	[sflag:s24] =	ssyncadd.s32 $0xFFFF8000  }
0x18a: {  	_ =	sfence.sel $0x180000  }
0x18b: {  	[bflag:$0x0] =	sbarrier.arrive $0xFFFF  }
0x18c: {  	p0 =	sne.s32 s3, $0x0;
	_ =	strace $0x90000047  }
0x18d: {  	s0 =	sadd.s32 @!p0 $0x100000, s1;
	[bflag:$0x2] =	sbarrier.arrive $0xFFFF  }
0x18e: {  	[sflag:s0] =	ssyncadd.tile.s32 @!p0 $0x1;
	_ =	shalt  }
.Lfunc_end2:
_tile_overlayer_lowered:
.L_overlay_start_2:
0x18f: {  	(tag) =	ssettag $0x2  }
0x190: {  	s0 =	rddreg [dreg:$0x0];
	s2 =	stileid.u32  }
0x191: {  	s1 =	rddreg [dreg:$0x1];
	p0 =	sne.s32 s2, $0x0  }
0x192: {  	s3 =	rddreg [dreg:$0x2];
	[bflag:$0x3] =	sbarrier.arrive $0xFFFF;
	s2 =	simm.s32 @!p0 $0x1C04  }
0x193: {  	[timem:s3], [sflag:s2] =	dma.local @!p0 [hbm:s0], s1  }
0x194: {  	s0 =	simm.s32 @!p0 $0x4  }
0x195: {  	_ =	swait.ge @!p0 [sflag:s0], s1  }
0x196: {  	s1 =	ssub.s32 @!p0 $0x0, s1;
	[sflag:s0] =	ssyncset.done @!p0 $0x0  }
0x197: {  	[sflag:s0] =	ssyncadd.s32 @!p0 s1  }
0x198: {  	[bflag:$0x3] =	sbarrier.arrive $0xFFFF  }
0x199: {  	_ =	shalt  }

</sc_bundles>
